<compile_context>
chip_gen: v7x
topology: tpu7x:2x2x1
jax: 0.10.2.dev20260603
libtpu: 0.0.44.dev20260713+nightly
codegen_flags: <defaults>
</compile_context>

<pallas_src>
import functools
import jax
import jax.numpy as jnp
from jax import lax
from jax.experimental import pallas as pl
from jax.experimental.pallas import tpu as pltpu
from jax.experimental.pallas import tpu_sc as plsc

_N = 10000
_E = 320000
_D = 128
_ROW_BLK = 400

_L = 16
_H = 64
_NS = 16
_R = 640
_NPAD = _NS * _R
_C = 3200
_NCHUNK = _E // _C
_STAGE = 64
_FBUF = _C + 64
_ACC_ROWS = _R + 1


def _ab_body(x_ref, wtt_ref, wst_ref, bs_ref, a_ref, b_ref):
    xb = x_ref[...]
    b_ref[...] = jnp.dot(xb, wtt_ref[...], preferred_element_type=jnp.float32)
    a_ref[...] = (
        jnp.dot(xb, wst_ref[...], preferred_element_type=jnp.float32)
        + bs_ref[...]
    )


def _compute_ab(x, W_theta, b_theta, W_phi, b_phi):
    wtt = W_theta.T
    wst = (W_theta + W_phi).T
    bs = (b_theta + b_phi).reshape(1, _D)
    grid = _N // _ROW_BLK
    a, b = pl.pallas_call(
        _ab_body,
        grid=(grid,),
        in_specs=[
            pl.BlockSpec((_ROW_BLK, _D), lambda i: (i, 0)),
            pl.BlockSpec((_D, _D), lambda i: (0, 0)),
            pl.BlockSpec((_D, _D), lambda i: (0, 0)),
            pl.BlockSpec((1, _D), lambda i: (0, 0)),
        ],
        out_specs=[
            pl.BlockSpec((_ROW_BLK, _D), lambda i: (i, 0)),
            pl.BlockSpec((_ROW_BLK, _D), lambda i: (i, 0)),
        ],
        out_shape=[
            jax.ShapeDtypeStruct((_N, _D), jnp.float32),
            jax.ShapeDtypeStruct((_N, _D), jnp.float32),
        ],
    )(x, wtt, wst, bs)
    return a, b


def _seg_min_body(b2_hbm, src_hbm, dst_hbm, a2_hbm, out_hbm,
                  acc, srcchA, dstchA, srcchB, dstchB,
                  srcbuf, dstbuf, slab,
                  ring0, ring1, ring2, ring3, ring4, ring5, ring6, ring7,
                  bsh, semSA, semDA, semSB, semDB,
                  sem0, sem1, sem2, sem3, sem4, sem5, sem6, sem7):
    rings = [ring0, ring1, ring2, ring3, ring4, ring5, ring6, ring7]
    sems = [sem0, sem1, sem2, sem3, sem4, sem5, sem6, sem7]
    cid = lax.axis_index("c")
    sid = lax.axis_index("s")
    lo = sid * _R
    inf16 = jnp.full((_L,), jnp.inf, jnp.float32)
    iota16 = lax.iota(jnp.int32, _L)

    for k in range(_R // _STAGE):
        woff = (sid * _R + k * _STAGE) * _H
        pltpu.sync_copy(b2_hbm.at[pl.ds(cid * _NPAD * _H + woff,
                                        _STAGE * _H)], slab)
        pltpu.sync_copy(slab, bsh.at[pl.ds(woff, _STAGE * _H)])
    plsc.subcore_barrier()

    def init_body(i, _):
        acc[pl.ds(i * _L, _L)] = inf16
        return 0
    lax.fori_loop(0, (_ACC_ROWS * _H) // _L, init_body, 0)

    def issue_chunk(c, sch, dch, semS, semD):
        pltpu.async_copy(src_hbm.at[pl.ds(c * _C, _C)], sch, semS)
        pltpu.async_copy(dst_hbm.at[pl.ds(c * _C, _C)], dch, semD)

    def wait_chunk(sch, dch, semS, semD):
        pltpu.make_async_copy(src_hbm.at[pl.ds(0, _C)], sch, semS).wait()
        pltpu.make_async_copy(dst_hbm.at[pl.ds(0, _C)], dch, semD).wait()

    def fetch_row(sv, ring, sem):
        pltpu.async_copy(bsh.at[pl.ds(sv * _H, _H)], ring, sem)

    def accumulate(ring, e):
        posv = jnp.full((_L,), e, jnp.int32)
        dvec = plsc.load_gather(dstbuf, [posv])
        base = dvec * _H + iota16
        avs = [plsc.load_gather(acc, [base + j * _L])
               for j in range(_H // _L)]
        rvs = [ring[pl.ds(j * _L, _L)] for j in range(_H // _L)]
        for j in range(_H // _L):
            plsc.store_scatter(acc, [base + j * _L],
                               jnp.minimum(avs[j], rvs[j]))

    def process_chunk(sch, dch):
        def filt_body(i, cnt_vec):
            for h in range(4):
                off = i * 4 * _L + h * _L
                sv = sch[pl.ds(off, _L)]
                dv = dch[pl.ds(off, _L)]
                m = (dv >= lo) & (dv < lo + _R)
                pc = jnp.cumsum(m.astype(jnp.int32))
                pos = cnt_vec + pc - 1
                plsc.store_scatter(srcbuf, [pos], sv, mask=m)
                plsc.store_scatter(dstbuf, [pos], dv - lo, mask=m)
                cnt_vec = cnt_vec + plsc.all_reduce_population_count(m)
            return cnt_vec
        cnt_vec = lax.fori_loop(0, _C // (4 * _L), filt_body,
                                jnp.zeros((_L,), jnp.int32))

        for t in range(2):
            tpos = cnt_vec + t * _L + iota16
            plsc.store_scatter(srcbuf, [tpos], jnp.zeros((_L,), jnp.int32))
            plsc.store_scatter(dstbuf, [tpos],
                               jnp.full((_L,), _R, jnp.int32))

        cnt = jnp.max(cnt_vec)
        tot = 8 * ((cnt + 15) // 8)

        sv0_ = srcbuf[pl.ds(0, _L)]
        for i in range(8):
            fetch_row(sv0_[i], rings[i], sems[i])

        def oct_loop(q, _):
            e = 8 * q
            svn = srcbuf[pl.ds(e + 8, _L)]
            svs = [svn[i] for i in range(8)]
            for i in range(8):
                pltpu.make_async_copy(bsh.at[pl.ds(0, _H)], rings[i],
                                      sems[i]).wait()
                accumulate(rings[i], e + i)
                @pl.when(e + 8 + i < tot)
                def _(i=i):
                    fetch_row(svs[i], rings[i], sems[i])
            return 0
        lax.fori_loop(0, tot // 8, oct_loop, 0)

    issue_chunk(0, srcchA, dstchA, semSA, semDA)

    def outer_body(cc, _):
        wait_chunk(srcchA, dstchA, semSA, semDA)
        issue_chunk(2 * cc + 1, srcchB, dstchB, semSB, semDB)
        process_chunk(srcchA, dstchA)

        wait_chunk(srcchB, dstchB, semSB, semDB)
        @pl.when(cc + 1 < _NCHUNK // 2)
        def _():
            issue_chunk(2 * cc + 2, srcchA, dstchA, semSA, semDA)
        process_chunk(srcchB, dstchB)
        return 0
    lax.fori_loop(0, _NCHUNK // 2, outer_body, 0)

    slab_rows = 64
    for s in range(_R // slab_rows):
        woff = (cid * _NPAD + lo + s * slab_rows) * _H
        pltpu.sync_copy(a2_hbm.at[pl.ds(woff, slab_rows * _H)], slab)

        def out_body(i, _):
            av = acc[pl.ds(s * slab_rows * _H + i * _L, _L)]
            sl = slab[pl.ds(i * _L, _L)]
            slab[pl.ds(i * _L, _L)] = jnp.where(av == jnp.inf, 0.0, sl - av)
            return 0
        lax.fori_loop(0, (slab_rows * _H) // _L, out_body, 0)
        pltpu.sync_copy(slab, out_hbm.at[pl.ds(woff, slab_rows * _H)])


@functools.partial(
    pl.kernel,
    mesh=plsc.VectorSubcoreMesh(core_axis_name="c", subcore_axis_name="s"),
    compiler_params=pltpu.CompilerParams(needs_layout_passes=False),
    out_type=jax.ShapeDtypeStruct((2 * _NPAD * _H,), jnp.float32),
    scratch_types=[
        pltpu.VMEM((_ACC_ROWS * _H,), jnp.float32),
        pltpu.VMEM((_C,), jnp.int32),
        pltpu.VMEM((_C,), jnp.int32),
        pltpu.VMEM((_C,), jnp.int32),
        pltpu.VMEM((_C,), jnp.int32),
        pltpu.VMEM((_FBUF,), jnp.int32),
        pltpu.VMEM((_FBUF,), jnp.int32),
        pltpu.VMEM((64 * _H,), jnp.float32),
        pltpu.VMEM((_H,), jnp.float32),
        pltpu.VMEM((_H,), jnp.float32),
        pltpu.VMEM((_H,), jnp.float32),
        pltpu.VMEM((_H,), jnp.float32),
        pltpu.VMEM((_H,), jnp.float32),
        pltpu.VMEM((_H,), jnp.float32),
        pltpu.VMEM((_H,), jnp.float32),
        pltpu.VMEM((_H,), jnp.float32),
        pltpu.VMEM_SHARED((_NPAD * _H,), jnp.float32),
        pltpu.SemaphoreType.DMA,
        pltpu.SemaphoreType.DMA,
        pltpu.SemaphoreType.DMA,
        pltpu.SemaphoreType.DMA,
        pltpu.SemaphoreType.DMA,
        pltpu.SemaphoreType.DMA,
        pltpu.SemaphoreType.DMA,
        pltpu.SemaphoreType.DMA,
        pltpu.SemaphoreType.DMA,
        pltpu.SemaphoreType.DMA,
        pltpu.SemaphoreType.DMA,
        pltpu.SemaphoreType.DMA,
    ],
)
def _seg_min(b2_hbm, src_hbm, dst_hbm, a2_hbm, out_hbm, *scratch):
    _seg_min_body(b2_hbm, src_hbm, dst_hbm, a2_hbm, out_hbm, *scratch)


def kernel(x, edge_index, W_theta, b_theta, W_phi, b_phi):
    a, b = _compute_ab(x, W_theta, b_theta, W_phi, b_phi)
    b_pad = jnp.pad(b, ((0, _NPAD - _N), (0, 0)))
    b2 = jnp.concatenate([b_pad[:, :_H], b_pad[:, _H:]], axis=0).reshape(-1)
    a_pad = jnp.pad(a, ((0, _NPAD - _N), (0, 0)))
    a2 = jnp.concatenate([a_pad[:, :_H], a_pad[:, _H:]], axis=0).reshape(-1)
    src = edge_index[0]
    dst = edge_index[1]
    out_flat = _seg_min(b2, src, dst, a2)
    o3 = out_flat.reshape(2, _NPAD, _H)
    return jnp.concatenate([o3[0, :_N], o3[1, :_N]], axis=1)

# --- scband reference (transcript-rebuilt; emitter-appended) ---
"""Pipeline reference for scband-edge-conv-16037407884013 (READ-ONLY COPY).

The authoritative reference and input builder live on the scoring server;
editing this copy changes nothing except your own understanding.
"""

import jax, jax.numpy as jnp
import numpy as np

N = 10000
E = 320000
D_IN = 128
D_OUT = 128


def setup_inputs(seed: int = 0) -> dict:
    key = jax.random.key(seed)
    k1, k2, k3, k4, k5, k6 = jax.random.split(key, 6)
    x = jax.random.normal(k1, (N, D_IN), dtype=jnp.float32)
    edge_index = jax.random.randint(k2, (2, E), 0, N, dtype=jnp.int32)
    lim_t = 1.0 / np.sqrt(D_IN)
    W_theta = jax.random.uniform(k3, (D_OUT, D_IN), dtype=jnp.float32, minval=-lim_t, maxval=lim_t)
    b_theta = jax.random.uniform(k4, (D_OUT,), dtype=jnp.float32, minval=-lim_t, maxval=lim_t)
    W_phi = jax.random.uniform(k5, (D_OUT, D_IN), dtype=jnp.float32, minval=-lim_t, maxval=lim_t)
    b_phi = jax.random.uniform(k6, (D_OUT,), dtype=jnp.float32, minval=-lim_t, maxval=lim_t)
    return {"x": x, "edge_index": edge_index, "W_theta": W_theta, "b_theta": b_theta, "W_phi": W_phi, "b_phi": b_phi}


def reference(x, edge_index, W_theta, b_theta, W_phi, b_phi):
    src = edge_index[0]
    dst = edge_index[1]
    # fn.v_sub_u('x','x','theta'): theta_edge = x[dst] - x[src]
    diff = x[dst] - x[src]
    theta_e = diff @ W_theta.T + b_theta
    # phi on destination nodes
    phi = x @ W_phi.T + b_phi
    # fn.e_add_v('theta','phi','e'): e = theta_e + phi[dst]
    e = theta_e + phi[dst]
    # fn.max('e','x'): max-aggregate edge features into dst nodes
    agg = jax.ops.segment_max(e, dst, num_segments=N)
    # DGL fills zero-in-degree nodes with 0
    out = jnp.where(jnp.isfinite(agg), agg, 0.0)
    return out

if __name__ == "__main__":
    import jax
    _d = setup_inputs()
    print(jax.jit(kernel)(*tuple(_d.values())))

</pallas_src>

<mosaic_0001>
#map = affine_map<(d0, d1) -> (0)>
module attributes {stable_mosaic.version = 14 : i64} {
  func.func @_seg_min(%arg0: i32, %arg1: i32, %arg2: memref<1310720xf32, #tpu.memory_space<hbm>>, %arg3: memref<320000xi32, #tpu.memory_space<hbm>>, %arg4: memref<320000xi32, #tpu.memory_space<hbm>>, %arg5: memref<1310720xf32, #tpu.memory_space<hbm>>, %arg6: memref<1310720xf32, #tpu.memory_space<hbm>>, %arg7: memref<41024xf32, #tpu.memory_space<vmem>>, %arg8: memref<3200xi32, #tpu.memory_space<vmem>>, %arg9: memref<3200xi32, #tpu.memory_space<vmem>>, %arg10: memref<3200xi32, #tpu.memory_space<vmem>>, %arg11: memref<3200xi32, #tpu.memory_space<vmem>>, %arg12: memref<3264xi32, #tpu.memory_space<vmem>>, %arg13: memref<3264xi32, #tpu.memory_space<vmem>>, %arg14: memref<4096xf32, #tpu.memory_space<vmem>>, %arg15: memref<64xf32, #tpu.memory_space<vmem>>, %arg16: memref<64xf32, #tpu.memory_space<vmem>>, %arg17: memref<64xf32, #tpu.memory_space<vmem>>, %arg18: memref<64xf32, #tpu.memory_space<vmem>>, %arg19: memref<64xf32, #tpu.memory_space<vmem>>, %arg20: memref<64xf32, #tpu.memory_space<vmem>>, %arg21: memref<64xf32, #tpu.memory_space<vmem>>, %arg22: memref<64xf32, #tpu.memory_space<vmem>>, %arg23: memref<655360xf32, #tpu.memory_space<vmem_shared>>, %arg24: memref<!tpu.dma_semaphore, #tpu.memory_space<semaphore_mem>>, %arg25: memref<!tpu.dma_semaphore, #tpu.memory_space<semaphore_mem>>, %arg26: memref<!tpu.dma_semaphore, #tpu.memory_space<semaphore_mem>>, %arg27: memref<!tpu.dma_semaphore, #tpu.memory_space<semaphore_mem>>, %arg28: memref<!tpu.dma_semaphore, #tpu.memory_space<semaphore_mem>>, %arg29: memref<!tpu.dma_semaphore, #tpu.memory_space<semaphore_mem>>, %arg30: memref<!tpu.dma_semaphore, #tpu.memory_space<semaphore_mem>>, %arg31: memref<!tpu.dma_semaphore, #tpu.memory_space<semaphore_mem>>, %arg32: memref<!tpu.dma_semaphore, #tpu.memory_space<semaphore_mem>>, %arg33: memref<!tpu.dma_semaphore, #tpu.memory_space<semaphore_mem>>, %arg34: memref<!tpu.dma_semaphore, #tpu.memory_space<semaphore_mem>>, %arg35: memref<!tpu.dma_semaphore, #tpu.memory_space<semaphore_mem>>) attributes {dimension_semantics = [#tpu.dimension_semantics<core_parallel>, #tpu.dimension_semantics<subcore_parallel>], iteration_bounds = array<i64: 2, 16>, scalar_prefetch = 0 : i64, scratch_operands = 29 : i64, tpu.core_type = #tpu.core_type<sc_vector_subcore>, window_params = [{transform_indices = #map}, {transform_indices = #map}, {transform_indices = #map}, {transform_indices = #map}, {transform_indices = #map}]} {
    %mul3A = arith.constant 640 : i32
    %mul3A_0 = arith.muli %arg1, %mul3A : i32
    %broadcast_in_dim3A = arith.constant 0x7F800000 : f32
    %broadcast_in_dim3A_1 = vector.broadcast %broadcast_in_dim3A : f32 to vector<16xf32>
    %iota3A = tpu.iota {dimensions = array<i32: 0>} : vector<16xi32>
    %mul3A_2 = arith.constant 640 : i32
    %mul3A_3 = arith.muli %arg1, %mul3A_2 : i32
    %add3A = arith.constant 0 : i32
    %add3A_4 = arith.addi %mul3A_3, %add3A : i32
    %mul3A_5 = arith.constant 64 : i32
    %mul3A_6 = arith.muli %add3A_4, %mul3A_5 : i32
    %mul3A_7 = arith.constant 10240 : i32
    %mul3A_8 = arith.muli %arg0, %mul3A_7 : i32
    %mul3A_9 = arith.constant 64 : i32
    %mul3A_10 = arith.muli %mul3A_8, %mul3A_9 : i32
    %add3A_11 = arith.addi %mul3A_10, %mul3A_6 : i32
    "tpu.region"() ({
      %run_scoped3A = tpu.sem_alloc : memref<!tpu.dma_semaphore, #tpu.memory_space<semaphore_mem>>
      %dma_start3A_271 = tpu.memref_slice %arg2[%add3A_11] : memref<1310720xf32, #tpu.memory_space<hbm>> -> memref<4096xf32, #tpu.memory_space<hbm>>
      %dma_start3A_272 = tpu.memref_slice %arg2[%add3A_11] : memref<1310720xf32, #tpu.memory_space<hbm>> -> memref<4096xf32, #tpu.memory_space<hbm>>
      tpu.enqueue_dma source(%dma_start3A_272 : memref<4096xf32, #tpu.memory_space<hbm>>) target(%arg14 : memref<4096xf32, #tpu.memory_space<vmem>>) target_semaphore(%run_scoped3A : memref<!tpu.dma_semaphore, #tpu.memory_space<semaphore_mem>>)
      %dma_wait3A = tpu.memref_slice %arg2[%add3A_11] : memref<1310720xf32, #tpu.memory_space<hbm>> -> memref<4096xf32, #tpu.memory_space<hbm>>
      %dma_wait3A_273 = tpu.memref_slice %arg2[%add3A_11] : memref<1310720xf32, #tpu.memory_space<hbm>> -> memref<4096xf32, #tpu.memory_space<hbm>>
      tpu.wait_dma2 semaphore(%run_scoped3A : memref<!tpu.dma_semaphore, #tpu.memory_space<semaphore_mem>>) src(%dma_wait3A_273 : memref<4096xf32, #tpu.memory_space<hbm>>) dst(%arg14 : memref<4096xf32, #tpu.memory_space<vmem>>)
      tpu.yield
    }) : () -> ()
    "tpu.region"() ({
      %run_scoped3A = tpu.sem_alloc : memref<!tpu.dma_semaphore, #tpu.memory_space<semaphore_mem>>
      %dma_start3A_271 = tpu.memref_slice %arg23[%mul3A_6] : memref<655360xf32, #tpu.memory_space<vmem_shared>> -> memref<4096xf32, #tpu.memory_space<vmem_shared>>
      %dma_start3A_272 = tpu.memref_slice %arg23[%mul3A_6] : memref<655360xf32, #tpu.memory_space<vmem_shared>> -> memref<4096xf32, #tpu.memory_space<vmem_shared>>
      tpu.enqueue_dma source(%arg14 : memref<4096xf32, #tpu.memory_space<vmem>>) target(%dma_start3A_272 : memref<4096xf32, #tpu.memory_space<vmem_shared>>) target_semaphore(%run_scoped3A : memref<!tpu.dma_semaphore, #tpu.memory_space<semaphore_mem>>)
      %dma_wait3A = tpu.memref_slice %arg23[%mul3A_6] : memref<655360xf32, #tpu.memory_space<vmem_shared>> -> memref<4096xf32, #tpu.memory_space<vmem_shared>>
      %dma_wait3A_273 = tpu.memref_slice %arg23[%mul3A_6] : memref<655360xf32, #tpu.memory_space<vmem_shared>> -> memref<4096xf32, #tpu.memory_space<vmem_shared>>
      tpu.wait_dma2 semaphore(%run_scoped3A : memref<!tpu.dma_semaphore, #tpu.memory_space<semaphore_mem>>) src(%arg14 : memref<4096xf32, #tpu.memory_space<vmem>>) dst(%dma_wait3A_273 : memref<4096xf32, #tpu.memory_space<vmem_shared>>)
      tpu.yield
    }) : () -> ()
    %mul3A_12 = arith.constant 640 : i32
    %mul3A_13 = arith.muli %arg1, %mul3A_12 : i32
    %add3A_14 = arith.constant 64 : i32
    %add3A_15 = arith.addi %mul3A_13, %add3A_14 : i32
    %mul3A_16 = arith.constant 64 : i32
    %mul3A_17 = arith.muli %add3A_15, %mul3A_16 : i32
    %mul3A_18 = arith.constant 10240 : i32
    %mul3A_19 = arith.muli %arg0, %mul3A_18 : i32
    %mul3A_20 = arith.constant 64 : i32
    %mul3A_21 = arith.muli %mul3A_19, %mul3A_20 : i32
    %add3A_22 = arith.addi %mul3A_21, %mul3A_17 : i32
    "tpu.region"() ({
      %run_scoped3A = tpu.sem_alloc : memref<!tpu.dma_semaphore, #tpu.memory_space<semaphore_mem>>
      %dma_start3A_271 = tpu.memref_slice %arg2[%add3A_22] : memref<1310720xf32, #tpu.memory_space<hbm>> -> memref<4096xf32, #tpu.memory_space<hbm>>
      %dma_start3A_272 = tpu.memref_slice %arg2[%add3A_22] : memref<1310720xf32, #tpu.memory_space<hbm>> -> memref<4096xf32, #tpu.memory_space<hbm>>
      tpu.enqueue_dma source(%dma_start3A_272 : memref<4096xf32, #tpu.memory_space<hbm>>) target(%arg14 : memref<4096xf32, #tpu.memory_space<vmem>>) target_semaphore(%run_scoped3A : memref<!tpu.dma_semaphore, #tpu.memory_space<semaphore_mem>>)
      %dma_wait3A = tpu.memref_slice %arg2[%add3A_22] : memref<1310720xf32, #tpu.memory_space<hbm>> -> memref<4096xf32, #tpu.memory_space<hbm>>
      %dma_wait3A_273 = tpu.memref_slice %arg2[%add3A_22] : memref<1310720xf32, #tpu.memory_space<hbm>> -> memref<4096xf32, #tpu.memory_space<hbm>>
      tpu.wait_dma2 semaphore(%run_scoped3A : memref<!tpu.dma_semaphore, #tpu.memory_space<semaphore_mem>>) src(%dma_wait3A_273 : memref<4096xf32, #tpu.memory_space<hbm>>) dst(%arg14 : memref<4096xf32, #tpu.memory_space<vmem>>)
      tpu.yield
    }) : () -> ()
    "tpu.region"() ({
      %run_scoped3A = tpu.sem_alloc : memref<!tpu.dma_semaphore, #tpu.memory_space<semaphore_mem>>
      %dma_start3A_271 = tpu.memref_slice %arg23[%mul3A_17] : memref<655360xf32, #tpu.memory_space<vmem_shared>> -> memref<4096xf32, #tpu.memory_space<vmem_shared>>
      %dma_start3A_272 = tpu.memref_slice %arg23[%mul3A_17] : memref<655360xf32, #tpu.memory_space<vmem_shared>> -> memref<4096xf32, #tpu.memory_space<vmem_shared>>
      tpu.enqueue_dma source(%arg14 : memref<4096xf32, #tpu.memory_space<vmem>>) target(%dma_start3A_272 : memref<4096xf32, #tpu.memory_space<vmem_shared>>) target_semaphore(%run_scoped3A : memref<!tpu.dma_semaphore, #tpu.memory_space<semaphore_mem>>)
      %dma_wait3A = tpu.memref_slice %arg23[%mul3A_17] : memref<655360xf32, #tpu.memory_space<vmem_shared>> -> memref<4096xf32, #tpu.memory_space<vmem_shared>>
      %dma_wait3A_273 = tpu.memref_slice %arg23[%mul3A_17] : memref<655360xf32, #tpu.memory_space<vmem_shared>> -> memref<4096xf32, #tpu.memory_space<vmem_shared>>
      tpu.wait_dma2 semaphore(%run_scoped3A : memref<!tpu.dma_semaphore, #tpu.memory_space<semaphore_mem>>) src(%arg14 : memref<4096xf32, #tpu.memory_space<vmem>>) dst(%dma_wait3A_273 : memref<4096xf32, #tpu.memory_space<vmem_shared>>)
      tpu.yield
    }) : () -> ()
    %mul3A_23 = arith.constant 640 : i32
    %mul3A_24 = arith.muli %arg1, %mul3A_23 : i32
    %add3A_25 = arith.constant 128 : i32
    %add3A_26 = arith.addi %mul3A_24, %add3A_25 : i32
    %mul3A_27 = arith.constant 64 : i32
    %mul3A_28 = arith.muli %add3A_26, %mul3A_27 : i32
    %mul3A_29 = arith.constant 10240 : i32
    %mul3A_30 = arith.muli %arg0, %mul3A_29 : i32
    %mul3A_31 = arith.constant 64 : i32
    %mul3A_32 = arith.muli %mul3A_30, %mul3A_31 : i32
    %add3A_33 = arith.addi %mul3A_32, %mul3A_28 : i32
    "tpu.region"() ({
      %run_scoped3A = tpu.sem_alloc : memref<!tpu.dma_semaphore, #tpu.memory_space<semaphore_mem>>
      %dma_start3A_271 = tpu.memref_slice %arg2[%add3A_33] : memref<1310720xf32, #tpu.memory_space<hbm>> -> memref<4096xf32, #tpu.memory_space<hbm>>
      %dma_start3A_272 = tpu.memref_slice %arg2[%add3A_33] : memref<1310720xf32, #tpu.memory_space<hbm>> -> memref<4096xf32, #tpu.memory_space<hbm>>
      tpu.enqueue_dma source(%dma_start3A_272 : memref<4096xf32, #tpu.memory_space<hbm>>) target(%arg14 : memref<4096xf32, #tpu.memory_space<vmem>>) target_semaphore(%run_scoped3A : memref<!tpu.dma_semaphore, #tpu.memory_space<semaphore_mem>>)
      %dma_wait3A = tpu.memref_slice %arg2[%add3A_33] : memref<1310720xf32, #tpu.memory_space<hbm>> -> memref<4096xf32, #tpu.memory_space<hbm>>
      %dma_wait3A_273 = tpu.memref_slice %arg2[%add3A_33] : memref<1310720xf32, #tpu.memory_space<hbm>> -> memref<4096xf32, #tpu.memory_space<hbm>>
      tpu.wait_dma2 semaphore(%run_scoped3A : memref<!tpu.dma_semaphore, #tpu.memory_space<semaphore_mem>>) src(%dma_wait3A_273 : memref<4096xf32, #tpu.memory_space<hbm>>) dst(%arg14 : memref<4096xf32, #tpu.memory_space<vmem>>)
      tpu.yield
    }) : () -> ()
    "tpu.region"() ({
      %run_scoped3A = tpu.sem_alloc : memref<!tpu.dma_semaphore, #tpu.memory_space<semaphore_mem>>
      %dma_start3A_271 = tpu.memref_slice %arg23[%mul3A_28] : memref<655360xf32, #tpu.memory_space<vmem_shared>> -> memref<4096xf32, #tpu.memory_space<vmem_shared>>
      %dma_start3A_272 = tpu.memref_slice %arg23[%mul3A_28] : memref<655360xf32, #tpu.memory_space<vmem_shared>> -> memref<4096xf32, #tpu.memory_space<vmem_shared>>
      tpu.enqueue_dma source(%arg14 : memref<4096xf32, #tpu.memory_space<vmem>>) target(%dma_start3A_272 : memref<4096xf32, #tpu.memory_space<vmem_shared>>) target_semaphore(%run_scoped3A : memref<!tpu.dma_semaphore, #tpu.memory_space<semaphore_mem>>)
      %dma_wait3A = tpu.memref_slice %arg23[%mul3A_28] : memref<655360xf32, #tpu.memory_space<vmem_shared>> -> memref<4096xf32, #tpu.memory_space<vmem_shared>>
      %dma_wait3A_273 = tpu.memref_slice %arg23[%mul3A_28] : memref<655360xf32, #tpu.memory_space<vmem_shared>> -> memref<4096xf32, #tpu.memory_space<vmem_shared>>
      tpu.wait_dma2 semaphore(%run_scoped3A : memref<!tpu.dma_semaphore, #tpu.memory_space<semaphore_mem>>) src(%arg14 : memref<4096xf32, #tpu.memory_space<vmem>>) dst(%dma_wait3A_273 : memref<4096xf32, #tpu.memory_space<vmem_shared>>)
      tpu.yield
    }) : () -> ()
    %mul3A_34 = arith.constant 640 : i32
    %mul3A_35 = arith.muli %arg1, %mul3A_34 : i32
    %add3A_36 = arith.constant 192 : i32
    %add3A_37 = arith.addi %mul3A_35, %add3A_36 : i32
    %mul3A_38 = arith.constant 64 : i32
    %mul3A_39 = arith.muli %add3A_37, %mul3A_38 : i32
    %mul3A_40 = arith.constant 10240 : i32
    %mul3A_41 = arith.muli %arg0, %mul3A_40 : i32
    %mul3A_42 = arith.constant 64 : i32
    %mul3A_43 = arith.muli %mul3A_41, %mul3A_42 : i32
    %add3A_44 = arith.addi %mul3A_43, %mul3A_39 : i32
    "tpu.region"() ({
      %run_scoped3A = tpu.sem_alloc : memref<!tpu.dma_semaphore, #tpu.memory_space<semaphore_mem>>
      %dma_start3A_271 = tpu.memref_slice %arg2[%add3A_44] : memref<1310720xf32, #tpu.memory_space<hbm>> -> memref<4096xf32, #tpu.memory_space<hbm>>
      %dma_start3A_272 = tpu.memref_slice %arg2[%add3A_44] : memref<1310720xf32, #tpu.memory_space<hbm>> -> memref<4096xf32, #tpu.memory_space<hbm>>
      tpu.enqueue_dma source(%dma_start3A_272 : memref<4096xf32, #tpu.memory_space<hbm>>) target(%arg14 : memref<4096xf32, #tpu.memory_space<vmem>>) target_semaphore(%run_scoped3A : memref<!tpu.dma_semaphore, #tpu.memory_space<semaphore_mem>>)
      %dma_wait3A = tpu.memref_slice %arg2[%add3A_44] : memref<1310720xf32, #tpu.memory_space<hbm>> -> memref<4096xf32, #tpu.memory_space<hbm>>
      %dma_wait3A_273 = tpu.memref_slice %arg2[%add3A_44] : memref<1310720xf32, #tpu.memory_space<hbm>> -> memref<4096xf32, #tpu.memory_space<hbm>>
      tpu.wait_dma2 semaphore(%run_scoped3A : memref<!tpu.dma_semaphore, #tpu.memory_space<semaphore_mem>>) src(%dma_wait3A_273 : memref<4096xf32, #tpu.memory_space<hbm>>) dst(%arg14 : memref<4096xf32, #tpu.memory_space<vmem>>)
      tpu.yield
    }) : () -> ()
    "tpu.region"() ({
      %run_scoped3A = tpu.sem_alloc : memref<!tpu.dma_semaphore, #tpu.memory_space<semaphore_mem>>
      %dma_start3A_271 = tpu.memref_slice %arg23[%mul3A_39] : memref<655360xf32, #tpu.memory_space<vmem_shared>> -> memref<4096xf32, #tpu.memory_space<vmem_shared>>
      %dma_start3A_272 = tpu.memref_slice %arg23[%mul3A_39] : memref<655360xf32, #tpu.memory_space<vmem_shared>> -> memref<4096xf32, #tpu.memory_space<vmem_shared>>
      tpu.enqueue_dma source(%arg14 : memref<4096xf32, #tpu.memory_space<vmem>>) target(%dma_start3A_272 : memref<4096xf32, #tpu.memory_space<vmem_shared>>) target_semaphore(%run_scoped3A : memref<!tpu.dma_semaphore, #tpu.memory_space<semaphore_mem>>)
      %dma_wait3A = tpu.memref_slice %arg23[%mul3A_39] : memref<655360xf32, #tpu.memory_space<vmem_shared>> -> memref<4096xf32, #tpu.memory_space<vmem_shared>>
      %dma_wait3A_273 = tpu.memref_slice %arg23[%mul3A_39] : memref<655360xf32, #tpu.memory_space<vmem_shared>> -> memref<4096xf32, #tpu.memory_space<vmem_shared>>
      tpu.wait_dma2 semaphore(%run_scoped3A : memref<!tpu.dma_semaphore, #tpu.memory_space<semaphore_mem>>) src(%arg14 : memref<4096xf32, #tpu.memory_space<vmem>>) dst(%dma_wait3A_273 : memref<4096xf32, #tpu.memory_space<vmem_shared>>)
      tpu.yield
    }) : () -> ()
    %mul3A_45 = arith.constant 640 : i32
    %mul3A_46 = arith.muli %arg1, %mul3A_45 : i32
    %add3A_47 = arith.constant 256 : i32
    %add3A_48 = arith.addi %mul3A_46, %add3A_47 : i32
    %mul3A_49 = arith.constant 64 : i32
    %mul3A_50 = arith.muli %add3A_48, %mul3A_49 : i32
    %mul3A_51 = arith.constant 10240 : i32
    %mul3A_52 = arith.muli %arg0, %mul3A_51 : i32
    %mul3A_53 = arith.constant 64 : i32
    %mul3A_54 = arith.muli %mul3A_52, %mul3A_53 : i32
    %add3A_55 = arith.addi %mul3A_54, %mul3A_50 : i32
    "tpu.region"() ({
      %run_scoped3A = tpu.sem_alloc : memref<!tpu.dma_semaphore, #tpu.memory_space<semaphore_mem>>
      %dma_start3A_271 = tpu.memref_slice %arg2[%add3A_55] : memref<1310720xf32, #tpu.memory_space<hbm>> -> memref<4096xf32, #tpu.memory_space<hbm>>
      %dma_start3A_272 = tpu.memref_slice %arg2[%add3A_55] : memref<1310720xf32, #tpu.memory_space<hbm>> -> memref<4096xf32, #tpu.memory_space<hbm>>
      tpu.enqueue_dma source(%dma_start3A_272 : memref<4096xf32, #tpu.memory_space<hbm>>) target(%arg14 : memref<4096xf32, #tpu.memory_space<vmem>>) target_semaphore(%run_scoped3A : memref<!tpu.dma_semaphore, #tpu.memory_space<semaphore_mem>>)
      %dma_wait3A = tpu.memref_slice %arg2[%add3A_55] : memref<1310720xf32, #tpu.memory_space<hbm>> -> memref<4096xf32, #tpu.memory_space<hbm>>
      %dma_wait3A_273 = tpu.memref_slice %arg2[%add3A_55] : memref<1310720xf32, #tpu.memory_space<hbm>> -> memref<4096xf32, #tpu.memory_space<hbm>>
      tpu.wait_dma2 semaphore(%run_scoped3A : memref<!tpu.dma_semaphore, #tpu.memory_space<semaphore_mem>>) src(%dma_wait3A_273 : memref<4096xf32, #tpu.memory_space<hbm>>) dst(%arg14 : memref<4096xf32, #tpu.memory_space<vmem>>)
      tpu.yield
    }) : () -> ()
    "tpu.region"() ({
      %run_scoped3A = tpu.sem_alloc : memref<!tpu.dma_semaphore, #tpu.memory_space<semaphore_mem>>
      %dma_start3A_271 = tpu.memref_slice %arg23[%mul3A_50] : memref<655360xf32, #tpu.memory_space<vmem_shared>> -> memref<4096xf32, #tpu.memory_space<vmem_shared>>
      %dma_start3A_272 = tpu.memref_slice %arg23[%mul3A_50] : memref<655360xf32, #tpu.memory_space<vmem_shared>> -> memref<4096xf32, #tpu.memory_space<vmem_shared>>
      tpu.enqueue_dma source(%arg14 : memref<4096xf32, #tpu.memory_space<vmem>>) target(%dma_start3A_272 : memref<4096xf32, #tpu.memory_space<vmem_shared>>) target_semaphore(%run_scoped3A : memref<!tpu.dma_semaphore, #tpu.memory_space<semaphore_mem>>)
      %dma_wait3A = tpu.memref_slice %arg23[%mul3A_50] : memref<655360xf32, #tpu.memory_space<vmem_shared>> -> memref<4096xf32, #tpu.memory_space<vmem_shared>>
      %dma_wait3A_273 = tpu.memref_slice %arg23[%mul3A_50] : memref<655360xf32, #tpu.memory_space<vmem_shared>> -> memref<4096xf32, #tpu.memory_space<vmem_shared>>
      tpu.wait_dma2 semaphore(%run_scoped3A : memref<!tpu.dma_semaphore, #tpu.memory_space<semaphore_mem>>) src(%arg14 : memref<4096xf32, #tpu.memory_space<vmem>>) dst(%dma_wait3A_273 : memref<4096xf32, #tpu.memory_space<vmem_shared>>)
      tpu.yield
    }) : () -> ()
    %mul3A_56 = arith.constant 640 : i32
    %mul3A_57 = arith.muli %arg1, %mul3A_56 : i32
    %add3A_58 = arith.constant 320 : i32
    %add3A_59 = arith.addi %mul3A_57, %add3A_58 : i32
    %mul3A_60 = arith.constant 64 : i32
    %mul3A_61 = arith.muli %add3A_59, %mul3A_60 : i32
    %mul3A_62 = arith.constant 10240 : i32
    %mul3A_63 = arith.muli %arg0, %mul3A_62 : i32
    %mul3A_64 = arith.constant 64 : i32
    %mul3A_65 = arith.muli %mul3A_63, %mul3A_64 : i32
    %add3A_66 = arith.addi %mul3A_65, %mul3A_61 : i32
    "tpu.region"() ({
      %run_scoped3A = tpu.sem_alloc : memref<!tpu.dma_semaphore, #tpu.memory_space<semaphore_mem>>
      %dma_start3A_271 = tpu.memref_slice %arg2[%add3A_66] : memref<1310720xf32, #tpu.memory_space<hbm>> -> memref<4096xf32, #tpu.memory_space<hbm>>
      %dma_start3A_272 = tpu.memref_slice %arg2[%add3A_66] : memref<1310720xf32, #tpu.memory_space<hbm>> -> memref<4096xf32, #tpu.memory_space<hbm>>
      tpu.enqueue_dma source(%dma_start3A_272 : memref<4096xf32, #tpu.memory_space<hbm>>) target(%arg14 : memref<4096xf32, #tpu.memory_space<vmem>>) target_semaphore(%run_scoped3A : memref<!tpu.dma_semaphore, #tpu.memory_space<semaphore_mem>>)
      %dma_wait3A = tpu.memref_slice %arg2[%add3A_66] : memref<1310720xf32, #tpu.memory_space<hbm>> -> memref<4096xf32, #tpu.memory_space<hbm>>
      %dma_wait3A_273 = tpu.memref_slice %arg2[%add3A_66] : memref<1310720xf32, #tpu.memory_space<hbm>> -> memref<4096xf32, #tpu.memory_space<hbm>>
      tpu.wait_dma2 semaphore(%run_scoped3A : memref<!tpu.dma_semaphore, #tpu.memory_space<semaphore_mem>>) src(%dma_wait3A_273 : memref<4096xf32, #tpu.memory_space<hbm>>) dst(%arg14 : memref<4096xf32, #tpu.memory_space<vmem>>)
      tpu.yield
    }) : () -> ()
    "tpu.region"() ({
      %run_scoped3A = tpu.sem_alloc : memref<!tpu.dma_semaphore, #tpu.memory_space<semaphore_mem>>
      %dma_start3A_271 = tpu.memref_slice %arg23[%mul3A_61] : memref<655360xf32, #tpu.memory_space<vmem_shared>> -> memref<4096xf32, #tpu.memory_space<vmem_shared>>
      %dma_start3A_272 = tpu.memref_slice %arg23[%mul3A_61] : memref<655360xf32, #tpu.memory_space<vmem_shared>> -> memref<4096xf32, #tpu.memory_space<vmem_shared>>
      tpu.enqueue_dma source(%arg14 : memref<4096xf32, #tpu.memory_space<vmem>>) target(%dma_start3A_272 : memref<4096xf32, #tpu.memory_space<vmem_shared>>) target_semaphore(%run_scoped3A : memref<!tpu.dma_semaphore, #tpu.memory_space<semaphore_mem>>)
      %dma_wait3A = tpu.memref_slice %arg23[%mul3A_61] : memref<655360xf32, #tpu.memory_space<vmem_shared>> -> memref<4096xf32, #tpu.memory_space<vmem_shared>>
      %dma_wait3A_273 = tpu.memref_slice %arg23[%mul3A_61] : memref<655360xf32, #tpu.memory_space<vmem_shared>> -> memref<4096xf32, #tpu.memory_space<vmem_shared>>
      tpu.wait_dma2 semaphore(%run_scoped3A : memref<!tpu.dma_semaphore, #tpu.memory_space<semaphore_mem>>) src(%arg14 : memref<4096xf32, #tpu.memory_space<vmem>>) dst(%dma_wait3A_273 : memref<4096xf32, #tpu.memory_space<vmem_shared>>)
      tpu.yield
    }) : () -> ()
    %mul3A_67 = arith.constant 640 : i32
    %mul3A_68 = arith.muli %arg1, %mul3A_67 : i32
    %add3A_69 = arith.constant 384 : i32
    %add3A_70 = arith.addi %mul3A_68, %add3A_69 : i32
    %mul3A_71 = arith.constant 64 : i32
    %mul3A_72 = arith.muli %add3A_70, %mul3A_71 : i32
    %mul3A_73 = arith.constant 10240 : i32
    %mul3A_74 = arith.muli %arg0, %mul3A_73 : i32
    %mul3A_75 = arith.constant 64 : i32
    %mul3A_76 = arith.muli %mul3A_74, %mul3A_75 : i32
    %add3A_77 = arith.addi %mul3A_76, %mul3A_72 : i32
    "tpu.region"() ({
      %run_scoped3A = tpu.sem_alloc : memref<!tpu.dma_semaphore, #tpu.memory_space<semaphore_mem>>
      %dma_start3A_271 = tpu.memref_slice %arg2[%add3A_77] : memref<1310720xf32, #tpu.memory_space<hbm>> -> memref<4096xf32, #tpu.memory_space<hbm>>
      %dma_start3A_272 = tpu.memref_slice %arg2[%add3A_77] : memref<1310720xf32, #tpu.memory_space<hbm>> -> memref<4096xf32, #tpu.memory_space<hbm>>
      tpu.enqueue_dma source(%dma_start3A_272 : memref<4096xf32, #tpu.memory_space<hbm>>) target(%arg14 : memref<4096xf32, #tpu.memory_space<vmem>>) target_semaphore(%run_scoped3A : memref<!tpu.dma_semaphore, #tpu.memory_space<semaphore_mem>>)
      %dma_wait3A = tpu.memref_slice %arg2[%add3A_77] : memref<1310720xf32, #tpu.memory_space<hbm>> -> memref<4096xf32, #tpu.memory_space<hbm>>
      %dma_wait3A_273 = tpu.memref_slice %arg2[%add3A_77] : memref<1310720xf32, #tpu.memory_space<hbm>> -> memref<4096xf32, #tpu.memory_space<hbm>>
      tpu.wait_dma2 semaphore(%run_scoped3A : memref<!tpu.dma_semaphore, #tpu.memory_space<semaphore_mem>>) src(%dma_wait3A_273 : memref<4096xf32, #tpu.memory_space<hbm>>) dst(%arg14 : memref<4096xf32, #tpu.memory_space<vmem>>)
      tpu.yield
    }) : () -> ()
    "tpu.region"() ({
      %run_scoped3A = tpu.sem_alloc : memref<!tpu.dma_semaphore, #tpu.memory_space<semaphore_mem>>
      %dma_start3A_271 = tpu.memref_slice %arg23[%mul3A_72] : memref<655360xf32, #tpu.memory_space<vmem_shared>> -> memref<4096xf32, #tpu.memory_space<vmem_shared>>
      %dma_start3A_272 = tpu.memref_slice %arg23[%mul3A_72] : memref<655360xf32, #tpu.memory_space<vmem_shared>> -> memref<4096xf32, #tpu.memory_space<vmem_shared>>
      tpu.enqueue_dma source(%arg14 : memref<4096xf32, #tpu.memory_space<vmem>>) target(%dma_start3A_272 : memref<4096xf32, #tpu.memory_space<vmem_shared>>) target_semaphore(%run_scoped3A : memref<!tpu.dma_semaphore, #tpu.memory_space<semaphore_mem>>)
      %dma_wait3A = tpu.memref_slice %arg23[%mul3A_72] : memref<655360xf32, #tpu.memory_space<vmem_shared>> -> memref<4096xf32, #tpu.memory_space<vmem_shared>>
      %dma_wait3A_273 = tpu.memref_slice %arg23[%mul3A_72] : memref<655360xf32, #tpu.memory_space<vmem_shared>> -> memref<4096xf32, #tpu.memory_space<vmem_shared>>
      tpu.wait_dma2 semaphore(%run_scoped3A : memref<!tpu.dma_semaphore, #tpu.memory_space<semaphore_mem>>) src(%arg14 : memref<4096xf32, #tpu.memory_space<vmem>>) dst(%dma_wait3A_273 : memref<4096xf32, #tpu.memory_space<vmem_shared>>)
      tpu.yield
    }) : () -> ()
    %mul3A_78 = arith.constant 640 : i32
    %mul3A_79 = arith.muli %arg1, %mul3A_78 : i32
    %add3A_80 = arith.constant 448 : i32
    %add3A_81 = arith.addi %mul3A_79, %add3A_80 : i32
    %mul3A_82 = arith.constant 64 : i32
    %mul3A_83 = arith.muli %add3A_81, %mul3A_82 : i32
    %mul3A_84 = arith.constant 10240 : i32
    %mul3A_85 = arith.muli %arg0, %mul3A_84 : i32
    %mul3A_86 = arith.constant 64 : i32
    %mul3A_87 = arith.muli %mul3A_85, %mul3A_86 : i32
    %add3A_88 = arith.addi %mul3A_87, %mul3A_83 : i32
    "tpu.region"() ({
      %run_scoped3A = tpu.sem_alloc : memref<!tpu.dma_semaphore, #tpu.memory_space<semaphore_mem>>
      %dma_start3A_271 = tpu.memref_slice %arg2[%add3A_88] : memref<1310720xf32, #tpu.memory_space<hbm>> -> memref<4096xf32, #tpu.memory_space<hbm>>
      %dma_start3A_272 = tpu.memref_slice %arg2[%add3A_88] : memref<1310720xf32, #tpu.memory_space<hbm>> -> memref<4096xf32, #tpu.memory_space<hbm>>
      tpu.enqueue_dma source(%dma_start3A_272 : memref<4096xf32, #tpu.memory_space<hbm>>) target(%arg14 : memref<4096xf32, #tpu.memory_space<vmem>>) target_semaphore(%run_scoped3A : memref<!tpu.dma_semaphore, #tpu.memory_space<semaphore_mem>>)
      %dma_wait3A = tpu.memref_slice %arg2[%add3A_88] : memref<1310720xf32, #tpu.memory_space<hbm>> -> memref<4096xf32, #tpu.memory_space<hbm>>
      %dma_wait3A_273 = tpu.memref_slice %arg2[%add3A_88] : memref<1310720xf32, #tpu.memory_space<hbm>> -> memref<4096xf32, #tpu.memory_space<hbm>>
      tpu.wait_dma2 semaphore(%run_scoped3A : memref<!tpu.dma_semaphore, #tpu.memory_space<semaphore_mem>>) src(%dma_wait3A_273 : memref<4096xf32, #tpu.memory_space<hbm>>) dst(%arg14 : memref<4096xf32, #tpu.memory_space<vmem>>)
      tpu.yield
    }) : () -> ()
    "tpu.region"() ({
      %run_scoped3A = tpu.sem_alloc : memref<!tpu.dma_semaphore, #tpu.memory_space<semaphore_mem>>
      %dma_start3A_271 = tpu.memref_slice %arg23[%mul3A_83] : memref<655360xf32, #tpu.memory_space<vmem_shared>> -> memref<4096xf32, #tpu.memory_space<vmem_shared>>
      %dma_start3A_272 = tpu.memref_slice %arg23[%mul3A_83] : memref<655360xf32, #tpu.memory_space<vmem_shared>> -> memref<4096xf32, #tpu.memory_space<vmem_shared>>
      tpu.enqueue_dma source(%arg14 : memref<4096xf32, #tpu.memory_space<vmem>>) target(%dma_start3A_272 : memref<4096xf32, #tpu.memory_space<vmem_shared>>) target_semaphore(%run_scoped3A : memref<!tpu.dma_semaphore, #tpu.memory_space<semaphore_mem>>)
      %dma_wait3A = tpu.memref_slice %arg23[%mul3A_83] : memref<655360xf32, #tpu.memory_space<vmem_shared>> -> memref<4096xf32, #tpu.memory_space<vmem_shared>>
      %dma_wait3A_273 = tpu.memref_slice %arg23[%mul3A_83] : memref<655360xf32, #tpu.memory_space<vmem_shared>> -> memref<4096xf32, #tpu.memory_space<vmem_shared>>
      tpu.wait_dma2 semaphore(%run_scoped3A : memref<!tpu.dma_semaphore, #tpu.memory_space<semaphore_mem>>) src(%arg14 : memref<4096xf32, #tpu.memory_space<vmem>>) dst(%dma_wait3A_273 : memref<4096xf32, #tpu.memory_space<vmem_shared>>)
      tpu.yield
    }) : () -> ()
    %mul3A_89 = arith.constant 640 : i32
    %mul3A_90 = arith.muli %arg1, %mul3A_89 : i32
    %add3A_91 = arith.constant 512 : i32
    %add3A_92 = arith.addi %mul3A_90, %add3A_91 : i32
    %mul3A_93 = arith.constant 64 : i32
    %mul3A_94 = arith.muli %add3A_92, %mul3A_93 : i32
    %mul3A_95 = arith.constant 10240 : i32
    %mul3A_96 = arith.muli %arg0, %mul3A_95 : i32
    %mul3A_97 = arith.constant 64 : i32
    %mul3A_98 = arith.muli %mul3A_96, %mul3A_97 : i32
    %add3A_99 = arith.addi %mul3A_98, %mul3A_94 : i32
    "tpu.region"() ({
      %run_scoped3A = tpu.sem_alloc : memref<!tpu.dma_semaphore, #tpu.memory_space<semaphore_mem>>
      %dma_start3A_271 = tpu.memref_slice %arg2[%add3A_99] : memref<1310720xf32, #tpu.memory_space<hbm>> -> memref<4096xf32, #tpu.memory_space<hbm>>
      %dma_start3A_272 = tpu.memref_slice %arg2[%add3A_99] : memref<1310720xf32, #tpu.memory_space<hbm>> -> memref<4096xf32, #tpu.memory_space<hbm>>
      tpu.enqueue_dma source(%dma_start3A_272 : memref<4096xf32, #tpu.memory_space<hbm>>) target(%arg14 : memref<4096xf32, #tpu.memory_space<vmem>>) target_semaphore(%run_scoped3A : memref<!tpu.dma_semaphore, #tpu.memory_space<semaphore_mem>>)
      %dma_wait3A = tpu.memref_slice %arg2[%add3A_99] : memref<1310720xf32, #tpu.memory_space<hbm>> -> memref<4096xf32, #tpu.memory_space<hbm>>
      %dma_wait3A_273 = tpu.memref_slice %arg2[%add3A_99] : memref<1310720xf32, #tpu.memory_space<hbm>> -> memref<4096xf32, #tpu.memory_space<hbm>>
      tpu.wait_dma2 semaphore(%run_scoped3A : memref<!tpu.dma_semaphore, #tpu.memory_space<semaphore_mem>>) src(%dma_wait3A_273 : memref<4096xf32, #tpu.memory_space<hbm>>) dst(%arg14 : memref<4096xf32, #tpu.memory_space<vmem>>)
      tpu.yield
    }) : () -> ()
    "tpu.region"() ({
      %run_scoped3A = tpu.sem_alloc : memref<!tpu.dma_semaphore, #tpu.memory_space<semaphore_mem>>
      %dma_start3A_271 = tpu.memref_slice %arg23[%mul3A_94] : memref<655360xf32, #tpu.memory_space<vmem_shared>> -> memref<4096xf32, #tpu.memory_space<vmem_shared>>
      %dma_start3A_272 = tpu.memref_slice %arg23[%mul3A_94] : memref<655360xf32, #tpu.memory_space<vmem_shared>> -> memref<4096xf32, #tpu.memory_space<vmem_shared>>
      tpu.enqueue_dma source(%arg14 : memref<4096xf32, #tpu.memory_space<vmem>>) target(%dma_start3A_272 : memref<4096xf32, #tpu.memory_space<vmem_shared>>) target_semaphore(%run_scoped3A : memref<!tpu.dma_semaphore, #tpu.memory_space<semaphore_mem>>)
      %dma_wait3A = tpu.memref_slice %arg23[%mul3A_94] : memref<655360xf32, #tpu.memory_space<vmem_shared>> -> memref<4096xf32, #tpu.memory_space<vmem_shared>>
      %dma_wait3A_273 = tpu.memref_slice %arg23[%mul3A_94] : memref<655360xf32, #tpu.memory_space<vmem_shared>> -> memref<4096xf32, #tpu.memory_space<vmem_shared>>
      tpu.wait_dma2 semaphore(%run_scoped3A : memref<!tpu.dma_semaphore, #tpu.memory_space<semaphore_mem>>) src(%arg14 : memref<4096xf32, #tpu.memory_space<vmem>>) dst(%dma_wait3A_273 : memref<4096xf32, #tpu.memory_space<vmem_shared>>)
      tpu.yield
    }) : () -> ()
    %mul3A_100 = arith.constant 640 : i32
    %mul3A_101 = arith.muli %arg1, %mul3A_100 : i32
    %add3A_102 = arith.constant 576 : i32
    %add3A_103 = arith.addi %mul3A_101, %add3A_102 : i32
    %mul3A_104 = arith.constant 64 : i32
    %mul3A_105 = arith.muli %add3A_103, %mul3A_104 : i32
    %mul3A_106 = arith.constant 10240 : i32
    %mul3A_107 = arith.muli %arg0, %mul3A_106 : i32
    %mul3A_108 = arith.constant 64 : i32
    %mul3A_109 = arith.muli %mul3A_107, %mul3A_108 : i32
    %add3A_110 = arith.addi %mul3A_109, %mul3A_105 : i32
    "tpu.region"() ({
      %run_scoped3A = tpu.sem_alloc : memref<!tpu.dma_semaphore, #tpu.memory_space<semaphore_mem>>
      %dma_start3A_271 = tpu.memref_slice %arg2[%add3A_110] : memref<1310720xf32, #tpu.memory_space<hbm>> -> memref<4096xf32, #tpu.memory_space<hbm>>
      %dma_start3A_272 = tpu.memref_slice %arg2[%add3A_110] : memref<1310720xf32, #tpu.memory_space<hbm>> -> memref<4096xf32, #tpu.memory_space<hbm>>
      tpu.enqueue_dma source(%dma_start3A_272 : memref<4096xf32, #tpu.memory_space<hbm>>) target(%arg14 : memref<4096xf32, #tpu.memory_space<vmem>>) target_semaphore(%run_scoped3A : memref<!tpu.dma_semaphore, #tpu.memory_space<semaphore_mem>>)
      %dma_wait3A = tpu.memref_slice %arg2[%add3A_110] : memref<1310720xf32, #tpu.memory_space<hbm>> -> memref<4096xf32, #tpu.memory_space<hbm>>
      %dma_wait3A_273 = tpu.memref_slice %arg2[%add3A_110] : memref<1310720xf32, #tpu.memory_space<hbm>> -> memref<4096xf32, #tpu.memory_space<hbm>>
      tpu.wait_dma2 semaphore(%run_scoped3A : memref<!tpu.dma_semaphore, #tpu.memory_space<semaphore_mem>>) src(%dma_wait3A_273 : memref<4096xf32, #tpu.memory_space<hbm>>) dst(%arg14 : memref<4096xf32, #tpu.memory_space<vmem>>)
      tpu.yield
    }) : () -> ()
    "tpu.region"() ({
      %run_scoped3A = tpu.sem_alloc : memref<!tpu.dma_semaphore, #tpu.memory_space<semaphore_mem>>
      %dma_start3A_271 = tpu.memref_slice %arg23[%mul3A_105] : memref<655360xf32, #tpu.memory_space<vmem_shared>> -> memref<4096xf32, #tpu.memory_space<vmem_shared>>
      %dma_start3A_272 = tpu.memref_slice %arg23[%mul3A_105] : memref<655360xf32, #tpu.memory_space<vmem_shared>> -> memref<4096xf32, #tpu.memory_space<vmem_shared>>
      tpu.enqueue_dma source(%arg14 : memref<4096xf32, #tpu.memory_space<vmem>>) target(%dma_start3A_272 : memref<4096xf32, #tpu.memory_space<vmem_shared>>) target_semaphore(%run_scoped3A : memref<!tpu.dma_semaphore, #tpu.memory_space<semaphore_mem>>)
      %dma_wait3A = tpu.memref_slice %arg23[%mul3A_105] : memref<655360xf32, #tpu.memory_space<vmem_shared>> -> memref<4096xf32, #tpu.memory_space<vmem_shared>>
      %dma_wait3A_273 = tpu.memref_slice %arg23[%mul3A_105] : memref<655360xf32, #tpu.memory_space<vmem_shared>> -> memref<4096xf32, #tpu.memory_space<vmem_shared>>
      tpu.wait_dma2 semaphore(%run_scoped3A : memref<!tpu.dma_semaphore, #tpu.memory_space<semaphore_mem>>) src(%arg14 : memref<4096xf32, #tpu.memory_space<vmem>>) dst(%dma_wait3A_273 : memref<4096xf32, #tpu.memory_space<vmem_shared>>)
      tpu.yield
    }) : () -> ()
    %barrier3A = arith.constant 0 : index
    tpu.barrier barrier_id(%barrier3A)
    %scan3A = arith.constant 0 : i32
    %scan3A_111 = arith.constant 0 : i32
    %scan3A_112 = arith.constant 2564 : i32
    %scan3A_113 = arith.addi %scan3A_111, %scan3A_112 : i32
    %scan3A_114 = arith.constant 1 : i32
    %scan3A_115 = scf.for %scan3A_271 = %scan3A_111 to %scan3A_113 step %scan3A_114 iter_args(%scan3A_272 = %scan3A) -> (i32)  : i32 {
      %mul3A_273 = arith.constant 16 : i32
      %mul3A_274 = arith.muli %scan3A_271, %mul3A_273 : i32
      %swap3A = arith.index_cast %mul3A_274 : i32 to index
      %swap3A_275 = tpu.vector_load %arg7[%swap3A] {strides = array<i32>} : memref<41024xf32, #tpu.memory_space<vmem>>, vector<16xf32>,
      tpu.vector_store %arg7[%swap3A], %broadcast_in_dim3A_1 {strides = array<i32>} : memref<41024xf32, #tpu.memory_space<vmem>>, vector<16xf32>,
      %scan3A_276 = arith.constant 0 : i32
      scf.yield %scan3A_276 : i32
    }
    %scan3A_116 = arith.constant 2564 : i32
    %dma_start3A = arith.constant 0 : i32
    %dma_start3A_117 = tpu.memref_slice %arg3[%dma_start3A] : memref<320000xi32, #tpu.memory_space<hbm>> -> memref<3200xi32, #tpu.memory_space<hbm>>
    %dma_start3A_118 = arith.constant 0 : i32
    %dma_start3A_119 = tpu.memref_slice %arg3[%dma_start3A_118] : memref<320000xi32, #tpu.memory_space<hbm>> -> memref<3200xi32, #tpu.memory_space<hbm>>
    tpu.enqueue_dma source(%dma_start3A_119 : memref<3200xi32, #tpu.memory_space<hbm>>) target(%arg8 : memref<3200xi32, #tpu.memory_space<vmem>>) target_semaphore(%arg24 : memref<!tpu.dma_semaphore, #tpu.memory_space<semaphore_mem>>)
    %dma_start3A_120 = arith.constant 0 : i32
    %dma_start3A_121 = tpu.memref_slice %arg4[%dma_start3A_120] : memref<320000xi32, #tpu.memory_space<hbm>> -> memref<3200xi32, #tpu.memory_space<hbm>>
    %dma_start3A_122 = arith.constant 0 : i32
    %dma_start3A_123 = tpu.memref_slice %arg4[%dma_start3A_122] : memref<320000xi32, #tpu.memory_space<hbm>> -> memref<3200xi32, #tpu.memory_space<hbm>>
    tpu.enqueue_dma source(%dma_start3A_123 : memref<3200xi32, #tpu.memory_space<hbm>>) target(%arg9 : memref<3200xi32, #tpu.memory_space<vmem>>) target_semaphore(%arg25 : memref<!tpu.dma_semaphore, #tpu.memory_space<semaphore_mem>>)
    %scan3A_124 = arith.constant 0 : i32
    %scan3A_125 = arith.constant 0 : i32
    %scan3A_126 = arith.constant 50 : i32
    %scan3A_127 = arith.addi %scan3A_125, %scan3A_126 : i32
    %scan3A_128 = arith.constant 1 : i32
    %scan3A_129 = scf.for %scan3A_271 = %scan3A_125 to %scan3A_127 step %scan3A_128 iter_args(%scan3A_272 = %scan3A_124) -> (i32)  : i32 {
      %dma_wait3A = arith.constant 0 : i32
      %dma_wait3A_273 = tpu.memref_slice %arg3[%dma_wait3A] : memref<320000xi32, #tpu.memory_space<hbm>> -> memref<3200xi32, #tpu.memory_space<hbm>>
      %dma_wait3A_274 = arith.constant 0 : i32
      %dma_wait3A_275 = tpu.memref_slice %arg3[%dma_wait3A_274] : memref<320000xi32, #tpu.memory_space<hbm>> -> memref<3200xi32, #tpu.memory_space<hbm>>
      tpu.wait_dma2 semaphore(%arg24 : memref<!tpu.dma_semaphore, #tpu.memory_space<semaphore_mem>>) src(%dma_wait3A_275 : memref<3200xi32, #tpu.memory_space<hbm>>) dst(%arg8 : memref<3200xi32, #tpu.memory_space<vmem>>)
      %dma_wait3A_276 = arith.constant 0 : i32
      %dma_wait3A_277 = tpu.memref_slice %arg4[%dma_wait3A_276] : memref<320000xi32, #tpu.memory_space<hbm>> -> memref<3200xi32, #tpu.memory_space<hbm>>
      %dma_wait3A_278 = arith.constant 0 : i32
      %dma_wait3A_279 = tpu.memref_slice %arg4[%dma_wait3A_278] : memref<320000xi32, #tpu.memory_space<hbm>> -> memref<3200xi32, #tpu.memory_space<hbm>>
      tpu.wait_dma2 semaphore(%arg25 : memref<!tpu.dma_semaphore, #tpu.memory_space<semaphore_mem>>) src(%dma_wait3A_279 : memref<3200xi32, #tpu.memory_space<hbm>>) dst(%arg9 : memref<3200xi32, #tpu.memory_space<vmem>>)
      %mul3A_280 = arith.constant 2 : i32
      %mul3A_281 = arith.muli %mul3A_280, %scan3A_271 : i32
      %add3A_282 = arith.constant 1 : i32
      %add3A_283 = arith.addi %mul3A_281, %add3A_282 : i32
      %mul3A_284 = arith.constant 3200 : i32
      %mul3A_285 = arith.muli %add3A_283, %mul3A_284 : i32
      %dma_start3A_286 = tpu.memref_slice %arg3[%mul3A_285] : memref<320000xi32, #tpu.memory_space<hbm>> -> memref<3200xi32, #tpu.memory_space<hbm>>
      %dma_start3A_287 = tpu.memref_slice %arg3[%mul3A_285] : memref<320000xi32, #tpu.memory_space<hbm>> -> memref<3200xi32, #tpu.memory_space<hbm>>
      tpu.enqueue_dma source(%dma_start3A_287 : memref<3200xi32, #tpu.memory_space<hbm>>) target(%arg10 : memref<3200xi32, #tpu.memory_space<vmem>>) target_semaphore(%arg26 : memref<!tpu.dma_semaphore, #tpu.memory_space<semaphore_mem>>)
      %mul3A_288 = arith.constant 3200 : i32
      %mul3A_289 = arith.muli %add3A_283, %mul3A_288 : i32
      %dma_start3A_290 = tpu.memref_slice %arg4[%mul3A_289] : memref<320000xi32, #tpu.memory_space<hbm>> -> memref<3200xi32, #tpu.memory_space<hbm>>
      %dma_start3A_291 = tpu.memref_slice %arg4[%mul3A_289] : memref<320000xi32, #tpu.memory_space<hbm>> -> memref<3200xi32, #tpu.memory_space<hbm>>
      tpu.enqueue_dma source(%dma_start3A_291 : memref<3200xi32, #tpu.memory_space<hbm>>) target(%arg11 : memref<3200xi32, #tpu.memory_space<vmem>>) target_semaphore(%arg27 : memref<!tpu.dma_semaphore, #tpu.memory_space<semaphore_mem>>)
      %broadcast_in_dim3A_292 = arith.constant 0 : i32
      %broadcast_in_dim3A_293 = vector.broadcast %broadcast_in_dim3A_292 : i32 to vector<16xi32>
      %scan3A_294 = arith.constant 0 : i32
      %scan3A_295 = arith.constant 50 : i32
      %scan3A_296 = arith.addi %scan3A_294, %scan3A_295 : i32
      %scan3A_297 = arith.constant 1 : i32
      %scan3A_298 = scf.for %scan3A_584 = %scan3A_294 to %scan3A_296 step %scan3A_297 iter_args(%scan3A_585 = %broadcast_in_dim3A_293) -> (vector<16xi32>)  : i32 {
        %mul3A_586 = arith.constant 4 : i32
        %mul3A_587 = arith.muli %scan3A_584, %mul3A_586 : i32
        %mul3A_588 = arith.constant 16 : i32
        %mul3A_589 = arith.muli %mul3A_587, %mul3A_588 : i32
        %add3A_590 = arith.constant 0 : i32
        %add3A_591 = arith.addi %mul3A_589, %add3A_590 : i32
        %get3A_592 = arith.index_cast %add3A_591 : i32 to index
        %get3A_593 = tpu.vector_load %arg8[%get3A_592] {strides = array<i32>} : memref<3200xi32, #tpu.memory_space<vmem>>, vector<16xi32>,
        %get3A_594 = arith.index_cast %add3A_591 : i32 to index
        %get3A_595 = tpu.vector_load %arg9[%get3A_594] {strides = array<i32>} : memref<3200xi32, #tpu.memory_space<vmem>>, vector<16xi32>,
        %ge3A = vector.broadcast %mul3A_0 : i32 to vector<16xi32>
        %ge3A_596 = arith.cmpi sge, %get3A_595, %ge3A : vector<16xi32>
        %add3A_597 = arith.constant 640 : i32
        %add3A_598 = arith.addi %mul3A_0, %add3A_597 : i32
        %lt3A_599 = vector.broadcast %add3A_598 : i32 to vector<16xi32>
        %lt3A_600 = arith.cmpi slt, %get3A_595, %lt3A_599 : vector<16xi32>
        %and3A_601 = arith.andi %ge3A_596, %lt3A_600 : vector<16xi1>
        %convert_element_type3A_602 = arith.extui %and3A_601 : vector<16xi1> to vector<16xi32>
        %cumsum3A = arith.constant true
        %cumsum3A_603 = vector.broadcast %cumsum3A : i1 to vector<16xi1>
        %cumsum3A_604 = tpu.scan <sum>, %convert_element_type3A_602 masked %cumsum3A_603 : vector<16xi32>, vector<16xi1> -> vector<16xi32>
        %add3A_605 = arith.addi %scan3A_585, %cumsum3A_604 : vector<16xi32>
        %sub3A_606 = arith.constant 1 : i32
        %sub3A_607 = vector.broadcast %sub3A_606 : i32 to vector<16xi32>
        %sub3A_608 = arith.subi %add3A_605, %sub3A_607 : vector<16xi32>
        tpu.vector_store_idx %arg12[%sub3A_608], %get3A_593 masked %and3A_601 : memref<3264xi32, #tpu.memory_space<vmem>>[vector<16xi32>], vector<16xi32>, vector<16xi1>
        %sub3A_609 = vector.broadcast %mul3A_0 : i32 to vector<16xi32>
        %sub3A_610 = arith.subi %get3A_595, %sub3A_609 : vector<16xi32>
        tpu.vector_store_idx %arg13[%sub3A_608], %sub3A_610 masked %and3A_601 : memref<3264xi32, #tpu.memory_space<vmem>>[vector<16xi32>], vector<16xi32>, vector<16xi1>
        %all_reduce_population_count3A = tpu.all_reduce %and3A_601 {dim = 0 : i64, kind = #tpu.reduction_kind<sum>} : vector<16xi1> -> vector<16xi32>
        %add3A_611 = arith.addi %scan3A_585, %all_reduce_population_count3A : vector<16xi32>
        %mul3A_612 = arith.constant 4 : i32
        %mul3A_613 = arith.muli %scan3A_584, %mul3A_612 : i32
        %mul3A_614 = arith.constant 16 : i32
        %mul3A_615 = arith.muli %mul3A_613, %mul3A_614 : i32
        %add3A_616 = arith.constant 16 : i32
        %add3A_617 = arith.addi %mul3A_615, %add3A_616 : i32
        %get3A_618 = arith.index_cast %add3A_617 : i32 to index
        %get3A_619 = tpu.vector_load %arg8[%get3A_618] {strides = array<i32>} : memref<3200xi32, #tpu.memory_space<vmem>>, vector<16xi32>,
        %get3A_620 = arith.index_cast %add3A_617 : i32 to index
        %get3A_621 = tpu.vector_load %arg9[%get3A_620] {strides = array<i32>} : memref<3200xi32, #tpu.memory_space<vmem>>, vector<16xi32>,
        %ge3A_622 = vector.broadcast %mul3A_0 : i32 to vector<16xi32>
        %ge3A_623 = arith.cmpi sge, %get3A_621, %ge3A_622 : vector<16xi32>
        %add3A_624 = arith.constant 640 : i32
        %add3A_625 = arith.addi %mul3A_0, %add3A_624 : i32
        %lt3A_626 = vector.broadcast %add3A_625 : i32 to vector<16xi32>
        %lt3A_627 = arith.cmpi slt, %get3A_621, %lt3A_626 : vector<16xi32>
        %and3A_628 = arith.andi %ge3A_623, %lt3A_627 : vector<16xi1>
        %convert_element_type3A_629 = arith.extui %and3A_628 : vector<16xi1> to vector<16xi32>
        %cumsum3A_630 = arith.constant true
        %cumsum3A_631 = vector.broadcast %cumsum3A_630 : i1 to vector<16xi1>
        %cumsum3A_632 = tpu.scan <sum>, %convert_element_type3A_629 masked %cumsum3A_631 : vector<16xi32>, vector<16xi1> -> vector<16xi32>
        %add3A_633 = arith.addi %add3A_611, %cumsum3A_632 : vector<16xi32>
        %sub3A_634 = arith.constant 1 : i32
        %sub3A_635 = vector.broadcast %sub3A_634 : i32 to vector<16xi32>
        %sub3A_636 = arith.subi %add3A_633, %sub3A_635 : vector<16xi32>
        tpu.vector_store_idx %arg12[%sub3A_636], %get3A_619 masked %and3A_628 : memref<3264xi32, #tpu.memory_space<vmem>>[vector<16xi32>], vector<16xi32>, vector<16xi1>
        %sub3A_637 = vector.broadcast %mul3A_0 : i32 to vector<16xi32>
        %sub3A_638 = arith.subi %get3A_621, %sub3A_637 : vector<16xi32>
        tpu.vector_store_idx %arg13[%sub3A_636], %sub3A_638 masked %and3A_628 : memref<3264xi32, #tpu.memory_space<vmem>>[vector<16xi32>], vector<16xi32>, vector<16xi1>
        %all_reduce_population_count3A_639 = tpu.all_reduce %and3A_628 {dim = 0 : i64, kind = #tpu.reduction_kind<sum>} : vector<16xi1> -> vector<16xi32>
        %add3A_640 = arith.addi %add3A_611, %all_reduce_population_count3A_639 : vector<16xi32>
        %mul3A_641 = arith.constant 4 : i32
        %mul3A_642 = arith.muli %scan3A_584, %mul3A_641 : i32
        %mul3A_643 = arith.constant 16 : i32
        %mul3A_644 = arith.muli %mul3A_642, %mul3A_643 : i32
        %add3A_645 = arith.constant 32 : i32
        %add3A_646 = arith.addi %mul3A_644, %add3A_645 : i32
        %get3A_647 = arith.index_cast %add3A_646 : i32 to index
        %get3A_648 = tpu.vector_load %arg8[%get3A_647] {strides = array<i32>} : memref<3200xi32, #tpu.memory_space<vmem>>, vector<16xi32>,
        %get3A_649 = arith.index_cast %add3A_646 : i32 to index
        %get3A_650 = tpu.vector_load %arg9[%get3A_649] {strides = array<i32>} : memref<3200xi32, #tpu.memory_space<vmem>>, vector<16xi32>,
        %ge3A_651 = vector.broadcast %mul3A_0 : i32 to vector<16xi32>
        %ge3A_652 = arith.cmpi sge, %get3A_650, %ge3A_651 : vector<16xi32>
        %add3A_653 = arith.constant 640 : i32
        %add3A_654 = arith.addi %mul3A_0, %add3A_653 : i32
        %lt3A_655 = vector.broadcast %add3A_654 : i32 to vector<16xi32>
        %lt3A_656 = arith.cmpi slt, %get3A_650, %lt3A_655 : vector<16xi32>
        %and3A_657 = arith.andi %ge3A_652, %lt3A_656 : vector<16xi1>
        %convert_element_type3A_658 = arith.extui %and3A_657 : vector<16xi1> to vector<16xi32>
        %cumsum3A_659 = arith.constant true
        %cumsum3A_660 = vector.broadcast %cumsum3A_659 : i1 to vector<16xi1>
        %cumsum3A_661 = tpu.scan <sum>, %convert_element_type3A_658 masked %cumsum3A_660 : vector<16xi32>, vector<16xi1> -> vector<16xi32>
        %add3A_662 = arith.addi %add3A_640, %cumsum3A_661 : vector<16xi32>
        %sub3A_663 = arith.constant 1 : i32
        %sub3A_664 = vector.broadcast %sub3A_663 : i32 to vector<16xi32>
        %sub3A_665 = arith.subi %add3A_662, %sub3A_664 : vector<16xi32>
        tpu.vector_store_idx %arg12[%sub3A_665], %get3A_648 masked %and3A_657 : memref<3264xi32, #tpu.memory_space<vmem>>[vector<16xi32>], vector<16xi32>, vector<16xi1>
        %sub3A_666 = vector.broadcast %mul3A_0 : i32 to vector<16xi32>
        %sub3A_667 = arith.subi %get3A_650, %sub3A_666 : vector<16xi32>
        tpu.vector_store_idx %arg13[%sub3A_665], %sub3A_667 masked %and3A_657 : memref<3264xi32, #tpu.memory_space<vmem>>[vector<16xi32>], vector<16xi32>, vector<16xi1>
        %all_reduce_population_count3A_668 = tpu.all_reduce %and3A_657 {dim = 0 : i64, kind = #tpu.reduction_kind<sum>} : vector<16xi1> -> vector<16xi32>
        %add3A_669 = arith.addi %add3A_640, %all_reduce_population_count3A_668 : vector<16xi32>
        %mul3A_670 = arith.constant 4 : i32
        %mul3A_671 = arith.muli %scan3A_584, %mul3A_670 : i32
        %mul3A_672 = arith.constant 16 : i32
        %mul3A_673 = arith.muli %mul3A_671, %mul3A_672 : i32
        %add3A_674 = arith.constant 48 : i32
        %add3A_675 = arith.addi %mul3A_673, %add3A_674 : i32
        %get3A_676 = arith.index_cast %add3A_675 : i32 to index
        %get3A_677 = tpu.vector_load %arg8[%get3A_676] {strides = array<i32>} : memref<3200xi32, #tpu.memory_space<vmem>>, vector<16xi32>,
        %get3A_678 = arith.index_cast %add3A_675 : i32 to index
        %get3A_679 = tpu.vector_load %arg9[%get3A_678] {strides = array<i32>} : memref<3200xi32, #tpu.memory_space<vmem>>, vector<16xi32>,
        %ge3A_680 = vector.broadcast %mul3A_0 : i32 to vector<16xi32>
        %ge3A_681 = arith.cmpi sge, %get3A_679, %ge3A_680 : vector<16xi32>
        %add3A_682 = arith.constant 640 : i32
        %add3A_683 = arith.addi %mul3A_0, %add3A_682 : i32
        %lt3A_684 = vector.broadcast %add3A_683 : i32 to vector<16xi32>
        %lt3A_685 = arith.cmpi slt, %get3A_679, %lt3A_684 : vector<16xi32>
        %and3A_686 = arith.andi %ge3A_681, %lt3A_685 : vector<16xi1>
        %convert_element_type3A_687 = arith.extui %and3A_686 : vector<16xi1> to vector<16xi32>
        %cumsum3A_688 = arith.constant true
        %cumsum3A_689 = vector.broadcast %cumsum3A_688 : i1 to vector<16xi1>
        %cumsum3A_690 = tpu.scan <sum>, %convert_element_type3A_687 masked %cumsum3A_689 : vector<16xi32>, vector<16xi1> -> vector<16xi32>
        %add3A_691 = arith.addi %add3A_669, %cumsum3A_690 : vector<16xi32>
        %sub3A_692 = arith.constant 1 : i32
        %sub3A_693 = vector.broadcast %sub3A_692 : i32 to vector<16xi32>
        %sub3A_694 = arith.subi %add3A_691, %sub3A_693 : vector<16xi32>
        tpu.vector_store_idx %arg12[%sub3A_694], %get3A_677 masked %and3A_686 : memref<3264xi32, #tpu.memory_space<vmem>>[vector<16xi32>], vector<16xi32>, vector<16xi1>
        %sub3A_695 = vector.broadcast %mul3A_0 : i32 to vector<16xi32>
        %sub3A_696 = arith.subi %get3A_679, %sub3A_695 : vector<16xi32>
        tpu.vector_store_idx %arg13[%sub3A_694], %sub3A_696 masked %and3A_686 : memref<3264xi32, #tpu.memory_space<vmem>>[vector<16xi32>], vector<16xi32>, vector<16xi1>
        %all_reduce_population_count3A_697 = tpu.all_reduce %and3A_686 {dim = 0 : i64, kind = #tpu.reduction_kind<sum>} : vector<16xi1> -> vector<16xi32>
        %add3A_698 = arith.addi %add3A_669, %all_reduce_population_count3A_697 : vector<16xi32>
        scf.yield %add3A_698 : vector<16xi32>
      }
      %scan3A_299 = arith.constant 50 : i32
      %add3A_300 = arith.constant 0 : i32
      %add3A_301 = vector.broadcast %add3A_300 : i32 to vector<16xi32>
      %add3A_302 = arith.addi %scan3A_298, %add3A_301 : vector<16xi32>
      %add3A_303 = arith.addi %add3A_302, %iota3A : vector<16xi32>
      %broadcast_in_dim3A_304 = arith.constant 0 : i32
      %broadcast_in_dim3A_305 = vector.broadcast %broadcast_in_dim3A_304 : i32 to vector<16xi32>
      tpu.vector_store_idx %arg12[%add3A_303], %broadcast_in_dim3A_305 : memref<3264xi32, #tpu.memory_space<vmem>>[vector<16xi32>], vector<16xi32>,
      %broadcast_in_dim3A_306 = arith.constant 640 : i32
      %broadcast_in_dim3A_307 = vector.broadcast %broadcast_in_dim3A_306 : i32 to vector<16xi32>
      tpu.vector_store_idx %arg13[%add3A_303], %broadcast_in_dim3A_307 : memref<3264xi32, #tpu.memory_space<vmem>>[vector<16xi32>], vector<16xi32>,
      %add3A_308 = arith.constant 16 : i32
      %add3A_309 = vector.broadcast %add3A_308 : i32 to vector<16xi32>
      %add3A_310 = arith.addi %scan3A_298, %add3A_309 : vector<16xi32>
      %add3A_311 = arith.addi %add3A_310, %iota3A : vector<16xi32>
      %broadcast_in_dim3A_312 = arith.constant 0 : i32
      %broadcast_in_dim3A_313 = vector.broadcast %broadcast_in_dim3A_312 : i32 to vector<16xi32>
      tpu.vector_store_idx %arg12[%add3A_311], %broadcast_in_dim3A_313 : memref<3264xi32, #tpu.memory_space<vmem>>[vector<16xi32>], vector<16xi32>,
      %broadcast_in_dim3A_314 = arith.constant 640 : i32
      %broadcast_in_dim3A_315 = vector.broadcast %broadcast_in_dim3A_314 : i32 to vector<16xi32>
      tpu.vector_store_idx %arg13[%add3A_311], %broadcast_in_dim3A_315 : memref<3264xi32, #tpu.memory_space<vmem>>[vector<16xi32>], vector<16xi32>,
      %reduce_max3A = arith.constant true
      %reduce_max3A_316 = vector.broadcast %reduce_max3A : i1 to vector<16xi1>
      %reduce_max3A_317 = arith.constant -2147483648 : i32
      %reduce_max3A_318 = vector.broadcast %reduce_max3A_317 : i32 to vector<16xi32>
      %reduce_max3A_319 = arith.xori %scan3A_298, %reduce_max3A_318 : vector<16xi32>
      %reduce_max3A_320 = tpu.scan <max>, %reduce_max3A_319 masked %reduce_max3A_316 : vector<16xi32>, vector<16xi1> -> vector<16xi32>
      %reduce_max3A_321 = arith.xori %reduce_max3A_320, %reduce_max3A_318 : vector<16xi32>
      %reduce_max3A_322 = vector.extract %reduce_max3A_321[15] : i32 from vector<16xi32>
      %add3A_323 = arith.constant 15 : i32
      %add3A_324 = arith.addi %reduce_max3A_322, %add3A_323 : i32
      %jit3A = arith.constant 8 : i32
      %div3A = arith.divsi %add3A_324, %jit3A : i32
      %sign3A = arith.constant 0 : i32
      %sign3A_325 = arith.cmpi sgt, %add3A_324, %sign3A : i32
      %sign3A_326 = arith.extui %sign3A_325 : i1 to i32
      %sign3A_327 = arith.constant 0 : i32
      %sign3A_328 = arith.cmpi slt, %add3A_324, %sign3A_327 : i32
      %sign3A_329 = arith.extui %sign3A_328 : i1 to i32
      %sign3A_330 = arith.subi %sign3A_326, %sign3A_329 : i32
      %sign3A_331 = arith.constant 0 : i32
      %sign3A_332 = arith.cmpi sgt, %jit3A, %sign3A_331 : i32
      %sign3A_333 = arith.extui %sign3A_332 : i1 to i32
      %sign3A_334 = arith.constant 0 : i32
      %sign3A_335 = arith.cmpi slt, %jit3A, %sign3A_334 : i32
      %sign3A_336 = arith.extui %sign3A_335 : i1 to i32
      %sign3A_337 = arith.subi %sign3A_333, %sign3A_336 : i32
      %ne3A = arith.cmpi ne, %sign3A_330, %sign3A_337 : i32
      %rem3A = arith.remsi %add3A_324, %jit3A : i32
      %ne3A_338 = arith.constant 0 : i32
      %ne3A_339 = arith.cmpi ne, %rem3A, %ne3A_338 : i32
      %and3A = arith.andi %ne3A, %ne3A_339 : i1
      %sub3A = arith.constant 1 : i32
      %sub3A_340 = arith.subi %div3A, %sub3A : i32
      %select_n3A = arith.select %and3A, %sub3A_340, %div3A : i32
      %mul3A_341 = arith.constant 8 : i32
      %mul3A_342 = arith.muli %mul3A_341, %select_n3A : i32
      %get3A = arith.constant 0 : index
      %get3A_343 = tpu.vector_load %arg12[%get3A] {strides = array<i32>} : memref<3264xi32, #tpu.memory_space<vmem>>, vector<16xi32>,
      %slice3A = vector.extract_strided_slice %get3A_343 {offsets = [0], sizes = [1], strides = [1]} : vector<16xi32> to vector<1xi32>
      %squeeze3A = vector.extract %slice3A[0] : i32 from vector<1xi32>
      %mul3A_344 = arith.constant 64 : i32
      %mul3A_345 = arith.muli %squeeze3A, %mul3A_344 : i32
      %dma_start3A_346 = tpu.memref_slice %arg23[%mul3A_345] : memref<655360xf32, #tpu.memory_space<vmem_shared>> -> memref<64xf32, #tpu.memory_space<vmem_shared>>
      %dma_start3A_347 = tpu.memref_slice %arg23[%mul3A_345] : memref<655360xf32, #tpu.memory_space<vmem_shared>> -> memref<64xf32, #tpu.memory_space<vmem_shared>>
      tpu.enqueue_dma source(%dma_start3A_347 : memref<64xf32, #tpu.memory_space<vmem_shared>>) target(%arg15 : memref<64xf32, #tpu.memory_space<vmem>>) target_semaphore(%arg28 : memref<!tpu.dma_semaphore, #tpu.memory_space<semaphore_mem>>)
      %slice3A_348 = vector.extract_strided_slice %get3A_343 {offsets = [1], sizes = [1], strides = [1]} : vector<16xi32> to vector<1xi32>
      %squeeze3A_349 = vector.extract %slice3A_348[0] : i32 from vector<1xi32>
      %mul3A_350 = arith.constant 64 : i32
      %mul3A_351 = arith.muli %squeeze3A_349, %mul3A_350 : i32
      %dma_start3A_352 = tpu.memref_slice %arg23[%mul3A_351] : memref<655360xf32, #tpu.memory_space<vmem_shared>> -> memref<64xf32, #tpu.memory_space<vmem_shared>>
      %dma_start3A_353 = tpu.memref_slice %arg23[%mul3A_351] : memref<655360xf32, #tpu.memory_space<vmem_shared>> -> memref<64xf32, #tpu.memory_space<vmem_shared>>
      tpu.enqueue_dma source(%dma_start3A_353 : memref<64xf32, #tpu.memory_space<vmem_shared>>) target(%arg16 : memref<64xf32, #tpu.memory_space<vmem>>) target_semaphore(%arg29 : memref<!tpu.dma_semaphore, #tpu.memory_space<semaphore_mem>>)
      %slice3A_354 = vector.extract_strided_slice %get3A_343 {offsets = [2], sizes = [1], strides = [1]} : vector<16xi32> to vector<1xi32>
      %squeeze3A_355 = vector.extract %slice3A_354[0] : i32 from vector<1xi32>
      %mul3A_356 = arith.constant 64 : i32
      %mul3A_357 = arith.muli %squeeze3A_355, %mul3A_356 : i32
      %dma_start3A_358 = tpu.memref_slice %arg23[%mul3A_357] : memref<655360xf32, #tpu.memory_space<vmem_shared>> -> memref<64xf32, #tpu.memory_space<vmem_shared>>
      %dma_start3A_359 = tpu.memref_slice %arg23[%mul3A_357] : memref<655360xf32, #tpu.memory_space<vmem_shared>> -> memref<64xf32, #tpu.memory_space<vmem_shared>>
      tpu.enqueue_dma source(%dma_start3A_359 : memref<64xf32, #tpu.memory_space<vmem_shared>>) target(%arg17 : memref<64xf32, #tpu.memory_space<vmem>>) target_semaphore(%arg30 : memref<!tpu.dma_semaphore, #tpu.memory_space<semaphore_mem>>)
      %slice3A_360 = vector.extract_strided_slice %get3A_343 {offsets = [3], sizes = [1], strides = [1]} : vector<16xi32> to vector<1xi32>
      %squeeze3A_361 = vector.extract %slice3A_360[0] : i32 from vector<1xi32>
      %mul3A_362 = arith.constant 64 : i32
      %mul3A_363 = arith.muli %squeeze3A_361, %mul3A_362 : i32
      %dma_start3A_364 = tpu.memref_slice %arg23[%mul3A_363] : memref<655360xf32, #tpu.memory_space<vmem_shared>> -> memref<64xf32, #tpu.memory_space<vmem_shared>>
      %dma_start3A_365 = tpu.memref_slice %arg23[%mul3A_363] : memref<655360xf32, #tpu.memory_space<vmem_shared>> -> memref<64xf32, #tpu.memory_space<vmem_shared>>
      tpu.enqueue_dma source(%dma_start3A_365 : memref<64xf32, #tpu.memory_space<vmem_shared>>) target(%arg18 : memref<64xf32, #tpu.memory_space<vmem>>) target_semaphore(%arg31 : memref<!tpu.dma_semaphore, #tpu.memory_space<semaphore_mem>>)
      %slice3A_366 = vector.extract_strided_slice %get3A_343 {offsets = [4], sizes = [1], strides = [1]} : vector<16xi32> to vector<1xi32>
      %squeeze3A_367 = vector.extract %slice3A_366[0] : i32 from vector<1xi32>
      %mul3A_368 = arith.constant 64 : i32
      %mul3A_369 = arith.muli %squeeze3A_367, %mul3A_368 : i32
      %dma_start3A_370 = tpu.memref_slice %arg23[%mul3A_369] : memref<655360xf32, #tpu.memory_space<vmem_shared>> -> memref<64xf32, #tpu.memory_space<vmem_shared>>
      %dma_start3A_371 = tpu.memref_slice %arg23[%mul3A_369] : memref<655360xf32, #tpu.memory_space<vmem_shared>> -> memref<64xf32, #tpu.memory_space<vmem_shared>>
      tpu.enqueue_dma source(%dma_start3A_371 : memref<64xf32, #tpu.memory_space<vmem_shared>>) target(%arg19 : memref<64xf32, #tpu.memory_space<vmem>>) target_semaphore(%arg32 : memref<!tpu.dma_semaphore, #tpu.memory_space<semaphore_mem>>)
      %slice3A_372 = vector.extract_strided_slice %get3A_343 {offsets = [5], sizes = [1], strides = [1]} : vector<16xi32> to vector<1xi32>
      %squeeze3A_373 = vector.extract %slice3A_372[0] : i32 from vector<1xi32>
      %mul3A_374 = arith.constant 64 : i32
      %mul3A_375 = arith.muli %squeeze3A_373, %mul3A_374 : i32
      %dma_start3A_376 = tpu.memref_slice %arg23[%mul3A_375] : memref<655360xf32, #tpu.memory_space<vmem_shared>> -> memref<64xf32, #tpu.memory_space<vmem_shared>>
      %dma_start3A_377 = tpu.memref_slice %arg23[%mul3A_375] : memref<655360xf32, #tpu.memory_space<vmem_shared>> -> memref<64xf32, #tpu.memory_space<vmem_shared>>
      tpu.enqueue_dma source(%dma_start3A_377 : memref<64xf32, #tpu.memory_space<vmem_shared>>) target(%arg20 : memref<64xf32, #tpu.memory_space<vmem>>) target_semaphore(%arg33 : memref<!tpu.dma_semaphore, #tpu.memory_space<semaphore_mem>>)
      %slice3A_378 = vector.extract_strided_slice %get3A_343 {offsets = [6], sizes = [1], strides = [1]} : vector<16xi32> to vector<1xi32>
      %squeeze3A_379 = vector.extract %slice3A_378[0] : i32 from vector<1xi32>
      %mul3A_380 = arith.constant 64 : i32
      %mul3A_381 = arith.muli %squeeze3A_379, %mul3A_380 : i32
      %dma_start3A_382 = tpu.memref_slice %arg23[%mul3A_381] : memref<655360xf32, #tpu.memory_space<vmem_shared>> -> memref<64xf32, #tpu.memory_space<vmem_shared>>
      %dma_start3A_383 = tpu.memref_slice %arg23[%mul3A_381] : memref<655360xf32, #tpu.memory_space<vmem_shared>> -> memref<64xf32, #tpu.memory_space<vmem_shared>>
      tpu.enqueue_dma source(%dma_start3A_383 : memref<64xf32, #tpu.memory_space<vmem_shared>>) target(%arg21 : memref<64xf32, #tpu.memory_space<vmem>>) target_semaphore(%arg34 : memref<!tpu.dma_semaphore, #tpu.memory_space<semaphore_mem>>)
      %slice3A_384 = vector.extract_strided_slice %get3A_343 {offsets = [7], sizes = [1], strides = [1]} : vector<16xi32> to vector<1xi32>
      %squeeze3A_385 = vector.extract %slice3A_384[0] : i32 from vector<1xi32>
      %mul3A_386 = arith.constant 64 : i32
      %mul3A_387 = arith.muli %squeeze3A_385, %mul3A_386 : i32
      %dma_start3A_388 = tpu.memref_slice %arg23[%mul3A_387] : memref<655360xf32, #tpu.memory_space<vmem_shared>> -> memref<64xf32, #tpu.memory_space<vmem_shared>>
      %dma_start3A_389 = tpu.memref_slice %arg23[%mul3A_387] : memref<655360xf32, #tpu.memory_space<vmem_shared>> -> memref<64xf32, #tpu.memory_space<vmem_shared>>
      tpu.enqueue_dma source(%dma_start3A_389 : memref<64xf32, #tpu.memory_space<vmem_shared>>) target(%arg22 : memref<64xf32, #tpu.memory_space<vmem>>) target_semaphore(%arg35 : memref<!tpu.dma_semaphore, #tpu.memory_space<semaphore_mem>>)
      %jit3A_390 = arith.constant 8 : i32
      %div3A_391 = arith.divsi %mul3A_342, %jit3A_390 : i32
      %sign3A_392 = arith.constant 0 : i32
      %sign3A_393 = arith.cmpi sgt, %mul3A_342, %sign3A_392 : i32
      %sign3A_394 = arith.extui %sign3A_393 : i1 to i32
      %sign3A_395 = arith.constant 0 : i32
      %sign3A_396 = arith.cmpi slt, %mul3A_342, %sign3A_395 : i32
      %sign3A_397 = arith.extui %sign3A_396 : i1 to i32
      %sign3A_398 = arith.subi %sign3A_394, %sign3A_397 : i32
      %sign3A_399 = arith.constant 0 : i32
      %sign3A_400 = arith.cmpi sgt, %jit3A_390, %sign3A_399 : i32
      %sign3A_401 = arith.extui %sign3A_400 : i1 to i32
      %sign3A_402 = arith.constant 0 : i32
      %sign3A_403 = arith.cmpi slt, %jit3A_390, %sign3A_402 : i32
      %sign3A_404 = arith.extui %sign3A_403 : i1 to i32
      %sign3A_405 = arith.subi %sign3A_401, %sign3A_404 : i32
      %ne3A_406 = arith.cmpi ne, %sign3A_398, %sign3A_405 : i32
      %rem3A_407 = arith.remsi %mul3A_342, %jit3A_390 : i32
      %ne3A_408 = arith.constant 0 : i32
      %ne3A_409 = arith.cmpi ne, %rem3A_407, %ne3A_408 : i32
      %and3A_410 = arith.andi %ne3A_406, %ne3A_409 : i1
      %sub3A_411 = arith.constant 1 : i32
      %sub3A_412 = arith.subi %div3A_391, %sub3A_411 : i32
      %select_n3A_413 = arith.select %and3A_410, %sub3A_412, %div3A_391 : i32
      %while3A = arith.constant 0 : i32
      %while3A_414 = arith.constant 0 : i32
      %while3A_415 = arith.subi %select_n3A_413, %while3A : i32
      %while3A_416 = arith.addi %while3A, %while3A_415 : i32
      %while3A_417 = arith.constant 1 : i32
      %while3A_418 = arith.divsi %while3A_415, %while3A_417 : i32
      %while3A_419 = arith.muli %while3A_418, %while3A_417 : i32
      %while3A_420 = arith.addi %while3A, %while3A_419 : i32
      %while3A_421 = arith.constant 1 : i32
      %while3A_422 = scf.for %while3A_584 = %while3A to %while3A_420 step %while3A_421 iter_args(%while3A_585 = %while3A_414) -> (i32)  : i32 {
        %mul3A_586 = arith.constant 8 : i32
        %mul3A_587 = arith.muli %mul3A_586, %while3A_584 : i32
        %add3A_588 = arith.constant 8 : i32
        %add3A_589 = arith.addi %mul3A_587, %add3A_588 : i32
        %get3A_590 = arith.index_cast %add3A_589 : i32 to index
        %get3A_591 = tpu.vector_load %arg12[%get3A_590] {strides = array<i32>} : memref<3264xi32, #tpu.memory_space<vmem>>, vector<16xi32>,
        %slice3A_592 = vector.extract_strided_slice %get3A_591 {offsets = [0], sizes = [1], strides = [1]} : vector<16xi32> to vector<1xi32>
        %squeeze3A_593 = vector.extract %slice3A_592[0] : i32 from vector<1xi32>
        %slice3A_594 = vector.extract_strided_slice %get3A_591 {offsets = [1], sizes = [1], strides = [1]} : vector<16xi32> to vector<1xi32>
        %squeeze3A_595 = vector.extract %slice3A_594[0] : i32 from vector<1xi32>
        %slice3A_596 = vector.extract_strided_slice %get3A_591 {offsets = [2], sizes = [1], strides = [1]} : vector<16xi32> to vector<1xi32>
        %squeeze3A_597 = vector.extract %slice3A_596[0] : i32 from vector<1xi32>
        %slice3A_598 = vector.extract_strided_slice %get3A_591 {offsets = [3], sizes = [1], strides = [1]} : vector<16xi32> to vector<1xi32>
        %squeeze3A_599 = vector.extract %slice3A_598[0] : i32 from vector<1xi32>
        %slice3A_600 = vector.extract_strided_slice %get3A_591 {offsets = [4], sizes = [1], strides = [1]} : vector<16xi32> to vector<1xi32>
        %squeeze3A_601 = vector.extract %slice3A_600[0] : i32 from vector<1xi32>
        %slice3A_602 = vector.extract_strided_slice %get3A_591 {offsets = [5], sizes = [1], strides = [1]} : vector<16xi32> to vector<1xi32>
        %squeeze3A_603 = vector.extract %slice3A_602[0] : i32 from vector<1xi32>
        %slice3A_604 = vector.extract_strided_slice %get3A_591 {offsets = [6], sizes = [1], strides = [1]} : vector<16xi32> to vector<1xi32>
        %squeeze3A_605 = vector.extract %slice3A_604[0] : i32 from vector<1xi32>
        %slice3A_606 = vector.extract_strided_slice %get3A_591 {offsets = [7], sizes = [1], strides = [1]} : vector<16xi32> to vector<1xi32>
        %squeeze3A_607 = vector.extract %slice3A_606[0] : i32 from vector<1xi32>
        %dma_wait3A_608 = arith.constant 0 : i32
        %dma_wait3A_609 = tpu.memref_slice %arg23[%dma_wait3A_608] : memref<655360xf32, #tpu.memory_space<vmem_shared>> -> memref<64xf32, #tpu.memory_space<vmem_shared>>
        %dma_wait3A_610 = arith.constant 0 : i32
        %dma_wait3A_611 = tpu.memref_slice %arg23[%dma_wait3A_610] : memref<655360xf32, #tpu.memory_space<vmem_shared>> -> memref<64xf32, #tpu.memory_space<vmem_shared>>
        tpu.wait_dma2 semaphore(%arg28 : memref<!tpu.dma_semaphore, #tpu.memory_space<semaphore_mem>>) src(%dma_wait3A_611 : memref<64xf32, #tpu.memory_space<vmem_shared>>) dst(%arg15 : memref<64xf32, #tpu.memory_space<vmem>>)
        %add3A_612 = arith.constant 0 : i32
        %add3A_613 = arith.addi %mul3A_587, %add3A_612 : i32
        %broadcast_in_dim3A_614 = vector.broadcast %add3A_613 : i32 to vector<16xi32>
        %gather3A = tpu.vector_load_idx %arg13[%broadcast_in_dim3A_614] : memref<3264xi32, #tpu.memory_space<vmem>>[vector<16xi32>], vector<16xi32>,
        %mul3A_615 = arith.constant 64 : i32
        %mul3A_616 = vector.broadcast %mul3A_615 : i32 to vector<16xi32>
        %mul3A_617 = arith.muli %gather3A, %mul3A_616 : vector<16xi32>
        %add3A_618 = arith.addi %mul3A_617, %iota3A : vector<16xi32>
        %add3A_619 = arith.constant 0 : i32
        %add3A_620 = vector.broadcast %add3A_619 : i32 to vector<16xi32>
        %add3A_621 = arith.addi %add3A_618, %add3A_620 : vector<16xi32>
        %gather3A_622 = tpu.vector_load_idx %arg7[%add3A_621] : memref<41024xf32, #tpu.memory_space<vmem>>[vector<16xi32>], vector<16xf32>,
        %add3A_623 = arith.constant 16 : i32
        %add3A_624 = vector.broadcast %add3A_623 : i32 to vector<16xi32>
        %add3A_625 = arith.addi %add3A_618, %add3A_624 : vector<16xi32>
        %gather3A_626 = tpu.vector_load_idx %arg7[%add3A_625] : memref<41024xf32, #tpu.memory_space<vmem>>[vector<16xi32>], vector<16xf32>,
        %add3A_627 = arith.constant 32 : i32
        %add3A_628 = vector.broadcast %add3A_627 : i32 to vector<16xi32>
        %add3A_629 = arith.addi %add3A_618, %add3A_628 : vector<16xi32>
        %gather3A_630 = tpu.vector_load_idx %arg7[%add3A_629] : memref<41024xf32, #tpu.memory_space<vmem>>[vector<16xi32>], vector<16xf32>,
        %add3A_631 = arith.constant 48 : i32
        %add3A_632 = vector.broadcast %add3A_631 : i32 to vector<16xi32>
        %add3A_633 = arith.addi %add3A_618, %add3A_632 : vector<16xi32>
        %gather3A_634 = tpu.vector_load_idx %arg7[%add3A_633] : memref<41024xf32, #tpu.memory_space<vmem>>[vector<16xi32>], vector<16xf32>,
        %get3A_635 = arith.constant 0 : index
        %get3A_636 = tpu.vector_load %arg15[%get3A_635] {strides = array<i32>} : memref<64xf32, #tpu.memory_space<vmem>>, vector<16xf32>,
        %get3A_637 = arith.constant 16 : index
        %get3A_638 = tpu.vector_load %arg15[%get3A_637] {strides = array<i32>} : memref<64xf32, #tpu.memory_space<vmem>>, vector<16xf32>,
        %get3A_639 = arith.constant 32 : index
        %get3A_640 = tpu.vector_load %arg15[%get3A_639] {strides = array<i32>} : memref<64xf32, #tpu.memory_space<vmem>>, vector<16xf32>,
        %get3A_641 = arith.constant 48 : index
        %get3A_642 = tpu.vector_load %arg15[%get3A_641] {strides = array<i32>} : memref<64xf32, #tpu.memory_space<vmem>>, vector<16xf32>,
        %add3A_643 = arith.constant 0 : i32
        %add3A_644 = vector.broadcast %add3A_643 : i32 to vector<16xi32>
        %add3A_645 = arith.addi %add3A_618, %add3A_644 : vector<16xi32>
        %min3A = arith.minimumf %gather3A_622, %get3A_636 : vector<16xf32>
        tpu.vector_store_idx %arg7[%add3A_645], %min3A : memref<41024xf32, #tpu.memory_space<vmem>>[vector<16xi32>], vector<16xf32>,
        %add3A_646 = arith.constant 16 : i32
        %add3A_647 = vector.broadcast %add3A_646 : i32 to vector<16xi32>
        %add3A_648 = arith.addi %add3A_618, %add3A_647 : vector<16xi32>
        %min3A_649 = arith.minimumf %gather3A_626, %get3A_638 : vector<16xf32>
        tpu.vector_store_idx %arg7[%add3A_648], %min3A_649 : memref<41024xf32, #tpu.memory_space<vmem>>[vector<16xi32>], vector<16xf32>,
        %add3A_650 = arith.constant 32 : i32
        %add3A_651 = vector.broadcast %add3A_650 : i32 to vector<16xi32>
        %add3A_652 = arith.addi %add3A_618, %add3A_651 : vector<16xi32>
        %min3A_653 = arith.minimumf %gather3A_630, %get3A_640 : vector<16xf32>
        tpu.vector_store_idx %arg7[%add3A_652], %min3A_653 : memref<41024xf32, #tpu.memory_space<vmem>>[vector<16xi32>], vector<16xf32>,
        %add3A_654 = arith.constant 48 : i32
        %add3A_655 = vector.broadcast %add3A_654 : i32 to vector<16xi32>
        %add3A_656 = arith.addi %add3A_618, %add3A_655 : vector<16xi32>
        %min3A_657 = arith.minimumf %gather3A_634, %get3A_642 : vector<16xf32>
        tpu.vector_store_idx %arg7[%add3A_656], %min3A_657 : memref<41024xf32, #tpu.memory_space<vmem>>[vector<16xi32>], vector<16xf32>,
        %add3A_658 = arith.constant 8 : i32
        %add3A_659 = arith.addi %mul3A_587, %add3A_658 : i32
        %add3A_660 = arith.constant 0 : i32
        %add3A_661 = arith.addi %add3A_659, %add3A_660 : i32
        %lt3A_662 = arith.cmpi slt, %add3A_661, %mul3A_342 : i32
        %convert_element_type3A_663 = arith.extui %lt3A_662 : i1 to i32
        %cond3A_664 = arith.constant 0 : i32
        %cond3A_665 = arith.cmpi ne, %convert_element_type3A_663, %cond3A_664 : i32
        scf.if %cond3A_665 {
          %mul3A_1087 = arith.constant 64 : i32
          %mul3A_1088 = arith.muli %squeeze3A_593, %mul3A_1087 : i32
          %dma_start3A_1089 = tpu.memref_slice %arg23[%mul3A_1088] : memref<655360xf32, #tpu.memory_space<vmem_shared>> -> memref<64xf32, #tpu.memory_space<vmem_shared>>
          %dma_start3A_1090 = tpu.memref_slice %arg23[%mul3A_1088] : memref<655360xf32, #tpu.memory_space<vmem_shared>> -> memref<64xf32, #tpu.memory_space<vmem_shared>>
          tpu.enqueue_dma source(%dma_start3A_1090 : memref<64xf32, #tpu.memory_space<vmem_shared>>) target(%arg15 : memref<64xf32, #tpu.memory_space<vmem>>) target_semaphore(%arg28 : memref<!tpu.dma_semaphore, #tpu.memory_space<semaphore_mem>>)
        } else {
        }
        %dma_wait3A_666 = arith.constant 0 : i32
        %dma_wait3A_667 = tpu.memref_slice %arg23[%dma_wait3A_666] : memref<655360xf32, #tpu.memory_space<vmem_shared>> -> memref<64xf32, #tpu.memory_space<vmem_shared>>
        %dma_wait3A_668 = arith.constant 0 : i32
        %dma_wait3A_669 = tpu.memref_slice %arg23[%dma_wait3A_668] : memref<655360xf32, #tpu.memory_space<vmem_shared>> -> memref<64xf32, #tpu.memory_space<vmem_shared>>
        tpu.wait_dma2 semaphore(%arg29 : memref<!tpu.dma_semaphore, #tpu.memory_space<semaphore_mem>>) src(%dma_wait3A_669 : memref<64xf32, #tpu.memory_space<vmem_shared>>) dst(%arg16 : memref<64xf32, #tpu.memory_space<vmem>>)
        %add3A_670 = arith.constant 1 : i32
        %add3A_671 = arith.addi %mul3A_587, %add3A_670 : i32
        %broadcast_in_dim3A_672 = vector.broadcast %add3A_671 : i32 to vector<16xi32>
        %gather3A_673 = tpu.vector_load_idx %arg13[%broadcast_in_dim3A_672] : memref<3264xi32, #tpu.memory_space<vmem>>[vector<16xi32>], vector<16xi32>,
        %mul3A_674 = arith.constant 64 : i32
        %mul3A_675 = vector.broadcast %mul3A_674 : i32 to vector<16xi32>
        %mul3A_676 = arith.muli %gather3A_673, %mul3A_675 : vector<16xi32>
        %add3A_677 = arith.addi %mul3A_676, %iota3A : vector<16xi32>
        %add3A_678 = arith.constant 0 : i32
        %add3A_679 = vector.broadcast %add3A_678 : i32 to vector<16xi32>
        %add3A_680 = arith.addi %add3A_677, %add3A_679 : vector<16xi32>
        %gather3A_681 = tpu.vector_load_idx %arg7[%add3A_680] : memref<41024xf32, #tpu.memory_space<vmem>>[vector<16xi32>], vector<16xf32>,
        %add3A_682 = arith.constant 16 : i32
        %add3A_683 = vector.broadcast %add3A_682 : i32 to vector<16xi32>
        %add3A_684 = arith.addi %add3A_677, %add3A_683 : vector<16xi32>
        %gather3A_685 = tpu.vector_load_idx %arg7[%add3A_684] : memref<41024xf32, #tpu.memory_space<vmem>>[vector<16xi32>], vector<16xf32>,
        %add3A_686 = arith.constant 32 : i32
        %add3A_687 = vector.broadcast %add3A_686 : i32 to vector<16xi32>
        %add3A_688 = arith.addi %add3A_677, %add3A_687 : vector<16xi32>
        %gather3A_689 = tpu.vector_load_idx %arg7[%add3A_688] : memref<41024xf32, #tpu.memory_space<vmem>>[vector<16xi32>], vector<16xf32>,
        %add3A_690 = arith.constant 48 : i32
        %add3A_691 = vector.broadcast %add3A_690 : i32 to vector<16xi32>
        %add3A_692 = arith.addi %add3A_677, %add3A_691 : vector<16xi32>
        %gather3A_693 = tpu.vector_load_idx %arg7[%add3A_692] : memref<41024xf32, #tpu.memory_space<vmem>>[vector<16xi32>], vector<16xf32>,
        %get3A_694 = arith.constant 0 : index
        %get3A_695 = tpu.vector_load %arg16[%get3A_694] {strides = array<i32>} : memref<64xf32, #tpu.memory_space<vmem>>, vector<16xf32>,
        %get3A_696 = arith.constant 16 : index
        %get3A_697 = tpu.vector_load %arg16[%get3A_696] {strides = array<i32>} : memref<64xf32, #tpu.memory_space<vmem>>, vector<16xf32>,
        %get3A_698 = arith.constant 32 : index
        %get3A_699 = tpu.vector_load %arg16[%get3A_698] {strides = array<i32>} : memref<64xf32, #tpu.memory_space<vmem>>, vector<16xf32>,
        %get3A_700 = arith.constant 48 : index
        %get3A_701 = tpu.vector_load %arg16[%get3A_700] {strides = array<i32>} : memref<64xf32, #tpu.memory_space<vmem>>, vector<16xf32>,
        %add3A_702 = arith.constant 0 : i32
        %add3A_703 = vector.broadcast %add3A_702 : i32 to vector<16xi32>
        %add3A_704 = arith.addi %add3A_677, %add3A_703 : vector<16xi32>
        %min3A_705 = arith.minimumf %gather3A_681, %get3A_695 : vector<16xf32>
        tpu.vector_store_idx %arg7[%add3A_704], %min3A_705 : memref<41024xf32, #tpu.memory_space<vmem>>[vector<16xi32>], vector<16xf32>,
        %add3A_706 = arith.constant 16 : i32
        %add3A_707 = vector.broadcast %add3A_706 : i32 to vector<16xi32>
        %add3A_708 = arith.addi %add3A_677, %add3A_707 : vector<16xi32>
        %min3A_709 = arith.minimumf %gather3A_685, %get3A_697 : vector<16xf32>
        tpu.vector_store_idx %arg7[%add3A_708], %min3A_709 : memref<41024xf32, #tpu.memory_space<vmem>>[vector<16xi32>], vector<16xf32>,
        %add3A_710 = arith.constant 32 : i32
        %add3A_711 = vector.broadcast %add3A_710 : i32 to vector<16xi32>
        %add3A_712 = arith.addi %add3A_677, %add3A_711 : vector<16xi32>
        %min3A_713 = arith.minimumf %gather3A_689, %get3A_699 : vector<16xf32>
        tpu.vector_store_idx %arg7[%add3A_712], %min3A_713 : memref<41024xf32, #tpu.memory_space<vmem>>[vector<16xi32>], vector<16xf32>,
        %add3A_714 = arith.constant 48 : i32
        %add3A_715 = vector.broadcast %add3A_714 : i32 to vector<16xi32>
        %add3A_716 = arith.addi %add3A_677, %add3A_715 : vector<16xi32>
        %min3A_717 = arith.minimumf %gather3A_693, %get3A_701 : vector<16xf32>
        tpu.vector_store_idx %arg7[%add3A_716], %min3A_717 : memref<41024xf32, #tpu.memory_space<vmem>>[vector<16xi32>], vector<16xf32>,
        %add3A_718 = arith.constant 8 : i32
        %add3A_719 = arith.addi %mul3A_587, %add3A_718 : i32
        %add3A_720 = arith.constant 1 : i32
        %add3A_721 = arith.addi %add3A_719, %add3A_720 : i32
        %lt3A_722 = arith.cmpi slt, %add3A_721, %mul3A_342 : i32
        %convert_element_type3A_723 = arith.extui %lt3A_722 : i1 to i32
        %cond3A_724 = arith.constant 0 : i32
        %cond3A_725 = arith.cmpi ne, %convert_element_type3A_723, %cond3A_724 : i32
        scf.if %cond3A_725 {
          %mul3A_1087 = arith.constant 64 : i32
          %mul3A_1088 = arith.muli %squeeze3A_595, %mul3A_1087 : i32
          %dma_start3A_1089 = tpu.memref_slice %arg23[%mul3A_1088] : memref<655360xf32, #tpu.memory_space<vmem_shared>> -> memref<64xf32, #tpu.memory_space<vmem_shared>>
          %dma_start3A_1090 = tpu.memref_slice %arg23[%mul3A_1088] : memref<655360xf32, #tpu.memory_space<vmem_shared>> -> memref<64xf32, #tpu.memory_space<vmem_shared>>
          tpu.enqueue_dma source(%dma_start3A_1090 : memref<64xf32, #tpu.memory_space<vmem_shared>>) target(%arg16 : memref<64xf32, #tpu.memory_space<vmem>>) target_semaphore(%arg29 : memref<!tpu.dma_semaphore, #tpu.memory_space<semaphore_mem>>)
        } else {
        }
        %dma_wait3A_726 = arith.constant 0 : i32
        %dma_wait3A_727 = tpu.memref_slice %arg23[%dma_wait3A_726] : memref<655360xf32, #tpu.memory_space<vmem_shared>> -> memref<64xf32, #tpu.memory_space<vmem_shared>>
        %dma_wait3A_728 = arith.constant 0 : i32
        %dma_wait3A_729 = tpu.memref_slice %arg23[%dma_wait3A_728] : memref<655360xf32, #tpu.memory_space<vmem_shared>> -> memref<64xf32, #tpu.memory_space<vmem_shared>>
        tpu.wait_dma2 semaphore(%arg30 : memref<!tpu.dma_semaphore, #tpu.memory_space<semaphore_mem>>) src(%dma_wait3A_729 : memref<64xf32, #tpu.memory_space<vmem_shared>>) dst(%arg17 : memref<64xf32, #tpu.memory_space<vmem>>)
        %add3A_730 = arith.constant 2 : i32
        %add3A_731 = arith.addi %mul3A_587, %add3A_730 : i32
        %broadcast_in_dim3A_732 = vector.broadcast %add3A_731 : i32 to vector<16xi32>
        %gather3A_733 = tpu.vector_load_idx %arg13[%broadcast_in_dim3A_732] : memref<3264xi32, #tpu.memory_space<vmem>>[vector<16xi32>], vector<16xi32>,
        %mul3A_734 = arith.constant 64 : i32
        %mul3A_735 = vector.broadcast %mul3A_734 : i32 to vector<16xi32>
        %mul3A_736 = arith.muli %gather3A_733, %mul3A_735 : vector<16xi32>
        %add3A_737 = arith.addi %mul3A_736, %iota3A : vector<16xi32>
        %add3A_738 = arith.constant 0 : i32
        %add3A_739 = vector.broadcast %add3A_738 : i32 to vector<16xi32>
        %add3A_740 = arith.addi %add3A_737, %add3A_739 : vector<16xi32>
        %gather3A_741 = tpu.vector_load_idx %arg7[%add3A_740] : memref<41024xf32, #tpu.memory_space<vmem>>[vector<16xi32>], vector<16xf32>,
        %add3A_742 = arith.constant 16 : i32
        %add3A_743 = vector.broadcast %add3A_742 : i32 to vector<16xi32>
        %add3A_744 = arith.addi %add3A_737, %add3A_743 : vector<16xi32>
        %gather3A_745 = tpu.vector_load_idx %arg7[%add3A_744] : memref<41024xf32, #tpu.memory_space<vmem>>[vector<16xi32>], vector<16xf32>,
        %add3A_746 = arith.constant 32 : i32
        %add3A_747 = vector.broadcast %add3A_746 : i32 to vector<16xi32>
        %add3A_748 = arith.addi %add3A_737, %add3A_747 : vector<16xi32>
        %gather3A_749 = tpu.vector_load_idx %arg7[%add3A_748] : memref<41024xf32, #tpu.memory_space<vmem>>[vector<16xi32>], vector<16xf32>,
        %add3A_750 = arith.constant 48 : i32
        %add3A_751 = vector.broadcast %add3A_750 : i32 to vector<16xi32>
        %add3A_752 = arith.addi %add3A_737, %add3A_751 : vector<16xi32>
        %gather3A_753 = tpu.vector_load_idx %arg7[%add3A_752] : memref<41024xf32, #tpu.memory_space<vmem>>[vector<16xi32>], vector<16xf32>,
        %get3A_754 = arith.constant 0 : index
        %get3A_755 = tpu.vector_load %arg17[%get3A_754] {strides = array<i32>} : memref<64xf32, #tpu.memory_space<vmem>>, vector<16xf32>,
        %get3A_756 = arith.constant 16 : index
        %get3A_757 = tpu.vector_load %arg17[%get3A_756] {strides = array<i32>} : memref<64xf32, #tpu.memory_space<vmem>>, vector<16xf32>,
        %get3A_758 = arith.constant 32 : index
        %get3A_759 = tpu.vector_load %arg17[%get3A_758] {strides = array<i32>} : memref<64xf32, #tpu.memory_space<vmem>>, vector<16xf32>,
        %get3A_760 = arith.constant 48 : index
        %get3A_761 = tpu.vector_load %arg17[%get3A_760] {strides = array<i32>} : memref<64xf32, #tpu.memory_space<vmem>>, vector<16xf32>,
        %add3A_762 = arith.constant 0 : i32
        %add3A_763 = vector.broadcast %add3A_762 : i32 to vector<16xi32>
        %add3A_764 = arith.addi %add3A_737, %add3A_763 : vector<16xi32>
        %min3A_765 = arith.minimumf %gather3A_741, %get3A_755 : vector<16xf32>
        tpu.vector_store_idx %arg7[%add3A_764], %min3A_765 : memref<41024xf32, #tpu.memory_space<vmem>>[vector<16xi32>], vector<16xf32>,
        %add3A_766 = arith.constant 16 : i32
        %add3A_767 = vector.broadcast %add3A_766 : i32 to vector<16xi32>
        %add3A_768 = arith.addi %add3A_737, %add3A_767 : vector<16xi32>
        %min3A_769 = arith.minimumf %gather3A_745, %get3A_757 : vector<16xf32>
        tpu.vector_store_idx %arg7[%add3A_768], %min3A_769 : memref<41024xf32, #tpu.memory_space<vmem>>[vector<16xi32>], vector<16xf32>,
        %add3A_770 = arith.constant 32 : i32
        %add3A_771 = vector.broadcast %add3A_770 : i32 to vector<16xi32>
        %add3A_772 = arith.addi %add3A_737, %add3A_771 : vector<16xi32>
        %min3A_773 = arith.minimumf %gather3A_749, %get3A_759 : vector<16xf32>
        tpu.vector_store_idx %arg7[%add3A_772], %min3A_773 : memref<41024xf32, #tpu.memory_space<vmem>>[vector<16xi32>], vector<16xf32>,
        %add3A_774 = arith.constant 48 : i32
        %add3A_775 = vector.broadcast %add3A_774 : i32 to vector<16xi32>
        %add3A_776 = arith.addi %add3A_737, %add3A_775 : vector<16xi32>
        %min3A_777 = arith.minimumf %gather3A_753, %get3A_761 : vector<16xf32>
        tpu.vector_store_idx %arg7[%add3A_776], %min3A_777 : memref<41024xf32, #tpu.memory_space<vmem>>[vector<16xi32>], vector<16xf32>,
        %add3A_778 = arith.constant 8 : i32
        %add3A_779 = arith.addi %mul3A_587, %add3A_778 : i32
        %add3A_780 = arith.constant 2 : i32
        %add3A_781 = arith.addi %add3A_779, %add3A_780 : i32
        %lt3A_782 = arith.cmpi slt, %add3A_781, %mul3A_342 : i32
        %convert_element_type3A_783 = arith.extui %lt3A_782 : i1 to i32
        %cond3A_784 = arith.constant 0 : i32
        %cond3A_785 = arith.cmpi ne, %convert_element_type3A_783, %cond3A_784 : i32
        scf.if %cond3A_785 {
          %mul3A_1087 = arith.constant 64 : i32
          %mul3A_1088 = arith.muli %squeeze3A_597, %mul3A_1087 : i32
          %dma_start3A_1089 = tpu.memref_slice %arg23[%mul3A_1088] : memref<655360xf32, #tpu.memory_space<vmem_shared>> -> memref<64xf32, #tpu.memory_space<vmem_shared>>
          %dma_start3A_1090 = tpu.memref_slice %arg23[%mul3A_1088] : memref<655360xf32, #tpu.memory_space<vmem_shared>> -> memref<64xf32, #tpu.memory_space<vmem_shared>>
          tpu.enqueue_dma source(%dma_start3A_1090 : memref<64xf32, #tpu.memory_space<vmem_shared>>) target(%arg17 : memref<64xf32, #tpu.memory_space<vmem>>) target_semaphore(%arg30 : memref<!tpu.dma_semaphore, #tpu.memory_space<semaphore_mem>>)
        } else {
        }
        %dma_wait3A_786 = arith.constant 0 : i32
        %dma_wait3A_787 = tpu.memref_slice %arg23[%dma_wait3A_786] : memref<655360xf32, #tpu.memory_space<vmem_shared>> -> memref<64xf32, #tpu.memory_space<vmem_shared>>
        %dma_wait3A_788 = arith.constant 0 : i32
        %dma_wait3A_789 = tpu.memref_slice %arg23[%dma_wait3A_788] : memref<655360xf32, #tpu.memory_space<vmem_shared>> -> memref<64xf32, #tpu.memory_space<vmem_shared>>
        tpu.wait_dma2 semaphore(%arg31 : memref<!tpu.dma_semaphore, #tpu.memory_space<semaphore_mem>>) src(%dma_wait3A_789 : memref<64xf32, #tpu.memory_space<vmem_shared>>) dst(%arg18 : memref<64xf32, #tpu.memory_space<vmem>>)
        %add3A_790 = arith.constant 3 : i32
        %add3A_791 = arith.addi %mul3A_587, %add3A_790 : i32
        %broadcast_in_dim3A_792 = vector.broadcast %add3A_791 : i32 to vector<16xi32>
        %gather3A_793 = tpu.vector_load_idx %arg13[%broadcast_in_dim3A_792] : memref<3264xi32, #tpu.memory_space<vmem>>[vector<16xi32>], vector<16xi32>,
        %mul3A_794 = arith.constant 64 : i32
        %mul3A_795 = vector.broadcast %mul3A_794 : i32 to vector<16xi32>
        %mul3A_796 = arith.muli %gather3A_793, %mul3A_795 : vector<16xi32>
        %add3A_797 = arith.addi %mul3A_796, %iota3A : vector<16xi32>
        %add3A_798 = arith.constant 0 : i32
        %add3A_799 = vector.broadcast %add3A_798 : i32 to vector<16xi32>
        %add3A_800 = arith.addi %add3A_797, %add3A_799 : vector<16xi32>
        %gather3A_801 = tpu.vector_load_idx %arg7[%add3A_800] : memref<41024xf32, #tpu.memory_space<vmem>>[vector<16xi32>], vector<16xf32>,
        %add3A_802 = arith.constant 16 : i32
        %add3A_803 = vector.broadcast %add3A_802 : i32 to vector<16xi32>
        %add3A_804 = arith.addi %add3A_797, %add3A_803 : vector<16xi32>
        %gather3A_805 = tpu.vector_load_idx %arg7[%add3A_804] : memref<41024xf32, #tpu.memory_space<vmem>>[vector<16xi32>], vector<16xf32>,
        %add3A_806 = arith.constant 32 : i32
        %add3A_807 = vector.broadcast %add3A_806 : i32 to vector<16xi32>
        %add3A_808 = arith.addi %add3A_797, %add3A_807 : vector<16xi32>
        %gather3A_809 = tpu.vector_load_idx %arg7[%add3A_808] : memref<41024xf32, #tpu.memory_space<vmem>>[vector<16xi32>], vector<16xf32>,
        %add3A_810 = arith.constant 48 : i32
        %add3A_811 = vector.broadcast %add3A_810 : i32 to vector<16xi32>
        %add3A_812 = arith.addi %add3A_797, %add3A_811 : vector<16xi32>
        %gather3A_813 = tpu.vector_load_idx %arg7[%add3A_812] : memref<41024xf32, #tpu.memory_space<vmem>>[vector<16xi32>], vector<16xf32>,
        %get3A_814 = arith.constant 0 : index
        %get3A_815 = tpu.vector_load %arg18[%get3A_814] {strides = array<i32>} : memref<64xf32, #tpu.memory_space<vmem>>, vector<16xf32>,
        %get3A_816 = arith.constant 16 : index
        %get3A_817 = tpu.vector_load %arg18[%get3A_816] {strides = array<i32>} : memref<64xf32, #tpu.memory_space<vmem>>, vector<16xf32>,
        %get3A_818 = arith.constant 32 : index
        %get3A_819 = tpu.vector_load %arg18[%get3A_818] {strides = array<i32>} : memref<64xf32, #tpu.memory_space<vmem>>, vector<16xf32>,
        %get3A_820 = arith.constant 48 : index
        %get3A_821 = tpu.vector_load %arg18[%get3A_820] {strides = array<i32>} : memref<64xf32, #tpu.memory_space<vmem>>, vector<16xf32>,
        %add3A_822 = arith.constant 0 : i32
        %add3A_823 = vector.broadcast %add3A_822 : i32 to vector<16xi32>
        %add3A_824 = arith.addi %add3A_797, %add3A_823 : vector<16xi32>
        %min3A_825 = arith.minimumf %gather3A_801, %get3A_815 : vector<16xf32>
        tpu.vector_store_idx %arg7[%add3A_824], %min3A_825 : memref<41024xf32, #tpu.memory_space<vmem>>[vector<16xi32>], vector<16xf32>,
        %add3A_826 = arith.constant 16 : i32
        %add3A_827 = vector.broadcast %add3A_826 : i32 to vector<16xi32>
        %add3A_828 = arith.addi %add3A_797, %add3A_827 : vector<16xi32>
        %min3A_829 = arith.minimumf %gather3A_805, %get3A_817 : vector<16xf32>
        tpu.vector_store_idx %arg7[%add3A_828], %min3A_829 : memref<41024xf32, #tpu.memory_space<vmem>>[vector<16xi32>], vector<16xf32>,
        %add3A_830 = arith.constant 32 : i32
        %add3A_831 = vector.broadcast %add3A_830 : i32 to vector<16xi32>
        %add3A_832 = arith.addi %add3A_797, %add3A_831 : vector<16xi32>
        %min3A_833 = arith.minimumf %gather3A_809, %get3A_819 : vector<16xf32>
        tpu.vector_store_idx %arg7[%add3A_832], %min3A_833 : memref<41024xf32, #tpu.memory_space<vmem>>[vector<16xi32>], vector<16xf32>,
        %add3A_834 = arith.constant 48 : i32
        %add3A_835 = vector.broadcast %add3A_834 : i32 to vector<16xi32>
        %add3A_836 = arith.addi %add3A_797, %add3A_835 : vector<16xi32>
        %min3A_837 = arith.minimumf %gather3A_813, %get3A_821 : vector<16xf32>
        tpu.vector_store_idx %arg7[%add3A_836], %min3A_837 : memref<41024xf32, #tpu.memory_space<vmem>>[vector<16xi32>], vector<16xf32>,
        %add3A_838 = arith.constant 8 : i32
        %add3A_839 = arith.addi %mul3A_587, %add3A_838 : i32
        %add3A_840 = arith.constant 3 : i32
        %add3A_841 = arith.addi %add3A_839, %add3A_840 : i32
        %lt3A_842 = arith.cmpi slt, %add3A_841, %mul3A_342 : i32
        %convert_element_type3A_843 = arith.extui %lt3A_842 : i1 to i32
        %cond3A_844 = arith.constant 0 : i32
        %cond3A_845 = arith.cmpi ne, %convert_element_type3A_843, %cond3A_844 : i32
        scf.if %cond3A_845 {
          %mul3A_1087 = arith.constant 64 : i32
          %mul3A_1088 = arith.muli %squeeze3A_599, %mul3A_1087 : i32
          %dma_start3A_1089 = tpu.memref_slice %arg23[%mul3A_1088] : memref<655360xf32, #tpu.memory_space<vmem_shared>> -> memref<64xf32, #tpu.memory_space<vmem_shared>>
          %dma_start3A_1090 = tpu.memref_slice %arg23[%mul3A_1088] : memref<655360xf32, #tpu.memory_space<vmem_shared>> -> memref<64xf32, #tpu.memory_space<vmem_shared>>
          tpu.enqueue_dma source(%dma_start3A_1090 : memref<64xf32, #tpu.memory_space<vmem_shared>>) target(%arg18 : memref<64xf32, #tpu.memory_space<vmem>>) target_semaphore(%arg31 : memref<!tpu.dma_semaphore, #tpu.memory_space<semaphore_mem>>)
        } else {
        }
        %dma_wait3A_846 = arith.constant 0 : i32
        %dma_wait3A_847 = tpu.memref_slice %arg23[%dma_wait3A_846] : memref<655360xf32, #tpu.memory_space<vmem_shared>> -> memref<64xf32, #tpu.memory_space<vmem_shared>>
        %dma_wait3A_848 = arith.constant 0 : i32
        %dma_wait3A_849 = tpu.memref_slice %arg23[%dma_wait3A_848] : memref<655360xf32, #tpu.memory_space<vmem_shared>> -> memref<64xf32, #tpu.memory_space<vmem_shared>>
        tpu.wait_dma2 semaphore(%arg32 : memref<!tpu.dma_semaphore, #tpu.memory_space<semaphore_mem>>) src(%dma_wait3A_849 : memref<64xf32, #tpu.memory_space<vmem_shared>>) dst(%arg19 : memref<64xf32, #tpu.memory_space<vmem>>)
        %add3A_850 = arith.constant 4 : i32
        %add3A_851 = arith.addi %mul3A_587, %add3A_850 : i32
        %broadcast_in_dim3A_852 = vector.broadcast %add3A_851 : i32 to vector<16xi32>
        %gather3A_853 = tpu.vector_load_idx %arg13[%broadcast_in_dim3A_852] : memref<3264xi32, #tpu.memory_space<vmem>>[vector<16xi32>], vector<16xi32>,
        %mul3A_854 = arith.constant 64 : i32
        %mul3A_855 = vector.broadcast %mul3A_854 : i32 to vector<16xi32>
        %mul3A_856 = arith.muli %gather3A_853, %mul3A_855 : vector<16xi32>
        %add3A_857 = arith.addi %mul3A_856, %iota3A : vector<16xi32>
        %add3A_858 = arith.constant 0 : i32
        %add3A_859 = vector.broadcast %add3A_858 : i32 to vector<16xi32>
        %add3A_860 = arith.addi %add3A_857, %add3A_859 : vector<16xi32>
        %gather3A_861 = tpu.vector_load_idx %arg7[%add3A_860] : memref<41024xf32, #tpu.memory_space<vmem>>[vector<16xi32>], vector<16xf32>,
        %add3A_862 = arith.constant 16 : i32
        %add3A_863 = vector.broadcast %add3A_862 : i32 to vector<16xi32>
        %add3A_864 = arith.addi %add3A_857, %add3A_863 : vector<16xi32>
        %gather3A_865 = tpu.vector_load_idx %arg7[%add3A_864] : memref<41024xf32, #tpu.memory_space<vmem>>[vector<16xi32>], vector<16xf32>,
        %add3A_866 = arith.constant 32 : i32
        %add3A_867 = vector.broadcast %add3A_866 : i32 to vector<16xi32>
        %add3A_868 = arith.addi %add3A_857, %add3A_867 : vector<16xi32>
        %gather3A_869 = tpu.vector_load_idx %arg7[%add3A_868] : memref<41024xf32, #tpu.memory_space<vmem>>[vector<16xi32>], vector<16xf32>,
        %add3A_870 = arith.constant 48 : i32
        %add3A_871 = vector.broadcast %add3A_870 : i32 to vector<16xi32>
        %add3A_872 = arith.addi %add3A_857, %add3A_871 : vector<16xi32>
        %gather3A_873 = tpu.vector_load_idx %arg7[%add3A_872] : memref<41024xf32, #tpu.memory_space<vmem>>[vector<16xi32>], vector<16xf32>,
        %get3A_874 = arith.constant 0 : index
        %get3A_875 = tpu.vector_load %arg19[%get3A_874] {strides = array<i32>} : memref<64xf32, #tpu.memory_space<vmem>>, vector<16xf32>,
        %get3A_876 = arith.constant 16 : index
        %get3A_877 = tpu.vector_load %arg19[%get3A_876] {strides = array<i32>} : memref<64xf32, #tpu.memory_space<vmem>>, vector<16xf32>,
        %get3A_878 = arith.constant 32 : index
        %get3A_879 = tpu.vector_load %arg19[%get3A_878] {strides = array<i32>} : memref<64xf32, #tpu.memory_space<vmem>>, vector<16xf32>,
        %get3A_880 = arith.constant 48 : index
        %get3A_881 = tpu.vector_load %arg19[%get3A_880] {strides = array<i32>} : memref<64xf32, #tpu.memory_space<vmem>>, vector<16xf32>,
        %add3A_882 = arith.constant 0 : i32
        %add3A_883 = vector.broadcast %add3A_882 : i32 to vector<16xi32>
        %add3A_884 = arith.addi %add3A_857, %add3A_883 : vector<16xi32>
        %min3A_885 = arith.minimumf %gather3A_861, %get3A_875 : vector<16xf32>
        tpu.vector_store_idx %arg7[%add3A_884], %min3A_885 : memref<41024xf32, #tpu.memory_space<vmem>>[vector<16xi32>], vector<16xf32>,
        %add3A_886 = arith.constant 16 : i32
        %add3A_887 = vector.broadcast %add3A_886 : i32 to vector<16xi32>
        %add3A_888 = arith.addi %add3A_857, %add3A_887 : vector<16xi32>
        %min3A_889 = arith.minimumf %gather3A_865, %get3A_877 : vector<16xf32>
        tpu.vector_store_idx %arg7[%add3A_888], %min3A_889 : memref<41024xf32, #tpu.memory_space<vmem>>[vector<16xi32>], vector<16xf32>,
        %add3A_890 = arith.constant 32 : i32
        %add3A_891 = vector.broadcast %add3A_890 : i32 to vector<16xi32>
        %add3A_892 = arith.addi %add3A_857, %add3A_891 : vector<16xi32>
        %min3A_893 = arith.minimumf %gather3A_869, %get3A_879 : vector<16xf32>
        tpu.vector_store_idx %arg7[%add3A_892], %min3A_893 : memref<41024xf32, #tpu.memory_space<vmem>>[vector<16xi32>], vector<16xf32>,
        %add3A_894 = arith.constant 48 : i32
        %add3A_895 = vector.broadcast %add3A_894 : i32 to vector<16xi32>
        %add3A_896 = arith.addi %add3A_857, %add3A_895 : vector<16xi32>
        %min3A_897 = arith.minimumf %gather3A_873, %get3A_881 : vector<16xf32>
        tpu.vector_store_idx %arg7[%add3A_896], %min3A_897 : memref<41024xf32, #tpu.memory_space<vmem>>[vector<16xi32>], vector<16xf32>,
        %add3A_898 = arith.constant 8 : i32
        %add3A_899 = arith.addi %mul3A_587, %add3A_898 : i32
        %add3A_900 = arith.constant 4 : i32
        %add3A_901 = arith.addi %add3A_899, %add3A_900 : i32
        %lt3A_902 = arith.cmpi slt, %add3A_901, %mul3A_342 : i32
        %convert_element_type3A_903 = arith.extui %lt3A_902 : i1 to i32
        %cond3A_904 = arith.constant 0 : i32
        %cond3A_905 = arith.cmpi ne, %convert_element_type3A_903, %cond3A_904 : i32
        scf.if %cond3A_905 {
          %mul3A_1087 = arith.constant 64 : i32
          %mul3A_1088 = arith.muli %squeeze3A_601, %mul3A_1087 : i32
          %dma_start3A_1089 = tpu.memref_slice %arg23[%mul3A_1088] : memref<655360xf32, #tpu.memory_space<vmem_shared>> -> memref<64xf32, #tpu.memory_space<vmem_shared>>
          %dma_start3A_1090 = tpu.memref_slice %arg23[%mul3A_1088] : memref<655360xf32, #tpu.memory_space<vmem_shared>> -> memref<64xf32, #tpu.memory_space<vmem_shared>>
          tpu.enqueue_dma source(%dma_start3A_1090 : memref<64xf32, #tpu.memory_space<vmem_shared>>) target(%arg19 : memref<64xf32, #tpu.memory_space<vmem>>) target_semaphore(%arg32 : memref<!tpu.dma_semaphore, #tpu.memory_space<semaphore_mem>>)
        } else {
        }
        %dma_wait3A_906 = arith.constant 0 : i32
        %dma_wait3A_907 = tpu.memref_slice %arg23[%dma_wait3A_906] : memref<655360xf32, #tpu.memory_space<vmem_shared>> -> memref<64xf32, #tpu.memory_space<vmem_shared>>
        %dma_wait3A_908 = arith.constant 0 : i32
        %dma_wait3A_909 = tpu.memref_slice %arg23[%dma_wait3A_908] : memref<655360xf32, #tpu.memory_space<vmem_shared>> -> memref<64xf32, #tpu.memory_space<vmem_shared>>
        tpu.wait_dma2 semaphore(%arg33 : memref<!tpu.dma_semaphore, #tpu.memory_space<semaphore_mem>>) src(%dma_wait3A_909 : memref<64xf32, #tpu.memory_space<vmem_shared>>) dst(%arg20 : memref<64xf32, #tpu.memory_space<vmem>>)
        %add3A_910 = arith.constant 5 : i32
        %add3A_911 = arith.addi %mul3A_587, %add3A_910 : i32
        %broadcast_in_dim3A_912 = vector.broadcast %add3A_911 : i32 to vector<16xi32>
        %gather3A_913 = tpu.vector_load_idx %arg13[%broadcast_in_dim3A_912] : memref<3264xi32, #tpu.memory_space<vmem>>[vector<16xi32>], vector<16xi32>,
        %mul3A_914 = arith.constant 64 : i32
        %mul3A_915 = vector.broadcast %mul3A_914 : i32 to vector<16xi32>
        %mul3A_916 = arith.muli %gather3A_913, %mul3A_915 : vector<16xi32>
        %add3A_917 = arith.addi %mul3A_916, %iota3A : vector<16xi32>
        %add3A_918 = arith.constant 0 : i32
        %add3A_919 = vector.broadcast %add3A_918 : i32 to vector<16xi32>
        %add3A_920 = arith.addi %add3A_917, %add3A_919 : vector<16xi32>
        %gather3A_921 = tpu.vector_load_idx %arg7[%add3A_920] : memref<41024xf32, #tpu.memory_space<vmem>>[vector<16xi32>], vector<16xf32>,
        %add3A_922 = arith.constant 16 : i32
        %add3A_923 = vector.broadcast %add3A_922 : i32 to vector<16xi32>
        %add3A_924 = arith.addi %add3A_917, %add3A_923 : vector<16xi32>
        %gather3A_925 = tpu.vector_load_idx %arg7[%add3A_924] : memref<41024xf32, #tpu.memory_space<vmem>>[vector<16xi32>], vector<16xf32>,
        %add3A_926 = arith.constant 32 : i32
        %add3A_927 = vector.broadcast %add3A_926 : i32 to vector<16xi32>
        %add3A_928 = arith.addi %add3A_917, %add3A_927 : vector<16xi32>
        %gather3A_929 = tpu.vector_load_idx %arg7[%add3A_928] : memref<41024xf32, #tpu.memory_space<vmem>>[vector<16xi32>], vector<16xf32>,
        %add3A_930 = arith.constant 48 : i32
        %add3A_931 = vector.broadcast %add3A_930 : i32 to vector<16xi32>
        %add3A_932 = arith.addi %add3A_917, %add3A_931 : vector<16xi32>
        %gather3A_933 = tpu.vector_load_idx %arg7[%add3A_932] : memref<41024xf32, #tpu.memory_space<vmem>>[vector<16xi32>], vector<16xf32>,
        %get3A_934 = arith.constant 0 : index
        %get3A_935 = tpu.vector_load %arg20[%get3A_934] {strides = array<i32>} : memref<64xf32, #tpu.memory_space<vmem>>, vector<16xf32>,
        %get3A_936 = arith.constant 16 : index
        %get3A_937 = tpu.vector_load %arg20[%get3A_936] {strides = array<i32>} : memref<64xf32, #tpu.memory_space<vmem>>, vector<16xf32>,
        %get3A_938 = arith.constant 32 : index
        %get3A_939 = tpu.vector_load %arg20[%get3A_938] {strides = array<i32>} : memref<64xf32, #tpu.memory_space<vmem>>, vector<16xf32>,
        %get3A_940 = arith.constant 48 : index
        %get3A_941 = tpu.vector_load %arg20[%get3A_940] {strides = array<i32>} : memref<64xf32, #tpu.memory_space<vmem>>, vector<16xf32>,
        %add3A_942 = arith.constant 0 : i32
        %add3A_943 = vector.broadcast %add3A_942 : i32 to vector<16xi32>
        %add3A_944 = arith.addi %add3A_917, %add3A_943 : vector<16xi32>
        %min3A_945 = arith.minimumf %gather3A_921, %get3A_935 : vector<16xf32>
        tpu.vector_store_idx %arg7[%add3A_944], %min3A_945 : memref<41024xf32, #tpu.memory_space<vmem>>[vector<16xi32>], vector<16xf32>,
        %add3A_946 = arith.constant 16 : i32
        %add3A_947 = vector.broadcast %add3A_946 : i32 to vector<16xi32>
        %add3A_948 = arith.addi %add3A_917, %add3A_947 : vector<16xi32>
        %min3A_949 = arith.minimumf %gather3A_925, %get3A_937 : vector<16xf32>
        tpu.vector_store_idx %arg7[%add3A_948], %min3A_949 : memref<41024xf32, #tpu.memory_space<vmem>>[vector<16xi32>], vector<16xf32>,
        %add3A_950 = arith.constant 32 : i32
        %add3A_951 = vector.broadcast %add3A_950 : i32 to vector<16xi32>
        %add3A_952 = arith.addi %add3A_917, %add3A_951 : vector<16xi32>
        %min3A_953 = arith.minimumf %gather3A_929, %get3A_939 : vector<16xf32>
        tpu.vector_store_idx %arg7[%add3A_952], %min3A_953 : memref<41024xf32, #tpu.memory_space<vmem>>[vector<16xi32>], vector<16xf32>,
        %add3A_954 = arith.constant 48 : i32
        %add3A_955 = vector.broadcast %add3A_954 : i32 to vector<16xi32>
        %add3A_956 = arith.addi %add3A_917, %add3A_955 : vector<16xi32>
        %min3A_957 = arith.minimumf %gather3A_933, %get3A_941 : vector<16xf32>
        tpu.vector_store_idx %arg7[%add3A_956], %min3A_957 : memref<41024xf32, #tpu.memory_space<vmem>>[vector<16xi32>], vector<16xf32>,
        %add3A_958 = arith.constant 8 : i32
        %add3A_959 = arith.addi %mul3A_587, %add3A_958 : i32
        %add3A_960 = arith.constant 5 : i32
        %add3A_961 = arith.addi %add3A_959, %add3A_960 : i32
        %lt3A_962 = arith.cmpi slt, %add3A_961, %mul3A_342 : i32
        %convert_element_type3A_963 = arith.extui %lt3A_962 : i1 to i32
        %cond3A_964 = arith.constant 0 : i32
        %cond3A_965 = arith.cmpi ne, %convert_element_type3A_963, %cond3A_964 : i32
        scf.if %cond3A_965 {
          %mul3A_1087 = arith.constant 64 : i32
          %mul3A_1088 = arith.muli %squeeze3A_603, %mul3A_1087 : i32
          %dma_start3A_1089 = tpu.memref_slice %arg23[%mul3A_1088] : memref<655360xf32, #tpu.memory_space<vmem_shared>> -> memref<64xf32, #tpu.memory_space<vmem_shared>>
          %dma_start3A_1090 = tpu.memref_slice %arg23[%mul3A_1088] : memref<655360xf32, #tpu.memory_space<vmem_shared>> -> memref<64xf32, #tpu.memory_space<vmem_shared>>
          tpu.enqueue_dma source(%dma_start3A_1090 : memref<64xf32, #tpu.memory_space<vmem_shared>>) target(%arg20 : memref<64xf32, #tpu.memory_space<vmem>>) target_semaphore(%arg33 : memref<!tpu.dma_semaphore, #tpu.memory_space<semaphore_mem>>)
        } else {
        }
        %dma_wait3A_966 = arith.constant 0 : i32
        %dma_wait3A_967 = tpu.memref_slice %arg23[%dma_wait3A_966] : memref<655360xf32, #tpu.memory_space<vmem_shared>> -> memref<64xf32, #tpu.memory_space<vmem_shared>>
        %dma_wait3A_968 = arith.constant 0 : i32
        %dma_wait3A_969 = tpu.memref_slice %arg23[%dma_wait3A_968] : memref<655360xf32, #tpu.memory_space<vmem_shared>> -> memref<64xf32, #tpu.memory_space<vmem_shared>>
        tpu.wait_dma2 semaphore(%arg34 : memref<!tpu.dma_semaphore, #tpu.memory_space<semaphore_mem>>) src(%dma_wait3A_969 : memref<64xf32, #tpu.memory_space<vmem_shared>>) dst(%arg21 : memref<64xf32, #tpu.memory_space<vmem>>)
        %add3A_970 = arith.constant 6 : i32
        %add3A_971 = arith.addi %mul3A_587, %add3A_970 : i32
        %broadcast_in_dim3A_972 = vector.broadcast %add3A_971 : i32 to vector<16xi32>
        %gather3A_973 = tpu.vector_load_idx %arg13[%broadcast_in_dim3A_972] : memref<3264xi32, #tpu.memory_space<vmem>>[vector<16xi32>], vector<16xi32>,
        %mul3A_974 = arith.constant 64 : i32
        %mul3A_975 = vector.broadcast %mul3A_974 : i32 to vector<16xi32>
        %mul3A_976 = arith.muli %gather3A_973, %mul3A_975 : vector<16xi32>
        %add3A_977 = arith.addi %mul3A_976, %iota3A : vector<16xi32>
        %add3A_978 = arith.constant 0 : i32
        %add3A_979 = vector.broadcast %add3A_978 : i32 to vector<16xi32>
        %add3A_980 = arith.addi %add3A_977, %add3A_979 : vector<16xi32>
        %gather3A_981 = tpu.vector_load_idx %arg7[%add3A_980] : memref<41024xf32, #tpu.memory_space<vmem>>[vector<16xi32>], vector<16xf32>,
        %add3A_982 = arith.constant 16 : i32
        %add3A_983 = vector.broadcast %add3A_982 : i32 to vector<16xi32>
        %add3A_984 = arith.addi %add3A_977, %add3A_983 : vector<16xi32>
        %gather3A_985 = tpu.vector_load_idx %arg7[%add3A_984] : memref<41024xf32, #tpu.memory_space<vmem>>[vector<16xi32>], vector<16xf32>,
        %add3A_986 = arith.constant 32 : i32
        %add3A_987 = vector.broadcast %add3A_986 : i32 to vector<16xi32>
        %add3A_988 = arith.addi %add3A_977, %add3A_987 : vector<16xi32>
        %gather3A_989 = tpu.vector_load_idx %arg7[%add3A_988] : memref<41024xf32, #tpu.memory_space<vmem>>[vector<16xi32>], vector<16xf32>,
        %add3A_990 = arith.constant 48 : i32
        %add3A_991 = vector.broadcast %add3A_990 : i32 to vector<16xi32>
        %add3A_992 = arith.addi %add3A_977, %add3A_991 : vector<16xi32>
        %gather3A_993 = tpu.vector_load_idx %arg7[%add3A_992] : memref<41024xf32, #tpu.memory_space<vmem>>[vector<16xi32>], vector<16xf32>,
        %get3A_994 = arith.constant 0 : index
        %get3A_995 = tpu.vector_load %arg21[%get3A_994] {strides = array<i32>} : memref<64xf32, #tpu.memory_space<vmem>>, vector<16xf32>,
        %get3A_996 = arith.constant 16 : index
        %get3A_997 = tpu.vector_load %arg21[%get3A_996] {strides = array<i32>} : memref<64xf32, #tpu.memory_space<vmem>>, vector<16xf32>,
        %get3A_998 = arith.constant 32 : index
        %get3A_999 = tpu.vector_load %arg21[%get3A_998] {strides = array<i32>} : memref<64xf32, #tpu.memory_space<vmem>>, vector<16xf32>,
        %get3A_1000 = arith.constant 48 : index
        %get3A_1001 = tpu.vector_load %arg21[%get3A_1000] {strides = array<i32>} : memref<64xf32, #tpu.memory_space<vmem>>, vector<16xf32>,
        %add3A_1002 = arith.constant 0 : i32
        %add3A_1003 = vector.broadcast %add3A_1002 : i32 to vector<16xi32>
        %add3A_1004 = arith.addi %add3A_977, %add3A_1003 : vector<16xi32>
        %min3A_1005 = arith.minimumf %gather3A_981, %get3A_995 : vector<16xf32>
        tpu.vector_store_idx %arg7[%add3A_1004], %min3A_1005 : memref<41024xf32, #tpu.memory_space<vmem>>[vector<16xi32>], vector<16xf32>,
        %add3A_1006 = arith.constant 16 : i32
        %add3A_1007 = vector.broadcast %add3A_1006 : i32 to vector<16xi32>
        %add3A_1008 = arith.addi %add3A_977, %add3A_1007 : vector<16xi32>
        %min3A_1009 = arith.minimumf %gather3A_985, %get3A_997 : vector<16xf32>
        tpu.vector_store_idx %arg7[%add3A_1008], %min3A_1009 : memref<41024xf32, #tpu.memory_space<vmem>>[vector<16xi32>], vector<16xf32>,
        %add3A_1010 = arith.constant 32 : i32
        %add3A_1011 = vector.broadcast %add3A_1010 : i32 to vector<16xi32>
        %add3A_1012 = arith.addi %add3A_977, %add3A_1011 : vector<16xi32>
        %min3A_1013 = arith.minimumf %gather3A_989, %get3A_999 : vector<16xf32>
        tpu.vector_store_idx %arg7[%add3A_1012], %min3A_1013 : memref<41024xf32, #tpu.memory_space<vmem>>[vector<16xi32>], vector<16xf32>,
        %add3A_1014 = arith.constant 48 : i32
        %add3A_1015 = vector.broadcast %add3A_1014 : i32 to vector<16xi32>
        %add3A_1016 = arith.addi %add3A_977, %add3A_1015 : vector<16xi32>
        %min3A_1017 = arith.minimumf %gather3A_993, %get3A_1001 : vector<16xf32>
        tpu.vector_store_idx %arg7[%add3A_1016], %min3A_1017 : memref<41024xf32, #tpu.memory_space<vmem>>[vector<16xi32>], vector<16xf32>,
        %add3A_1018 = arith.constant 8 : i32
        %add3A_1019 = arith.addi %mul3A_587, %add3A_1018 : i32
        %add3A_1020 = arith.constant 6 : i32
        %add3A_1021 = arith.addi %add3A_1019, %add3A_1020 : i32
        %lt3A_1022 = arith.cmpi slt, %add3A_1021, %mul3A_342 : i32
        %convert_element_type3A_1023 = arith.extui %lt3A_1022 : i1 to i32
        %cond3A_1024 = arith.constant 0 : i32
        %cond3A_1025 = arith.cmpi ne, %convert_element_type3A_1023, %cond3A_1024 : i32
        scf.if %cond3A_1025 {
          %mul3A_1087 = arith.constant 64 : i32
          %mul3A_1088 = arith.muli %squeeze3A_605, %mul3A_1087 : i32
          %dma_start3A_1089 = tpu.memref_slice %arg23[%mul3A_1088] : memref<655360xf32, #tpu.memory_space<vmem_shared>> -> memref<64xf32, #tpu.memory_space<vmem_shared>>
          %dma_start3A_1090 = tpu.memref_slice %arg23[%mul3A_1088] : memref<655360xf32, #tpu.memory_space<vmem_shared>> -> memref<64xf32, #tpu.memory_space<vmem_shared>>
          tpu.enqueue_dma source(%dma_start3A_1090 : memref<64xf32, #tpu.memory_space<vmem_shared>>) target(%arg21 : memref<64xf32, #tpu.memory_space<vmem>>) target_semaphore(%arg34 : memref<!tpu.dma_semaphore, #tpu.memory_space<semaphore_mem>>)
        } else {
        }
        %dma_wait3A_1026 = arith.constant 0 : i32
        %dma_wait3A_1027 = tpu.memref_slice %arg23[%dma_wait3A_1026] : memref<655360xf32, #tpu.memory_space<vmem_shared>> -> memref<64xf32, #tpu.memory_space<vmem_shared>>
        %dma_wait3A_1028 = arith.constant 0 : i32
        %dma_wait3A_1029 = tpu.memref_slice %arg23[%dma_wait3A_1028] : memref<655360xf32, #tpu.memory_space<vmem_shared>> -> memref<64xf32, #tpu.memory_space<vmem_shared>>
        tpu.wait_dma2 semaphore(%arg35 : memref<!tpu.dma_semaphore, #tpu.memory_space<semaphore_mem>>) src(%dma_wait3A_1029 : memref<64xf32, #tpu.memory_space<vmem_shared>>) dst(%arg22 : memref<64xf32, #tpu.memory_space<vmem>>)
        %add3A_1030 = arith.constant 7 : i32
        %add3A_1031 = arith.addi %mul3A_587, %add3A_1030 : i32
        %broadcast_in_dim3A_1032 = vector.broadcast %add3A_1031 : i32 to vector<16xi32>
        %gather3A_1033 = tpu.vector_load_idx %arg13[%broadcast_in_dim3A_1032] : memref<3264xi32, #tpu.memory_space<vmem>>[vector<16xi32>], vector<16xi32>,
        %mul3A_1034 = arith.constant 64 : i32
        %mul3A_1035 = vector.broadcast %mul3A_1034 : i32 to vector<16xi32>
        %mul3A_1036 = arith.muli %gather3A_1033, %mul3A_1035 : vector<16xi32>
        %add3A_1037 = arith.addi %mul3A_1036, %iota3A : vector<16xi32>
        %add3A_1038 = arith.constant 0 : i32
        %add3A_1039 = vector.broadcast %add3A_1038 : i32 to vector<16xi32>
        %add3A_1040 = arith.addi %add3A_1037, %add3A_1039 : vector<16xi32>
        %gather3A_1041 = tpu.vector_load_idx %arg7[%add3A_1040] : memref<41024xf32, #tpu.memory_space<vmem>>[vector<16xi32>], vector<16xf32>,
        %add3A_1042 = arith.constant 16 : i32
        %add3A_1043 = vector.broadcast %add3A_1042 : i32 to vector<16xi32>
        %add3A_1044 = arith.addi %add3A_1037, %add3A_1043 : vector<16xi32>
        %gather3A_1045 = tpu.vector_load_idx %arg7[%add3A_1044] : memref<41024xf32, #tpu.memory_space<vmem>>[vector<16xi32>], vector<16xf32>,
        %add3A_1046 = arith.constant 32 : i32
        %add3A_1047 = vector.broadcast %add3A_1046 : i32 to vector<16xi32>
        %add3A_1048 = arith.addi %add3A_1037, %add3A_1047 : vector<16xi32>
        %gather3A_1049 = tpu.vector_load_idx %arg7[%add3A_1048] : memref<41024xf32, #tpu.memory_space<vmem>>[vector<16xi32>], vector<16xf32>,
        %add3A_1050 = arith.constant 48 : i32
        %add3A_1051 = vector.broadcast %add3A_1050 : i32 to vector<16xi32>
        %add3A_1052 = arith.addi %add3A_1037, %add3A_1051 : vector<16xi32>
        %gather3A_1053 = tpu.vector_load_idx %arg7[%add3A_1052] : memref<41024xf32, #tpu.memory_space<vmem>>[vector<16xi32>], vector<16xf32>,
        %get3A_1054 = arith.constant 0 : index
        %get3A_1055 = tpu.vector_load %arg22[%get3A_1054] {strides = array<i32>} : memref<64xf32, #tpu.memory_space<vmem>>, vector<16xf32>,
        %get3A_1056 = arith.constant 16 : index
        %get3A_1057 = tpu.vector_load %arg22[%get3A_1056] {strides = array<i32>} : memref<64xf32, #tpu.memory_space<vmem>>, vector<16xf32>,
        %get3A_1058 = arith.constant 32 : index
        %get3A_1059 = tpu.vector_load %arg22[%get3A_1058] {strides = array<i32>} : memref<64xf32, #tpu.memory_space<vmem>>, vector<16xf32>,
        %get3A_1060 = arith.constant 48 : index
        %get3A_1061 = tpu.vector_load %arg22[%get3A_1060] {strides = array<i32>} : memref<64xf32, #tpu.memory_space<vmem>>, vector<16xf32>,
        %add3A_1062 = arith.constant 0 : i32
        %add3A_1063 = vector.broadcast %add3A_1062 : i32 to vector<16xi32>
        %add3A_1064 = arith.addi %add3A_1037, %add3A_1063 : vector<16xi32>
        %min3A_1065 = arith.minimumf %gather3A_1041, %get3A_1055 : vector<16xf32>
        tpu.vector_store_idx %arg7[%add3A_1064], %min3A_1065 : memref<41024xf32, #tpu.memory_space<vmem>>[vector<16xi32>], vector<16xf32>,
        %add3A_1066 = arith.constant 16 : i32
        %add3A_1067 = vector.broadcast %add3A_1066 : i32 to vector<16xi32>
        %add3A_1068 = arith.addi %add3A_1037, %add3A_1067 : vector<16xi32>
        %min3A_1069 = arith.minimumf %gather3A_1045, %get3A_1057 : vector<16xf32>
        tpu.vector_store_idx %arg7[%add3A_1068], %min3A_1069 : memref<41024xf32, #tpu.memory_space<vmem>>[vector<16xi32>], vector<16xf32>,
        %add3A_1070 = arith.constant 32 : i32
        %add3A_1071 = vector.broadcast %add3A_1070 : i32 to vector<16xi32>
        %add3A_1072 = arith.addi %add3A_1037, %add3A_1071 : vector<16xi32>
        %min3A_1073 = arith.minimumf %gather3A_1049, %get3A_1059 : vector<16xf32>
        tpu.vector_store_idx %arg7[%add3A_1072], %min3A_1073 : memref<41024xf32, #tpu.memory_space<vmem>>[vector<16xi32>], vector<16xf32>,
        %add3A_1074 = arith.constant 48 : i32
        %add3A_1075 = vector.broadcast %add3A_1074 : i32 to vector<16xi32>
        %add3A_1076 = arith.addi %add3A_1037, %add3A_1075 : vector<16xi32>
        %min3A_1077 = arith.minimumf %gather3A_1053, %get3A_1061 : vector<16xf32>
        tpu.vector_store_idx %arg7[%add3A_1076], %min3A_1077 : memref<41024xf32, #tpu.memory_space<vmem>>[vector<16xi32>], vector<16xf32>,
        %add3A_1078 = arith.constant 8 : i32
        %add3A_1079 = arith.addi %mul3A_587, %add3A_1078 : i32
        %add3A_1080 = arith.constant 7 : i32
        %add3A_1081 = arith.addi %add3A_1079, %add3A_1080 : i32
        %lt3A_1082 = arith.cmpi slt, %add3A_1081, %mul3A_342 : i32
        %convert_element_type3A_1083 = arith.extui %lt3A_1082 : i1 to i32
        %cond3A_1084 = arith.constant 0 : i32
        %cond3A_1085 = arith.cmpi ne, %convert_element_type3A_1083, %cond3A_1084 : i32
        scf.if %cond3A_1085 {
          %mul3A_1087 = arith.constant 64 : i32
          %mul3A_1088 = arith.muli %squeeze3A_607, %mul3A_1087 : i32
          %dma_start3A_1089 = tpu.memref_slice %arg23[%mul3A_1088] : memref<655360xf32, #tpu.memory_space<vmem_shared>> -> memref<64xf32, #tpu.memory_space<vmem_shared>>
          %dma_start3A_1090 = tpu.memref_slice %arg23[%mul3A_1088] : memref<655360xf32, #tpu.memory_space<vmem_shared>> -> memref<64xf32, #tpu.memory_space<vmem_shared>>
          tpu.enqueue_dma source(%dma_start3A_1090 : memref<64xf32, #tpu.memory_space<vmem_shared>>) target(%arg22 : memref<64xf32, #tpu.memory_space<vmem>>) target_semaphore(%arg35 : memref<!tpu.dma_semaphore, #tpu.memory_space<semaphore_mem>>)
        } else {
        }
        %while3A_1086 = arith.constant 0 : i32
        scf.yield %while3A_1086 : i32
      }
      %while3A_423 = arith.constant 1 : i32
      %while3A_424 = scf.for %while3A_584 = %while3A_420 to %while3A_416 step %while3A_423 iter_args(%while3A_585 = %while3A_422) -> (i32)  : i32 {
        %mul3A_586 = arith.constant 8 : i32
        %mul3A_587 = arith.muli %mul3A_586, %while3A_584 : i32
        %add3A_588 = arith.constant 8 : i32
        %add3A_589 = arith.addi %mul3A_587, %add3A_588 : i32
        %get3A_590 = arith.index_cast %add3A_589 : i32 to index
        %get3A_591 = tpu.vector_load %arg12[%get3A_590] {strides = array<i32>} : memref<3264xi32, #tpu.memory_space<vmem>>, vector<16xi32>,
        %slice3A_592 = vector.extract_strided_slice %get3A_591 {offsets = [0], sizes = [1], strides = [1]} : vector<16xi32> to vector<1xi32>
        %squeeze3A_593 = vector.extract %slice3A_592[0] : i32 from vector<1xi32>
        %slice3A_594 = vector.extract_strided_slice %get3A_591 {offsets = [1], sizes = [1], strides = [1]} : vector<16xi32> to vector<1xi32>
        %squeeze3A_595 = vector.extract %slice3A_594[0] : i32 from vector<1xi32>
        %slice3A_596 = vector.extract_strided_slice %get3A_591 {offsets = [2], sizes = [1], strides = [1]} : vector<16xi32> to vector<1xi32>
        %squeeze3A_597 = vector.extract %slice3A_596[0] : i32 from vector<1xi32>
        %slice3A_598 = vector.extract_strided_slice %get3A_591 {offsets = [3], sizes = [1], strides = [1]} : vector<16xi32> to vector<1xi32>
        %squeeze3A_599 = vector.extract %slice3A_598[0] : i32 from vector<1xi32>
        %slice3A_600 = vector.extract_strided_slice %get3A_591 {offsets = [4], sizes = [1], strides = [1]} : vector<16xi32> to vector<1xi32>
        %squeeze3A_601 = vector.extract %slice3A_600[0] : i32 from vector<1xi32>
        %slice3A_602 = vector.extract_strided_slice %get3A_591 {offsets = [5], sizes = [1], strides = [1]} : vector<16xi32> to vector<1xi32>
        %squeeze3A_603 = vector.extract %slice3A_602[0] : i32 from vector<1xi32>
        %slice3A_604 = vector.extract_strided_slice %get3A_591 {offsets = [6], sizes = [1], strides = [1]} : vector<16xi32> to vector<1xi32>
        %squeeze3A_605 = vector.extract %slice3A_604[0] : i32 from vector<1xi32>
        %slice3A_606 = vector.extract_strided_slice %get3A_591 {offsets = [7], sizes = [1], strides = [1]} : vector<16xi32> to vector<1xi32>
        %squeeze3A_607 = vector.extract %slice3A_606[0] : i32 from vector<1xi32>
        %dma_wait3A_608 = arith.constant 0 : i32
        %dma_wait3A_609 = tpu.memref_slice %arg23[%dma_wait3A_608] : memref<655360xf32, #tpu.memory_space<vmem_shared>> -> memref<64xf32, #tpu.memory_space<vmem_shared>>
        %dma_wait3A_610 = arith.constant 0 : i32
        %dma_wait3A_611 = tpu.memref_slice %arg23[%dma_wait3A_610] : memref<655360xf32, #tpu.memory_space<vmem_shared>> -> memref<64xf32, #tpu.memory_space<vmem_shared>>
        tpu.wait_dma2 semaphore(%arg28 : memref<!tpu.dma_semaphore, #tpu.memory_space<semaphore_mem>>) src(%dma_wait3A_611 : memref<64xf32, #tpu.memory_space<vmem_shared>>) dst(%arg15 : memref<64xf32, #tpu.memory_space<vmem>>)
        %add3A_612 = arith.constant 0 : i32
        %add3A_613 = arith.addi %mul3A_587, %add3A_612 : i32
        %broadcast_in_dim3A_614 = vector.broadcast %add3A_613 : i32 to vector<16xi32>
        %gather3A = tpu.vector_load_idx %arg13[%broadcast_in_dim3A_614] : memref<3264xi32, #tpu.memory_space<vmem>>[vector<16xi32>], vector<16xi32>,
        %mul3A_615 = arith.constant 64 : i32
        %mul3A_616 = vector.broadcast %mul3A_615 : i32 to vector<16xi32>
        %mul3A_617 = arith.muli %gather3A, %mul3A_616 : vector<16xi32>
        %add3A_618 = arith.addi %mul3A_617, %iota3A : vector<16xi32>
        %add3A_619 = arith.constant 0 : i32
        %add3A_620 = vector.broadcast %add3A_619 : i32 to vector<16xi32>
        %add3A_621 = arith.addi %add3A_618, %add3A_620 : vector<16xi32>
        %gather3A_622 = tpu.vector_load_idx %arg7[%add3A_621] : memref<41024xf32, #tpu.memory_space<vmem>>[vector<16xi32>], vector<16xf32>,
        %add3A_623 = arith.constant 16 : i32
        %add3A_624 = vector.broadcast %add3A_623 : i32 to vector<16xi32>
        %add3A_625 = arith.addi %add3A_618, %add3A_624 : vector<16xi32>
        %gather3A_626 = tpu.vector_load_idx %arg7[%add3A_625] : memref<41024xf32, #tpu.memory_space<vmem>>[vector<16xi32>], vector<16xf32>,
        %add3A_627 = arith.constant 32 : i32
        %add3A_628 = vector.broadcast %add3A_627 : i32 to vector<16xi32>
        %add3A_629 = arith.addi %add3A_618, %add3A_628 : vector<16xi32>
        %gather3A_630 = tpu.vector_load_idx %arg7[%add3A_629] : memref<41024xf32, #tpu.memory_space<vmem>>[vector<16xi32>], vector<16xf32>,
        %add3A_631 = arith.constant 48 : i32
        %add3A_632 = vector.broadcast %add3A_631 : i32 to vector<16xi32>
        %add3A_633 = arith.addi %add3A_618, %add3A_632 : vector<16xi32>
        %gather3A_634 = tpu.vector_load_idx %arg7[%add3A_633] : memref<41024xf32, #tpu.memory_space<vmem>>[vector<16xi32>], vector<16xf32>,
        %get3A_635 = arith.constant 0 : index
        %get3A_636 = tpu.vector_load %arg15[%get3A_635] {strides = array<i32>} : memref<64xf32, #tpu.memory_space<vmem>>, vector<16xf32>,
        %get3A_637 = arith.constant 16 : index
        %get3A_638 = tpu.vector_load %arg15[%get3A_637] {strides = array<i32>} : memref<64xf32, #tpu.memory_space<vmem>>, vector<16xf32>,
        %get3A_639 = arith.constant 32 : index
        %get3A_640 = tpu.vector_load %arg15[%get3A_639] {strides = array<i32>} : memref<64xf32, #tpu.memory_space<vmem>>, vector<16xf32>,
        %get3A_641 = arith.constant 48 : index
        %get3A_642 = tpu.vector_load %arg15[%get3A_641] {strides = array<i32>} : memref<64xf32, #tpu.memory_space<vmem>>, vector<16xf32>,
        %add3A_643 = arith.constant 0 : i32
        %add3A_644 = vector.broadcast %add3A_643 : i32 to vector<16xi32>
        %add3A_645 = arith.addi %add3A_618, %add3A_644 : vector<16xi32>
        %min3A = arith.minimumf %gather3A_622, %get3A_636 : vector<16xf32>
        tpu.vector_store_idx %arg7[%add3A_645], %min3A : memref<41024xf32, #tpu.memory_space<vmem>>[vector<16xi32>], vector<16xf32>,
        %add3A_646 = arith.constant 16 : i32
        %add3A_647 = vector.broadcast %add3A_646 : i32 to vector<16xi32>
        %add3A_648 = arith.addi %add3A_618, %add3A_647 : vector<16xi32>
        %min3A_649 = arith.minimumf %gather3A_626, %get3A_638 : vector<16xf32>
        tpu.vector_store_idx %arg7[%add3A_648], %min3A_649 : memref<41024xf32, #tpu.memory_space<vmem>>[vector<16xi32>], vector<16xf32>,
        %add3A_650 = arith.constant 32 : i32
        %add3A_651 = vector.broadcast %add3A_650 : i32 to vector<16xi32>
        %add3A_652 = arith.addi %add3A_618, %add3A_651 : vector<16xi32>
        %min3A_653 = arith.minimumf %gather3A_630, %get3A_640 : vector<16xf32>
        tpu.vector_store_idx %arg7[%add3A_652], %min3A_653 : memref<41024xf32, #tpu.memory_space<vmem>>[vector<16xi32>], vector<16xf32>,
        %add3A_654 = arith.constant 48 : i32
        %add3A_655 = vector.broadcast %add3A_654 : i32 to vector<16xi32>
        %add3A_656 = arith.addi %add3A_618, %add3A_655 : vector<16xi32>
        %min3A_657 = arith.minimumf %gather3A_634, %get3A_642 : vector<16xf32>
        tpu.vector_store_idx %arg7[%add3A_656], %min3A_657 : memref<41024xf32, #tpu.memory_space<vmem>>[vector<16xi32>], vector<16xf32>,
        %add3A_658 = arith.constant 8 : i32
        %add3A_659 = arith.addi %mul3A_587, %add3A_658 : i32
        %add3A_660 = arith.constant 0 : i32
        %add3A_661 = arith.addi %add3A_659, %add3A_660 : i32
        %lt3A_662 = arith.cmpi slt, %add3A_661, %mul3A_342 : i32
        %convert_element_type3A_663 = arith.extui %lt3A_662 : i1 to i32
        %cond3A_664 = arith.constant 0 : i32
        %cond3A_665 = arith.cmpi ne, %convert_element_type3A_663, %cond3A_664 : i32
        scf.if %cond3A_665 {
          %mul3A_1087 = arith.constant 64 : i32
          %mul3A_1088 = arith.muli %squeeze3A_593, %mul3A_1087 : i32
          %dma_start3A_1089 = tpu.memref_slice %arg23[%mul3A_1088] : memref<655360xf32, #tpu.memory_space<vmem_shared>> -> memref<64xf32, #tpu.memory_space<vmem_shared>>
          %dma_start3A_1090 = tpu.memref_slice %arg23[%mul3A_1088] : memref<655360xf32, #tpu.memory_space<vmem_shared>> -> memref<64xf32, #tpu.memory_space<vmem_shared>>
          tpu.enqueue_dma source(%dma_start3A_1090 : memref<64xf32, #tpu.memory_space<vmem_shared>>) target(%arg15 : memref<64xf32, #tpu.memory_space<vmem>>) target_semaphore(%arg28 : memref<!tpu.dma_semaphore, #tpu.memory_space<semaphore_mem>>)
        } else {
        }
        %dma_wait3A_666 = arith.constant 0 : i32
        %dma_wait3A_667 = tpu.memref_slice %arg23[%dma_wait3A_666] : memref<655360xf32, #tpu.memory_space<vmem_shared>> -> memref<64xf32, #tpu.memory_space<vmem_shared>>
        %dma_wait3A_668 = arith.constant 0 : i32
        %dma_wait3A_669 = tpu.memref_slice %arg23[%dma_wait3A_668] : memref<655360xf32, #tpu.memory_space<vmem_shared>> -> memref<64xf32, #tpu.memory_space<vmem_shared>>
        tpu.wait_dma2 semaphore(%arg29 : memref<!tpu.dma_semaphore, #tpu.memory_space<semaphore_mem>>) src(%dma_wait3A_669 : memref<64xf32, #tpu.memory_space<vmem_shared>>) dst(%arg16 : memref<64xf32, #tpu.memory_space<vmem>>)
        %add3A_670 = arith.constant 1 : i32
        %add3A_671 = arith.addi %mul3A_587, %add3A_670 : i32
        %broadcast_in_dim3A_672 = vector.broadcast %add3A_671 : i32 to vector<16xi32>
        %gather3A_673 = tpu.vector_load_idx %arg13[%broadcast_in_dim3A_672] : memref<3264xi32, #tpu.memory_space<vmem>>[vector<16xi32>], vector<16xi32>,
        %mul3A_674 = arith.constant 64 : i32
        %mul3A_675 = vector.broadcast %mul3A_674 : i32 to vector<16xi32>
        %mul3A_676 = arith.muli %gather3A_673, %mul3A_675 : vector<16xi32>
        %add3A_677 = arith.addi %mul3A_676, %iota3A : vector<16xi32>
        %add3A_678 = arith.constant 0 : i32
        %add3A_679 = vector.broadcast %add3A_678 : i32 to vector<16xi32>
        %add3A_680 = arith.addi %add3A_677, %add3A_679 : vector<16xi32>
        %gather3A_681 = tpu.vector_load_idx %arg7[%add3A_680] : memref<41024xf32, #tpu.memory_space<vmem>>[vector<16xi32>], vector<16xf32>,
        %add3A_682 = arith.constant 16 : i32
        %add3A_683 = vector.broadcast %add3A_682 : i32 to vector<16xi32>
        %add3A_684 = arith.addi %add3A_677, %add3A_683 : vector<16xi32>
        %gather3A_685 = tpu.vector_load_idx %arg7[%add3A_684] : memref<41024xf32, #tpu.memory_space<vmem>>[vector<16xi32>], vector<16xf32>,
        %add3A_686 = arith.constant 32 : i32
        %add3A_687 = vector.broadcast %add3A_686 : i32 to vector<16xi32>
        %add3A_688 = arith.addi %add3A_677, %add3A_687 : vector<16xi32>
        %gather3A_689 = tpu.vector_load_idx %arg7[%add3A_688] : memref<41024xf32, #tpu.memory_space<vmem>>[vector<16xi32>], vector<16xf32>,
        %add3A_690 = arith.constant 48 : i32
        %add3A_691 = vector.broadcast %add3A_690 : i32 to vector<16xi32>
        %add3A_692 = arith.addi %add3A_677, %add3A_691 : vector<16xi32>
        %gather3A_693 = tpu.vector_load_idx %arg7[%add3A_692] : memref<41024xf32, #tpu.memory_space<vmem>>[vector<16xi32>], vector<16xf32>,
        %get3A_694 = arith.constant 0 : index
        %get3A_695 = tpu.vector_load %arg16[%get3A_694] {strides = array<i32>} : memref<64xf32, #tpu.memory_space<vmem>>, vector<16xf32>,
        %get3A_696 = arith.constant 16 : index
        %get3A_697 = tpu.vector_load %arg16[%get3A_696] {strides = array<i32>} : memref<64xf32, #tpu.memory_space<vmem>>, vector<16xf32>,
        %get3A_698 = arith.constant 32 : index
        %get3A_699 = tpu.vector_load %arg16[%get3A_698] {strides = array<i32>} : memref<64xf32, #tpu.memory_space<vmem>>, vector<16xf32>,
        %get3A_700 = arith.constant 48 : index
        %get3A_701 = tpu.vector_load %arg16[%get3A_700] {strides = array<i32>} : memref<64xf32, #tpu.memory_space<vmem>>, vector<16xf32>,
        %add3A_702 = arith.constant 0 : i32
        %add3A_703 = vector.broadcast %add3A_702 : i32 to vector<16xi32>
        %add3A_704 = arith.addi %add3A_677, %add3A_703 : vector<16xi32>
        %min3A_705 = arith.minimumf %gather3A_681, %get3A_695 : vector<16xf32>
        tpu.vector_store_idx %arg7[%add3A_704], %min3A_705 : memref<41024xf32, #tpu.memory_space<vmem>>[vector<16xi32>], vector<16xf32>,
        %add3A_706 = arith.constant 16 : i32
        %add3A_707 = vector.broadcast %add3A_706 : i32 to vector<16xi32>
        %add3A_708 = arith.addi %add3A_677, %add3A_707 : vector<16xi32>
        %min3A_709 = arith.minimumf %gather3A_685, %get3A_697 : vector<16xf32>
        tpu.vector_store_idx %arg7[%add3A_708], %min3A_709 : memref<41024xf32, #tpu.memory_space<vmem>>[vector<16xi32>], vector<16xf32>,
        %add3A_710 = arith.constant 32 : i32
        %add3A_711 = vector.broadcast %add3A_710 : i32 to vector<16xi32>
        %add3A_712 = arith.addi %add3A_677, %add3A_711 : vector<16xi32>
        %min3A_713 = arith.minimumf %gather3A_689, %get3A_699 : vector<16xf32>
        tpu.vector_store_idx %arg7[%add3A_712], %min3A_713 : memref<41024xf32, #tpu.memory_space<vmem>>[vector<16xi32>], vector<16xf32>,
        %add3A_714 = arith.constant 48 : i32
        %add3A_715 = vector.broadcast %add3A_714 : i32 to vector<16xi32>
        %add3A_716 = arith.addi %add3A_677, %add3A_715 : vector<16xi32>
        %min3A_717 = arith.minimumf %gather3A_693, %get3A_701 : vector<16xf32>
        tpu.vector_store_idx %arg7[%add3A_716], %min3A_717 : memref<41024xf32, #tpu.memory_space<vmem>>[vector<16xi32>], vector<16xf32>,
        %add3A_718 = arith.constant 8 : i32
        %add3A_719 = arith.addi %mul3A_587, %add3A_718 : i32
        %add3A_720 = arith.constant 1 : i32
        %add3A_721 = arith.addi %add3A_719, %add3A_720 : i32
        %lt3A_722 = arith.cmpi slt, %add3A_721, %mul3A_342 : i32
        %convert_element_type3A_723 = arith.extui %lt3A_722 : i1 to i32
        %cond3A_724 = arith.constant 0 : i32
        %cond3A_725 = arith.cmpi ne, %convert_element_type3A_723, %cond3A_724 : i32
        scf.if %cond3A_725 {
          %mul3A_1087 = arith.constant 64 : i32
          %mul3A_1088 = arith.muli %squeeze3A_595, %mul3A_1087 : i32
          %dma_start3A_1089 = tpu.memref_slice %arg23[%mul3A_1088] : memref<655360xf32, #tpu.memory_space<vmem_shared>> -> memref<64xf32, #tpu.memory_space<vmem_shared>>
          %dma_start3A_1090 = tpu.memref_slice %arg23[%mul3A_1088] : memref<655360xf32, #tpu.memory_space<vmem_shared>> -> memref<64xf32, #tpu.memory_space<vmem_shared>>
          tpu.enqueue_dma source(%dma_start3A_1090 : memref<64xf32, #tpu.memory_space<vmem_shared>>) target(%arg16 : memref<64xf32, #tpu.memory_space<vmem>>) target_semaphore(%arg29 : memref<!tpu.dma_semaphore, #tpu.memory_space<semaphore_mem>>)
        } else {
        }
        %dma_wait3A_726 = arith.constant 0 : i32
        %dma_wait3A_727 = tpu.memref_slice %arg23[%dma_wait3A_726] : memref<655360xf32, #tpu.memory_space<vmem_shared>> -> memref<64xf32, #tpu.memory_space<vmem_shared>>
        %dma_wait3A_728 = arith.constant 0 : i32
        %dma_wait3A_729 = tpu.memref_slice %arg23[%dma_wait3A_728] : memref<655360xf32, #tpu.memory_space<vmem_shared>> -> memref<64xf32, #tpu.memory_space<vmem_shared>>
        tpu.wait_dma2 semaphore(%arg30 : memref<!tpu.dma_semaphore, #tpu.memory_space<semaphore_mem>>) src(%dma_wait3A_729 : memref<64xf32, #tpu.memory_space<vmem_shared>>) dst(%arg17 : memref<64xf32, #tpu.memory_space<vmem>>)
        %add3A_730 = arith.constant 2 : i32
        %add3A_731 = arith.addi %mul3A_587, %add3A_730 : i32
        %broadcast_in_dim3A_732 = vector.broadcast %add3A_731 : i32 to vector<16xi32>
        %gather3A_733 = tpu.vector_load_idx %arg13[%broadcast_in_dim3A_732] : memref<3264xi32, #tpu.memory_space<vmem>>[vector<16xi32>], vector<16xi32>,
        %mul3A_734 = arith.constant 64 : i32
        %mul3A_735 = vector.broadcast %mul3A_734 : i32 to vector<16xi32>
        %mul3A_736 = arith.muli %gather3A_733, %mul3A_735 : vector<16xi32>
        %add3A_737 = arith.addi %mul3A_736, %iota3A : vector<16xi32>
        %add3A_738 = arith.constant 0 : i32
        %add3A_739 = vector.broadcast %add3A_738 : i32 to vector<16xi32>
        %add3A_740 = arith.addi %add3A_737, %add3A_739 : vector<16xi32>
        %gather3A_741 = tpu.vector_load_idx %arg7[%add3A_740] : memref<41024xf32, #tpu.memory_space<vmem>>[vector<16xi32>], vector<16xf32>,
        %add3A_742 = arith.constant 16 : i32
        %add3A_743 = vector.broadcast %add3A_742 : i32 to vector<16xi32>
        %add3A_744 = arith.addi %add3A_737, %add3A_743 : vector<16xi32>
        %gather3A_745 = tpu.vector_load_idx %arg7[%add3A_744] : memref<41024xf32, #tpu.memory_space<vmem>>[vector<16xi32>], vector<16xf32>,
        %add3A_746 = arith.constant 32 : i32
        %add3A_747 = vector.broadcast %add3A_746 : i32 to vector<16xi32>
        %add3A_748 = arith.addi %add3A_737, %add3A_747 : vector<16xi32>
        %gather3A_749 = tpu.vector_load_idx %arg7[%add3A_748] : memref<41024xf32, #tpu.memory_space<vmem>>[vector<16xi32>], vector<16xf32>,
        %add3A_750 = arith.constant 48 : i32
        %add3A_751 = vector.broadcast %add3A_750 : i32 to vector<16xi32>
        %add3A_752 = arith.addi %add3A_737, %add3A_751 : vector<16xi32>
        %gather3A_753 = tpu.vector_load_idx %arg7[%add3A_752] : memref<41024xf32, #tpu.memory_space<vmem>>[vector<16xi32>], vector<16xf32>,
        %get3A_754 = arith.constant 0 : index
        %get3A_755 = tpu.vector_load %arg17[%get3A_754] {strides = array<i32>} : memref<64xf32, #tpu.memory_space<vmem>>, vector<16xf32>,
        %get3A_756 = arith.constant 16 : index
        %get3A_757 = tpu.vector_load %arg17[%get3A_756] {strides = array<i32>} : memref<64xf32, #tpu.memory_space<vmem>>, vector<16xf32>,
        %get3A_758 = arith.constant 32 : index
        %get3A_759 = tpu.vector_load %arg17[%get3A_758] {strides = array<i32>} : memref<64xf32, #tpu.memory_space<vmem>>, vector<16xf32>,
        %get3A_760 = arith.constant 48 : index
        %get3A_761 = tpu.vector_load %arg17[%get3A_760] {strides = array<i32>} : memref<64xf32, #tpu.memory_space<vmem>>, vector<16xf32>,
        %add3A_762 = arith.constant 0 : i32
        %add3A_763 = vector.broadcast %add3A_762 : i32 to vector<16xi32>
        %add3A_764 = arith.addi %add3A_737, %add3A_763 : vector<16xi32>
        %min3A_765 = arith.minimumf %gather3A_741, %get3A_755 : vector<16xf32>
        tpu.vector_store_idx %arg7[%add3A_764], %min3A_765 : memref<41024xf32, #tpu.memory_space<vmem>>[vector<16xi32>], vector<16xf32>,
        %add3A_766 = arith.constant 16 : i32
        %add3A_767 = vector.broadcast %add3A_766 : i32 to vector<16xi32>
        %add3A_768 = arith.addi %add3A_737, %add3A_767 : vector<16xi32>
        %min3A_769 = arith.minimumf %gather3A_745, %get3A_757 : vector<16xf32>
        tpu.vector_store_idx %arg7[%add3A_768], %min3A_769 : memref<41024xf32, #tpu.memory_space<vmem>>[vector<16xi32>], vector<16xf32>,
        %add3A_770 = arith.constant 32 : i32
        %add3A_771 = vector.broadcast %add3A_770 : i32 to vector<16xi32>
        %add3A_772 = arith.addi %add3A_737, %add3A_771 : vector<16xi32>
        %min3A_773 = arith.minimumf %gather3A_749, %get3A_759 : vector<16xf32>
        tpu.vector_store_idx %arg7[%add3A_772], %min3A_773 : memref<41024xf32, #tpu.memory_space<vmem>>[vector<16xi32>], vector<16xf32>,
        %add3A_774 = arith.constant 48 : i32
        %add3A_775 = vector.broadcast %add3A_774 : i32 to vector<16xi32>
        %add3A_776 = arith.addi %add3A_737, %add3A_775 : vector<16xi32>
        %min3A_777 = arith.minimumf %gather3A_753, %get3A_761 : vector<16xf32>
        tpu.vector_store_idx %arg7[%add3A_776], %min3A_777 : memref<41024xf32, #tpu.memory_space<vmem>>[vector<16xi32>], vector<16xf32>,
        %add3A_778 = arith.constant 8 : i32
        %add3A_779 = arith.addi %mul3A_587, %add3A_778 : i32
        %add3A_780 = arith.constant 2 : i32
        %add3A_781 = arith.addi %add3A_779, %add3A_780 : i32
        %lt3A_782 = arith.cmpi slt, %add3A_781, %mul3A_342 : i32
        %convert_element_type3A_783 = arith.extui %lt3A_782 : i1 to i32
        %cond3A_784 = arith.constant 0 : i32
        %cond3A_785 = arith.cmpi ne, %convert_element_type3A_783, %cond3A_784 : i32
        scf.if %cond3A_785 {
          %mul3A_1087 = arith.constant 64 : i32
          %mul3A_1088 = arith.muli %squeeze3A_597, %mul3A_1087 : i32
          %dma_start3A_1089 = tpu.memref_slice %arg23[%mul3A_1088] : memref<655360xf32, #tpu.memory_space<vmem_shared>> -> memref<64xf32, #tpu.memory_space<vmem_shared>>
          %dma_start3A_1090 = tpu.memref_slice %arg23[%mul3A_1088] : memref<655360xf32, #tpu.memory_space<vmem_shared>> -> memref<64xf32, #tpu.memory_space<vmem_shared>>
          tpu.enqueue_dma source(%dma_start3A_1090 : memref<64xf32, #tpu.memory_space<vmem_shared>>) target(%arg17 : memref<64xf32, #tpu.memory_space<vmem>>) target_semaphore(%arg30 : memref<!tpu.dma_semaphore, #tpu.memory_space<semaphore_mem>>)
        } else {
        }
        %dma_wait3A_786 = arith.constant 0 : i32
        %dma_wait3A_787 = tpu.memref_slice %arg23[%dma_wait3A_786] : memref<655360xf32, #tpu.memory_space<vmem_shared>> -> memref<64xf32, #tpu.memory_space<vmem_shared>>
        %dma_wait3A_788 = arith.constant 0 : i32
        %dma_wait3A_789 = tpu.memref_slice %arg23[%dma_wait3A_788] : memref<655360xf32, #tpu.memory_space<vmem_shared>> -> memref<64xf32, #tpu.memory_space<vmem_shared>>
        tpu.wait_dma2 semaphore(%arg31 : memref<!tpu.dma_semaphore, #tpu.memory_space<semaphore_mem>>) src(%dma_wait3A_789 : memref<64xf32, #tpu.memory_space<vmem_shared>>) dst(%arg18 : memref<64xf32, #tpu.memory_space<vmem>>)
        %add3A_790 = arith.constant 3 : i32
        %add3A_791 = arith.addi %mul3A_587, %add3A_790 : i32
        %broadcast_in_dim3A_792 = vector.broadcast %add3A_791 : i32 to vector<16xi32>
        %gather3A_793 = tpu.vector_load_idx %arg13[%broadcast_in_dim3A_792] : memref<3264xi32, #tpu.memory_space<vmem>>[vector<16xi32>], vector<16xi32>,
        %mul3A_794 = arith.constant 64 : i32
        %mul3A_795 = vector.broadcast %mul3A_794 : i32 to vector<16xi32>
        %mul3A_796 = arith.muli %gather3A_793, %mul3A_795 : vector<16xi32>
        %add3A_797 = arith.addi %mul3A_796, %iota3A : vector<16xi32>
        %add3A_798 = arith.constant 0 : i32
        %add3A_799 = vector.broadcast %add3A_798 : i32 to vector<16xi32>
        %add3A_800 = arith.addi %add3A_797, %add3A_799 : vector<16xi32>
        %gather3A_801 = tpu.vector_load_idx %arg7[%add3A_800] : memref<41024xf32, #tpu.memory_space<vmem>>[vector<16xi32>], vector<16xf32>,
        %add3A_802 = arith.constant 16 : i32
        %add3A_803 = vector.broadcast %add3A_802 : i32 to vector<16xi32>
        %add3A_804 = arith.addi %add3A_797, %add3A_803 : vector<16xi32>
        %gather3A_805 = tpu.vector_load_idx %arg7[%add3A_804] : memref<41024xf32, #tpu.memory_space<vmem>>[vector<16xi32>], vector<16xf32>,
        %add3A_806 = arith.constant 32 : i32
        %add3A_807 = vector.broadcast %add3A_806 : i32 to vector<16xi32>
        %add3A_808 = arith.addi %add3A_797, %add3A_807 : vector<16xi32>
        %gather3A_809 = tpu.vector_load_idx %arg7[%add3A_808] : memref<41024xf32, #tpu.memory_space<vmem>>[vector<16xi32>], vector<16xf32>,
        %add3A_810 = arith.constant 48 : i32
        %add3A_811 = vector.broadcast %add3A_810 : i32 to vector<16xi32>
        %add3A_812 = arith.addi %add3A_797, %add3A_811 : vector<16xi32>
        %gather3A_813 = tpu.vector_load_idx %arg7[%add3A_812] : memref<41024xf32, #tpu.memory_space<vmem>>[vector<16xi32>], vector<16xf32>,
        %get3A_814 = arith.constant 0 : index
        %get3A_815 = tpu.vector_load %arg18[%get3A_814] {strides = array<i32>} : memref<64xf32, #tpu.memory_space<vmem>>, vector<16xf32>,
        %get3A_816 = arith.constant 16 : index
        %get3A_817 = tpu.vector_load %arg18[%get3A_816] {strides = array<i32>} : memref<64xf32, #tpu.memory_space<vmem>>, vector<16xf32>,
        %get3A_818 = arith.constant 32 : index
        %get3A_819 = tpu.vector_load %arg18[%get3A_818] {strides = array<i32>} : memref<64xf32, #tpu.memory_space<vmem>>, vector<16xf32>,
        %get3A_820 = arith.constant 48 : index
        %get3A_821 = tpu.vector_load %arg18[%get3A_820] {strides = array<i32>} : memref<64xf32, #tpu.memory_space<vmem>>, vector<16xf32>,
        %add3A_822 = arith.constant 0 : i32
        %add3A_823 = vector.broadcast %add3A_822 : i32 to vector<16xi32>
        %add3A_824 = arith.addi %add3A_797, %add3A_823 : vector<16xi32>
        %min3A_825 = arith.minimumf %gather3A_801, %get3A_815 : vector<16xf32>
        tpu.vector_store_idx %arg7[%add3A_824], %min3A_825 : memref<41024xf32, #tpu.memory_space<vmem>>[vector<16xi32>], vector<16xf32>,
        %add3A_826 = arith.constant 16 : i32
        %add3A_827 = vector.broadcast %add3A_826 : i32 to vector<16xi32>
        %add3A_828 = arith.addi %add3A_797, %add3A_827 : vector<16xi32>
        %min3A_829 = arith.minimumf %gather3A_805, %get3A_817 : vector<16xf32>
        tpu.vector_store_idx %arg7[%add3A_828], %min3A_829 : memref<41024xf32, #tpu.memory_space<vmem>>[vector<16xi32>], vector<16xf32>,
        %add3A_830 = arith.constant 32 : i32
        %add3A_831 = vector.broadcast %add3A_830 : i32 to vector<16xi32>
        %add3A_832 = arith.addi %add3A_797, %add3A_831 : vector<16xi32>
        %min3A_833 = arith.minimumf %gather3A_809, %get3A_819 : vector<16xf32>
        tpu.vector_store_idx %arg7[%add3A_832], %min3A_833 : memref<41024xf32, #tpu.memory_space<vmem>>[vector<16xi32>], vector<16xf32>,
        %add3A_834 = arith.constant 48 : i32
        %add3A_835 = vector.broadcast %add3A_834 : i32 to vector<16xi32>
        %add3A_836 = arith.addi %add3A_797, %add3A_835 : vector<16xi32>
        %min3A_837 = arith.minimumf %gather3A_813, %get3A_821 : vector<16xf32>
        tpu.vector_store_idx %arg7[%add3A_836], %min3A_837 : memref<41024xf32, #tpu.memory_space<vmem>>[vector<16xi32>], vector<16xf32>,
        %add3A_838 = arith.constant 8 : i32
        %add3A_839 = arith.addi %mul3A_587, %add3A_838 : i32
        %add3A_840 = arith.constant 3 : i32
        %add3A_841 = arith.addi %add3A_839, %add3A_840 : i32
        %lt3A_842 = arith.cmpi slt, %add3A_841, %mul3A_342 : i32
        %convert_element_type3A_843 = arith.extui %lt3A_842 : i1 to i32
        %cond3A_844 = arith.constant 0 : i32
        %cond3A_845 = arith.cmpi ne, %convert_element_type3A_843, %cond3A_844 : i32
        scf.if %cond3A_845 {
          %mul3A_1087 = arith.constant 64 : i32
          %mul3A_1088 = arith.muli %squeeze3A_599, %mul3A_1087 : i32
          %dma_start3A_1089 = tpu.memref_slice %arg23[%mul3A_1088] : memref<655360xf32, #tpu.memory_space<vmem_shared>> -> memref<64xf32, #tpu.memory_space<vmem_shared>>
          %dma_start3A_1090 = tpu.memref_slice %arg23[%mul3A_1088] : memref<655360xf32, #tpu.memory_space<vmem_shared>> -> memref<64xf32, #tpu.memory_space<vmem_shared>>
          tpu.enqueue_dma source(%dma_start3A_1090 : memref<64xf32, #tpu.memory_space<vmem_shared>>) target(%arg18 : memref<64xf32, #tpu.memory_space<vmem>>) target_semaphore(%arg31 : memref<!tpu.dma_semaphore, #tpu.memory_space<semaphore_mem>>)
        } else {
        }
        %dma_wait3A_846 = arith.constant 0 : i32
        %dma_wait3A_847 = tpu.memref_slice %arg23[%dma_wait3A_846] : memref<655360xf32, #tpu.memory_space<vmem_shared>> -> memref<64xf32, #tpu.memory_space<vmem_shared>>
        %dma_wait3A_848 = arith.constant 0 : i32
        %dma_wait3A_849 = tpu.memref_slice %arg23[%dma_wait3A_848] : memref<655360xf32, #tpu.memory_space<vmem_shared>> -> memref<64xf32, #tpu.memory_space<vmem_shared>>
        tpu.wait_dma2 semaphore(%arg32 : memref<!tpu.dma_semaphore, #tpu.memory_space<semaphore_mem>>) src(%dma_wait3A_849 : memref<64xf32, #tpu.memory_space<vmem_shared>>) dst(%arg19 : memref<64xf32, #tpu.memory_space<vmem>>)
        %add3A_850 = arith.constant 4 : i32
        %add3A_851 = arith.addi %mul3A_587, %add3A_850 : i32
        %broadcast_in_dim3A_852 = vector.broadcast %add3A_851 : i32 to vector<16xi32>
        %gather3A_853 = tpu.vector_load_idx %arg13[%broadcast_in_dim3A_852] : memref<3264xi32, #tpu.memory_space<vmem>>[vector<16xi32>], vector<16xi32>,
        %mul3A_854 = arith.constant 64 : i32
        %mul3A_855 = vector.broadcast %mul3A_854 : i32 to vector<16xi32>
        %mul3A_856 = arith.muli %gather3A_853, %mul3A_855 : vector<16xi32>
        %add3A_857 = arith.addi %mul3A_856, %iota3A : vector<16xi32>
        %add3A_858 = arith.constant 0 : i32
        %add3A_859 = vector.broadcast %add3A_858 : i32 to vector<16xi32>
        %add3A_860 = arith.addi %add3A_857, %add3A_859 : vector<16xi32>
        %gather3A_861 = tpu.vector_load_idx %arg7[%add3A_860] : memref<41024xf32, #tpu.memory_space<vmem>>[vector<16xi32>], vector<16xf32>,
        %add3A_862 = arith.constant 16 : i32
        %add3A_863 = vector.broadcast %add3A_862 : i32 to vector<16xi32>
        %add3A_864 = arith.addi %add3A_857, %add3A_863 : vector<16xi32>
        %gather3A_865 = tpu.vector_load_idx %arg7[%add3A_864] : memref<41024xf32, #tpu.memory_space<vmem>>[vector<16xi32>], vector<16xf32>,
        %add3A_866 = arith.constant 32 : i32
        %add3A_867 = vector.broadcast %add3A_866 : i32 to vector<16xi32>
        %add3A_868 = arith.addi %add3A_857, %add3A_867 : vector<16xi32>
        %gather3A_869 = tpu.vector_load_idx %arg7[%add3A_868] : memref<41024xf32, #tpu.memory_space<vmem>>[vector<16xi32>], vector<16xf32>,
        %add3A_870 = arith.constant 48 : i32
        %add3A_871 = vector.broadcast %add3A_870 : i32 to vector<16xi32>
        %add3A_872 = arith.addi %add3A_857, %add3A_871 : vector<16xi32>
        %gather3A_873 = tpu.vector_load_idx %arg7[%add3A_872] : memref<41024xf32, #tpu.memory_space<vmem>>[vector<16xi32>], vector<16xf32>,
        %get3A_874 = arith.constant 0 : index
        %get3A_875 = tpu.vector_load %arg19[%get3A_874] {strides = array<i32>} : memref<64xf32, #tpu.memory_space<vmem>>, vector<16xf32>,
        %get3A_876 = arith.constant 16 : index
        %get3A_877 = tpu.vector_load %arg19[%get3A_876] {strides = array<i32>} : memref<64xf32, #tpu.memory_space<vmem>>, vector<16xf32>,
        %get3A_878 = arith.constant 32 : index
        %get3A_879 = tpu.vector_load %arg19[%get3A_878] {strides = array<i32>} : memref<64xf32, #tpu.memory_space<vmem>>, vector<16xf32>,
        %get3A_880 = arith.constant 48 : index
        %get3A_881 = tpu.vector_load %arg19[%get3A_880] {strides = array<i32>} : memref<64xf32, #tpu.memory_space<vmem>>, vector<16xf32>,
        %add3A_882 = arith.constant 0 : i32
        %add3A_883 = vector.broadcast %add3A_882 : i32 to vector<16xi32>
        %add3A_884 = arith.addi %add3A_857, %add3A_883 : vector<16xi32>
        %min3A_885 = arith.minimumf %gather3A_861, %get3A_875 : vector<16xf32>
        tpu.vector_store_idx %arg7[%add3A_884], %min3A_885 : memref<41024xf32, #tpu.memory_space<vmem>>[vector<16xi32>], vector<16xf32>,
        %add3A_886 = arith.constant 16 : i32
        %add3A_887 = vector.broadcast %add3A_886 : i32 to vector<16xi32>
        %add3A_888 = arith.addi %add3A_857, %add3A_887 : vector<16xi32>
        %min3A_889 = arith.minimumf %gather3A_865, %get3A_877 : vector<16xf32>
        tpu.vector_store_idx %arg7[%add3A_888], %min3A_889 : memref<41024xf32, #tpu.memory_space<vmem>>[vector<16xi32>], vector<16xf32>,
        %add3A_890 = arith.constant 32 : i32
        %add3A_891 = vector.broadcast %add3A_890 : i32 to vector<16xi32>
        %add3A_892 = arith.addi %add3A_857, %add3A_891 : vector<16xi32>
        %min3A_893 = arith.minimumf %gather3A_869, %get3A_879 : vector<16xf32>
        tpu.vector_store_idx %arg7[%add3A_892], %min3A_893 : memref<41024xf32, #tpu.memory_space<vmem>>[vector<16xi32>], vector<16xf32>,
        %add3A_894 = arith.constant 48 : i32
        %add3A_895 = vector.broadcast %add3A_894 : i32 to vector<16xi32>
        %add3A_896 = arith.addi %add3A_857, %add3A_895 : vector<16xi32>
        %min3A_897 = arith.minimumf %gather3A_873, %get3A_881 : vector<16xf32>
        tpu.vector_store_idx %arg7[%add3A_896], %min3A_897 : memref<41024xf32, #tpu.memory_space<vmem>>[vector<16xi32>], vector<16xf32>,
        %add3A_898 = arith.constant 8 : i32
        %add3A_899 = arith.addi %mul3A_587, %add3A_898 : i32
        %add3A_900 = arith.constant 4 : i32
        %add3A_901 = arith.addi %add3A_899, %add3A_900 : i32
        %lt3A_902 = arith.cmpi slt, %add3A_901, %mul3A_342 : i32
        %convert_element_type3A_903 = arith.extui %lt3A_902 : i1 to i32
        %cond3A_904 = arith.constant 0 : i32
        %cond3A_905 = arith.cmpi ne, %convert_element_type3A_903, %cond3A_904 : i32
        scf.if %cond3A_905 {
          %mul3A_1087 = arith.constant 64 : i32
          %mul3A_1088 = arith.muli %squeeze3A_601, %mul3A_1087 : i32
          %dma_start3A_1089 = tpu.memref_slice %arg23[%mul3A_1088] : memref<655360xf32, #tpu.memory_space<vmem_shared>> -> memref<64xf32, #tpu.memory_space<vmem_shared>>
          %dma_start3A_1090 = tpu.memref_slice %arg23[%mul3A_1088] : memref<655360xf32, #tpu.memory_space<vmem_shared>> -> memref<64xf32, #tpu.memory_space<vmem_shared>>
          tpu.enqueue_dma source(%dma_start3A_1090 : memref<64xf32, #tpu.memory_space<vmem_shared>>) target(%arg19 : memref<64xf32, #tpu.memory_space<vmem>>) target_semaphore(%arg32 : memref<!tpu.dma_semaphore, #tpu.memory_space<semaphore_mem>>)
        } else {
        }
        %dma_wait3A_906 = arith.constant 0 : i32
        %dma_wait3A_907 = tpu.memref_slice %arg23[%dma_wait3A_906] : memref<655360xf32, #tpu.memory_space<vmem_shared>> -> memref<64xf32, #tpu.memory_space<vmem_shared>>
        %dma_wait3A_908 = arith.constant 0 : i32
        %dma_wait3A_909 = tpu.memref_slice %arg23[%dma_wait3A_908] : memref<655360xf32, #tpu.memory_space<vmem_shared>> -> memref<64xf32, #tpu.memory_space<vmem_shared>>
        tpu.wait_dma2 semaphore(%arg33 : memref<!tpu.dma_semaphore, #tpu.memory_space<semaphore_mem>>) src(%dma_wait3A_909 : memref<64xf32, #tpu.memory_space<vmem_shared>>) dst(%arg20 : memref<64xf32, #tpu.memory_space<vmem>>)
        %add3A_910 = arith.constant 5 : i32
        %add3A_911 = arith.addi %mul3A_587, %add3A_910 : i32
        %broadcast_in_dim3A_912 = vector.broadcast %add3A_911 : i32 to vector<16xi32>
        %gather3A_913 = tpu.vector_load_idx %arg13[%broadcast_in_dim3A_912] : memref<3264xi32, #tpu.memory_space<vmem>>[vector<16xi32>], vector<16xi32>,
        %mul3A_914 = arith.constant 64 : i32
        %mul3A_915 = vector.broadcast %mul3A_914 : i32 to vector<16xi32>
        %mul3A_916 = arith.muli %gather3A_913, %mul3A_915 : vector<16xi32>
        %add3A_917 = arith.addi %mul3A_916, %iota3A : vector<16xi32>
        %add3A_918 = arith.constant 0 : i32
        %add3A_919 = vector.broadcast %add3A_918 : i32 to vector<16xi32>
        %add3A_920 = arith.addi %add3A_917, %add3A_919 : vector<16xi32>
        %gather3A_921 = tpu.vector_load_idx %arg7[%add3A_920] : memref<41024xf32, #tpu.memory_space<vmem>>[vector<16xi32>], vector<16xf32>,
        %add3A_922 = arith.constant 16 : i32
        %add3A_923 = vector.broadcast %add3A_922 : i32 to vector<16xi32>
        %add3A_924 = arith.addi %add3A_917, %add3A_923 : vector<16xi32>
        %gather3A_925 = tpu.vector_load_idx %arg7[%add3A_924] : memref<41024xf32, #tpu.memory_space<vmem>>[vector<16xi32>], vector<16xf32>,
        %add3A_926 = arith.constant 32 : i32
        %add3A_927 = vector.broadcast %add3A_926 : i32 to vector<16xi32>
        %add3A_928 = arith.addi %add3A_917, %add3A_927 : vector<16xi32>
        %gather3A_929 = tpu.vector_load_idx %arg7[%add3A_928] : memref<41024xf32, #tpu.memory_space<vmem>>[vector<16xi32>], vector<16xf32>,
        %add3A_930 = arith.constant 48 : i32
        %add3A_931 = vector.broadcast %add3A_930 : i32 to vector<16xi32>
        %add3A_932 = arith.addi %add3A_917, %add3A_931 : vector<16xi32>
        %gather3A_933 = tpu.vector_load_idx %arg7[%add3A_932] : memref<41024xf32, #tpu.memory_space<vmem>>[vector<16xi32>], vector<16xf32>,
        %get3A_934 = arith.constant 0 : index
        %get3A_935 = tpu.vector_load %arg20[%get3A_934] {strides = array<i32>} : memref<64xf32, #tpu.memory_space<vmem>>, vector<16xf32>,
        %get3A_936 = arith.constant 16 : index
        %get3A_937 = tpu.vector_load %arg20[%get3A_936] {strides = array<i32>} : memref<64xf32, #tpu.memory_space<vmem>>, vector<16xf32>,
        %get3A_938 = arith.constant 32 : index
        %get3A_939 = tpu.vector_load %arg20[%get3A_938] {strides = array<i32>} : memref<64xf32, #tpu.memory_space<vmem>>, vector<16xf32>,
        %get3A_940 = arith.constant 48 : index
        %get3A_941 = tpu.vector_load %arg20[%get3A_940] {strides = array<i32>} : memref<64xf32, #tpu.memory_space<vmem>>, vector<16xf32>,
        %add3A_942 = arith.constant 0 : i32
        %add3A_943 = vector.broadcast %add3A_942 : i32 to vector<16xi32>
        %add3A_944 = arith.addi %add3A_917, %add3A_943 : vector<16xi32>
        %min3A_945 = arith.minimumf %gather3A_921, %get3A_935 : vector<16xf32>
        tpu.vector_store_idx %arg7[%add3A_944], %min3A_945 : memref<41024xf32, #tpu.memory_space<vmem>>[vector<16xi32>], vector<16xf32>,
        %add3A_946 = arith.constant 16 : i32
        %add3A_947 = vector.broadcast %add3A_946 : i32 to vector<16xi32>
        %add3A_948 = arith.addi %add3A_917, %add3A_947 : vector<16xi32>
        %min3A_949 = arith.minimumf %gather3A_925, %get3A_937 : vector<16xf32>
        tpu.vector_store_idx %arg7[%add3A_948], %min3A_949 : memref<41024xf32, #tpu.memory_space<vmem>>[vector<16xi32>], vector<16xf32>,
        %add3A_950 = arith.constant 32 : i32
        %add3A_951 = vector.broadcast %add3A_950 : i32 to vector<16xi32>
        %add3A_952 = arith.addi %add3A_917, %add3A_951 : vector<16xi32>
        %min3A_953 = arith.minimumf %gather3A_929, %get3A_939 : vector<16xf32>
        tpu.vector_store_idx %arg7[%add3A_952], %min3A_953 : memref<41024xf32, #tpu.memory_space<vmem>>[vector<16xi32>], vector<16xf32>,
        %add3A_954 = arith.constant 48 : i32
        %add3A_955 = vector.broadcast %add3A_954 : i32 to vector<16xi32>
        %add3A_956 = arith.addi %add3A_917, %add3A_955 : vector<16xi32>
        %min3A_957 = arith.minimumf %gather3A_933, %get3A_941 : vector<16xf32>
        tpu.vector_store_idx %arg7[%add3A_956], %min3A_957 : memref<41024xf32, #tpu.memory_space<vmem>>[vector<16xi32>], vector<16xf32>,
        %add3A_958 = arith.constant 8 : i32
        %add3A_959 = arith.addi %mul3A_587, %add3A_958 : i32
        %add3A_960 = arith.constant 5 : i32
        %add3A_961 = arith.addi %add3A_959, %add3A_960 : i32
        %lt3A_962 = arith.cmpi slt, %add3A_961, %mul3A_342 : i32
        %convert_element_type3A_963 = arith.extui %lt3A_962 : i1 to i32
        %cond3A_964 = arith.constant 0 : i32
        %cond3A_965 = arith.cmpi ne, %convert_element_type3A_963, %cond3A_964 : i32
        scf.if %cond3A_965 {
          %mul3A_1087 = arith.constant 64 : i32
          %mul3A_1088 = arith.muli %squeeze3A_603, %mul3A_1087 : i32
          %dma_start3A_1089 = tpu.memref_slice %arg23[%mul3A_1088] : memref<655360xf32, #tpu.memory_space<vmem_shared>> -> memref<64xf32, #tpu.memory_space<vmem_shared>>
          %dma_start3A_1090 = tpu.memref_slice %arg23[%mul3A_1088] : memref<655360xf32, #tpu.memory_space<vmem_shared>> -> memref<64xf32, #tpu.memory_space<vmem_shared>>
          tpu.enqueue_dma source(%dma_start3A_1090 : memref<64xf32, #tpu.memory_space<vmem_shared>>) target(%arg20 : memref<64xf32, #tpu.memory_space<vmem>>) target_semaphore(%arg33 : memref<!tpu.dma_semaphore, #tpu.memory_space<semaphore_mem>>)
        } else {
        }
        %dma_wait3A_966 = arith.constant 0 : i32
        %dma_wait3A_967 = tpu.memref_slice %arg23[%dma_wait3A_966] : memref<655360xf32, #tpu.memory_space<vmem_shared>> -> memref<64xf32, #tpu.memory_space<vmem_shared>>
        %dma_wait3A_968 = arith.constant 0 : i32
        %dma_wait3A_969 = tpu.memref_slice %arg23[%dma_wait3A_968] : memref<655360xf32, #tpu.memory_space<vmem_shared>> -> memref<64xf32, #tpu.memory_space<vmem_shared>>
        tpu.wait_dma2 semaphore(%arg34 : memref<!tpu.dma_semaphore, #tpu.memory_space<semaphore_mem>>) src(%dma_wait3A_969 : memref<64xf32, #tpu.memory_space<vmem_shared>>) dst(%arg21 : memref<64xf32, #tpu.memory_space<vmem>>)
        %add3A_970 = arith.constant 6 : i32
        %add3A_971 = arith.addi %mul3A_587, %add3A_970 : i32
        %broadcast_in_dim3A_972 = vector.broadcast %add3A_971 : i32 to vector<16xi32>
        %gather3A_973 = tpu.vector_load_idx %arg13[%broadcast_in_dim3A_972] : memref<3264xi32, #tpu.memory_space<vmem>>[vector<16xi32>], vector<16xi32>,
        %mul3A_974 = arith.constant 64 : i32
        %mul3A_975 = vector.broadcast %mul3A_974 : i32 to vector<16xi32>
        %mul3A_976 = arith.muli %gather3A_973, %mul3A_975 : vector<16xi32>
        %add3A_977 = arith.addi %mul3A_976, %iota3A : vector<16xi32>
        %add3A_978 = arith.constant 0 : i32
        %add3A_979 = vector.broadcast %add3A_978 : i32 to vector<16xi32>
        %add3A_980 = arith.addi %add3A_977, %add3A_979 : vector<16xi32>
        %gather3A_981 = tpu.vector_load_idx %arg7[%add3A_980] : memref<41024xf32, #tpu.memory_space<vmem>>[vector<16xi32>], vector<16xf32>,
        %add3A_982 = arith.constant 16 : i32
        %add3A_983 = vector.broadcast %add3A_982 : i32 to vector<16xi32>
        %add3A_984 = arith.addi %add3A_977, %add3A_983 : vector<16xi32>
        %gather3A_985 = tpu.vector_load_idx %arg7[%add3A_984] : memref<41024xf32, #tpu.memory_space<vmem>>[vector<16xi32>], vector<16xf32>,
        %add3A_986 = arith.constant 32 : i32
        %add3A_987 = vector.broadcast %add3A_986 : i32 to vector<16xi32>
        %add3A_988 = arith.addi %add3A_977, %add3A_987 : vector<16xi32>
        %gather3A_989 = tpu.vector_load_idx %arg7[%add3A_988] : memref<41024xf32, #tpu.memory_space<vmem>>[vector<16xi32>], vector<16xf32>,
        %add3A_990 = arith.constant 48 : i32
        %add3A_991 = vector.broadcast %add3A_990 : i32 to vector<16xi32>
        %add3A_992 = arith.addi %add3A_977, %add3A_991 : vector<16xi32>
        %gather3A_993 = tpu.vector_load_idx %arg7[%add3A_992] : memref<41024xf32, #tpu.memory_space<vmem>>[vector<16xi32>], vector<16xf32>,
        %get3A_994 = arith.constant 0 : index
        %get3A_995 = tpu.vector_load %arg21[%get3A_994] {strides = array<i32>} : memref<64xf32, #tpu.memory_space<vmem>>, vector<16xf32>,
        %get3A_996 = arith.constant 16 : index
        %get3A_997 = tpu.vector_load %arg21[%get3A_996] {strides = array<i32>} : memref<64xf32, #tpu.memory_space<vmem>>, vector<16xf32>,
        %get3A_998 = arith.constant 32 : index
        %get3A_999 = tpu.vector_load %arg21[%get3A_998] {strides = array<i32>} : memref<64xf32, #tpu.memory_space<vmem>>, vector<16xf32>,
        %get3A_1000 = arith.constant 48 : index
        %get3A_1001 = tpu.vector_load %arg21[%get3A_1000] {strides = array<i32>} : memref<64xf32, #tpu.memory_space<vmem>>, vector<16xf32>,
        %add3A_1002 = arith.constant 0 : i32
        %add3A_1003 = vector.broadcast %add3A_1002 : i32 to vector<16xi32>
        %add3A_1004 = arith.addi %add3A_977, %add3A_1003 : vector<16xi32>
        %min3A_1005 = arith.minimumf %gather3A_981, %get3A_995 : vector<16xf32>
        tpu.vector_store_idx %arg7[%add3A_1004], %min3A_1005 : memref<41024xf32, #tpu.memory_space<vmem>>[vector<16xi32>], vector<16xf32>,
        %add3A_1006 = arith.constant 16 : i32
        %add3A_1007 = vector.broadcast %add3A_1006 : i32 to vector<16xi32>
        %add3A_1008 = arith.addi %add3A_977, %add3A_1007 : vector<16xi32>
        %min3A_1009 = arith.minimumf %gather3A_985, %get3A_997 : vector<16xf32>
        tpu.vector_store_idx %arg7[%add3A_1008], %min3A_1009 : memref<41024xf32, #tpu.memory_space<vmem>>[vector<16xi32>], vector<16xf32>,
        %add3A_1010 = arith.constant 32 : i32
        %add3A_1011 = vector.broadcast %add3A_1010 : i32 to vector<16xi32>
        %add3A_1012 = arith.addi %add3A_977, %add3A_1011 : vector<16xi32>
        %min3A_1013 = arith.minimumf %gather3A_989, %get3A_999 : vector<16xf32>
        tpu.vector_store_idx %arg7[%add3A_1012], %min3A_1013 : memref<41024xf32, #tpu.memory_space<vmem>>[vector<16xi32>], vector<16xf32>,
        %add3A_1014 = arith.constant 48 : i32
        %add3A_1015 = vector.broadcast %add3A_1014 : i32 to vector<16xi32>
        %add3A_1016 = arith.addi %add3A_977, %add3A_1015 : vector<16xi32>
        %min3A_1017 = arith.minimumf %gather3A_993, %get3A_1001 : vector<16xf32>
        tpu.vector_store_idx %arg7[%add3A_1016], %min3A_1017 : memref<41024xf32, #tpu.memory_space<vmem>>[vector<16xi32>], vector<16xf32>,
        %add3A_1018 = arith.constant 8 : i32
        %add3A_1019 = arith.addi %mul3A_587, %add3A_1018 : i32
        %add3A_1020 = arith.constant 6 : i32
        %add3A_1021 = arith.addi %add3A_1019, %add3A_1020 : i32
        %lt3A_1022 = arith.cmpi slt, %add3A_1021, %mul3A_342 : i32
        %convert_element_type3A_1023 = arith.extui %lt3A_1022 : i1 to i32
        %cond3A_1024 = arith.constant 0 : i32
        %cond3A_1025 = arith.cmpi ne, %convert_element_type3A_1023, %cond3A_1024 : i32
        scf.if %cond3A_1025 {
          %mul3A_1087 = arith.constant 64 : i32
          %mul3A_1088 = arith.muli %squeeze3A_605, %mul3A_1087 : i32
          %dma_start3A_1089 = tpu.memref_slice %arg23[%mul3A_1088] : memref<655360xf32, #tpu.memory_space<vmem_shared>> -> memref<64xf32, #tpu.memory_space<vmem_shared>>
          %dma_start3A_1090 = tpu.memref_slice %arg23[%mul3A_1088] : memref<655360xf32, #tpu.memory_space<vmem_shared>> -> memref<64xf32, #tpu.memory_space<vmem_shared>>
          tpu.enqueue_dma source(%dma_start3A_1090 : memref<64xf32, #tpu.memory_space<vmem_shared>>) target(%arg21 : memref<64xf32, #tpu.memory_space<vmem>>) target_semaphore(%arg34 : memref<!tpu.dma_semaphore, #tpu.memory_space<semaphore_mem>>)
        } else {
        }
        %dma_wait3A_1026 = arith.constant 0 : i32
        %dma_wait3A_1027 = tpu.memref_slice %arg23[%dma_wait3A_1026] : memref<655360xf32, #tpu.memory_space<vmem_shared>> -> memref<64xf32, #tpu.memory_space<vmem_shared>>
        %dma_wait3A_1028 = arith.constant 0 : i32
        %dma_wait3A_1029 = tpu.memref_slice %arg23[%dma_wait3A_1028] : memref<655360xf32, #tpu.memory_space<vmem_shared>> -> memref<64xf32, #tpu.memory_space<vmem_shared>>
        tpu.wait_dma2 semaphore(%arg35 : memref<!tpu.dma_semaphore, #tpu.memory_space<semaphore_mem>>) src(%dma_wait3A_1029 : memref<64xf32, #tpu.memory_space<vmem_shared>>) dst(%arg22 : memref<64xf32, #tpu.memory_space<vmem>>)
        %add3A_1030 = arith.constant 7 : i32
        %add3A_1031 = arith.addi %mul3A_587, %add3A_1030 : i32
        %broadcast_in_dim3A_1032 = vector.broadcast %add3A_1031 : i32 to vector<16xi32>
        %gather3A_1033 = tpu.vector_load_idx %arg13[%broadcast_in_dim3A_1032] : memref<3264xi32, #tpu.memory_space<vmem>>[vector<16xi32>], vector<16xi32>,
        %mul3A_1034 = arith.constant 64 : i32
        %mul3A_1035 = vector.broadcast %mul3A_1034 : i32 to vector<16xi32>
        %mul3A_1036 = arith.muli %gather3A_1033, %mul3A_1035 : vector<16xi32>
        %add3A_1037 = arith.addi %mul3A_1036, %iota3A : vector<16xi32>
        %add3A_1038 = arith.constant 0 : i32
        %add3A_1039 = vector.broadcast %add3A_1038 : i32 to vector<16xi32>
        %add3A_1040 = arith.addi %add3A_1037, %add3A_1039 : vector<16xi32>
        %gather3A_1041 = tpu.vector_load_idx %arg7[%add3A_1040] : memref<41024xf32, #tpu.memory_space<vmem>>[vector<16xi32>], vector<16xf32>,
        %add3A_1042 = arith.constant 16 : i32
        %add3A_1043 = vector.broadcast %add3A_1042 : i32 to vector<16xi32>
        %add3A_1044 = arith.addi %add3A_1037, %add3A_1043 : vector<16xi32>
        %gather3A_1045 = tpu.vector_load_idx %arg7[%add3A_1044] : memref<41024xf32, #tpu.memory_space<vmem>>[vector<16xi32>], vector<16xf32>,
        %add3A_1046 = arith.constant 32 : i32
        %add3A_1047 = vector.broadcast %add3A_1046 : i32 to vector<16xi32>
        %add3A_1048 = arith.addi %add3A_1037, %add3A_1047 : vector<16xi32>
        %gather3A_1049 = tpu.vector_load_idx %arg7[%add3A_1048] : memref<41024xf32, #tpu.memory_space<vmem>>[vector<16xi32>], vector<16xf32>,
        %add3A_1050 = arith.constant 48 : i32
        %add3A_1051 = vector.broadcast %add3A_1050 : i32 to vector<16xi32>
        %add3A_1052 = arith.addi %add3A_1037, %add3A_1051 : vector<16xi32>
        %gather3A_1053 = tpu.vector_load_idx %arg7[%add3A_1052] : memref<41024xf32, #tpu.memory_space<vmem>>[vector<16xi32>], vector<16xf32>,
        %get3A_1054 = arith.constant 0 : index
        %get3A_1055 = tpu.vector_load %arg22[%get3A_1054] {strides = array<i32>} : memref<64xf32, #tpu.memory_space<vmem>>, vector<16xf32>,
        %get3A_1056 = arith.constant 16 : index
        %get3A_1057 = tpu.vector_load %arg22[%get3A_1056] {strides = array<i32>} : memref<64xf32, #tpu.memory_space<vmem>>, vector<16xf32>,
        %get3A_1058 = arith.constant 32 : index
        %get3A_1059 = tpu.vector_load %arg22[%get3A_1058] {strides = array<i32>} : memref<64xf32, #tpu.memory_space<vmem>>, vector<16xf32>,
        %get3A_1060 = arith.constant 48 : index
        %get3A_1061 = tpu.vector_load %arg22[%get3A_1060] {strides = array<i32>} : memref<64xf32, #tpu.memory_space<vmem>>, vector<16xf32>,
        %add3A_1062 = arith.constant 0 : i32
        %add3A_1063 = vector.broadcast %add3A_1062 : i32 to vector<16xi32>
        %add3A_1064 = arith.addi %add3A_1037, %add3A_1063 : vector<16xi32>
        %min3A_1065 = arith.minimumf %gather3A_1041, %get3A_1055 : vector<16xf32>
        tpu.vector_store_idx %arg7[%add3A_1064], %min3A_1065 : memref<41024xf32, #tpu.memory_space<vmem>>[vector<16xi32>], vector<16xf32>,
        %add3A_1066 = arith.constant 16 : i32
        %add3A_1067 = vector.broadcast %add3A_1066 : i32 to vector<16xi32>
        %add3A_1068 = arith.addi %add3A_1037, %add3A_1067 : vector<16xi32>
        %min3A_1069 = arith.minimumf %gather3A_1045, %get3A_1057 : vector<16xf32>
        tpu.vector_store_idx %arg7[%add3A_1068], %min3A_1069 : memref<41024xf32, #tpu.memory_space<vmem>>[vector<16xi32>], vector<16xf32>,
        %add3A_1070 = arith.constant 32 : i32
        %add3A_1071 = vector.broadcast %add3A_1070 : i32 to vector<16xi32>
        %add3A_1072 = arith.addi %add3A_1037, %add3A_1071 : vector<16xi32>
        %min3A_1073 = arith.minimumf %gather3A_1049, %get3A_1059 : vector<16xf32>
        tpu.vector_store_idx %arg7[%add3A_1072], %min3A_1073 : memref<41024xf32, #tpu.memory_space<vmem>>[vector<16xi32>], vector<16xf32>,
        %add3A_1074 = arith.constant 48 : i32
        %add3A_1075 = vector.broadcast %add3A_1074 : i32 to vector<16xi32>
        %add3A_1076 = arith.addi %add3A_1037, %add3A_1075 : vector<16xi32>
        %min3A_1077 = arith.minimumf %gather3A_1053, %get3A_1061 : vector<16xf32>
        tpu.vector_store_idx %arg7[%add3A_1076], %min3A_1077 : memref<41024xf32, #tpu.memory_space<vmem>>[vector<16xi32>], vector<16xf32>,
        %add3A_1078 = arith.constant 8 : i32
        %add3A_1079 = arith.addi %mul3A_587, %add3A_1078 : i32
        %add3A_1080 = arith.constant 7 : i32
        %add3A_1081 = arith.addi %add3A_1079, %add3A_1080 : i32
        %lt3A_1082 = arith.cmpi slt, %add3A_1081, %mul3A_342 : i32
        %convert_element_type3A_1083 = arith.extui %lt3A_1082 : i1 to i32
        %cond3A_1084 = arith.constant 0 : i32
        %cond3A_1085 = arith.cmpi ne, %convert_element_type3A_1083, %cond3A_1084 : i32
        scf.if %cond3A_1085 {
          %mul3A_1087 = arith.constant 64 : i32
          %mul3A_1088 = arith.muli %squeeze3A_607, %mul3A_1087 : i32
          %dma_start3A_1089 = tpu.memref_slice %arg23[%mul3A_1088] : memref<655360xf32, #tpu.memory_space<vmem_shared>> -> memref<64xf32, #tpu.memory_space<vmem_shared>>
          %dma_start3A_1090 = tpu.memref_slice %arg23[%mul3A_1088] : memref<655360xf32, #tpu.memory_space<vmem_shared>> -> memref<64xf32, #tpu.memory_space<vmem_shared>>
          tpu.enqueue_dma source(%dma_start3A_1090 : memref<64xf32, #tpu.memory_space<vmem_shared>>) target(%arg22 : memref<64xf32, #tpu.memory_space<vmem>>) target_semaphore(%arg35 : memref<!tpu.dma_semaphore, #tpu.memory_space<semaphore_mem>>)
        } else {
        }
        %while3A_1086 = arith.constant 0 : i32
        scf.yield %while3A_1086 : i32
      }
      %dma_wait3A_425 = arith.constant 0 : i32
      %dma_wait3A_426 = tpu.memref_slice %arg3[%dma_wait3A_425] : memref<320000xi32, #tpu.memory_space<hbm>> -> memref<3200xi32, #tpu.memory_space<hbm>>
      %dma_wait3A_427 = arith.constant 0 : i32
      %dma_wait3A_428 = tpu.memref_slice %arg3[%dma_wait3A_427] : memref<320000xi32, #tpu.memory_space<hbm>> -> memref<3200xi32, #tpu.memory_space<hbm>>
      tpu.wait_dma2 semaphore(%arg26 : memref<!tpu.dma_semaphore, #tpu.memory_space<semaphore_mem>>) src(%dma_wait3A_428 : memref<3200xi32, #tpu.memory_space<hbm>>) dst(%arg10 : memref<3200xi32, #tpu.memory_space<vmem>>)
      %dma_wait3A_429 = arith.constant 0 : i32
      %dma_wait3A_430 = tpu.memref_slice %arg4[%dma_wait3A_429] : memref<320000xi32, #tpu.memory_space<hbm>> -> memref<3200xi32, #tpu.memory_space<hbm>>
      %dma_wait3A_431 = arith.constant 0 : i32
      %dma_wait3A_432 = tpu.memref_slice %arg4[%dma_wait3A_431] : memref<320000xi32, #tpu.memory_space<hbm>> -> memref<3200xi32, #tpu.memory_space<hbm>>
      tpu.wait_dma2 semaphore(%arg27 : memref<!tpu.dma_semaphore, #tpu.memory_space<semaphore_mem>>) src(%dma_wait3A_432 : memref<3200xi32, #tpu.memory_space<hbm>>) dst(%arg11 : memref<3200xi32, #tpu.memory_space<vmem>>)
      %add3A_433 = arith.constant 1 : i32
      %add3A_434 = arith.addi %scan3A_271, %add3A_433 : i32
      %lt3A = arith.constant 50 : i32
      %lt3A_435 = arith.cmpi slt, %add3A_434, %lt3A : i32
      %convert_element_type3A = arith.extui %lt3A_435 : i1 to i32
      %cond3A = arith.constant 0 : i32
      %cond3A_436 = arith.cmpi ne, %convert_element_type3A, %cond3A : i32
      scf.if %cond3A_436 {
        %mul3A_584 = arith.constant 2 : i32
        %mul3A_585 = arith.muli %mul3A_584, %scan3A_271 : i32
        %add3A_586 = arith.constant 2 : i32
        %add3A_587 = arith.addi %mul3A_585, %add3A_586 : i32
        %mul3A_588 = arith.constant 3200 : i32
        %mul3A_589 = arith.muli %add3A_587, %mul3A_588 : i32
        %dma_start3A_590 = tpu.memref_slice %arg3[%mul3A_589] : memref<320000xi32, #tpu.memory_space<hbm>> -> memref<3200xi32, #tpu.memory_space<hbm>>
        %dma_start3A_591 = tpu.memref_slice %arg3[%mul3A_589] : memref<320000xi32, #tpu.memory_space<hbm>> -> memref<3200xi32, #tpu.memory_space<hbm>>
        tpu.enqueue_dma source(%dma_start3A_591 : memref<3200xi32, #tpu.memory_space<hbm>>) target(%arg8 : memref<3200xi32, #tpu.memory_space<vmem>>) target_semaphore(%arg24 : memref<!tpu.dma_semaphore, #tpu.memory_space<semaphore_mem>>)
        %mul3A_592 = arith.constant 3200 : i32
        %mul3A_593 = arith.muli %add3A_587, %mul3A_592 : i32
        %dma_start3A_594 = tpu.memref_slice %arg4[%mul3A_593] : memref<320000xi32, #tpu.memory_space<hbm>> -> memref<3200xi32, #tpu.memory_space<hbm>>
        %dma_start3A_595 = tpu.memref_slice %arg4[%mul3A_593] : memref<320000xi32, #tpu.memory_space<hbm>> -> memref<3200xi32, #tpu.memory_space<hbm>>
        tpu.enqueue_dma source(%dma_start3A_595 : memref<3200xi32, #tpu.memory_space<hbm>>) target(%arg9 : memref<3200xi32, #tpu.memory_space<vmem>>) target_semaphore(%arg25 : memref<!tpu.dma_semaphore, #tpu.memory_space<semaphore_mem>>)
      } else {
      }
      %broadcast_in_dim3A_437 = arith.constant 0 : i32
      %broadcast_in_dim3A_438 = vector.broadcast %broadcast_in_dim3A_437 : i32 to vector<16xi32>
      %scan3A_439 = arith.constant 0 : i32
      %scan3A_440 = arith.constant 50 : i32
      %scan3A_441 = arith.addi %scan3A_439, %scan3A_440 : i32
      %scan3A_442 = arith.constant 1 : i32
      %scan3A_443 = scf.for %scan3A_584 = %scan3A_439 to %scan3A_441 step %scan3A_442 iter_args(%scan3A_585 = %broadcast_in_dim3A_438) -> (vector<16xi32>)  : i32 {
        %mul3A_586 = arith.constant 4 : i32
        %mul3A_587 = arith.muli %scan3A_584, %mul3A_586 : i32
        %mul3A_588 = arith.constant 16 : i32
        %mul3A_589 = arith.muli %mul3A_587, %mul3A_588 : i32
        %add3A_590 = arith.constant 0 : i32
        %add3A_591 = arith.addi %mul3A_589, %add3A_590 : i32
        %get3A_592 = arith.index_cast %add3A_591 : i32 to index
        %get3A_593 = tpu.vector_load %arg10[%get3A_592] {strides = array<i32>} : memref<3200xi32, #tpu.memory_space<vmem>>, vector<16xi32>,
        %get3A_594 = arith.index_cast %add3A_591 : i32 to index
        %get3A_595 = tpu.vector_load %arg11[%get3A_594] {strides = array<i32>} : memref<3200xi32, #tpu.memory_space<vmem>>, vector<16xi32>,
        %ge3A = vector.broadcast %mul3A_0 : i32 to vector<16xi32>
        %ge3A_596 = arith.cmpi sge, %get3A_595, %ge3A : vector<16xi32>
        %add3A_597 = arith.constant 640 : i32
        %add3A_598 = arith.addi %mul3A_0, %add3A_597 : i32
        %lt3A_599 = vector.broadcast %add3A_598 : i32 to vector<16xi32>
        %lt3A_600 = arith.cmpi slt, %get3A_595, %lt3A_599 : vector<16xi32>
        %and3A_601 = arith.andi %ge3A_596, %lt3A_600 : vector<16xi1>
        %convert_element_type3A_602 = arith.extui %and3A_601 : vector<16xi1> to vector<16xi32>
        %cumsum3A = arith.constant true
        %cumsum3A_603 = vector.broadcast %cumsum3A : i1 to vector<16xi1>
        %cumsum3A_604 = tpu.scan <sum>, %convert_element_type3A_602 masked %cumsum3A_603 : vector<16xi32>, vector<16xi1> -> vector<16xi32>
        %add3A_605 = arith.addi %scan3A_585, %cumsum3A_604 : vector<16xi32>
        %sub3A_606 = arith.constant 1 : i32
        %sub3A_607 = vector.broadcast %sub3A_606 : i32 to vector<16xi32>
        %sub3A_608 = arith.subi %add3A_605, %sub3A_607 : vector<16xi32>
        tpu.vector_store_idx %arg12[%sub3A_608], %get3A_593 masked %and3A_601 : memref<3264xi32, #tpu.memory_space<vmem>>[vector<16xi32>], vector<16xi32>, vector<16xi1>
        %sub3A_609 = vector.broadcast %mul3A_0 : i32 to vector<16xi32>
        %sub3A_610 = arith.subi %get3A_595, %sub3A_609 : vector<16xi32>
        tpu.vector_store_idx %arg13[%sub3A_608], %sub3A_610 masked %and3A_601 : memref<3264xi32, #tpu.memory_space<vmem>>[vector<16xi32>], vector<16xi32>, vector<16xi1>
        %all_reduce_population_count3A = tpu.all_reduce %and3A_601 {dim = 0 : i64, kind = #tpu.reduction_kind<sum>} : vector<16xi1> -> vector<16xi32>
        %add3A_611 = arith.addi %scan3A_585, %all_reduce_population_count3A : vector<16xi32>
        %mul3A_612 = arith.constant 4 : i32
        %mul3A_613 = arith.muli %scan3A_584, %mul3A_612 : i32
        %mul3A_614 = arith.constant 16 : i32
        %mul3A_615 = arith.muli %mul3A_613, %mul3A_614 : i32
        %add3A_616 = arith.constant 16 : i32
        %add3A_617 = arith.addi %mul3A_615, %add3A_616 : i32
        %get3A_618 = arith.index_cast %add3A_617 : i32 to index
        %get3A_619 = tpu.vector_load %arg10[%get3A_618] {strides = array<i32>} : memref<3200xi32, #tpu.memory_space<vmem>>, vector<16xi32>,
        %get3A_620 = arith.index_cast %add3A_617 : i32 to index
        %get3A_621 = tpu.vector_load %arg11[%get3A_620] {strides = array<i32>} : memref<3200xi32, #tpu.memory_space<vmem>>, vector<16xi32>,
        %ge3A_622 = vector.broadcast %mul3A_0 : i32 to vector<16xi32>
        %ge3A_623 = arith.cmpi sge, %get3A_621, %ge3A_622 : vector<16xi32>
        %add3A_624 = arith.constant 640 : i32
        %add3A_625 = arith.addi %mul3A_0, %add3A_624 : i32
        %lt3A_626 = vector.broadcast %add3A_625 : i32 to vector<16xi32>
        %lt3A_627 = arith.cmpi slt, %get3A_621, %lt3A_626 : vector<16xi32>
        %and3A_628 = arith.andi %ge3A_623, %lt3A_627 : vector<16xi1>
        %convert_element_type3A_629 = arith.extui %and3A_628 : vector<16xi1> to vector<16xi32>
        %cumsum3A_630 = arith.constant true
        %cumsum3A_631 = vector.broadcast %cumsum3A_630 : i1 to vector<16xi1>
        %cumsum3A_632 = tpu.scan <sum>, %convert_element_type3A_629 masked %cumsum3A_631 : vector<16xi32>, vector<16xi1> -> vector<16xi32>
        %add3A_633 = arith.addi %add3A_611, %cumsum3A_632 : vector<16xi32>
        %sub3A_634 = arith.constant 1 : i32
        %sub3A_635 = vector.broadcast %sub3A_634 : i32 to vector<16xi32>
        %sub3A_636 = arith.subi %add3A_633, %sub3A_635 : vector<16xi32>
        tpu.vector_store_idx %arg12[%sub3A_636], %get3A_619 masked %and3A_628 : memref<3264xi32, #tpu.memory_space<vmem>>[vector<16xi32>], vector<16xi32>, vector<16xi1>
        %sub3A_637 = vector.broadcast %mul3A_0 : i32 to vector<16xi32>
        %sub3A_638 = arith.subi %get3A_621, %sub3A_637 : vector<16xi32>
        tpu.vector_store_idx %arg13[%sub3A_636], %sub3A_638 masked %and3A_628 : memref<3264xi32, #tpu.memory_space<vmem>>[vector<16xi32>], vector<16xi32>, vector<16xi1>
        %all_reduce_population_count3A_639 = tpu.all_reduce %and3A_628 {dim = 0 : i64, kind = #tpu.reduction_kind<sum>} : vector<16xi1> -> vector<16xi32>
        %add3A_640 = arith.addi %add3A_611, %all_reduce_population_count3A_639 : vector<16xi32>
        %mul3A_641 = arith.constant 4 : i32
        %mul3A_642 = arith.muli %scan3A_584, %mul3A_641 : i32
        %mul3A_643 = arith.constant 16 : i32
        %mul3A_644 = arith.muli %mul3A_642, %mul3A_643 : i32
        %add3A_645 = arith.constant 32 : i32
        %add3A_646 = arith.addi %mul3A_644, %add3A_645 : i32
        %get3A_647 = arith.index_cast %add3A_646 : i32 to index
        %get3A_648 = tpu.vector_load %arg10[%get3A_647] {strides = array<i32>} : memref<3200xi32, #tpu.memory_space<vmem>>, vector<16xi32>,
        %get3A_649 = arith.index_cast %add3A_646 : i32 to index
        %get3A_650 = tpu.vector_load %arg11[%get3A_649] {strides = array<i32>} : memref<3200xi32, #tpu.memory_space<vmem>>, vector<16xi32>,
        %ge3A_651 = vector.broadcast %mul3A_0 : i32 to vector<16xi32>
        %ge3A_652 = arith.cmpi sge, %get3A_650, %ge3A_651 : vector<16xi32>
        %add3A_653 = arith.constant 640 : i32
        %add3A_654 = arith.addi %mul3A_0, %add3A_653 : i32
        %lt3A_655 = vector.broadcast %add3A_654 : i32 to vector<16xi32>
        %lt3A_656 = arith.cmpi slt, %get3A_650, %lt3A_655 : vector<16xi32>
        %and3A_657 = arith.andi %ge3A_652, %lt3A_656 : vector<16xi1>
        %convert_element_type3A_658 = arith.extui %and3A_657 : vector<16xi1> to vector<16xi32>
        %cumsum3A_659 = arith.constant true
        %cumsum3A_660 = vector.broadcast %cumsum3A_659 : i1 to vector<16xi1>
        %cumsum3A_661 = tpu.scan <sum>, %convert_element_type3A_658 masked %cumsum3A_660 : vector<16xi32>, vector<16xi1> -> vector<16xi32>
        %add3A_662 = arith.addi %add3A_640, %cumsum3A_661 : vector<16xi32>
        %sub3A_663 = arith.constant 1 : i32
        %sub3A_664 = vector.broadcast %sub3A_663 : i32 to vector<16xi32>
        %sub3A_665 = arith.subi %add3A_662, %sub3A_664 : vector<16xi32>
        tpu.vector_store_idx %arg12[%sub3A_665], %get3A_648 masked %and3A_657 : memref<3264xi32, #tpu.memory_space<vmem>>[vector<16xi32>], vector<16xi32>, vector<16xi1>
        %sub3A_666 = vector.broadcast %mul3A_0 : i32 to vector<16xi32>
        %sub3A_667 = arith.subi %get3A_650, %sub3A_666 : vector<16xi32>
        tpu.vector_store_idx %arg13[%sub3A_665], %sub3A_667 masked %and3A_657 : memref<3264xi32, #tpu.memory_space<vmem>>[vector<16xi32>], vector<16xi32>, vector<16xi1>
        %all_reduce_population_count3A_668 = tpu.all_reduce %and3A_657 {dim = 0 : i64, kind = #tpu.reduction_kind<sum>} : vector<16xi1> -> vector<16xi32>
        %add3A_669 = arith.addi %add3A_640, %all_reduce_population_count3A_668 : vector<16xi32>
        %mul3A_670 = arith.constant 4 : i32
        %mul3A_671 = arith.muli %scan3A_584, %mul3A_670 : i32
        %mul3A_672 = arith.constant 16 : i32
        %mul3A_673 = arith.muli %mul3A_671, %mul3A_672 : i32
        %add3A_674 = arith.constant 48 : i32
        %add3A_675 = arith.addi %mul3A_673, %add3A_674 : i32
        %get3A_676 = arith.index_cast %add3A_675 : i32 to index
        %get3A_677 = tpu.vector_load %arg10[%get3A_676] {strides = array<i32>} : memref<3200xi32, #tpu.memory_space<vmem>>, vector<16xi32>,
        %get3A_678 = arith.index_cast %add3A_675 : i32 to index
        %get3A_679 = tpu.vector_load %arg11[%get3A_678] {strides = array<i32>} : memref<3200xi32, #tpu.memory_space<vmem>>, vector<16xi32>,
        %ge3A_680 = vector.broadcast %mul3A_0 : i32 to vector<16xi32>
        %ge3A_681 = arith.cmpi sge, %get3A_679, %ge3A_680 : vector<16xi32>
        %add3A_682 = arith.constant 640 : i32
        %add3A_683 = arith.addi %mul3A_0, %add3A_682 : i32
        %lt3A_684 = vector.broadcast %add3A_683 : i32 to vector<16xi32>
        %lt3A_685 = arith.cmpi slt, %get3A_679, %lt3A_684 : vector<16xi32>
        %and3A_686 = arith.andi %ge3A_681, %lt3A_685 : vector<16xi1>
        %convert_element_type3A_687 = arith.extui %and3A_686 : vector<16xi1> to vector<16xi32>
        %cumsum3A_688 = arith.constant true
        %cumsum3A_689 = vector.broadcast %cumsum3A_688 : i1 to vector<16xi1>
        %cumsum3A_690 = tpu.scan <sum>, %convert_element_type3A_687 masked %cumsum3A_689 : vector<16xi32>, vector<16xi1> -> vector<16xi32>
        %add3A_691 = arith.addi %add3A_669, %cumsum3A_690 : vector<16xi32>
        %sub3A_692 = arith.constant 1 : i32
        %sub3A_693 = vector.broadcast %sub3A_692 : i32 to vector<16xi32>
        %sub3A_694 = arith.subi %add3A_691, %sub3A_693 : vector<16xi32>
        tpu.vector_store_idx %arg12[%sub3A_694], %get3A_677 masked %and3A_686 : memref<3264xi32, #tpu.memory_space<vmem>>[vector<16xi32>], vector<16xi32>, vector<16xi1>
        %sub3A_695 = vector.broadcast %mul3A_0 : i32 to vector<16xi32>
        %sub3A_696 = arith.subi %get3A_679, %sub3A_695 : vector<16xi32>
        tpu.vector_store_idx %arg13[%sub3A_694], %sub3A_696 masked %and3A_686 : memref<3264xi32, #tpu.memory_space<vmem>>[vector<16xi32>], vector<16xi32>, vector<16xi1>
        %all_reduce_population_count3A_697 = tpu.all_reduce %and3A_686 {dim = 0 : i64, kind = #tpu.reduction_kind<sum>} : vector<16xi1> -> vector<16xi32>
        %add3A_698 = arith.addi %add3A_669, %all_reduce_population_count3A_697 : vector<16xi32>
        scf.yield %add3A_698 : vector<16xi32>
      }
      %scan3A_444 = arith.constant 50 : i32
      %add3A_445 = arith.constant 0 : i32
      %add3A_446 = vector.broadcast %add3A_445 : i32 to vector<16xi32>
      %add3A_447 = arith.addi %scan3A_443, %add3A_446 : vector<16xi32>
      %add3A_448 = arith.addi %add3A_447, %iota3A : vector<16xi32>
      %broadcast_in_dim3A_449 = arith.constant 0 : i32
      %broadcast_in_dim3A_450 = vector.broadcast %broadcast_in_dim3A_449 : i32 to vector<16xi32>
      tpu.vector_store_idx %arg12[%add3A_448], %broadcast_in_dim3A_450 : memref<3264xi32, #tpu.memory_space<vmem>>[vector<16xi32>], vector<16xi32>,
      %broadcast_in_dim3A_451 = arith.constant 640 : i32
      %broadcast_in_dim3A_452 = vector.broadcast %broadcast_in_dim3A_451 : i32 to vector<16xi32>
      tpu.vector_store_idx %arg13[%add3A_448], %broadcast_in_dim3A_452 : memref<3264xi32, #tpu.memory_space<vmem>>[vector<16xi32>], vector<16xi32>,
      %add3A_453 = arith.constant 16 : i32
      %add3A_454 = vector.broadcast %add3A_453 : i32 to vector<16xi32>
      %add3A_455 = arith.addi %scan3A_443, %add3A_454 : vector<16xi32>
      %add3A_456 = arith.addi %add3A_455, %iota3A : vector<16xi32>
      %broadcast_in_dim3A_457 = arith.constant 0 : i32
      %broadcast_in_dim3A_458 = vector.broadcast %broadcast_in_dim3A_457 : i32 to vector<16xi32>
      tpu.vector_store_idx %arg12[%add3A_456], %broadcast_in_dim3A_458 : memref<3264xi32, #tpu.memory_space<vmem>>[vector<16xi32>], vector<16xi32>,
      %broadcast_in_dim3A_459 = arith.constant 640 : i32
      %broadcast_in_dim3A_460 = vector.broadcast %broadcast_in_dim3A_459 : i32 to vector<16xi32>
      tpu.vector_store_idx %arg13[%add3A_456], %broadcast_in_dim3A_460 : memref<3264xi32, #tpu.memory_space<vmem>>[vector<16xi32>], vector<16xi32>,
      %reduce_max3A_461 = arith.constant true
      %reduce_max3A_462 = vector.broadcast %reduce_max3A_461 : i1 to vector<16xi1>
      %reduce_max3A_463 = arith.constant -2147483648 : i32
      %reduce_max3A_464 = vector.broadcast %reduce_max3A_463 : i32 to vector<16xi32>
      %reduce_max3A_465 = arith.xori %scan3A_443, %reduce_max3A_464 : vector<16xi32>
      %reduce_max3A_466 = tpu.scan <max>, %reduce_max3A_465 masked %reduce_max3A_462 : vector<16xi32>, vector<16xi1> -> vector<16xi32>
      %reduce_max3A_467 = arith.xori %reduce_max3A_466, %reduce_max3A_464 : vector<16xi32>
      %reduce_max3A_468 = vector.extract %reduce_max3A_467[15] : i32 from vector<16xi32>
      %add3A_469 = arith.constant 15 : i32
      %add3A_470 = arith.addi %reduce_max3A_468, %add3A_469 : i32
      %jit3A_471 = arith.constant 8 : i32
      %div3A_472 = arith.divsi %add3A_470, %jit3A_471 : i32
      %sign3A_473 = arith.constant 0 : i32
      %sign3A_474 = arith.cmpi sgt, %add3A_470, %sign3A_473 : i32
      %sign3A_475 = arith.extui %sign3A_474 : i1 to i32
      %sign3A_476 = arith.constant 0 : i32
      %sign3A_477 = arith.cmpi slt, %add3A_470, %sign3A_476 : i32
      %sign3A_478 = arith.extui %sign3A_477 : i1 to i32
      %sign3A_479 = arith.subi %sign3A_475, %sign3A_478 : i32
      %sign3A_480 = arith.constant 0 : i32
      %sign3A_481 = arith.cmpi sgt, %jit3A_471, %sign3A_480 : i32
      %sign3A_482 = arith.extui %sign3A_481 : i1 to i32
      %sign3A_483 = arith.constant 0 : i32
      %sign3A_484 = arith.cmpi slt, %jit3A_471, %sign3A_483 : i32
      %sign3A_485 = arith.extui %sign3A_484 : i1 to i32
      %sign3A_486 = arith.subi %sign3A_482, %sign3A_485 : i32
      %ne3A_487 = arith.cmpi ne, %sign3A_479, %sign3A_486 : i32
      %rem3A_488 = arith.remsi %add3A_470, %jit3A_471 : i32
      %ne3A_489 = arith.constant 0 : i32
      %ne3A_490 = arith.cmpi ne, %rem3A_488, %ne3A_489 : i32
      %and3A_491 = arith.andi %ne3A_487, %ne3A_490 : i1
      %sub3A_492 = arith.constant 1 : i32
      %sub3A_493 = arith.subi %div3A_472, %sub3A_492 : i32
      %select_n3A_494 = arith.select %and3A_491, %sub3A_493, %div3A_472 : i32
      %mul3A_495 = arith.constant 8 : i32
      %mul3A_496 = arith.muli %mul3A_495, %select_n3A_494 : i32
      %get3A_497 = arith.constant 0 : index
      %get3A_498 = tpu.vector_load %arg12[%get3A_497] {strides = array<i32>} : memref<3264xi32, #tpu.memory_space<vmem>>, vector<16xi32>,
      %slice3A_499 = vector.extract_strided_slice %get3A_498 {offsets = [0], sizes = [1], strides = [1]} : vector<16xi32> to vector<1xi32>
      %squeeze3A_500 = vector.extract %slice3A_499[0] : i32 from vector<1xi32>
      %mul3A_501 = arith.constant 64 : i32
      %mul3A_502 = arith.muli %squeeze3A_500, %mul3A_501 : i32
      %dma_start3A_503 = tpu.memref_slice %arg23[%mul3A_502] : memref<655360xf32, #tpu.memory_space<vmem_shared>> -> memref<64xf32, #tpu.memory_space<vmem_shared>>
      %dma_start3A_504 = tpu.memref_slice %arg23[%mul3A_502] : memref<655360xf32, #tpu.memory_space<vmem_shared>> -> memref<64xf32, #tpu.memory_space<vmem_shared>>
      tpu.enqueue_dma source(%dma_start3A_504 : memref<64xf32, #tpu.memory_space<vmem_shared>>) target(%arg15 : memref<64xf32, #tpu.memory_space<vmem>>) target_semaphore(%arg28 : memref<!tpu.dma_semaphore, #tpu.memory_space<semaphore_mem>>)
      %slice3A_505 = vector.extract_strided_slice %get3A_498 {offsets = [1], sizes = [1], strides = [1]} : vector<16xi32> to vector<1xi32>
      %squeeze3A_506 = vector.extract %slice3A_505[0] : i32 from vector<1xi32>
      %mul3A_507 = arith.constant 64 : i32
      %mul3A_508 = arith.muli %squeeze3A_506, %mul3A_507 : i32
      %dma_start3A_509 = tpu.memref_slice %arg23[%mul3A_508] : memref<655360xf32, #tpu.memory_space<vmem_shared>> -> memref<64xf32, #tpu.memory_space<vmem_shared>>
      %dma_start3A_510 = tpu.memref_slice %arg23[%mul3A_508] : memref<655360xf32, #tpu.memory_space<vmem_shared>> -> memref<64xf32, #tpu.memory_space<vmem_shared>>
      tpu.enqueue_dma source(%dma_start3A_510 : memref<64xf32, #tpu.memory_space<vmem_shared>>) target(%arg16 : memref<64xf32, #tpu.memory_space<vmem>>) target_semaphore(%arg29 : memref<!tpu.dma_semaphore, #tpu.memory_space<semaphore_mem>>)
      %slice3A_511 = vector.extract_strided_slice %get3A_498 {offsets = [2], sizes = [1], strides = [1]} : vector<16xi32> to vector<1xi32>
      %squeeze3A_512 = vector.extract %slice3A_511[0] : i32 from vector<1xi32>
      %mul3A_513 = arith.constant 64 : i32
      %mul3A_514 = arith.muli %squeeze3A_512, %mul3A_513 : i32
      %dma_start3A_515 = tpu.memref_slice %arg23[%mul3A_514] : memref<655360xf32, #tpu.memory_space<vmem_shared>> -> memref<64xf32, #tpu.memory_space<vmem_shared>>
      %dma_start3A_516 = tpu.memref_slice %arg23[%mul3A_514] : memref<655360xf32, #tpu.memory_space<vmem_shared>> -> memref<64xf32, #tpu.memory_space<vmem_shared>>
      tpu.enqueue_dma source(%dma_start3A_516 : memref<64xf32, #tpu.memory_space<vmem_shared>>) target(%arg17 : memref<64xf32, #tpu.memory_space<vmem>>) target_semaphore(%arg30 : memref<!tpu.dma_semaphore, #tpu.memory_space<semaphore_mem>>)
      %slice3A_517 = vector.extract_strided_slice %get3A_498 {offsets = [3], sizes = [1], strides = [1]} : vector<16xi32> to vector<1xi32>
      %squeeze3A_518 = vector.extract %slice3A_517[0] : i32 from vector<1xi32>
      %mul3A_519 = arith.constant 64 : i32
      %mul3A_520 = arith.muli %squeeze3A_518, %mul3A_519 : i32
      %dma_start3A_521 = tpu.memref_slice %arg23[%mul3A_520] : memref<655360xf32, #tpu.memory_space<vmem_shared>> -> memref<64xf32, #tpu.memory_space<vmem_shared>>
      %dma_start3A_522 = tpu.memref_slice %arg23[%mul3A_520] : memref<655360xf32, #tpu.memory_space<vmem_shared>> -> memref<64xf32, #tpu.memory_space<vmem_shared>>
      tpu.enqueue_dma source(%dma_start3A_522 : memref<64xf32, #tpu.memory_space<vmem_shared>>) target(%arg18 : memref<64xf32, #tpu.memory_space<vmem>>) target_semaphore(%arg31 : memref<!tpu.dma_semaphore, #tpu.memory_space<semaphore_mem>>)
      %slice3A_523 = vector.extract_strided_slice %get3A_498 {offsets = [4], sizes = [1], strides = [1]} : vector<16xi32> to vector<1xi32>
      %squeeze3A_524 = vector.extract %slice3A_523[0] : i32 from vector<1xi32>
      %mul3A_525 = arith.constant 64 : i32
      %mul3A_526 = arith.muli %squeeze3A_524, %mul3A_525 : i32
      %dma_start3A_527 = tpu.memref_slice %arg23[%mul3A_526] : memref<655360xf32, #tpu.memory_space<vmem_shared>> -> memref<64xf32, #tpu.memory_space<vmem_shared>>
      %dma_start3A_528 = tpu.memref_slice %arg23[%mul3A_526] : memref<655360xf32, #tpu.memory_space<vmem_shared>> -> memref<64xf32, #tpu.memory_space<vmem_shared>>
      tpu.enqueue_dma source(%dma_start3A_528 : memref<64xf32, #tpu.memory_space<vmem_shared>>) target(%arg19 : memref<64xf32, #tpu.memory_space<vmem>>) target_semaphore(%arg32 : memref<!tpu.dma_semaphore, #tpu.memory_space<semaphore_mem>>)
      %slice3A_529 = vector.extract_strided_slice %get3A_498 {offsets = [5], sizes = [1], strides = [1]} : vector<16xi32> to vector<1xi32>
      %squeeze3A_530 = vector.extract %slice3A_529[0] : i32 from vector<1xi32>
      %mul3A_531 = arith.constant 64 : i32
      %mul3A_532 = arith.muli %squeeze3A_530, %mul3A_531 : i32
      %dma_start3A_533 = tpu.memref_slice %arg23[%mul3A_532] : memref<655360xf32, #tpu.memory_space<vmem_shared>> -> memref<64xf32, #tpu.memory_space<vmem_shared>>
      %dma_start3A_534 = tpu.memref_slice %arg23[%mul3A_532] : memref<655360xf32, #tpu.memory_space<vmem_shared>> -> memref<64xf32, #tpu.memory_space<vmem_shared>>
      tpu.enqueue_dma source(%dma_start3A_534 : memref<64xf32, #tpu.memory_space<vmem_shared>>) target(%arg20 : memref<64xf32, #tpu.memory_space<vmem>>) target_semaphore(%arg33 : memref<!tpu.dma_semaphore, #tpu.memory_space<semaphore_mem>>)
      %slice3A_535 = vector.extract_strided_slice %get3A_498 {offsets = [6], sizes = [1], strides = [1]} : vector<16xi32> to vector<1xi32>
      %squeeze3A_536 = vector.extract %slice3A_535[0] : i32 from vector<1xi32>
      %mul3A_537 = arith.constant 64 : i32
      %mul3A_538 = arith.muli %squeeze3A_536, %mul3A_537 : i32
      %dma_start3A_539 = tpu.memref_slice %arg23[%mul3A_538] : memref<655360xf32, #tpu.memory_space<vmem_shared>> -> memref<64xf32, #tpu.memory_space<vmem_shared>>
      %dma_start3A_540 = tpu.memref_slice %arg23[%mul3A_538] : memref<655360xf32, #tpu.memory_space<vmem_shared>> -> memref<64xf32, #tpu.memory_space<vmem_shared>>
      tpu.enqueue_dma source(%dma_start3A_540 : memref<64xf32, #tpu.memory_space<vmem_shared>>) target(%arg21 : memref<64xf32, #tpu.memory_space<vmem>>) target_semaphore(%arg34 : memref<!tpu.dma_semaphore, #tpu.memory_space<semaphore_mem>>)
      %slice3A_541 = vector.extract_strided_slice %get3A_498 {offsets = [7], sizes = [1], strides = [1]} : vector<16xi32> to vector<1xi32>
      %squeeze3A_542 = vector.extract %slice3A_541[0] : i32 from vector<1xi32>
      %mul3A_543 = arith.constant 64 : i32
      %mul3A_544 = arith.muli %squeeze3A_542, %mul3A_543 : i32
      %dma_start3A_545 = tpu.memref_slice %arg23[%mul3A_544] : memref<655360xf32, #tpu.memory_space<vmem_shared>> -> memref<64xf32, #tpu.memory_space<vmem_shared>>
      %dma_start3A_546 = tpu.memref_slice %arg23[%mul3A_544] : memref<655360xf32, #tpu.memory_space<vmem_shared>> -> memref<64xf32, #tpu.memory_space<vmem_shared>>
      tpu.enqueue_dma source(%dma_start3A_546 : memref<64xf32, #tpu.memory_space<vmem_shared>>) target(%arg22 : memref<64xf32, #tpu.memory_space<vmem>>) target_semaphore(%arg35 : memref<!tpu.dma_semaphore, #tpu.memory_space<semaphore_mem>>)
      %jit3A_547 = arith.constant 8 : i32
      %div3A_548 = arith.divsi %mul3A_496, %jit3A_547 : i32
      %sign3A_549 = arith.constant 0 : i32
      %sign3A_550 = arith.cmpi sgt, %mul3A_496, %sign3A_549 : i32
      %sign3A_551 = arith.extui %sign3A_550 : i1 to i32
      %sign3A_552 = arith.constant 0 : i32
      %sign3A_553 = arith.cmpi slt, %mul3A_496, %sign3A_552 : i32
      %sign3A_554 = arith.extui %sign3A_553 : i1 to i32
      %sign3A_555 = arith.subi %sign3A_551, %sign3A_554 : i32
      %sign3A_556 = arith.constant 0 : i32
      %sign3A_557 = arith.cmpi sgt, %jit3A_547, %sign3A_556 : i32
      %sign3A_558 = arith.extui %sign3A_557 : i1 to i32
      %sign3A_559 = arith.constant 0 : i32
      %sign3A_560 = arith.cmpi slt, %jit3A_547, %sign3A_559 : i32
      %sign3A_561 = arith.extui %sign3A_560 : i1 to i32
      %sign3A_562 = arith.subi %sign3A_558, %sign3A_561 : i32
      %ne3A_563 = arith.cmpi ne, %sign3A_555, %sign3A_562 : i32
      %rem3A_564 = arith.remsi %mul3A_496, %jit3A_547 : i32
      %ne3A_565 = arith.constant 0 : i32
      %ne3A_566 = arith.cmpi ne, %rem3A_564, %ne3A_565 : i32
      %and3A_567 = arith.andi %ne3A_563, %ne3A_566 : i1
      %sub3A_568 = arith.constant 1 : i32
      %sub3A_569 = arith.subi %div3A_548, %sub3A_568 : i32
      %select_n3A_570 = arith.select %and3A_567, %sub3A_569, %div3A_548 : i32
      %while3A_571 = arith.constant 0 : i32
      %while3A_572 = arith.constant 0 : i32
      %while3A_573 = arith.subi %select_n3A_570, %while3A_571 : i32
      %while3A_574 = arith.addi %while3A_571, %while3A_573 : i32
      %while3A_575 = arith.constant 1 : i32
      %while3A_576 = arith.divsi %while3A_573, %while3A_575 : i32
      %while3A_577 = arith.muli %while3A_576, %while3A_575 : i32
      %while3A_578 = arith.addi %while3A_571, %while3A_577 : i32
      %while3A_579 = arith.constant 1 : i32
      %while3A_580 = scf.for %while3A_584 = %while3A_571 to %while3A_578 step %while3A_579 iter_args(%while3A_585 = %while3A_572) -> (i32)  : i32 {
        %mul3A_586 = arith.constant 8 : i32
        %mul3A_587 = arith.muli %mul3A_586, %while3A_584 : i32
        %add3A_588 = arith.constant 8 : i32
        %add3A_589 = arith.addi %mul3A_587, %add3A_588 : i32
        %get3A_590 = arith.index_cast %add3A_589 : i32 to index
        %get3A_591 = tpu.vector_load %arg12[%get3A_590] {strides = array<i32>} : memref<3264xi32, #tpu.memory_space<vmem>>, vector<16xi32>,
        %slice3A_592 = vector.extract_strided_slice %get3A_591 {offsets = [0], sizes = [1], strides = [1]} : vector<16xi32> to vector<1xi32>
        %squeeze3A_593 = vector.extract %slice3A_592[0] : i32 from vector<1xi32>
        %slice3A_594 = vector.extract_strided_slice %get3A_591 {offsets = [1], sizes = [1], strides = [1]} : vector<16xi32> to vector<1xi32>
        %squeeze3A_595 = vector.extract %slice3A_594[0] : i32 from vector<1xi32>
        %slice3A_596 = vector.extract_strided_slice %get3A_591 {offsets = [2], sizes = [1], strides = [1]} : vector<16xi32> to vector<1xi32>
        %squeeze3A_597 = vector.extract %slice3A_596[0] : i32 from vector<1xi32>
        %slice3A_598 = vector.extract_strided_slice %get3A_591 {offsets = [3], sizes = [1], strides = [1]} : vector<16xi32> to vector<1xi32>
        %squeeze3A_599 = vector.extract %slice3A_598[0] : i32 from vector<1xi32>
        %slice3A_600 = vector.extract_strided_slice %get3A_591 {offsets = [4], sizes = [1], strides = [1]} : vector<16xi32> to vector<1xi32>
        %squeeze3A_601 = vector.extract %slice3A_600[0] : i32 from vector<1xi32>
        %slice3A_602 = vector.extract_strided_slice %get3A_591 {offsets = [5], sizes = [1], strides = [1]} : vector<16xi32> to vector<1xi32>
        %squeeze3A_603 = vector.extract %slice3A_602[0] : i32 from vector<1xi32>
        %slice3A_604 = vector.extract_strided_slice %get3A_591 {offsets = [6], sizes = [1], strides = [1]} : vector<16xi32> to vector<1xi32>
        %squeeze3A_605 = vector.extract %slice3A_604[0] : i32 from vector<1xi32>
        %slice3A_606 = vector.extract_strided_slice %get3A_591 {offsets = [7], sizes = [1], strides = [1]} : vector<16xi32> to vector<1xi32>
        %squeeze3A_607 = vector.extract %slice3A_606[0] : i32 from vector<1xi32>
        %dma_wait3A_608 = arith.constant 0 : i32
        %dma_wait3A_609 = tpu.memref_slice %arg23[%dma_wait3A_608] : memref<655360xf32, #tpu.memory_space<vmem_shared>> -> memref<64xf32, #tpu.memory_space<vmem_shared>>
        %dma_wait3A_610 = arith.constant 0 : i32
        %dma_wait3A_611 = tpu.memref_slice %arg23[%dma_wait3A_610] : memref<655360xf32, #tpu.memory_space<vmem_shared>> -> memref<64xf32, #tpu.memory_space<vmem_shared>>
        tpu.wait_dma2 semaphore(%arg28 : memref<!tpu.dma_semaphore, #tpu.memory_space<semaphore_mem>>) src(%dma_wait3A_611 : memref<64xf32, #tpu.memory_space<vmem_shared>>) dst(%arg15 : memref<64xf32, #tpu.memory_space<vmem>>)
        %add3A_612 = arith.constant 0 : i32
        %add3A_613 = arith.addi %mul3A_587, %add3A_612 : i32
        %broadcast_in_dim3A_614 = vector.broadcast %add3A_613 : i32 to vector<16xi32>
        %gather3A = tpu.vector_load_idx %arg13[%broadcast_in_dim3A_614] : memref<3264xi32, #tpu.memory_space<vmem>>[vector<16xi32>], vector<16xi32>,
        %mul3A_615 = arith.constant 64 : i32
        %mul3A_616 = vector.broadcast %mul3A_615 : i32 to vector<16xi32>
        %mul3A_617 = arith.muli %gather3A, %mul3A_616 : vector<16xi32>
        %add3A_618 = arith.addi %mul3A_617, %iota3A : vector<16xi32>
        %add3A_619 = arith.constant 0 : i32
        %add3A_620 = vector.broadcast %add3A_619 : i32 to vector<16xi32>
        %add3A_621 = arith.addi %add3A_618, %add3A_620 : vector<16xi32>
        %gather3A_622 = tpu.vector_load_idx %arg7[%add3A_621] : memref<41024xf32, #tpu.memory_space<vmem>>[vector<16xi32>], vector<16xf32>,
        %add3A_623 = arith.constant 16 : i32
        %add3A_624 = vector.broadcast %add3A_623 : i32 to vector<16xi32>
        %add3A_625 = arith.addi %add3A_618, %add3A_624 : vector<16xi32>
        %gather3A_626 = tpu.vector_load_idx %arg7[%add3A_625] : memref<41024xf32, #tpu.memory_space<vmem>>[vector<16xi32>], vector<16xf32>,
        %add3A_627 = arith.constant 32 : i32
        %add3A_628 = vector.broadcast %add3A_627 : i32 to vector<16xi32>
        %add3A_629 = arith.addi %add3A_618, %add3A_628 : vector<16xi32>
        %gather3A_630 = tpu.vector_load_idx %arg7[%add3A_629] : memref<41024xf32, #tpu.memory_space<vmem>>[vector<16xi32>], vector<16xf32>,
        %add3A_631 = arith.constant 48 : i32
        %add3A_632 = vector.broadcast %add3A_631 : i32 to vector<16xi32>
        %add3A_633 = arith.addi %add3A_618, %add3A_632 : vector<16xi32>
        %gather3A_634 = tpu.vector_load_idx %arg7[%add3A_633] : memref<41024xf32, #tpu.memory_space<vmem>>[vector<16xi32>], vector<16xf32>,
        %get3A_635 = arith.constant 0 : index
        %get3A_636 = tpu.vector_load %arg15[%get3A_635] {strides = array<i32>} : memref<64xf32, #tpu.memory_space<vmem>>, vector<16xf32>,
        %get3A_637 = arith.constant 16 : index
        %get3A_638 = tpu.vector_load %arg15[%get3A_637] {strides = array<i32>} : memref<64xf32, #tpu.memory_space<vmem>>, vector<16xf32>,
        %get3A_639 = arith.constant 32 : index
        %get3A_640 = tpu.vector_load %arg15[%get3A_639] {strides = array<i32>} : memref<64xf32, #tpu.memory_space<vmem>>, vector<16xf32>,
        %get3A_641 = arith.constant 48 : index
        %get3A_642 = tpu.vector_load %arg15[%get3A_641] {strides = array<i32>} : memref<64xf32, #tpu.memory_space<vmem>>, vector<16xf32>,
        %add3A_643 = arith.constant 0 : i32
        %add3A_644 = vector.broadcast %add3A_643 : i32 to vector<16xi32>
        %add3A_645 = arith.addi %add3A_618, %add3A_644 : vector<16xi32>
        %min3A = arith.minimumf %gather3A_622, %get3A_636 : vector<16xf32>
        tpu.vector_store_idx %arg7[%add3A_645], %min3A : memref<41024xf32, #tpu.memory_space<vmem>>[vector<16xi32>], vector<16xf32>,
        %add3A_646 = arith.constant 16 : i32
        %add3A_647 = vector.broadcast %add3A_646 : i32 to vector<16xi32>
        %add3A_648 = arith.addi %add3A_618, %add3A_647 : vector<16xi32>
        %min3A_649 = arith.minimumf %gather3A_626, %get3A_638 : vector<16xf32>
        tpu.vector_store_idx %arg7[%add3A_648], %min3A_649 : memref<41024xf32, #tpu.memory_space<vmem>>[vector<16xi32>], vector<16xf32>,
        %add3A_650 = arith.constant 32 : i32
        %add3A_651 = vector.broadcast %add3A_650 : i32 to vector<16xi32>
        %add3A_652 = arith.addi %add3A_618, %add3A_651 : vector<16xi32>
        %min3A_653 = arith.minimumf %gather3A_630, %get3A_640 : vector<16xf32>
        tpu.vector_store_idx %arg7[%add3A_652], %min3A_653 : memref<41024xf32, #tpu.memory_space<vmem>>[vector<16xi32>], vector<16xf32>,
        %add3A_654 = arith.constant 48 : i32
        %add3A_655 = vector.broadcast %add3A_654 : i32 to vector<16xi32>
        %add3A_656 = arith.addi %add3A_618, %add3A_655 : vector<16xi32>
        %min3A_657 = arith.minimumf %gather3A_634, %get3A_642 : vector<16xf32>
        tpu.vector_store_idx %arg7[%add3A_656], %min3A_657 : memref<41024xf32, #tpu.memory_space<vmem>>[vector<16xi32>], vector<16xf32>,
        %add3A_658 = arith.constant 8 : i32
        %add3A_659 = arith.addi %mul3A_587, %add3A_658 : i32
        %add3A_660 = arith.constant 0 : i32
        %add3A_661 = arith.addi %add3A_659, %add3A_660 : i32
        %lt3A_662 = arith.cmpi slt, %add3A_661, %mul3A_496 : i32
        %convert_element_type3A_663 = arith.extui %lt3A_662 : i1 to i32
        %cond3A_664 = arith.constant 0 : i32
        %cond3A_665 = arith.cmpi ne, %convert_element_type3A_663, %cond3A_664 : i32
        scf.if %cond3A_665 {
          %mul3A_1087 = arith.constant 64 : i32
          %mul3A_1088 = arith.muli %squeeze3A_593, %mul3A_1087 : i32
          %dma_start3A_1089 = tpu.memref_slice %arg23[%mul3A_1088] : memref<655360xf32, #tpu.memory_space<vmem_shared>> -> memref<64xf32, #tpu.memory_space<vmem_shared>>
          %dma_start3A_1090 = tpu.memref_slice %arg23[%mul3A_1088] : memref<655360xf32, #tpu.memory_space<vmem_shared>> -> memref<64xf32, #tpu.memory_space<vmem_shared>>
          tpu.enqueue_dma source(%dma_start3A_1090 : memref<64xf32, #tpu.memory_space<vmem_shared>>) target(%arg15 : memref<64xf32, #tpu.memory_space<vmem>>) target_semaphore(%arg28 : memref<!tpu.dma_semaphore, #tpu.memory_space<semaphore_mem>>)
        } else {
        }
        %dma_wait3A_666 = arith.constant 0 : i32
        %dma_wait3A_667 = tpu.memref_slice %arg23[%dma_wait3A_666] : memref<655360xf32, #tpu.memory_space<vmem_shared>> -> memref<64xf32, #tpu.memory_space<vmem_shared>>
        %dma_wait3A_668 = arith.constant 0 : i32
        %dma_wait3A_669 = tpu.memref_slice %arg23[%dma_wait3A_668] : memref<655360xf32, #tpu.memory_space<vmem_shared>> -> memref<64xf32, #tpu.memory_space<vmem_shared>>
        tpu.wait_dma2 semaphore(%arg29 : memref<!tpu.dma_semaphore, #tpu.memory_space<semaphore_mem>>) src(%dma_wait3A_669 : memref<64xf32, #tpu.memory_space<vmem_shared>>) dst(%arg16 : memref<64xf32, #tpu.memory_space<vmem>>)
        %add3A_670 = arith.constant 1 : i32
        %add3A_671 = arith.addi %mul3A_587, %add3A_670 : i32
        %broadcast_in_dim3A_672 = vector.broadcast %add3A_671 : i32 to vector<16xi32>
        %gather3A_673 = tpu.vector_load_idx %arg13[%broadcast_in_dim3A_672] : memref<3264xi32, #tpu.memory_space<vmem>>[vector<16xi32>], vector<16xi32>,
        %mul3A_674 = arith.constant 64 : i32
        %mul3A_675 = vector.broadcast %mul3A_674 : i32 to vector<16xi32>
        %mul3A_676 = arith.muli %gather3A_673, %mul3A_675 : vector<16xi32>
        %add3A_677 = arith.addi %mul3A_676, %iota3A : vector<16xi32>
        %add3A_678 = arith.constant 0 : i32
        %add3A_679 = vector.broadcast %add3A_678 : i32 to vector<16xi32>
        %add3A_680 = arith.addi %add3A_677, %add3A_679 : vector<16xi32>
        %gather3A_681 = tpu.vector_load_idx %arg7[%add3A_680] : memref<41024xf32, #tpu.memory_space<vmem>>[vector<16xi32>], vector<16xf32>,
        %add3A_682 = arith.constant 16 : i32
        %add3A_683 = vector.broadcast %add3A_682 : i32 to vector<16xi32>
        %add3A_684 = arith.addi %add3A_677, %add3A_683 : vector<16xi32>
        %gather3A_685 = tpu.vector_load_idx %arg7[%add3A_684] : memref<41024xf32, #tpu.memory_space<vmem>>[vector<16xi32>], vector<16xf32>,
        %add3A_686 = arith.constant 32 : i32
        %add3A_687 = vector.broadcast %add3A_686 : i32 to vector<16xi32>
        %add3A_688 = arith.addi %add3A_677, %add3A_687 : vector<16xi32>
        %gather3A_689 = tpu.vector_load_idx %arg7[%add3A_688] : memref<41024xf32, #tpu.memory_space<vmem>>[vector<16xi32>], vector<16xf32>,
        %add3A_690 = arith.constant 48 : i32
        %add3A_691 = vector.broadcast %add3A_690 : i32 to vector<16xi32>
        %add3A_692 = arith.addi %add3A_677, %add3A_691 : vector<16xi32>
        %gather3A_693 = tpu.vector_load_idx %arg7[%add3A_692] : memref<41024xf32, #tpu.memory_space<vmem>>[vector<16xi32>], vector<16xf32>,
        %get3A_694 = arith.constant 0 : index
        %get3A_695 = tpu.vector_load %arg16[%get3A_694] {strides = array<i32>} : memref<64xf32, #tpu.memory_space<vmem>>, vector<16xf32>,
        %get3A_696 = arith.constant 16 : index
        %get3A_697 = tpu.vector_load %arg16[%get3A_696] {strides = array<i32>} : memref<64xf32, #tpu.memory_space<vmem>>, vector<16xf32>,
        %get3A_698 = arith.constant 32 : index
        %get3A_699 = tpu.vector_load %arg16[%get3A_698] {strides = array<i32>} : memref<64xf32, #tpu.memory_space<vmem>>, vector<16xf32>,
        %get3A_700 = arith.constant 48 : index
        %get3A_701 = tpu.vector_load %arg16[%get3A_700] {strides = array<i32>} : memref<64xf32, #tpu.memory_space<vmem>>, vector<16xf32>,
        %add3A_702 = arith.constant 0 : i32
        %add3A_703 = vector.broadcast %add3A_702 : i32 to vector<16xi32>
        %add3A_704 = arith.addi %add3A_677, %add3A_703 : vector<16xi32>
        %min3A_705 = arith.minimumf %gather3A_681, %get3A_695 : vector<16xf32>
        tpu.vector_store_idx %arg7[%add3A_704], %min3A_705 : memref<41024xf32, #tpu.memory_space<vmem>>[vector<16xi32>], vector<16xf32>,
        %add3A_706 = arith.constant 16 : i32
        %add3A_707 = vector.broadcast %add3A_706 : i32 to vector<16xi32>
        %add3A_708 = arith.addi %add3A_677, %add3A_707 : vector<16xi32>
        %min3A_709 = arith.minimumf %gather3A_685, %get3A_697 : vector<16xf32>
        tpu.vector_store_idx %arg7[%add3A_708], %min3A_709 : memref<41024xf32, #tpu.memory_space<vmem>>[vector<16xi32>], vector<16xf32>,
        %add3A_710 = arith.constant 32 : i32
        %add3A_711 = vector.broadcast %add3A_710 : i32 to vector<16xi32>
        %add3A_712 = arith.addi %add3A_677, %add3A_711 : vector<16xi32>
        %min3A_713 = arith.minimumf %gather3A_689, %get3A_699 : vector<16xf32>
        tpu.vector_store_idx %arg7[%add3A_712], %min3A_713 : memref<41024xf32, #tpu.memory_space<vmem>>[vector<16xi32>], vector<16xf32>,
        %add3A_714 = arith.constant 48 : i32
        %add3A_715 = vector.broadcast %add3A_714 : i32 to vector<16xi32>
        %add3A_716 = arith.addi %add3A_677, %add3A_715 : vector<16xi32>
        %min3A_717 = arith.minimumf %gather3A_693, %get3A_701 : vector<16xf32>
        tpu.vector_store_idx %arg7[%add3A_716], %min3A_717 : memref<41024xf32, #tpu.memory_space<vmem>>[vector<16xi32>], vector<16xf32>,
        %add3A_718 = arith.constant 8 : i32
        %add3A_719 = arith.addi %mul3A_587, %add3A_718 : i32
        %add3A_720 = arith.constant 1 : i32
        %add3A_721 = arith.addi %add3A_719, %add3A_720 : i32
        %lt3A_722 = arith.cmpi slt, %add3A_721, %mul3A_496 : i32
        %convert_element_type3A_723 = arith.extui %lt3A_722 : i1 to i32
        %cond3A_724 = arith.constant 0 : i32
        %cond3A_725 = arith.cmpi ne, %convert_element_type3A_723, %cond3A_724 : i32
        scf.if %cond3A_725 {
          %mul3A_1087 = arith.constant 64 : i32
          %mul3A_1088 = arith.muli %squeeze3A_595, %mul3A_1087 : i32
          %dma_start3A_1089 = tpu.memref_slice %arg23[%mul3A_1088] : memref<655360xf32, #tpu.memory_space<vmem_shared>> -> memref<64xf32, #tpu.memory_space<vmem_shared>>
          %dma_start3A_1090 = tpu.memref_slice %arg23[%mul3A_1088] : memref<655360xf32, #tpu.memory_space<vmem_shared>> -> memref<64xf32, #tpu.memory_space<vmem_shared>>
          tpu.enqueue_dma source(%dma_start3A_1090 : memref<64xf32, #tpu.memory_space<vmem_shared>>) target(%arg16 : memref<64xf32, #tpu.memory_space<vmem>>) target_semaphore(%arg29 : memref<!tpu.dma_semaphore, #tpu.memory_space<semaphore_mem>>)
        } else {
        }
        %dma_wait3A_726 = arith.constant 0 : i32
        %dma_wait3A_727 = tpu.memref_slice %arg23[%dma_wait3A_726] : memref<655360xf32, #tpu.memory_space<vmem_shared>> -> memref<64xf32, #tpu.memory_space<vmem_shared>>
        %dma_wait3A_728 = arith.constant 0 : i32
        %dma_wait3A_729 = tpu.memref_slice %arg23[%dma_wait3A_728] : memref<655360xf32, #tpu.memory_space<vmem_shared>> -> memref<64xf32, #tpu.memory_space<vmem_shared>>
        tpu.wait_dma2 semaphore(%arg30 : memref<!tpu.dma_semaphore, #tpu.memory_space<semaphore_mem>>) src(%dma_wait3A_729 : memref<64xf32, #tpu.memory_space<vmem_shared>>) dst(%arg17 : memref<64xf32, #tpu.memory_space<vmem>>)
        %add3A_730 = arith.constant 2 : i32
        %add3A_731 = arith.addi %mul3A_587, %add3A_730 : i32
        %broadcast_in_dim3A_732 = vector.broadcast %add3A_731 : i32 to vector<16xi32>
        %gather3A_733 = tpu.vector_load_idx %arg13[%broadcast_in_dim3A_732] : memref<3264xi32, #tpu.memory_space<vmem>>[vector<16xi32>], vector<16xi32>,
        %mul3A_734 = arith.constant 64 : i32
        %mul3A_735 = vector.broadcast %mul3A_734 : i32 to vector<16xi32>
        %mul3A_736 = arith.muli %gather3A_733, %mul3A_735 : vector<16xi32>
        %add3A_737 = arith.addi %mul3A_736, %iota3A : vector<16xi32>
        %add3A_738 = arith.constant 0 : i32
        %add3A_739 = vector.broadcast %add3A_738 : i32 to vector<16xi32>
        %add3A_740 = arith.addi %add3A_737, %add3A_739 : vector<16xi32>
        %gather3A_741 = tpu.vector_load_idx %arg7[%add3A_740] : memref<41024xf32, #tpu.memory_space<vmem>>[vector<16xi32>], vector<16xf32>,
        %add3A_742 = arith.constant 16 : i32
        %add3A_743 = vector.broadcast %add3A_742 : i32 to vector<16xi32>
        %add3A_744 = arith.addi %add3A_737, %add3A_743 : vector<16xi32>
        %gather3A_745 = tpu.vector_load_idx %arg7[%add3A_744] : memref<41024xf32, #tpu.memory_space<vmem>>[vector<16xi32>], vector<16xf32>,
        %add3A_746 = arith.constant 32 : i32
        %add3A_747 = vector.broadcast %add3A_746 : i32 to vector<16xi32>
        %add3A_748 = arith.addi %add3A_737, %add3A_747 : vector<16xi32>
        %gather3A_749 = tpu.vector_load_idx %arg7[%add3A_748] : memref<41024xf32, #tpu.memory_space<vmem>>[vector<16xi32>], vector<16xf32>,
        %add3A_750 = arith.constant 48 : i32
        %add3A_751 = vector.broadcast %add3A_750 : i32 to vector<16xi32>
        %add3A_752 = arith.addi %add3A_737, %add3A_751 : vector<16xi32>
        %gather3A_753 = tpu.vector_load_idx %arg7[%add3A_752] : memref<41024xf32, #tpu.memory_space<vmem>>[vector<16xi32>], vector<16xf32>,
        %get3A_754 = arith.constant 0 : index
        %get3A_755 = tpu.vector_load %arg17[%get3A_754] {strides = array<i32>} : memref<64xf32, #tpu.memory_space<vmem>>, vector<16xf32>,
        %get3A_756 = arith.constant 16 : index
        %get3A_757 = tpu.vector_load %arg17[%get3A_756] {strides = array<i32>} : memref<64xf32, #tpu.memory_space<vmem>>, vector<16xf32>,
        %get3A_758 = arith.constant 32 : index
        %get3A_759 = tpu.vector_load %arg17[%get3A_758] {strides = array<i32>} : memref<64xf32, #tpu.memory_space<vmem>>, vector<16xf32>,
        %get3A_760 = arith.constant 48 : index
        %get3A_761 = tpu.vector_load %arg17[%get3A_760] {strides = array<i32>} : memref<64xf32, #tpu.memory_space<vmem>>, vector<16xf32>,
        %add3A_762 = arith.constant 0 : i32
        %add3A_763 = vector.broadcast %add3A_762 : i32 to vector<16xi32>
        %add3A_764 = arith.addi %add3A_737, %add3A_763 : vector<16xi32>
        %min3A_765 = arith.minimumf %gather3A_741, %get3A_755 : vector<16xf32>
        tpu.vector_store_idx %arg7[%add3A_764], %min3A_765 : memref<41024xf32, #tpu.memory_space<vmem>>[vector<16xi32>], vector<16xf32>,
        %add3A_766 = arith.constant 16 : i32
        %add3A_767 = vector.broadcast %add3A_766 : i32 to vector<16xi32>
        %add3A_768 = arith.addi %add3A_737, %add3A_767 : vector<16xi32>
        %min3A_769 = arith.minimumf %gather3A_745, %get3A_757 : vector<16xf32>
        tpu.vector_store_idx %arg7[%add3A_768], %min3A_769 : memref<41024xf32, #tpu.memory_space<vmem>>[vector<16xi32>], vector<16xf32>,
        %add3A_770 = arith.constant 32 : i32
        %add3A_771 = vector.broadcast %add3A_770 : i32 to vector<16xi32>
        %add3A_772 = arith.addi %add3A_737, %add3A_771 : vector<16xi32>
        %min3A_773 = arith.minimumf %gather3A_749, %get3A_759 : vector<16xf32>
        tpu.vector_store_idx %arg7[%add3A_772], %min3A_773 : memref<41024xf32, #tpu.memory_space<vmem>>[vector<16xi32>], vector<16xf32>,
        %add3A_774 = arith.constant 48 : i32
        %add3A_775 = vector.broadcast %add3A_774 : i32 to vector<16xi32>
        %add3A_776 = arith.addi %add3A_737, %add3A_775 : vector<16xi32>
        %min3A_777 = arith.minimumf %gather3A_753, %get3A_761 : vector<16xf32>
        tpu.vector_store_idx %arg7[%add3A_776], %min3A_777 : memref<41024xf32, #tpu.memory_space<vmem>>[vector<16xi32>], vector<16xf32>,
        %add3A_778 = arith.constant 8 : i32
        %add3A_779 = arith.addi %mul3A_587, %add3A_778 : i32
        %add3A_780 = arith.constant 2 : i32
        %add3A_781 = arith.addi %add3A_779, %add3A_780 : i32
        %lt3A_782 = arith.cmpi slt, %add3A_781, %mul3A_496 : i32
        %convert_element_type3A_783 = arith.extui %lt3A_782 : i1 to i32
        %cond3A_784 = arith.constant 0 : i32
        %cond3A_785 = arith.cmpi ne, %convert_element_type3A_783, %cond3A_784 : i32
        scf.if %cond3A_785 {
          %mul3A_1087 = arith.constant 64 : i32
          %mul3A_1088 = arith.muli %squeeze3A_597, %mul3A_1087 : i32
          %dma_start3A_1089 = tpu.memref_slice %arg23[%mul3A_1088] : memref<655360xf32, #tpu.memory_space<vmem_shared>> -> memref<64xf32, #tpu.memory_space<vmem_shared>>
          %dma_start3A_1090 = tpu.memref_slice %arg23[%mul3A_1088] : memref<655360xf32, #tpu.memory_space<vmem_shared>> -> memref<64xf32, #tpu.memory_space<vmem_shared>>
          tpu.enqueue_dma source(%dma_start3A_1090 : memref<64xf32, #tpu.memory_space<vmem_shared>>) target(%arg17 : memref<64xf32, #tpu.memory_space<vmem>>) target_semaphore(%arg30 : memref<!tpu.dma_semaphore, #tpu.memory_space<semaphore_mem>>)
        } else {
        }
        %dma_wait3A_786 = arith.constant 0 : i32
        %dma_wait3A_787 = tpu.memref_slice %arg23[%dma_wait3A_786] : memref<655360xf32, #tpu.memory_space<vmem_shared>> -> memref<64xf32, #tpu.memory_space<vmem_shared>>
        %dma_wait3A_788 = arith.constant 0 : i32
        %dma_wait3A_789 = tpu.memref_slice %arg23[%dma_wait3A_788] : memref<655360xf32, #tpu.memory_space<vmem_shared>> -> memref<64xf32, #tpu.memory_space<vmem_shared>>
        tpu.wait_dma2 semaphore(%arg31 : memref<!tpu.dma_semaphore, #tpu.memory_space<semaphore_mem>>) src(%dma_wait3A_789 : memref<64xf32, #tpu.memory_space<vmem_shared>>) dst(%arg18 : memref<64xf32, #tpu.memory_space<vmem>>)
        %add3A_790 = arith.constant 3 : i32
        %add3A_791 = arith.addi %mul3A_587, %add3A_790 : i32
        %broadcast_in_dim3A_792 = vector.broadcast %add3A_791 : i32 to vector<16xi32>
        %gather3A_793 = tpu.vector_load_idx %arg13[%broadcast_in_dim3A_792] : memref<3264xi32, #tpu.memory_space<vmem>>[vector<16xi32>], vector<16xi32>,
        %mul3A_794 = arith.constant 64 : i32
        %mul3A_795 = vector.broadcast %mul3A_794 : i32 to vector<16xi32>
        %mul3A_796 = arith.muli %gather3A_793, %mul3A_795 : vector<16xi32>
        %add3A_797 = arith.addi %mul3A_796, %iota3A : vector<16xi32>
        %add3A_798 = arith.constant 0 : i32
        %add3A_799 = vector.broadcast %add3A_798 : i32 to vector<16xi32>
        %add3A_800 = arith.addi %add3A_797, %add3A_799 : vector<16xi32>
        %gather3A_801 = tpu.vector_load_idx %arg7[%add3A_800] : memref<41024xf32, #tpu.memory_space<vmem>>[vector<16xi32>], vector<16xf32>,
        %add3A_802 = arith.constant 16 : i32
        %add3A_803 = vector.broadcast %add3A_802 : i32 to vector<16xi32>
        %add3A_804 = arith.addi %add3A_797, %add3A_803 : vector<16xi32>
        %gather3A_805 = tpu.vector_load_idx %arg7[%add3A_804] : memref<41024xf32, #tpu.memory_space<vmem>>[vector<16xi32>], vector<16xf32>,
        %add3A_806 = arith.constant 32 : i32
        %add3A_807 = vector.broadcast %add3A_806 : i32 to vector<16xi32>
        %add3A_808 = arith.addi %add3A_797, %add3A_807 : vector<16xi32>
        %gather3A_809 = tpu.vector_load_idx %arg7[%add3A_808] : memref<41024xf32, #tpu.memory_space<vmem>>[vector<16xi32>], vector<16xf32>,
        %add3A_810 = arith.constant 48 : i32
        %add3A_811 = vector.broadcast %add3A_810 : i32 to vector<16xi32>
        %add3A_812 = arith.addi %add3A_797, %add3A_811 : vector<16xi32>
        %gather3A_813 = tpu.vector_load_idx %arg7[%add3A_812] : memref<41024xf32, #tpu.memory_space<vmem>>[vector<16xi32>], vector<16xf32>,
        %get3A_814 = arith.constant 0 : index
        %get3A_815 = tpu.vector_load %arg18[%get3A_814] {strides = array<i32>} : memref<64xf32, #tpu.memory_space<vmem>>, vector<16xf32>,
        %get3A_816 = arith.constant 16 : index
        %get3A_817 = tpu.vector_load %arg18[%get3A_816] {strides = array<i32>} : memref<64xf32, #tpu.memory_space<vmem>>, vector<16xf32>,
        %get3A_818 = arith.constant 32 : index
        %get3A_819 = tpu.vector_load %arg18[%get3A_818] {strides = array<i32>} : memref<64xf32, #tpu.memory_space<vmem>>, vector<16xf32>,
        %get3A_820 = arith.constant 48 : index
        %get3A_821 = tpu.vector_load %arg18[%get3A_820] {strides = array<i32>} : memref<64xf32, #tpu.memory_space<vmem>>, vector<16xf32>,
        %add3A_822 = arith.constant 0 : i32
        %add3A_823 = vector.broadcast %add3A_822 : i32 to vector<16xi32>
        %add3A_824 = arith.addi %add3A_797, %add3A_823 : vector<16xi32>
        %min3A_825 = arith.minimumf %gather3A_801, %get3A_815 : vector<16xf32>
        tpu.vector_store_idx %arg7[%add3A_824], %min3A_825 : memref<41024xf32, #tpu.memory_space<vmem>>[vector<16xi32>], vector<16xf32>,
        %add3A_826 = arith.constant 16 : i32
        %add3A_827 = vector.broadcast %add3A_826 : i32 to vector<16xi32>
        %add3A_828 = arith.addi %add3A_797, %add3A_827 : vector<16xi32>
        %min3A_829 = arith.minimumf %gather3A_805, %get3A_817 : vector<16xf32>
        tpu.vector_store_idx %arg7[%add3A_828], %min3A_829 : memref<41024xf32, #tpu.memory_space<vmem>>[vector<16xi32>], vector<16xf32>,
        %add3A_830 = arith.constant 32 : i32
        %add3A_831 = vector.broadcast %add3A_830 : i32 to vector<16xi32>
        %add3A_832 = arith.addi %add3A_797, %add3A_831 : vector<16xi32>
        %min3A_833 = arith.minimumf %gather3A_809, %get3A_819 : vector<16xf32>
        tpu.vector_store_idx %arg7[%add3A_832], %min3A_833 : memref<41024xf32, #tpu.memory_space<vmem>>[vector<16xi32>], vector<16xf32>,
        %add3A_834 = arith.constant 48 : i32
        %add3A_835 = vector.broadcast %add3A_834 : i32 to vector<16xi32>
        %add3A_836 = arith.addi %add3A_797, %add3A_835 : vector<16xi32>
        %min3A_837 = arith.minimumf %gather3A_813, %get3A_821 : vector<16xf32>
        tpu.vector_store_idx %arg7[%add3A_836], %min3A_837 : memref<41024xf32, #tpu.memory_space<vmem>>[vector<16xi32>], vector<16xf32>,
        %add3A_838 = arith.constant 8 : i32
        %add3A_839 = arith.addi %mul3A_587, %add3A_838 : i32
        %add3A_840 = arith.constant 3 : i32
        %add3A_841 = arith.addi %add3A_839, %add3A_840 : i32
        %lt3A_842 = arith.cmpi slt, %add3A_841, %mul3A_496 : i32
        %convert_element_type3A_843 = arith.extui %lt3A_842 : i1 to i32
        %cond3A_844 = arith.constant 0 : i32
        %cond3A_845 = arith.cmpi ne, %convert_element_type3A_843, %cond3A_844 : i32
        scf.if %cond3A_845 {
          %mul3A_1087 = arith.constant 64 : i32
          %mul3A_1088 = arith.muli %squeeze3A_599, %mul3A_1087 : i32
          %dma_start3A_1089 = tpu.memref_slice %arg23[%mul3A_1088] : memref<655360xf32, #tpu.memory_space<vmem_shared>> -> memref<64xf32, #tpu.memory_space<vmem_shared>>
          %dma_start3A_1090 = tpu.memref_slice %arg23[%mul3A_1088] : memref<655360xf32, #tpu.memory_space<vmem_shared>> -> memref<64xf32, #tpu.memory_space<vmem_shared>>
          tpu.enqueue_dma source(%dma_start3A_1090 : memref<64xf32, #tpu.memory_space<vmem_shared>>) target(%arg18 : memref<64xf32, #tpu.memory_space<vmem>>) target_semaphore(%arg31 : memref<!tpu.dma_semaphore, #tpu.memory_space<semaphore_mem>>)
        } else {
        }
        %dma_wait3A_846 = arith.constant 0 : i32
        %dma_wait3A_847 = tpu.memref_slice %arg23[%dma_wait3A_846] : memref<655360xf32, #tpu.memory_space<vmem_shared>> -> memref<64xf32, #tpu.memory_space<vmem_shared>>
        %dma_wait3A_848 = arith.constant 0 : i32
        %dma_wait3A_849 = tpu.memref_slice %arg23[%dma_wait3A_848] : memref<655360xf32, #tpu.memory_space<vmem_shared>> -> memref<64xf32, #tpu.memory_space<vmem_shared>>
        tpu.wait_dma2 semaphore(%arg32 : memref<!tpu.dma_semaphore, #tpu.memory_space<semaphore_mem>>) src(%dma_wait3A_849 : memref<64xf32, #tpu.memory_space<vmem_shared>>) dst(%arg19 : memref<64xf32, #tpu.memory_space<vmem>>)
        %add3A_850 = arith.constant 4 : i32
        %add3A_851 = arith.addi %mul3A_587, %add3A_850 : i32
        %broadcast_in_dim3A_852 = vector.broadcast %add3A_851 : i32 to vector<16xi32>
        %gather3A_853 = tpu.vector_load_idx %arg13[%broadcast_in_dim3A_852] : memref<3264xi32, #tpu.memory_space<vmem>>[vector<16xi32>], vector<16xi32>,
        %mul3A_854 = arith.constant 64 : i32
        %mul3A_855 = vector.broadcast %mul3A_854 : i32 to vector<16xi32>
        %mul3A_856 = arith.muli %gather3A_853, %mul3A_855 : vector<16xi32>
        %add3A_857 = arith.addi %mul3A_856, %iota3A : vector<16xi32>
        %add3A_858 = arith.constant 0 : i32
        %add3A_859 = vector.broadcast %add3A_858 : i32 to vector<16xi32>
        %add3A_860 = arith.addi %add3A_857, %add3A_859 : vector<16xi32>
        %gather3A_861 = tpu.vector_load_idx %arg7[%add3A_860] : memref<41024xf32, #tpu.memory_space<vmem>>[vector<16xi32>], vector<16xf32>,
        %add3A_862 = arith.constant 16 : i32
        %add3A_863 = vector.broadcast %add3A_862 : i32 to vector<16xi32>
        %add3A_864 = arith.addi %add3A_857, %add3A_863 : vector<16xi32>
        %gather3A_865 = tpu.vector_load_idx %arg7[%add3A_864] : memref<41024xf32, #tpu.memory_space<vmem>>[vector<16xi32>], vector<16xf32>,
        %add3A_866 = arith.constant 32 : i32
        %add3A_867 = vector.broadcast %add3A_866 : i32 to vector<16xi32>
        %add3A_868 = arith.addi %add3A_857, %add3A_867 : vector<16xi32>
        %gather3A_869 = tpu.vector_load_idx %arg7[%add3A_868] : memref<41024xf32, #tpu.memory_space<vmem>>[vector<16xi32>], vector<16xf32>,
        %add3A_870 = arith.constant 48 : i32
        %add3A_871 = vector.broadcast %add3A_870 : i32 to vector<16xi32>
        %add3A_872 = arith.addi %add3A_857, %add3A_871 : vector<16xi32>
        %gather3A_873 = tpu.vector_load_idx %arg7[%add3A_872] : memref<41024xf32, #tpu.memory_space<vmem>>[vector<16xi32>], vector<16xf32>,
        %get3A_874 = arith.constant 0 : index
        %get3A_875 = tpu.vector_load %arg19[%get3A_874] {strides = array<i32>} : memref<64xf32, #tpu.memory_space<vmem>>, vector<16xf32>,
        %get3A_876 = arith.constant 16 : index
        %get3A_877 = tpu.vector_load %arg19[%get3A_876] {strides = array<i32>} : memref<64xf32, #tpu.memory_space<vmem>>, vector<16xf32>,
        %get3A_878 = arith.constant 32 : index
        %get3A_879 = tpu.vector_load %arg19[%get3A_878] {strides = array<i32>} : memref<64xf32, #tpu.memory_space<vmem>>, vector<16xf32>,
        %get3A_880 = arith.constant 48 : index
        %get3A_881 = tpu.vector_load %arg19[%get3A_880] {strides = array<i32>} : memref<64xf32, #tpu.memory_space<vmem>>, vector<16xf32>,
        %add3A_882 = arith.constant 0 : i32
        %add3A_883 = vector.broadcast %add3A_882 : i32 to vector<16xi32>
        %add3A_884 = arith.addi %add3A_857, %add3A_883 : vector<16xi32>
        %min3A_885 = arith.minimumf %gather3A_861, %get3A_875 : vector<16xf32>
        tpu.vector_store_idx %arg7[%add3A_884], %min3A_885 : memref<41024xf32, #tpu.memory_space<vmem>>[vector<16xi32>], vector<16xf32>,
        %add3A_886 = arith.constant 16 : i32
        %add3A_887 = vector.broadcast %add3A_886 : i32 to vector<16xi32>
        %add3A_888 = arith.addi %add3A_857, %add3A_887 : vector<16xi32>
        %min3A_889 = arith.minimumf %gather3A_865, %get3A_877 : vector<16xf32>
        tpu.vector_store_idx %arg7[%add3A_888], %min3A_889 : memref<41024xf32, #tpu.memory_space<vmem>>[vector<16xi32>], vector<16xf32>,
        %add3A_890 = arith.constant 32 : i32
        %add3A_891 = vector.broadcast %add3A_890 : i32 to vector<16xi32>
        %add3A_892 = arith.addi %add3A_857, %add3A_891 : vector<16xi32>
        %min3A_893 = arith.minimumf %gather3A_869, %get3A_879 : vector<16xf32>
        tpu.vector_store_idx %arg7[%add3A_892], %min3A_893 : memref<41024xf32, #tpu.memory_space<vmem>>[vector<16xi32>], vector<16xf32>,
        %add3A_894 = arith.constant 48 : i32
        %add3A_895 = vector.broadcast %add3A_894 : i32 to vector<16xi32>
        %add3A_896 = arith.addi %add3A_857, %add3A_895 : vector<16xi32>
        %min3A_897 = arith.minimumf %gather3A_873, %get3A_881 : vector<16xf32>
        tpu.vector_store_idx %arg7[%add3A_896], %min3A_897 : memref<41024xf32, #tpu.memory_space<vmem>>[vector<16xi32>], vector<16xf32>,
        %add3A_898 = arith.constant 8 : i32
        %add3A_899 = arith.addi %mul3A_587, %add3A_898 : i32
        %add3A_900 = arith.constant 4 : i32
        %add3A_901 = arith.addi %add3A_899, %add3A_900 : i32
        %lt3A_902 = arith.cmpi slt, %add3A_901, %mul3A_496 : i32
        %convert_element_type3A_903 = arith.extui %lt3A_902 : i1 to i32
        %cond3A_904 = arith.constant 0 : i32
        %cond3A_905 = arith.cmpi ne, %convert_element_type3A_903, %cond3A_904 : i32
        scf.if %cond3A_905 {
          %mul3A_1087 = arith.constant 64 : i32
          %mul3A_1088 = arith.muli %squeeze3A_601, %mul3A_1087 : i32
          %dma_start3A_1089 = tpu.memref_slice %arg23[%mul3A_1088] : memref<655360xf32, #tpu.memory_space<vmem_shared>> -> memref<64xf32, #tpu.memory_space<vmem_shared>>
          %dma_start3A_1090 = tpu.memref_slice %arg23[%mul3A_1088] : memref<655360xf32, #tpu.memory_space<vmem_shared>> -> memref<64xf32, #tpu.memory_space<vmem_shared>>
          tpu.enqueue_dma source(%dma_start3A_1090 : memref<64xf32, #tpu.memory_space<vmem_shared>>) target(%arg19 : memref<64xf32, #tpu.memory_space<vmem>>) target_semaphore(%arg32 : memref<!tpu.dma_semaphore, #tpu.memory_space<semaphore_mem>>)
        } else {
        }
        %dma_wait3A_906 = arith.constant 0 : i32
        %dma_wait3A_907 = tpu.memref_slice %arg23[%dma_wait3A_906] : memref<655360xf32, #tpu.memory_space<vmem_shared>> -> memref<64xf32, #tpu.memory_space<vmem_shared>>
        %dma_wait3A_908 = arith.constant 0 : i32
        %dma_wait3A_909 = tpu.memref_slice %arg23[%dma_wait3A_908] : memref<655360xf32, #tpu.memory_space<vmem_shared>> -> memref<64xf32, #tpu.memory_space<vmem_shared>>
        tpu.wait_dma2 semaphore(%arg33 : memref<!tpu.dma_semaphore, #tpu.memory_space<semaphore_mem>>) src(%dma_wait3A_909 : memref<64xf32, #tpu.memory_space<vmem_shared>>) dst(%arg20 : memref<64xf32, #tpu.memory_space<vmem>>)
        %add3A_910 = arith.constant 5 : i32
        %add3A_911 = arith.addi %mul3A_587, %add3A_910 : i32
        %broadcast_in_dim3A_912 = vector.broadcast %add3A_911 : i32 to vector<16xi32>
        %gather3A_913 = tpu.vector_load_idx %arg13[%broadcast_in_dim3A_912] : memref<3264xi32, #tpu.memory_space<vmem>>[vector<16xi32>], vector<16xi32>,
        %mul3A_914 = arith.constant 64 : i32
        %mul3A_915 = vector.broadcast %mul3A_914 : i32 to vector<16xi32>
        %mul3A_916 = arith.muli %gather3A_913, %mul3A_915 : vector<16xi32>
        %add3A_917 = arith.addi %mul3A_916, %iota3A : vector<16xi32>
        %add3A_918 = arith.constant 0 : i32
        %add3A_919 = vector.broadcast %add3A_918 : i32 to vector<16xi32>
        %add3A_920 = arith.addi %add3A_917, %add3A_919 : vector<16xi32>
        %gather3A_921 = tpu.vector_load_idx %arg7[%add3A_920] : memref<41024xf32, #tpu.memory_space<vmem>>[vector<16xi32>], vector<16xf32>,
        %add3A_922 = arith.constant 16 : i32
        %add3A_923 = vector.broadcast %add3A_922 : i32 to vector<16xi32>
        %add3A_924 = arith.addi %add3A_917, %add3A_923 : vector<16xi32>
        %gather3A_925 = tpu.vector_load_idx %arg7[%add3A_924] : memref<41024xf32, #tpu.memory_space<vmem>>[vector<16xi32>], vector<16xf32>,
        %add3A_926 = arith.constant 32 : i32
        %add3A_927 = vector.broadcast %add3A_926 : i32 to vector<16xi32>
        %add3A_928 = arith.addi %add3A_917, %add3A_927 : vector<16xi32>
        %gather3A_929 = tpu.vector_load_idx %arg7[%add3A_928] : memref<41024xf32, #tpu.memory_space<vmem>>[vector<16xi32>], vector<16xf32>,
        %add3A_930 = arith.constant 48 : i32
        %add3A_931 = vector.broadcast %add3A_930 : i32 to vector<16xi32>
        %add3A_932 = arith.addi %add3A_917, %add3A_931 : vector<16xi32>
        %gather3A_933 = tpu.vector_load_idx %arg7[%add3A_932] : memref<41024xf32, #tpu.memory_space<vmem>>[vector<16xi32>], vector<16xf32>,
        %get3A_934 = arith.constant 0 : index
        %get3A_935 = tpu.vector_load %arg20[%get3A_934] {strides = array<i32>} : memref<64xf32, #tpu.memory_space<vmem>>, vector<16xf32>,
        %get3A_936 = arith.constant 16 : index
        %get3A_937 = tpu.vector_load %arg20[%get3A_936] {strides = array<i32>} : memref<64xf32, #tpu.memory_space<vmem>>, vector<16xf32>,
        %get3A_938 = arith.constant 32 : index
        %get3A_939 = tpu.vector_load %arg20[%get3A_938] {strides = array<i32>} : memref<64xf32, #tpu.memory_space<vmem>>, vector<16xf32>,
        %get3A_940 = arith.constant 48 : index
        %get3A_941 = tpu.vector_load %arg20[%get3A_940] {strides = array<i32>} : memref<64xf32, #tpu.memory_space<vmem>>, vector<16xf32>,
        %add3A_942 = arith.constant 0 : i32
        %add3A_943 = vector.broadcast %add3A_942 : i32 to vector<16xi32>
        %add3A_944 = arith.addi %add3A_917, %add3A_943 : vector<16xi32>
        %min3A_945 = arith.minimumf %gather3A_921, %get3A_935 : vector<16xf32>
        tpu.vector_store_idx %arg7[%add3A_944], %min3A_945 : memref<41024xf32, #tpu.memory_space<vmem>>[vector<16xi32>], vector<16xf32>,
        %add3A_946 = arith.constant 16 : i32
        %add3A_947 = vector.broadcast %add3A_946 : i32 to vector<16xi32>
        %add3A_948 = arith.addi %add3A_917, %add3A_947 : vector<16xi32>
        %min3A_949 = arith.minimumf %gather3A_925, %get3A_937 : vector<16xf32>
        tpu.vector_store_idx %arg7[%add3A_948], %min3A_949 : memref<41024xf32, #tpu.memory_space<vmem>>[vector<16xi32>], vector<16xf32>,
        %add3A_950 = arith.constant 32 : i32
        %add3A_951 = vector.broadcast %add3A_950 : i32 to vector<16xi32>
        %add3A_952 = arith.addi %add3A_917, %add3A_951 : vector<16xi32>
        %min3A_953 = arith.minimumf %gather3A_929, %get3A_939 : vector<16xf32>
        tpu.vector_store_idx %arg7[%add3A_952], %min3A_953 : memref<41024xf32, #tpu.memory_space<vmem>>[vector<16xi32>], vector<16xf32>,
        %add3A_954 = arith.constant 48 : i32
        %add3A_955 = vector.broadcast %add3A_954 : i32 to vector<16xi32>
        %add3A_956 = arith.addi %add3A_917, %add3A_955 : vector<16xi32>
        %min3A_957 = arith.minimumf %gather3A_933, %get3A_941 : vector<16xf32>
        tpu.vector_store_idx %arg7[%add3A_956], %min3A_957 : memref<41024xf32, #tpu.memory_space<vmem>>[vector<16xi32>], vector<16xf32>,
        %add3A_958 = arith.constant 8 : i32
        %add3A_959 = arith.addi %mul3A_587, %add3A_958 : i32
        %add3A_960 = arith.constant 5 : i32
        %add3A_961 = arith.addi %add3A_959, %add3A_960 : i32
        %lt3A_962 = arith.cmpi slt, %add3A_961, %mul3A_496 : i32
        %convert_element_type3A_963 = arith.extui %lt3A_962 : i1 to i32
        %cond3A_964 = arith.constant 0 : i32
        %cond3A_965 = arith.cmpi ne, %convert_element_type3A_963, %cond3A_964 : i32
        scf.if %cond3A_965 {
          %mul3A_1087 = arith.constant 64 : i32
          %mul3A_1088 = arith.muli %squeeze3A_603, %mul3A_1087 : i32
          %dma_start3A_1089 = tpu.memref_slice %arg23[%mul3A_1088] : memref<655360xf32, #tpu.memory_space<vmem_shared>> -> memref<64xf32, #tpu.memory_space<vmem_shared>>
          %dma_start3A_1090 = tpu.memref_slice %arg23[%mul3A_1088] : memref<655360xf32, #tpu.memory_space<vmem_shared>> -> memref<64xf32, #tpu.memory_space<vmem_shared>>
          tpu.enqueue_dma source(%dma_start3A_1090 : memref<64xf32, #tpu.memory_space<vmem_shared>>) target(%arg20 : memref<64xf32, #tpu.memory_space<vmem>>) target_semaphore(%arg33 : memref<!tpu.dma_semaphore, #tpu.memory_space<semaphore_mem>>)
        } else {
        }
        %dma_wait3A_966 = arith.constant 0 : i32
        %dma_wait3A_967 = tpu.memref_slice %arg23[%dma_wait3A_966] : memref<655360xf32, #tpu.memory_space<vmem_shared>> -> memref<64xf32, #tpu.memory_space<vmem_shared>>
        %dma_wait3A_968 = arith.constant 0 : i32
        %dma_wait3A_969 = tpu.memref_slice %arg23[%dma_wait3A_968] : memref<655360xf32, #tpu.memory_space<vmem_shared>> -> memref<64xf32, #tpu.memory_space<vmem_shared>>
        tpu.wait_dma2 semaphore(%arg34 : memref<!tpu.dma_semaphore, #tpu.memory_space<semaphore_mem>>) src(%dma_wait3A_969 : memref<64xf32, #tpu.memory_space<vmem_shared>>) dst(%arg21 : memref<64xf32, #tpu.memory_space<vmem>>)
        %add3A_970 = arith.constant 6 : i32
        %add3A_971 = arith.addi %mul3A_587, %add3A_970 : i32
        %broadcast_in_dim3A_972 = vector.broadcast %add3A_971 : i32 to vector<16xi32>
        %gather3A_973 = tpu.vector_load_idx %arg13[%broadcast_in_dim3A_972] : memref<3264xi32, #tpu.memory_space<vmem>>[vector<16xi32>], vector<16xi32>,
        %mul3A_974 = arith.constant 64 : i32
        %mul3A_975 = vector.broadcast %mul3A_974 : i32 to vector<16xi32>
        %mul3A_976 = arith.muli %gather3A_973, %mul3A_975 : vector<16xi32>
        %add3A_977 = arith.addi %mul3A_976, %iota3A : vector<16xi32>
        %add3A_978 = arith.constant 0 : i32
        %add3A_979 = vector.broadcast %add3A_978 : i32 to vector<16xi32>
        %add3A_980 = arith.addi %add3A_977, %add3A_979 : vector<16xi32>
        %gather3A_981 = tpu.vector_load_idx %arg7[%add3A_980] : memref<41024xf32, #tpu.memory_space<vmem>>[vector<16xi32>], vector<16xf32>,
        %add3A_982 = arith.constant 16 : i32
        %add3A_983 = vector.broadcast %add3A_982 : i32 to vector<16xi32>
        %add3A_984 = arith.addi %add3A_977, %add3A_983 : vector<16xi32>
        %gather3A_985 = tpu.vector_load_idx %arg7[%add3A_984] : memref<41024xf32, #tpu.memory_space<vmem>>[vector<16xi32>], vector<16xf32>,
        %add3A_986 = arith.constant 32 : i32
        %add3A_987 = vector.broadcast %add3A_986 : i32 to vector<16xi32>
        %add3A_988 = arith.addi %add3A_977, %add3A_987 : vector<16xi32>
        %gather3A_989 = tpu.vector_load_idx %arg7[%add3A_988] : memref<41024xf32, #tpu.memory_space<vmem>>[vector<16xi32>], vector<16xf32>,
        %add3A_990 = arith.constant 48 : i32
        %add3A_991 = vector.broadcast %add3A_990 : i32 to vector<16xi32>
        %add3A_992 = arith.addi %add3A_977, %add3A_991 : vector<16xi32>
        %gather3A_993 = tpu.vector_load_idx %arg7[%add3A_992] : memref<41024xf32, #tpu.memory_space<vmem>>[vector<16xi32>], vector<16xf32>,
        %get3A_994 = arith.constant 0 : index
        %get3A_995 = tpu.vector_load %arg21[%get3A_994] {strides = array<i32>} : memref<64xf32, #tpu.memory_space<vmem>>, vector<16xf32>,
        %get3A_996 = arith.constant 16 : index
        %get3A_997 = tpu.vector_load %arg21[%get3A_996] {strides = array<i32>} : memref<64xf32, #tpu.memory_space<vmem>>, vector<16xf32>,
        %get3A_998 = arith.constant 32 : index
        %get3A_999 = tpu.vector_load %arg21[%get3A_998] {strides = array<i32>} : memref<64xf32, #tpu.memory_space<vmem>>, vector<16xf32>,
        %get3A_1000 = arith.constant 48 : index
        %get3A_1001 = tpu.vector_load %arg21[%get3A_1000] {strides = array<i32>} : memref<64xf32, #tpu.memory_space<vmem>>, vector<16xf32>,
        %add3A_1002 = arith.constant 0 : i32
        %add3A_1003 = vector.broadcast %add3A_1002 : i32 to vector<16xi32>
        %add3A_1004 = arith.addi %add3A_977, %add3A_1003 : vector<16xi32>
        %min3A_1005 = arith.minimumf %gather3A_981, %get3A_995 : vector<16xf32>
        tpu.vector_store_idx %arg7[%add3A_1004], %min3A_1005 : memref<41024xf32, #tpu.memory_space<vmem>>[vector<16xi32>], vector<16xf32>,
        %add3A_1006 = arith.constant 16 : i32
        %add3A_1007 = vector.broadcast %add3A_1006 : i32 to vector<16xi32>
        %add3A_1008 = arith.addi %add3A_977, %add3A_1007 : vector<16xi32>
        %min3A_1009 = arith.minimumf %gather3A_985, %get3A_997 : vector<16xf32>
        tpu.vector_store_idx %arg7[%add3A_1008], %min3A_1009 : memref<41024xf32, #tpu.memory_space<vmem>>[vector<16xi32>], vector<16xf32>,
        %add3A_1010 = arith.constant 32 : i32
        %add3A_1011 = vector.broadcast %add3A_1010 : i32 to vector<16xi32>
        %add3A_1012 = arith.addi %add3A_977, %add3A_1011 : vector<16xi32>
        %min3A_1013 = arith.minimumf %gather3A_989, %get3A_999 : vector<16xf32>
        tpu.vector_store_idx %arg7[%add3A_1012], %min3A_1013 : memref<41024xf32, #tpu.memory_space<vmem>>[vector<16xi32>], vector<16xf32>,
        %add3A_1014 = arith.constant 48 : i32
        %add3A_1015 = vector.broadcast %add3A_1014 : i32 to vector<16xi32>
        %add3A_1016 = arith.addi %add3A_977, %add3A_1015 : vector<16xi32>
        %min3A_1017 = arith.minimumf %gather3A_993, %get3A_1001 : vector<16xf32>
        tpu.vector_store_idx %arg7[%add3A_1016], %min3A_1017 : memref<41024xf32, #tpu.memory_space<vmem>>[vector<16xi32>], vector<16xf32>,
        %add3A_1018 = arith.constant 8 : i32
        %add3A_1019 = arith.addi %mul3A_587, %add3A_1018 : i32
        %add3A_1020 = arith.constant 6 : i32
        %add3A_1021 = arith.addi %add3A_1019, %add3A_1020 : i32
        %lt3A_1022 = arith.cmpi slt, %add3A_1021, %mul3A_496 : i32
        %convert_element_type3A_1023 = arith.extui %lt3A_1022 : i1 to i32
        %cond3A_1024 = arith.constant 0 : i32
        %cond3A_1025 = arith.cmpi ne, %convert_element_type3A_1023, %cond3A_1024 : i32
        scf.if %cond3A_1025 {
          %mul3A_1087 = arith.constant 64 : i32
          %mul3A_1088 = arith.muli %squeeze3A_605, %mul3A_1087 : i32
          %dma_start3A_1089 = tpu.memref_slice %arg23[%mul3A_1088] : memref<655360xf32, #tpu.memory_space<vmem_shared>> -> memref<64xf32, #tpu.memory_space<vmem_shared>>
          %dma_start3A_1090 = tpu.memref_slice %arg23[%mul3A_1088] : memref<655360xf32, #tpu.memory_space<vmem_shared>> -> memref<64xf32, #tpu.memory_space<vmem_shared>>
          tpu.enqueue_dma source(%dma_start3A_1090 : memref<64xf32, #tpu.memory_space<vmem_shared>>) target(%arg21 : memref<64xf32, #tpu.memory_space<vmem>>) target_semaphore(%arg34 : memref<!tpu.dma_semaphore, #tpu.memory_space<semaphore_mem>>)
        } else {
        }
        %dma_wait3A_1026 = arith.constant 0 : i32
        %dma_wait3A_1027 = tpu.memref_slice %arg23[%dma_wait3A_1026] : memref<655360xf32, #tpu.memory_space<vmem_shared>> -> memref<64xf32, #tpu.memory_space<vmem_shared>>
        %dma_wait3A_1028 = arith.constant 0 : i32
        %dma_wait3A_1029 = tpu.memref_slice %arg23[%dma_wait3A_1028] : memref<655360xf32, #tpu.memory_space<vmem_shared>> -> memref<64xf32, #tpu.memory_space<vmem_shared>>
        tpu.wait_dma2 semaphore(%arg35 : memref<!tpu.dma_semaphore, #tpu.memory_space<semaphore_mem>>) src(%dma_wait3A_1029 : memref<64xf32, #tpu.memory_space<vmem_shared>>) dst(%arg22 : memref<64xf32, #tpu.memory_space<vmem>>)
        %add3A_1030 = arith.constant 7 : i32
        %add3A_1031 = arith.addi %mul3A_587, %add3A_1030 : i32
        %broadcast_in_dim3A_1032 = vector.broadcast %add3A_1031 : i32 to vector<16xi32>
        %gather3A_1033 = tpu.vector_load_idx %arg13[%broadcast_in_dim3A_1032] : memref<3264xi32, #tpu.memory_space<vmem>>[vector<16xi32>], vector<16xi32>,
        %mul3A_1034 = arith.constant 64 : i32
        %mul3A_1035 = vector.broadcast %mul3A_1034 : i32 to vector<16xi32>
        %mul3A_1036 = arith.muli %gather3A_1033, %mul3A_1035 : vector<16xi32>
        %add3A_1037 = arith.addi %mul3A_1036, %iota3A : vector<16xi32>
        %add3A_1038 = arith.constant 0 : i32
        %add3A_1039 = vector.broadcast %add3A_1038 : i32 to vector<16xi32>
        %add3A_1040 = arith.addi %add3A_1037, %add3A_1039 : vector<16xi32>
        %gather3A_1041 = tpu.vector_load_idx %arg7[%add3A_1040] : memref<41024xf32, #tpu.memory_space<vmem>>[vector<16xi32>], vector<16xf32>,
        %add3A_1042 = arith.constant 16 : i32
        %add3A_1043 = vector.broadcast %add3A_1042 : i32 to vector<16xi32>
        %add3A_1044 = arith.addi %add3A_1037, %add3A_1043 : vector<16xi32>
        %gather3A_1045 = tpu.vector_load_idx %arg7[%add3A_1044] : memref<41024xf32, #tpu.memory_space<vmem>>[vector<16xi32>], vector<16xf32>,
        %add3A_1046 = arith.constant 32 : i32
        %add3A_1047 = vector.broadcast %add3A_1046 : i32 to vector<16xi32>
        %add3A_1048 = arith.addi %add3A_1037, %add3A_1047 : vector<16xi32>
        %gather3A_1049 = tpu.vector_load_idx %arg7[%add3A_1048] : memref<41024xf32, #tpu.memory_space<vmem>>[vector<16xi32>], vector<16xf32>,
        %add3A_1050 = arith.constant 48 : i32
        %add3A_1051 = vector.broadcast %add3A_1050 : i32 to vector<16xi32>
        %add3A_1052 = arith.addi %add3A_1037, %add3A_1051 : vector<16xi32>
        %gather3A_1053 = tpu.vector_load_idx %arg7[%add3A_1052] : memref<41024xf32, #tpu.memory_space<vmem>>[vector<16xi32>], vector<16xf32>,
        %get3A_1054 = arith.constant 0 : index
        %get3A_1055 = tpu.vector_load %arg22[%get3A_1054] {strides = array<i32>} : memref<64xf32, #tpu.memory_space<vmem>>, vector<16xf32>,
        %get3A_1056 = arith.constant 16 : index
        %get3A_1057 = tpu.vector_load %arg22[%get3A_1056] {strides = array<i32>} : memref<64xf32, #tpu.memory_space<vmem>>, vector<16xf32>,
        %get3A_1058 = arith.constant 32 : index
        %get3A_1059 = tpu.vector_load %arg22[%get3A_1058] {strides = array<i32>} : memref<64xf32, #tpu.memory_space<vmem>>, vector<16xf32>,
        %get3A_1060 = arith.constant 48 : index
        %get3A_1061 = tpu.vector_load %arg22[%get3A_1060] {strides = array<i32>} : memref<64xf32, #tpu.memory_space<vmem>>, vector<16xf32>,
        %add3A_1062 = arith.constant 0 : i32
        %add3A_1063 = vector.broadcast %add3A_1062 : i32 to vector<16xi32>
        %add3A_1064 = arith.addi %add3A_1037, %add3A_1063 : vector<16xi32>
        %min3A_1065 = arith.minimumf %gather3A_1041, %get3A_1055 : vector<16xf32>
        tpu.vector_store_idx %arg7[%add3A_1064], %min3A_1065 : memref<41024xf32, #tpu.memory_space<vmem>>[vector<16xi32>], vector<16xf32>,
        %add3A_1066 = arith.constant 16 : i32
        %add3A_1067 = vector.broadcast %add3A_1066 : i32 to vector<16xi32>
        %add3A_1068 = arith.addi %add3A_1037, %add3A_1067 : vector<16xi32>
        %min3A_1069 = arith.minimumf %gather3A_1045, %get3A_1057 : vector<16xf32>
        tpu.vector_store_idx %arg7[%add3A_1068], %min3A_1069 : memref<41024xf32, #tpu.memory_space<vmem>>[vector<16xi32>], vector<16xf32>,
        %add3A_1070 = arith.constant 32 : i32
        %add3A_1071 = vector.broadcast %add3A_1070 : i32 to vector<16xi32>
        %add3A_1072 = arith.addi %add3A_1037, %add3A_1071 : vector<16xi32>
        %min3A_1073 = arith.minimumf %gather3A_1049, %get3A_1059 : vector<16xf32>
        tpu.vector_store_idx %arg7[%add3A_1072], %min3A_1073 : memref<41024xf32, #tpu.memory_space<vmem>>[vector<16xi32>], vector<16xf32>,
        %add3A_1074 = arith.constant 48 : i32
        %add3A_1075 = vector.broadcast %add3A_1074 : i32 to vector<16xi32>
        %add3A_1076 = arith.addi %add3A_1037, %add3A_1075 : vector<16xi32>
        %min3A_1077 = arith.minimumf %gather3A_1053, %get3A_1061 : vector<16xf32>
        tpu.vector_store_idx %arg7[%add3A_1076], %min3A_1077 : memref<41024xf32, #tpu.memory_space<vmem>>[vector<16xi32>], vector<16xf32>,
        %add3A_1078 = arith.constant 8 : i32
        %add3A_1079 = arith.addi %mul3A_587, %add3A_1078 : i32
        %add3A_1080 = arith.constant 7 : i32
        %add3A_1081 = arith.addi %add3A_1079, %add3A_1080 : i32
        %lt3A_1082 = arith.cmpi slt, %add3A_1081, %mul3A_496 : i32
        %convert_element_type3A_1083 = arith.extui %lt3A_1082 : i1 to i32
        %cond3A_1084 = arith.constant 0 : i32
        %cond3A_1085 = arith.cmpi ne, %convert_element_type3A_1083, %cond3A_1084 : i32
        scf.if %cond3A_1085 {
          %mul3A_1087 = arith.constant 64 : i32
          %mul3A_1088 = arith.muli %squeeze3A_607, %mul3A_1087 : i32
          %dma_start3A_1089 = tpu.memref_slice %arg23[%mul3A_1088] : memref<655360xf32, #tpu.memory_space<vmem_shared>> -> memref<64xf32, #tpu.memory_space<vmem_shared>>
          %dma_start3A_1090 = tpu.memref_slice %arg23[%mul3A_1088] : memref<655360xf32, #tpu.memory_space<vmem_shared>> -> memref<64xf32, #tpu.memory_space<vmem_shared>>
          tpu.enqueue_dma source(%dma_start3A_1090 : memref<64xf32, #tpu.memory_space<vmem_shared>>) target(%arg22 : memref<64xf32, #tpu.memory_space<vmem>>) target_semaphore(%arg35 : memref<!tpu.dma_semaphore, #tpu.memory_space<semaphore_mem>>)
        } else {
        }
        %while3A_1086 = arith.constant 0 : i32
        scf.yield %while3A_1086 : i32
      }
      %while3A_581 = arith.constant 1 : i32
      %while3A_582 = scf.for %while3A_584 = %while3A_578 to %while3A_574 step %while3A_581 iter_args(%while3A_585 = %while3A_580) -> (i32)  : i32 {
        %mul3A_586 = arith.constant 8 : i32
        %mul3A_587 = arith.muli %mul3A_586, %while3A_584 : i32
        %add3A_588 = arith.constant 8 : i32
        %add3A_589 = arith.addi %mul3A_587, %add3A_588 : i32
        %get3A_590 = arith.index_cast %add3A_589 : i32 to index
        %get3A_591 = tpu.vector_load %arg12[%get3A_590] {strides = array<i32>} : memref<3264xi32, #tpu.memory_space<vmem>>, vector<16xi32>,
        %slice3A_592 = vector.extract_strided_slice %get3A_591 {offsets = [0], sizes = [1], strides = [1]} : vector<16xi32> to vector<1xi32>
        %squeeze3A_593 = vector.extract %slice3A_592[0] : i32 from vector<1xi32>
        %slice3A_594 = vector.extract_strided_slice %get3A_591 {offsets = [1], sizes = [1], strides = [1]} : vector<16xi32> to vector<1xi32>
        %squeeze3A_595 = vector.extract %slice3A_594[0] : i32 from vector<1xi32>
        %slice3A_596 = vector.extract_strided_slice %get3A_591 {offsets = [2], sizes = [1], strides = [1]} : vector<16xi32> to vector<1xi32>
        %squeeze3A_597 = vector.extract %slice3A_596[0] : i32 from vector<1xi32>
        %slice3A_598 = vector.extract_strided_slice %get3A_591 {offsets = [3], sizes = [1], strides = [1]} : vector<16xi32> to vector<1xi32>
        %squeeze3A_599 = vector.extract %slice3A_598[0] : i32 from vector<1xi32>
        %slice3A_600 = vector.extract_strided_slice %get3A_591 {offsets = [4], sizes = [1], strides = [1]} : vector<16xi32> to vector<1xi32>
        %squeeze3A_601 = vector.extract %slice3A_600[0] : i32 from vector<1xi32>
        %slice3A_602 = vector.extract_strided_slice %get3A_591 {offsets = [5], sizes = [1], strides = [1]} : vector<16xi32> to vector<1xi32>
        %squeeze3A_603 = vector.extract %slice3A_602[0] : i32 from vector<1xi32>
        %slice3A_604 = vector.extract_strided_slice %get3A_591 {offsets = [6], sizes = [1], strides = [1]} : vector<16xi32> to vector<1xi32>
        %squeeze3A_605 = vector.extract %slice3A_604[0] : i32 from vector<1xi32>
        %slice3A_606 = vector.extract_strided_slice %get3A_591 {offsets = [7], sizes = [1], strides = [1]} : vector<16xi32> to vector<1xi32>
        %squeeze3A_607 = vector.extract %slice3A_606[0] : i32 from vector<1xi32>
        %dma_wait3A_608 = arith.constant 0 : i32
        %dma_wait3A_609 = tpu.memref_slice %arg23[%dma_wait3A_608] : memref<655360xf32, #tpu.memory_space<vmem_shared>> -> memref<64xf32, #tpu.memory_space<vmem_shared>>
        %dma_wait3A_610 = arith.constant 0 : i32
        %dma_wait3A_611 = tpu.memref_slice %arg23[%dma_wait3A_610] : memref<655360xf32, #tpu.memory_space<vmem_shared>> -> memref<64xf32, #tpu.memory_space<vmem_shared>>
        tpu.wait_dma2 semaphore(%arg28 : memref<!tpu.dma_semaphore, #tpu.memory_space<semaphore_mem>>) src(%dma_wait3A_611 : memref<64xf32, #tpu.memory_space<vmem_shared>>) dst(%arg15 : memref<64xf32, #tpu.memory_space<vmem>>)
        %add3A_612 = arith.constant 0 : i32
        %add3A_613 = arith.addi %mul3A_587, %add3A_612 : i32
        %broadcast_in_dim3A_614 = vector.broadcast %add3A_613 : i32 to vector<16xi32>
        %gather3A = tpu.vector_load_idx %arg13[%broadcast_in_dim3A_614] : memref<3264xi32, #tpu.memory_space<vmem>>[vector<16xi32>], vector<16xi32>,
        %mul3A_615 = arith.constant 64 : i32
        %mul3A_616 = vector.broadcast %mul3A_615 : i32 to vector<16xi32>
        %mul3A_617 = arith.muli %gather3A, %mul3A_616 : vector<16xi32>
        %add3A_618 = arith.addi %mul3A_617, %iota3A : vector<16xi32>
        %add3A_619 = arith.constant 0 : i32
        %add3A_620 = vector.broadcast %add3A_619 : i32 to vector<16xi32>
        %add3A_621 = arith.addi %add3A_618, %add3A_620 : vector<16xi32>
        %gather3A_622 = tpu.vector_load_idx %arg7[%add3A_621] : memref<41024xf32, #tpu.memory_space<vmem>>[vector<16xi32>], vector<16xf32>,
        %add3A_623 = arith.constant 16 : i32
        %add3A_624 = vector.broadcast %add3A_623 : i32 to vector<16xi32>
        %add3A_625 = arith.addi %add3A_618, %add3A_624 : vector<16xi32>
        %gather3A_626 = tpu.vector_load_idx %arg7[%add3A_625] : memref<41024xf32, #tpu.memory_space<vmem>>[vector<16xi32>], vector<16xf32>,
        %add3A_627 = arith.constant 32 : i32
        %add3A_628 = vector.broadcast %add3A_627 : i32 to vector<16xi32>
        %add3A_629 = arith.addi %add3A_618, %add3A_628 : vector<16xi32>
        %gather3A_630 = tpu.vector_load_idx %arg7[%add3A_629] : memref<41024xf32, #tpu.memory_space<vmem>>[vector<16xi32>], vector<16xf32>,
        %add3A_631 = arith.constant 48 : i32
        %add3A_632 = vector.broadcast %add3A_631 : i32 to vector<16xi32>
        %add3A_633 = arith.addi %add3A_618, %add3A_632 : vector<16xi32>
        %gather3A_634 = tpu.vector_load_idx %arg7[%add3A_633] : memref<41024xf32, #tpu.memory_space<vmem>>[vector<16xi32>], vector<16xf32>,
        %get3A_635 = arith.constant 0 : index
        %get3A_636 = tpu.vector_load %arg15[%get3A_635] {strides = array<i32>} : memref<64xf32, #tpu.memory_space<vmem>>, vector<16xf32>,
        %get3A_637 = arith.constant 16 : index
        %get3A_638 = tpu.vector_load %arg15[%get3A_637] {strides = array<i32>} : memref<64xf32, #tpu.memory_space<vmem>>, vector<16xf32>,
        %get3A_639 = arith.constant 32 : index
        %get3A_640 = tpu.vector_load %arg15[%get3A_639] {strides = array<i32>} : memref<64xf32, #tpu.memory_space<vmem>>, vector<16xf32>,
        %get3A_641 = arith.constant 48 : index
        %get3A_642 = tpu.vector_load %arg15[%get3A_641] {strides = array<i32>} : memref<64xf32, #tpu.memory_space<vmem>>, vector<16xf32>,
        %add3A_643 = arith.constant 0 : i32
        %add3A_644 = vector.broadcast %add3A_643 : i32 to vector<16xi32>
        %add3A_645 = arith.addi %add3A_618, %add3A_644 : vector<16xi32>
        %min3A = arith.minimumf %gather3A_622, %get3A_636 : vector<16xf32>
        tpu.vector_store_idx %arg7[%add3A_645], %min3A : memref<41024xf32, #tpu.memory_space<vmem>>[vector<16xi32>], vector<16xf32>,
        %add3A_646 = arith.constant 16 : i32
        %add3A_647 = vector.broadcast %add3A_646 : i32 to vector<16xi32>
        %add3A_648 = arith.addi %add3A_618, %add3A_647 : vector<16xi32>
        %min3A_649 = arith.minimumf %gather3A_626, %get3A_638 : vector<16xf32>
        tpu.vector_store_idx %arg7[%add3A_648], %min3A_649 : memref<41024xf32, #tpu.memory_space<vmem>>[vector<16xi32>], vector<16xf32>,
        %add3A_650 = arith.constant 32 : i32
        %add3A_651 = vector.broadcast %add3A_650 : i32 to vector<16xi32>
        %add3A_652 = arith.addi %add3A_618, %add3A_651 : vector<16xi32>
        %min3A_653 = arith.minimumf %gather3A_630, %get3A_640 : vector<16xf32>
        tpu.vector_store_idx %arg7[%add3A_652], %min3A_653 : memref<41024xf32, #tpu.memory_space<vmem>>[vector<16xi32>], vector<16xf32>,
        %add3A_654 = arith.constant 48 : i32
        %add3A_655 = vector.broadcast %add3A_654 : i32 to vector<16xi32>
        %add3A_656 = arith.addi %add3A_618, %add3A_655 : vector<16xi32>
        %min3A_657 = arith.minimumf %gather3A_634, %get3A_642 : vector<16xf32>
        tpu.vector_store_idx %arg7[%add3A_656], %min3A_657 : memref<41024xf32, #tpu.memory_space<vmem>>[vector<16xi32>], vector<16xf32>,
        %add3A_658 = arith.constant 8 : i32
        %add3A_659 = arith.addi %mul3A_587, %add3A_658 : i32
        %add3A_660 = arith.constant 0 : i32
        %add3A_661 = arith.addi %add3A_659, %add3A_660 : i32
        %lt3A_662 = arith.cmpi slt, %add3A_661, %mul3A_496 : i32
        %convert_element_type3A_663 = arith.extui %lt3A_662 : i1 to i32
        %cond3A_664 = arith.constant 0 : i32
        %cond3A_665 = arith.cmpi ne, %convert_element_type3A_663, %cond3A_664 : i32
        scf.if %cond3A_665 {
          %mul3A_1087 = arith.constant 64 : i32
          %mul3A_1088 = arith.muli %squeeze3A_593, %mul3A_1087 : i32
          %dma_start3A_1089 = tpu.memref_slice %arg23[%mul3A_1088] : memref<655360xf32, #tpu.memory_space<vmem_shared>> -> memref<64xf32, #tpu.memory_space<vmem_shared>>
          %dma_start3A_1090 = tpu.memref_slice %arg23[%mul3A_1088] : memref<655360xf32, #tpu.memory_space<vmem_shared>> -> memref<64xf32, #tpu.memory_space<vmem_shared>>
          tpu.enqueue_dma source(%dma_start3A_1090 : memref<64xf32, #tpu.memory_space<vmem_shared>>) target(%arg15 : memref<64xf32, #tpu.memory_space<vmem>>) target_semaphore(%arg28 : memref<!tpu.dma_semaphore, #tpu.memory_space<semaphore_mem>>)
        } else {
        }
        %dma_wait3A_666 = arith.constant 0 : i32
        %dma_wait3A_667 = tpu.memref_slice %arg23[%dma_wait3A_666] : memref<655360xf32, #tpu.memory_space<vmem_shared>> -> memref<64xf32, #tpu.memory_space<vmem_shared>>
        %dma_wait3A_668 = arith.constant 0 : i32
        %dma_wait3A_669 = tpu.memref_slice %arg23[%dma_wait3A_668] : memref<655360xf32, #tpu.memory_space<vmem_shared>> -> memref<64xf32, #tpu.memory_space<vmem_shared>>
        tpu.wait_dma2 semaphore(%arg29 : memref<!tpu.dma_semaphore, #tpu.memory_space<semaphore_mem>>) src(%dma_wait3A_669 : memref<64xf32, #tpu.memory_space<vmem_shared>>) dst(%arg16 : memref<64xf32, #tpu.memory_space<vmem>>)
        %add3A_670 = arith.constant 1 : i32
        %add3A_671 = arith.addi %mul3A_587, %add3A_670 : i32
        %broadcast_in_dim3A_672 = vector.broadcast %add3A_671 : i32 to vector<16xi32>
        %gather3A_673 = tpu.vector_load_idx %arg13[%broadcast_in_dim3A_672] : memref<3264xi32, #tpu.memory_space<vmem>>[vector<16xi32>], vector<16xi32>,
        %mul3A_674 = arith.constant 64 : i32
        %mul3A_675 = vector.broadcast %mul3A_674 : i32 to vector<16xi32>
        %mul3A_676 = arith.muli %gather3A_673, %mul3A_675 : vector<16xi32>
        %add3A_677 = arith.addi %mul3A_676, %iota3A : vector<16xi32>
        %add3A_678 = arith.constant 0 : i32
        %add3A_679 = vector.broadcast %add3A_678 : i32 to vector<16xi32>
        %add3A_680 = arith.addi %add3A_677, %add3A_679 : vector<16xi32>
        %gather3A_681 = tpu.vector_load_idx %arg7[%add3A_680] : memref<41024xf32, #tpu.memory_space<vmem>>[vector<16xi32>], vector<16xf32>,
        %add3A_682 = arith.constant 16 : i32
        %add3A_683 = vector.broadcast %add3A_682 : i32 to vector<16xi32>
        %add3A_684 = arith.addi %add3A_677, %add3A_683 : vector<16xi32>
        %gather3A_685 = tpu.vector_load_idx %arg7[%add3A_684] : memref<41024xf32, #tpu.memory_space<vmem>>[vector<16xi32>], vector<16xf32>,
        %add3A_686 = arith.constant 32 : i32
        %add3A_687 = vector.broadcast %add3A_686 : i32 to vector<16xi32>
        %add3A_688 = arith.addi %add3A_677, %add3A_687 : vector<16xi32>
        %gather3A_689 = tpu.vector_load_idx %arg7[%add3A_688] : memref<41024xf32, #tpu.memory_space<vmem>>[vector<16xi32>], vector<16xf32>,
        %add3A_690 = arith.constant 48 : i32
        %add3A_691 = vector.broadcast %add3A_690 : i32 to vector<16xi32>
        %add3A_692 = arith.addi %add3A_677, %add3A_691 : vector<16xi32>
        %gather3A_693 = tpu.vector_load_idx %arg7[%add3A_692] : memref<41024xf32, #tpu.memory_space<vmem>>[vector<16xi32>], vector<16xf32>,
        %get3A_694 = arith.constant 0 : index
        %get3A_695 = tpu.vector_load %arg16[%get3A_694] {strides = array<i32>} : memref<64xf32, #tpu.memory_space<vmem>>, vector<16xf32>,
        %get3A_696 = arith.constant 16 : index
        %get3A_697 = tpu.vector_load %arg16[%get3A_696] {strides = array<i32>} : memref<64xf32, #tpu.memory_space<vmem>>, vector<16xf32>,
        %get3A_698 = arith.constant 32 : index
        %get3A_699 = tpu.vector_load %arg16[%get3A_698] {strides = array<i32>} : memref<64xf32, #tpu.memory_space<vmem>>, vector<16xf32>,
        %get3A_700 = arith.constant 48 : index
        %get3A_701 = tpu.vector_load %arg16[%get3A_700] {strides = array<i32>} : memref<64xf32, #tpu.memory_space<vmem>>, vector<16xf32>,
        %add3A_702 = arith.constant 0 : i32
        %add3A_703 = vector.broadcast %add3A_702 : i32 to vector<16xi32>
        %add3A_704 = arith.addi %add3A_677, %add3A_703 : vector<16xi32>
        %min3A_705 = arith.minimumf %gather3A_681, %get3A_695 : vector<16xf32>
        tpu.vector_store_idx %arg7[%add3A_704], %min3A_705 : memref<41024xf32, #tpu.memory_space<vmem>>[vector<16xi32>], vector<16xf32>,
        %add3A_706 = arith.constant 16 : i32
        %add3A_707 = vector.broadcast %add3A_706 : i32 to vector<16xi32>
        %add3A_708 = arith.addi %add3A_677, %add3A_707 : vector<16xi32>
        %min3A_709 = arith.minimumf %gather3A_685, %get3A_697 : vector<16xf32>
        tpu.vector_store_idx %arg7[%add3A_708], %min3A_709 : memref<41024xf32, #tpu.memory_space<vmem>>[vector<16xi32>], vector<16xf32>,
        %add3A_710 = arith.constant 32 : i32
        %add3A_711 = vector.broadcast %add3A_710 : i32 to vector<16xi32>
        %add3A_712 = arith.addi %add3A_677, %add3A_711 : vector<16xi32>
        %min3A_713 = arith.minimumf %gather3A_689, %get3A_699 : vector<16xf32>
        tpu.vector_store_idx %arg7[%add3A_712], %min3A_713 : memref<41024xf32, #tpu.memory_space<vmem>>[vector<16xi32>], vector<16xf32>,
        %add3A_714 = arith.constant 48 : i32
        %add3A_715 = vector.broadcast %add3A_714 : i32 to vector<16xi32>
        %add3A_716 = arith.addi %add3A_677, %add3A_715 : vector<16xi32>
        %min3A_717 = arith.minimumf %gather3A_693, %get3A_701 : vector<16xf32>
        tpu.vector_store_idx %arg7[%add3A_716], %min3A_717 : memref<41024xf32, #tpu.memory_space<vmem>>[vector<16xi32>], vector<16xf32>,
        %add3A_718 = arith.constant 8 : i32
        %add3A_719 = arith.addi %mul3A_587, %add3A_718 : i32
        %add3A_720 = arith.constant 1 : i32
        %add3A_721 = arith.addi %add3A_719, %add3A_720 : i32
        %lt3A_722 = arith.cmpi slt, %add3A_721, %mul3A_496 : i32
        %convert_element_type3A_723 = arith.extui %lt3A_722 : i1 to i32
        %cond3A_724 = arith.constant 0 : i32
        %cond3A_725 = arith.cmpi ne, %convert_element_type3A_723, %cond3A_724 : i32
        scf.if %cond3A_725 {
          %mul3A_1087 = arith.constant 64 : i32
          %mul3A_1088 = arith.muli %squeeze3A_595, %mul3A_1087 : i32
          %dma_start3A_1089 = tpu.memref_slice %arg23[%mul3A_1088] : memref<655360xf32, #tpu.memory_space<vmem_shared>> -> memref<64xf32, #tpu.memory_space<vmem_shared>>
          %dma_start3A_1090 = tpu.memref_slice %arg23[%mul3A_1088] : memref<655360xf32, #tpu.memory_space<vmem_shared>> -> memref<64xf32, #tpu.memory_space<vmem_shared>>
          tpu.enqueue_dma source(%dma_start3A_1090 : memref<64xf32, #tpu.memory_space<vmem_shared>>) target(%arg16 : memref<64xf32, #tpu.memory_space<vmem>>) target_semaphore(%arg29 : memref<!tpu.dma_semaphore, #tpu.memory_space<semaphore_mem>>)
        } else {
        }
        %dma_wait3A_726 = arith.constant 0 : i32
        %dma_wait3A_727 = tpu.memref_slice %arg23[%dma_wait3A_726] : memref<655360xf32, #tpu.memory_space<vmem_shared>> -> memref<64xf32, #tpu.memory_space<vmem_shared>>
        %dma_wait3A_728 = arith.constant 0 : i32
        %dma_wait3A_729 = tpu.memref_slice %arg23[%dma_wait3A_728] : memref<655360xf32, #tpu.memory_space<vmem_shared>> -> memref<64xf32, #tpu.memory_space<vmem_shared>>
        tpu.wait_dma2 semaphore(%arg30 : memref<!tpu.dma_semaphore, #tpu.memory_space<semaphore_mem>>) src(%dma_wait3A_729 : memref<64xf32, #tpu.memory_space<vmem_shared>>) dst(%arg17 : memref<64xf32, #tpu.memory_space<vmem>>)
        %add3A_730 = arith.constant 2 : i32
        %add3A_731 = arith.addi %mul3A_587, %add3A_730 : i32
        %broadcast_in_dim3A_732 = vector.broadcast %add3A_731 : i32 to vector<16xi32>
        %gather3A_733 = tpu.vector_load_idx %arg13[%broadcast_in_dim3A_732] : memref<3264xi32, #tpu.memory_space<vmem>>[vector<16xi32>], vector<16xi32>,
        %mul3A_734 = arith.constant 64 : i32
        %mul3A_735 = vector.broadcast %mul3A_734 : i32 to vector<16xi32>
        %mul3A_736 = arith.muli %gather3A_733, %mul3A_735 : vector<16xi32>
        %add3A_737 = arith.addi %mul3A_736, %iota3A : vector<16xi32>
        %add3A_738 = arith.constant 0 : i32
        %add3A_739 = vector.broadcast %add3A_738 : i32 to vector<16xi32>
        %add3A_740 = arith.addi %add3A_737, %add3A_739 : vector<16xi32>
        %gather3A_741 = tpu.vector_load_idx %arg7[%add3A_740] : memref<41024xf32, #tpu.memory_space<vmem>>[vector<16xi32>], vector<16xf32>,
        %add3A_742 = arith.constant 16 : i32
        %add3A_743 = vector.broadcast %add3A_742 : i32 to vector<16xi32>
        %add3A_744 = arith.addi %add3A_737, %add3A_743 : vector<16xi32>
        %gather3A_745 = tpu.vector_load_idx %arg7[%add3A_744] : memref<41024xf32, #tpu.memory_space<vmem>>[vector<16xi32>], vector<16xf32>,
        %add3A_746 = arith.constant 32 : i32
        %add3A_747 = vector.broadcast %add3A_746 : i32 to vector<16xi32>
        %add3A_748 = arith.addi %add3A_737, %add3A_747 : vector<16xi32>
        %gather3A_749 = tpu.vector_load_idx %arg7[%add3A_748] : memref<41024xf32, #tpu.memory_space<vmem>>[vector<16xi32>], vector<16xf32>,
        %add3A_750 = arith.constant 48 : i32
        %add3A_751 = vector.broadcast %add3A_750 : i32 to vector<16xi32>
        %add3A_752 = arith.addi %add3A_737, %add3A_751 : vector<16xi32>
        %gather3A_753 = tpu.vector_load_idx %arg7[%add3A_752] : memref<41024xf32, #tpu.memory_space<vmem>>[vector<16xi32>], vector<16xf32>,
        %get3A_754 = arith.constant 0 : index
        %get3A_755 = tpu.vector_load %arg17[%get3A_754] {strides = array<i32>} : memref<64xf32, #tpu.memory_space<vmem>>, vector<16xf32>,
        %get3A_756 = arith.constant 16 : index
        %get3A_757 = tpu.vector_load %arg17[%get3A_756] {strides = array<i32>} : memref<64xf32, #tpu.memory_space<vmem>>, vector<16xf32>,
        %get3A_758 = arith.constant 32 : index
        %get3A_759 = tpu.vector_load %arg17[%get3A_758] {strides = array<i32>} : memref<64xf32, #tpu.memory_space<vmem>>, vector<16xf32>,
        %get3A_760 = arith.constant 48 : index
        %get3A_761 = tpu.vector_load %arg17[%get3A_760] {strides = array<i32>} : memref<64xf32, #tpu.memory_space<vmem>>, vector<16xf32>,
        %add3A_762 = arith.constant 0 : i32
        %add3A_763 = vector.broadcast %add3A_762 : i32 to vector<16xi32>
        %add3A_764 = arith.addi %add3A_737, %add3A_763 : vector<16xi32>
        %min3A_765 = arith.minimumf %gather3A_741, %get3A_755 : vector<16xf32>
        tpu.vector_store_idx %arg7[%add3A_764], %min3A_765 : memref<41024xf32, #tpu.memory_space<vmem>>[vector<16xi32>], vector<16xf32>,
        %add3A_766 = arith.constant 16 : i32
        %add3A_767 = vector.broadcast %add3A_766 : i32 to vector<16xi32>
        %add3A_768 = arith.addi %add3A_737, %add3A_767 : vector<16xi32>
        %min3A_769 = arith.minimumf %gather3A_745, %get3A_757 : vector<16xf32>
        tpu.vector_store_idx %arg7[%add3A_768], %min3A_769 : memref<41024xf32, #tpu.memory_space<vmem>>[vector<16xi32>], vector<16xf32>,
        %add3A_770 = arith.constant 32 : i32
        %add3A_771 = vector.broadcast %add3A_770 : i32 to vector<16xi32>
        %add3A_772 = arith.addi %add3A_737, %add3A_771 : vector<16xi32>
        %min3A_773 = arith.minimumf %gather3A_749, %get3A_759 : vector<16xf32>
        tpu.vector_store_idx %arg7[%add3A_772], %min3A_773 : memref<41024xf32, #tpu.memory_space<vmem>>[vector<16xi32>], vector<16xf32>,
        %add3A_774 = arith.constant 48 : i32
        %add3A_775 = vector.broadcast %add3A_774 : i32 to vector<16xi32>
        %add3A_776 = arith.addi %add3A_737, %add3A_775 : vector<16xi32>
        %min3A_777 = arith.minimumf %gather3A_753, %get3A_761 : vector<16xf32>
        tpu.vector_store_idx %arg7[%add3A_776], %min3A_777 : memref<41024xf32, #tpu.memory_space<vmem>>[vector<16xi32>], vector<16xf32>,
        %add3A_778 = arith.constant 8 : i32
        %add3A_779 = arith.addi %mul3A_587, %add3A_778 : i32
        %add3A_780 = arith.constant 2 : i32
        %add3A_781 = arith.addi %add3A_779, %add3A_780 : i32
        %lt3A_782 = arith.cmpi slt, %add3A_781, %mul3A_496 : i32
        %convert_element_type3A_783 = arith.extui %lt3A_782 : i1 to i32
        %cond3A_784 = arith.constant 0 : i32
        %cond3A_785 = arith.cmpi ne, %convert_element_type3A_783, %cond3A_784 : i32
        scf.if %cond3A_785 {
          %mul3A_1087 = arith.constant 64 : i32
          %mul3A_1088 = arith.muli %squeeze3A_597, %mul3A_1087 : i32
          %dma_start3A_1089 = tpu.memref_slice %arg23[%mul3A_1088] : memref<655360xf32, #tpu.memory_space<vmem_shared>> -> memref<64xf32, #tpu.memory_space<vmem_shared>>
          %dma_start3A_1090 = tpu.memref_slice %arg23[%mul3A_1088] : memref<655360xf32, #tpu.memory_space<vmem_shared>> -> memref<64xf32, #tpu.memory_space<vmem_shared>>
          tpu.enqueue_dma source(%dma_start3A_1090 : memref<64xf32, #tpu.memory_space<vmem_shared>>) target(%arg17 : memref<64xf32, #tpu.memory_space<vmem>>) target_semaphore(%arg30 : memref<!tpu.dma_semaphore, #tpu.memory_space<semaphore_mem>>)
        } else {
        }
        %dma_wait3A_786 = arith.constant 0 : i32
        %dma_wait3A_787 = tpu.memref_slice %arg23[%dma_wait3A_786] : memref<655360xf32, #tpu.memory_space<vmem_shared>> -> memref<64xf32, #tpu.memory_space<vmem_shared>>
        %dma_wait3A_788 = arith.constant 0 : i32
        %dma_wait3A_789 = tpu.memref_slice %arg23[%dma_wait3A_788] : memref<655360xf32, #tpu.memory_space<vmem_shared>> -> memref<64xf32, #tpu.memory_space<vmem_shared>>
        tpu.wait_dma2 semaphore(%arg31 : memref<!tpu.dma_semaphore, #tpu.memory_space<semaphore_mem>>) src(%dma_wait3A_789 : memref<64xf32, #tpu.memory_space<vmem_shared>>) dst(%arg18 : memref<64xf32, #tpu.memory_space<vmem>>)
        %add3A_790 = arith.constant 3 : i32
        %add3A_791 = arith.addi %mul3A_587, %add3A_790 : i32
        %broadcast_in_dim3A_792 = vector.broadcast %add3A_791 : i32 to vector<16xi32>
        %gather3A_793 = tpu.vector_load_idx %arg13[%broadcast_in_dim3A_792] : memref<3264xi32, #tpu.memory_space<vmem>>[vector<16xi32>], vector<16xi32>,
        %mul3A_794 = arith.constant 64 : i32
        %mul3A_795 = vector.broadcast %mul3A_794 : i32 to vector<16xi32>
        %mul3A_796 = arith.muli %gather3A_793, %mul3A_795 : vector<16xi32>
        %add3A_797 = arith.addi %mul3A_796, %iota3A : vector<16xi32>
        %add3A_798 = arith.constant 0 : i32
        %add3A_799 = vector.broadcast %add3A_798 : i32 to vector<16xi32>
        %add3A_800 = arith.addi %add3A_797, %add3A_799 : vector<16xi32>
        %gather3A_801 = tpu.vector_load_idx %arg7[%add3A_800] : memref<41024xf32, #tpu.memory_space<vmem>>[vector<16xi32>], vector<16xf32>,
        %add3A_802 = arith.constant 16 : i32
        %add3A_803 = vector.broadcast %add3A_802 : i32 to vector<16xi32>
        %add3A_804 = arith.addi %add3A_797, %add3A_803 : vector<16xi32>
        %gather3A_805 = tpu.vector_load_idx %arg7[%add3A_804] : memref<41024xf32, #tpu.memory_space<vmem>>[vector<16xi32>], vector<16xf32>,
        %add3A_806 = arith.constant 32 : i32
        %add3A_807 = vector.broadcast %add3A_806 : i32 to vector<16xi32>
        %add3A_808 = arith.addi %add3A_797, %add3A_807 : vector<16xi32>
        %gather3A_809 = tpu.vector_load_idx %arg7[%add3A_808] : memref<41024xf32, #tpu.memory_space<vmem>>[vector<16xi32>], vector<16xf32>,
        %add3A_810 = arith.constant 48 : i32
        %add3A_811 = vector.broadcast %add3A_810 : i32 to vector<16xi32>
        %add3A_812 = arith.addi %add3A_797, %add3A_811 : vector<16xi32>
        %gather3A_813 = tpu.vector_load_idx %arg7[%add3A_812] : memref<41024xf32, #tpu.memory_space<vmem>>[vector<16xi32>], vector<16xf32>,
        %get3A_814 = arith.constant 0 : index
        %get3A_815 = tpu.vector_load %arg18[%get3A_814] {strides = array<i32>} : memref<64xf32, #tpu.memory_space<vmem>>, vector<16xf32>,
        %get3A_816 = arith.constant 16 : index
        %get3A_817 = tpu.vector_load %arg18[%get3A_816] {strides = array<i32>} : memref<64xf32, #tpu.memory_space<vmem>>, vector<16xf32>,
        %get3A_818 = arith.constant 32 : index
        %get3A_819 = tpu.vector_load %arg18[%get3A_818] {strides = array<i32>} : memref<64xf32, #tpu.memory_space<vmem>>, vector<16xf32>,
        %get3A_820 = arith.constant 48 : index
        %get3A_821 = tpu.vector_load %arg18[%get3A_820] {strides = array<i32>} : memref<64xf32, #tpu.memory_space<vmem>>, vector<16xf32>,
        %add3A_822 = arith.constant 0 : i32
        %add3A_823 = vector.broadcast %add3A_822 : i32 to vector<16xi32>
        %add3A_824 = arith.addi %add3A_797, %add3A_823 : vector<16xi32>
        %min3A_825 = arith.minimumf %gather3A_801, %get3A_815 : vector<16xf32>
        tpu.vector_store_idx %arg7[%add3A_824], %min3A_825 : memref<41024xf32, #tpu.memory_space<vmem>>[vector<16xi32>], vector<16xf32>,
        %add3A_826 = arith.constant 16 : i32
        %add3A_827 = vector.broadcast %add3A_826 : i32 to vector<16xi32>
        %add3A_828 = arith.addi %add3A_797, %add3A_827 : vector<16xi32>
        %min3A_829 = arith.minimumf %gather3A_805, %get3A_817 : vector<16xf32>
        tpu.vector_store_idx %arg7[%add3A_828], %min3A_829 : memref<41024xf32, #tpu.memory_space<vmem>>[vector<16xi32>], vector<16xf32>,
        %add3A_830 = arith.constant 32 : i32
        %add3A_831 = vector.broadcast %add3A_830 : i32 to vector<16xi32>
        %add3A_832 = arith.addi %add3A_797, %add3A_831 : vector<16xi32>
        %min3A_833 = arith.minimumf %gather3A_809, %get3A_819 : vector<16xf32>
        tpu.vector_store_idx %arg7[%add3A_832], %min3A_833 : memref<41024xf32, #tpu.memory_space<vmem>>[vector<16xi32>], vector<16xf32>,
        %add3A_834 = arith.constant 48 : i32
        %add3A_835 = vector.broadcast %add3A_834 : i32 to vector<16xi32>
        %add3A_836 = arith.addi %add3A_797, %add3A_835 : vector<16xi32>
        %min3A_837 = arith.minimumf %gather3A_813, %get3A_821 : vector<16xf32>
        tpu.vector_store_idx %arg7[%add3A_836], %min3A_837 : memref<41024xf32, #tpu.memory_space<vmem>>[vector<16xi32>], vector<16xf32>,
        %add3A_838 = arith.constant 8 : i32
        %add3A_839 = arith.addi %mul3A_587, %add3A_838 : i32
        %add3A_840 = arith.constant 3 : i32
        %add3A_841 = arith.addi %add3A_839, %add3A_840 : i32
        %lt3A_842 = arith.cmpi slt, %add3A_841, %mul3A_496 : i32
        %convert_element_type3A_843 = arith.extui %lt3A_842 : i1 to i32
        %cond3A_844 = arith.constant 0 : i32
        %cond3A_845 = arith.cmpi ne, %convert_element_type3A_843, %cond3A_844 : i32
        scf.if %cond3A_845 {
          %mul3A_1087 = arith.constant 64 : i32
          %mul3A_1088 = arith.muli %squeeze3A_599, %mul3A_1087 : i32
          %dma_start3A_1089 = tpu.memref_slice %arg23[%mul3A_1088] : memref<655360xf32, #tpu.memory_space<vmem_shared>> -> memref<64xf32, #tpu.memory_space<vmem_shared>>
          %dma_start3A_1090 = tpu.memref_slice %arg23[%mul3A_1088] : memref<655360xf32, #tpu.memory_space<vmem_shared>> -> memref<64xf32, #tpu.memory_space<vmem_shared>>
          tpu.enqueue_dma source(%dma_start3A_1090 : memref<64xf32, #tpu.memory_space<vmem_shared>>) target(%arg18 : memref<64xf32, #tpu.memory_space<vmem>>) target_semaphore(%arg31 : memref<!tpu.dma_semaphore, #tpu.memory_space<semaphore_mem>>)
        } else {
        }
        %dma_wait3A_846 = arith.constant 0 : i32
        %dma_wait3A_847 = tpu.memref_slice %arg23[%dma_wait3A_846] : memref<655360xf32, #tpu.memory_space<vmem_shared>> -> memref<64xf32, #tpu.memory_space<vmem_shared>>
        %dma_wait3A_848 = arith.constant 0 : i32
        %dma_wait3A_849 = tpu.memref_slice %arg23[%dma_wait3A_848] : memref<655360xf32, #tpu.memory_space<vmem_shared>> -> memref<64xf32, #tpu.memory_space<vmem_shared>>
        tpu.wait_dma2 semaphore(%arg32 : memref<!tpu.dma_semaphore, #tpu.memory_space<semaphore_mem>>) src(%dma_wait3A_849 : memref<64xf32, #tpu.memory_space<vmem_shared>>) dst(%arg19 : memref<64xf32, #tpu.memory_space<vmem>>)
        %add3A_850 = arith.constant 4 : i32
        %add3A_851 = arith.addi %mul3A_587, %add3A_850 : i32
        %broadcast_in_dim3A_852 = vector.broadcast %add3A_851 : i32 to vector<16xi32>
        %gather3A_853 = tpu.vector_load_idx %arg13[%broadcast_in_dim3A_852] : memref<3264xi32, #tpu.memory_space<vmem>>[vector<16xi32>], vector<16xi32>,
        %mul3A_854 = arith.constant 64 : i32
        %mul3A_855 = vector.broadcast %mul3A_854 : i32 to vector<16xi32>
        %mul3A_856 = arith.muli %gather3A_853, %mul3A_855 : vector<16xi32>
        %add3A_857 = arith.addi %mul3A_856, %iota3A : vector<16xi32>
        %add3A_858 = arith.constant 0 : i32
        %add3A_859 = vector.broadcast %add3A_858 : i32 to vector<16xi32>
        %add3A_860 = arith.addi %add3A_857, %add3A_859 : vector<16xi32>
        %gather3A_861 = tpu.vector_load_idx %arg7[%add3A_860] : memref<41024xf32, #tpu.memory_space<vmem>>[vector<16xi32>], vector<16xf32>,
        %add3A_862 = arith.constant 16 : i32
        %add3A_863 = vector.broadcast %add3A_862 : i32 to vector<16xi32>
        %add3A_864 = arith.addi %add3A_857, %add3A_863 : vector<16xi32>
        %gather3A_865 = tpu.vector_load_idx %arg7[%add3A_864] : memref<41024xf32, #tpu.memory_space<vmem>>[vector<16xi32>], vector<16xf32>,
        %add3A_866 = arith.constant 32 : i32
        %add3A_867 = vector.broadcast %add3A_866 : i32 to vector<16xi32>
        %add3A_868 = arith.addi %add3A_857, %add3A_867 : vector<16xi32>
        %gather3A_869 = tpu.vector_load_idx %arg7[%add3A_868] : memref<41024xf32, #tpu.memory_space<vmem>>[vector<16xi32>], vector<16xf32>,
        %add3A_870 = arith.constant 48 : i32
        %add3A_871 = vector.broadcast %add3A_870 : i32 to vector<16xi32>
        %add3A_872 = arith.addi %add3A_857, %add3A_871 : vector<16xi32>
        %gather3A_873 = tpu.vector_load_idx %arg7[%add3A_872] : memref<41024xf32, #tpu.memory_space<vmem>>[vector<16xi32>], vector<16xf32>,
        %get3A_874 = arith.constant 0 : index
        %get3A_875 = tpu.vector_load %arg19[%get3A_874] {strides = array<i32>} : memref<64xf32, #tpu.memory_space<vmem>>, vector<16xf32>,
        %get3A_876 = arith.constant 16 : index
        %get3A_877 = tpu.vector_load %arg19[%get3A_876] {strides = array<i32>} : memref<64xf32, #tpu.memory_space<vmem>>, vector<16xf32>,
        %get3A_878 = arith.constant 32 : index
        %get3A_879 = tpu.vector_load %arg19[%get3A_878] {strides = array<i32>} : memref<64xf32, #tpu.memory_space<vmem>>, vector<16xf32>,
        %get3A_880 = arith.constant 48 : index
        %get3A_881 = tpu.vector_load %arg19[%get3A_880] {strides = array<i32>} : memref<64xf32, #tpu.memory_space<vmem>>, vector<16xf32>,
        %add3A_882 = arith.constant 0 : i32
        %add3A_883 = vector.broadcast %add3A_882 : i32 to vector<16xi32>
        %add3A_884 = arith.addi %add3A_857, %add3A_883 : vector<16xi32>
        %min3A_885 = arith.minimumf %gather3A_861, %get3A_875 : vector<16xf32>
        tpu.vector_store_idx %arg7[%add3A_884], %min3A_885 : memref<41024xf32, #tpu.memory_space<vmem>>[vector<16xi32>], vector<16xf32>,
        %add3A_886 = arith.constant 16 : i32
        %add3A_887 = vector.broadcast %add3A_886 : i32 to vector<16xi32>
        %add3A_888 = arith.addi %add3A_857, %add3A_887 : vector<16xi32>
        %min3A_889 = arith.minimumf %gather3A_865, %get3A_877 : vector<16xf32>
        tpu.vector_store_idx %arg7[%add3A_888], %min3A_889 : memref<41024xf32, #tpu.memory_space<vmem>>[vector<16xi32>], vector<16xf32>,
        %add3A_890 = arith.constant 32 : i32
        %add3A_891 = vector.broadcast %add3A_890 : i32 to vector<16xi32>
        %add3A_892 = arith.addi %add3A_857, %add3A_891 : vector<16xi32>
        %min3A_893 = arith.minimumf %gather3A_869, %get3A_879 : vector<16xf32>
        tpu.vector_store_idx %arg7[%add3A_892], %min3A_893 : memref<41024xf32, #tpu.memory_space<vmem>>[vector<16xi32>], vector<16xf32>,
        %add3A_894 = arith.constant 48 : i32
        %add3A_895 = vector.broadcast %add3A_894 : i32 to vector<16xi32>
        %add3A_896 = arith.addi %add3A_857, %add3A_895 : vector<16xi32>
        %min3A_897 = arith.minimumf %gather3A_873, %get3A_881 : vector<16xf32>
        tpu.vector_store_idx %arg7[%add3A_896], %min3A_897 : memref<41024xf32, #tpu.memory_space<vmem>>[vector<16xi32>], vector<16xf32>,
        %add3A_898 = arith.constant 8 : i32
        %add3A_899 = arith.addi %mul3A_587, %add3A_898 : i32
        %add3A_900 = arith.constant 4 : i32
        %add3A_901 = arith.addi %add3A_899, %add3A_900 : i32
        %lt3A_902 = arith.cmpi slt, %add3A_901, %mul3A_496 : i32
        %convert_element_type3A_903 = arith.extui %lt3A_902 : i1 to i32
        %cond3A_904 = arith.constant 0 : i32
        %cond3A_905 = arith.cmpi ne, %convert_element_type3A_903, %cond3A_904 : i32
        scf.if %cond3A_905 {
          %mul3A_1087 = arith.constant 64 : i32
          %mul3A_1088 = arith.muli %squeeze3A_601, %mul3A_1087 : i32
          %dma_start3A_1089 = tpu.memref_slice %arg23[%mul3A_1088] : memref<655360xf32, #tpu.memory_space<vmem_shared>> -> memref<64xf32, #tpu.memory_space<vmem_shared>>
          %dma_start3A_1090 = tpu.memref_slice %arg23[%mul3A_1088] : memref<655360xf32, #tpu.memory_space<vmem_shared>> -> memref<64xf32, #tpu.memory_space<vmem_shared>>
          tpu.enqueue_dma source(%dma_start3A_1090 : memref<64xf32, #tpu.memory_space<vmem_shared>>) target(%arg19 : memref<64xf32, #tpu.memory_space<vmem>>) target_semaphore(%arg32 : memref<!tpu.dma_semaphore, #tpu.memory_space<semaphore_mem>>)
        } else {
        }
        %dma_wait3A_906 = arith.constant 0 : i32
        %dma_wait3A_907 = tpu.memref_slice %arg23[%dma_wait3A_906] : memref<655360xf32, #tpu.memory_space<vmem_shared>> -> memref<64xf32, #tpu.memory_space<vmem_shared>>
        %dma_wait3A_908 = arith.constant 0 : i32
        %dma_wait3A_909 = tpu.memref_slice %arg23[%dma_wait3A_908] : memref<655360xf32, #tpu.memory_space<vmem_shared>> -> memref<64xf32, #tpu.memory_space<vmem_shared>>
        tpu.wait_dma2 semaphore(%arg33 : memref<!tpu.dma_semaphore, #tpu.memory_space<semaphore_mem>>) src(%dma_wait3A_909 : memref<64xf32, #tpu.memory_space<vmem_shared>>) dst(%arg20 : memref<64xf32, #tpu.memory_space<vmem>>)
        %add3A_910 = arith.constant 5 : i32
        %add3A_911 = arith.addi %mul3A_587, %add3A_910 : i32
        %broadcast_in_dim3A_912 = vector.broadcast %add3A_911 : i32 to vector<16xi32>
        %gather3A_913 = tpu.vector_load_idx %arg13[%broadcast_in_dim3A_912] : memref<3264xi32, #tpu.memory_space<vmem>>[vector<16xi32>], vector<16xi32>,
        %mul3A_914 = arith.constant 64 : i32
        %mul3A_915 = vector.broadcast %mul3A_914 : i32 to vector<16xi32>
        %mul3A_916 = arith.muli %gather3A_913, %mul3A_915 : vector<16xi32>
        %add3A_917 = arith.addi %mul3A_916, %iota3A : vector<16xi32>
        %add3A_918 = arith.constant 0 : i32
        %add3A_919 = vector.broadcast %add3A_918 : i32 to vector<16xi32>
        %add3A_920 = arith.addi %add3A_917, %add3A_919 : vector<16xi32>
        %gather3A_921 = tpu.vector_load_idx %arg7[%add3A_920] : memref<41024xf32, #tpu.memory_space<vmem>>[vector<16xi32>], vector<16xf32>,
        %add3A_922 = arith.constant 16 : i32
        %add3A_923 = vector.broadcast %add3A_922 : i32 to vector<16xi32>
        %add3A_924 = arith.addi %add3A_917, %add3A_923 : vector<16xi32>
        %gather3A_925 = tpu.vector_load_idx %arg7[%add3A_924] : memref<41024xf32, #tpu.memory_space<vmem>>[vector<16xi32>], vector<16xf32>,
        %add3A_926 = arith.constant 32 : i32
        %add3A_927 = vector.broadcast %add3A_926 : i32 to vector<16xi32>
        %add3A_928 = arith.addi %add3A_917, %add3A_927 : vector<16xi32>
        %gather3A_929 = tpu.vector_load_idx %arg7[%add3A_928] : memref<41024xf32, #tpu.memory_space<vmem>>[vector<16xi32>], vector<16xf32>,
        %add3A_930 = arith.constant 48 : i32
        %add3A_931 = vector.broadcast %add3A_930 : i32 to vector<16xi32>
        %add3A_932 = arith.addi %add3A_917, %add3A_931 : vector<16xi32>
        %gather3A_933 = tpu.vector_load_idx %arg7[%add3A_932] : memref<41024xf32, #tpu.memory_space<vmem>>[vector<16xi32>], vector<16xf32>,
        %get3A_934 = arith.constant 0 : index
        %get3A_935 = tpu.vector_load %arg20[%get3A_934] {strides = array<i32>} : memref<64xf32, #tpu.memory_space<vmem>>, vector<16xf32>,
        %get3A_936 = arith.constant 16 : index
        %get3A_937 = tpu.vector_load %arg20[%get3A_936] {strides = array<i32>} : memref<64xf32, #tpu.memory_space<vmem>>, vector<16xf32>,
        %get3A_938 = arith.constant 32 : index
        %get3A_939 = tpu.vector_load %arg20[%get3A_938] {strides = array<i32>} : memref<64xf32, #tpu.memory_space<vmem>>, vector<16xf32>,
        %get3A_940 = arith.constant 48 : index
        %get3A_941 = tpu.vector_load %arg20[%get3A_940] {strides = array<i32>} : memref<64xf32, #tpu.memory_space<vmem>>, vector<16xf32>,
        %add3A_942 = arith.constant 0 : i32
        %add3A_943 = vector.broadcast %add3A_942 : i32 to vector<16xi32>
        %add3A_944 = arith.addi %add3A_917, %add3A_943 : vector<16xi32>
        %min3A_945 = arith.minimumf %gather3A_921, %get3A_935 : vector<16xf32>
        tpu.vector_store_idx %arg7[%add3A_944], %min3A_945 : memref<41024xf32, #tpu.memory_space<vmem>>[vector<16xi32>], vector<16xf32>,
        %add3A_946 = arith.constant 16 : i32
        %add3A_947 = vector.broadcast %add3A_946 : i32 to vector<16xi32>
        %add3A_948 = arith.addi %add3A_917, %add3A_947 : vector<16xi32>
        %min3A_949 = arith.minimumf %gather3A_925, %get3A_937 : vector<16xf32>
        tpu.vector_store_idx %arg7[%add3A_948], %min3A_949 : memref<41024xf32, #tpu.memory_space<vmem>>[vector<16xi32>], vector<16xf32>,
        %add3A_950 = arith.constant 32 : i32
        %add3A_951 = vector.broadcast %add3A_950 : i32 to vector<16xi32>
        %add3A_952 = arith.addi %add3A_917, %add3A_951 : vector<16xi32>
        %min3A_953 = arith.minimumf %gather3A_929, %get3A_939 : vector<16xf32>
        tpu.vector_store_idx %arg7[%add3A_952], %min3A_953 : memref<41024xf32, #tpu.memory_space<vmem>>[vector<16xi32>], vector<16xf32>,
        %add3A_954 = arith.constant 48 : i32
        %add3A_955 = vector.broadcast %add3A_954 : i32 to vector<16xi32>
        %add3A_956 = arith.addi %add3A_917, %add3A_955 : vector<16xi32>
        %min3A_957 = arith.minimumf %gather3A_933, %get3A_941 : vector<16xf32>
        tpu.vector_store_idx %arg7[%add3A_956], %min3A_957 : memref<41024xf32, #tpu.memory_space<vmem>>[vector<16xi32>], vector<16xf32>,
        %add3A_958 = arith.constant 8 : i32
        %add3A_959 = arith.addi %mul3A_587, %add3A_958 : i32
        %add3A_960 = arith.constant 5 : i32
        %add3A_961 = arith.addi %add3A_959, %add3A_960 : i32
        %lt3A_962 = arith.cmpi slt, %add3A_961, %mul3A_496 : i32
        %convert_element_type3A_963 = arith.extui %lt3A_962 : i1 to i32
        %cond3A_964 = arith.constant 0 : i32
        %cond3A_965 = arith.cmpi ne, %convert_element_type3A_963, %cond3A_964 : i32
        scf.if %cond3A_965 {
          %mul3A_1087 = arith.constant 64 : i32
          %mul3A_1088 = arith.muli %squeeze3A_603, %mul3A_1087 : i32
          %dma_start3A_1089 = tpu.memref_slice %arg23[%mul3A_1088] : memref<655360xf32, #tpu.memory_space<vmem_shared>> -> memref<64xf32, #tpu.memory_space<vmem_shared>>
          %dma_start3A_1090 = tpu.memref_slice %arg23[%mul3A_1088] : memref<655360xf32, #tpu.memory_space<vmem_shared>> -> memref<64xf32, #tpu.memory_space<vmem_shared>>
          tpu.enqueue_dma source(%dma_start3A_1090 : memref<64xf32, #tpu.memory_space<vmem_shared>>) target(%arg20 : memref<64xf32, #tpu.memory_space<vmem>>) target_semaphore(%arg33 : memref<!tpu.dma_semaphore, #tpu.memory_space<semaphore_mem>>)
        } else {
        }
        %dma_wait3A_966 = arith.constant 0 : i32
        %dma_wait3A_967 = tpu.memref_slice %arg23[%dma_wait3A_966] : memref<655360xf32, #tpu.memory_space<vmem_shared>> -> memref<64xf32, #tpu.memory_space<vmem_shared>>
        %dma_wait3A_968 = arith.constant 0 : i32
        %dma_wait3A_969 = tpu.memref_slice %arg23[%dma_wait3A_968] : memref<655360xf32, #tpu.memory_space<vmem_shared>> -> memref<64xf32, #tpu.memory_space<vmem_shared>>
        tpu.wait_dma2 semaphore(%arg34 : memref<!tpu.dma_semaphore, #tpu.memory_space<semaphore_mem>>) src(%dma_wait3A_969 : memref<64xf32, #tpu.memory_space<vmem_shared>>) dst(%arg21 : memref<64xf32, #tpu.memory_space<vmem>>)
        %add3A_970 = arith.constant 6 : i32
        %add3A_971 = arith.addi %mul3A_587, %add3A_970 : i32
        %broadcast_in_dim3A_972 = vector.broadcast %add3A_971 : i32 to vector<16xi32>
        %gather3A_973 = tpu.vector_load_idx %arg13[%broadcast_in_dim3A_972] : memref<3264xi32, #tpu.memory_space<vmem>>[vector<16xi32>], vector<16xi32>,
        %mul3A_974 = arith.constant 64 : i32
        %mul3A_975 = vector.broadcast %mul3A_974 : i32 to vector<16xi32>
        %mul3A_976 = arith.muli %gather3A_973, %mul3A_975 : vector<16xi32>
        %add3A_977 = arith.addi %mul3A_976, %iota3A : vector<16xi32>
        %add3A_978 = arith.constant 0 : i32
        %add3A_979 = vector.broadcast %add3A_978 : i32 to vector<16xi32>
        %add3A_980 = arith.addi %add3A_977, %add3A_979 : vector<16xi32>
        %gather3A_981 = tpu.vector_load_idx %arg7[%add3A_980] : memref<41024xf32, #tpu.memory_space<vmem>>[vector<16xi32>], vector<16xf32>,
        %add3A_982 = arith.constant 16 : i32
        %add3A_983 = vector.broadcast %add3A_982 : i32 to vector<16xi32>
        %add3A_984 = arith.addi %add3A_977, %add3A_983 : vector<16xi32>
        %gather3A_985 = tpu.vector_load_idx %arg7[%add3A_984] : memref<41024xf32, #tpu.memory_space<vmem>>[vector<16xi32>], vector<16xf32>,
        %add3A_986 = arith.constant 32 : i32
        %add3A_987 = vector.broadcast %add3A_986 : i32 to vector<16xi32>
        %add3A_988 = arith.addi %add3A_977, %add3A_987 : vector<16xi32>
        %gather3A_989 = tpu.vector_load_idx %arg7[%add3A_988] : memref<41024xf32, #tpu.memory_space<vmem>>[vector<16xi32>], vector<16xf32>,
        %add3A_990 = arith.constant 48 : i32
        %add3A_991 = vector.broadcast %add3A_990 : i32 to vector<16xi32>
        %add3A_992 = arith.addi %add3A_977, %add3A_991 : vector<16xi32>
        %gather3A_993 = tpu.vector_load_idx %arg7[%add3A_992] : memref<41024xf32, #tpu.memory_space<vmem>>[vector<16xi32>], vector<16xf32>,
        %get3A_994 = arith.constant 0 : index
        %get3A_995 = tpu.vector_load %arg21[%get3A_994] {strides = array<i32>} : memref<64xf32, #tpu.memory_space<vmem>>, vector<16xf32>,
        %get3A_996 = arith.constant 16 : index
        %get3A_997 = tpu.vector_load %arg21[%get3A_996] {strides = array<i32>} : memref<64xf32, #tpu.memory_space<vmem>>, vector<16xf32>,
        %get3A_998 = arith.constant 32 : index
        %get3A_999 = tpu.vector_load %arg21[%get3A_998] {strides = array<i32>} : memref<64xf32, #tpu.memory_space<vmem>>, vector<16xf32>,
        %get3A_1000 = arith.constant 48 : index
        %get3A_1001 = tpu.vector_load %arg21[%get3A_1000] {strides = array<i32>} : memref<64xf32, #tpu.memory_space<vmem>>, vector<16xf32>,
        %add3A_1002 = arith.constant 0 : i32
        %add3A_1003 = vector.broadcast %add3A_1002 : i32 to vector<16xi32>
        %add3A_1004 = arith.addi %add3A_977, %add3A_1003 : vector<16xi32>
        %min3A_1005 = arith.minimumf %gather3A_981, %get3A_995 : vector<16xf32>
        tpu.vector_store_idx %arg7[%add3A_1004], %min3A_1005 : memref<41024xf32, #tpu.memory_space<vmem>>[vector<16xi32>], vector<16xf32>,
        %add3A_1006 = arith.constant 16 : i32
        %add3A_1007 = vector.broadcast %add3A_1006 : i32 to vector<16xi32>
        %add3A_1008 = arith.addi %add3A_977, %add3A_1007 : vector<16xi32>
        %min3A_1009 = arith.minimumf %gather3A_985, %get3A_997 : vector<16xf32>
        tpu.vector_store_idx %arg7[%add3A_1008], %min3A_1009 : memref<41024xf32, #tpu.memory_space<vmem>>[vector<16xi32>], vector<16xf32>,
        %add3A_1010 = arith.constant 32 : i32
        %add3A_1011 = vector.broadcast %add3A_1010 : i32 to vector<16xi32>
        %add3A_1012 = arith.addi %add3A_977, %add3A_1011 : vector<16xi32>
        %min3A_1013 = arith.minimumf %gather3A_989, %get3A_999 : vector<16xf32>
        tpu.vector_store_idx %arg7[%add3A_1012], %min3A_1013 : memref<41024xf32, #tpu.memory_space<vmem>>[vector<16xi32>], vector<16xf32>,
        %add3A_1014 = arith.constant 48 : i32
        %add3A_1015 = vector.broadcast %add3A_1014 : i32 to vector<16xi32>
        %add3A_1016 = arith.addi %add3A_977, %add3A_1015 : vector<16xi32>
        %min3A_1017 = arith.minimumf %gather3A_993, %get3A_1001 : vector<16xf32>
        tpu.vector_store_idx %arg7[%add3A_1016], %min3A_1017 : memref<41024xf32, #tpu.memory_space<vmem>>[vector<16xi32>], vector<16xf32>,
        %add3A_1018 = arith.constant 8 : i32
        %add3A_1019 = arith.addi %mul3A_587, %add3A_1018 : i32
        %add3A_1020 = arith.constant 6 : i32
        %add3A_1021 = arith.addi %add3A_1019, %add3A_1020 : i32
        %lt3A_1022 = arith.cmpi slt, %add3A_1021, %mul3A_496 : i32
        %convert_element_type3A_1023 = arith.extui %lt3A_1022 : i1 to i32
        %cond3A_1024 = arith.constant 0 : i32
        %cond3A_1025 = arith.cmpi ne, %convert_element_type3A_1023, %cond3A_1024 : i32
        scf.if %cond3A_1025 {
          %mul3A_1087 = arith.constant 64 : i32
          %mul3A_1088 = arith.muli %squeeze3A_605, %mul3A_1087 : i32
          %dma_start3A_1089 = tpu.memref_slice %arg23[%mul3A_1088] : memref<655360xf32, #tpu.memory_space<vmem_shared>> -> memref<64xf32, #tpu.memory_space<vmem_shared>>
          %dma_start3A_1090 = tpu.memref_slice %arg23[%mul3A_1088] : memref<655360xf32, #tpu.memory_space<vmem_shared>> -> memref<64xf32, #tpu.memory_space<vmem_shared>>
          tpu.enqueue_dma source(%dma_start3A_1090 : memref<64xf32, #tpu.memory_space<vmem_shared>>) target(%arg21 : memref<64xf32, #tpu.memory_space<vmem>>) target_semaphore(%arg34 : memref<!tpu.dma_semaphore, #tpu.memory_space<semaphore_mem>>)
        } else {
        }
        %dma_wait3A_1026 = arith.constant 0 : i32
        %dma_wait3A_1027 = tpu.memref_slice %arg23[%dma_wait3A_1026] : memref<655360xf32, #tpu.memory_space<vmem_shared>> -> memref<64xf32, #tpu.memory_space<vmem_shared>>
        %dma_wait3A_1028 = arith.constant 0 : i32
        %dma_wait3A_1029 = tpu.memref_slice %arg23[%dma_wait3A_1028] : memref<655360xf32, #tpu.memory_space<vmem_shared>> -> memref<64xf32, #tpu.memory_space<vmem_shared>>
        tpu.wait_dma2 semaphore(%arg35 : memref<!tpu.dma_semaphore, #tpu.memory_space<semaphore_mem>>) src(%dma_wait3A_1029 : memref<64xf32, #tpu.memory_space<vmem_shared>>) dst(%arg22 : memref<64xf32, #tpu.memory_space<vmem>>)
        %add3A_1030 = arith.constant 7 : i32
        %add3A_1031 = arith.addi %mul3A_587, %add3A_1030 : i32
        %broadcast_in_dim3A_1032 = vector.broadcast %add3A_1031 : i32 to vector<16xi32>
        %gather3A_1033 = tpu.vector_load_idx %arg13[%broadcast_in_dim3A_1032] : memref<3264xi32, #tpu.memory_space<vmem>>[vector<16xi32>], vector<16xi32>,
        %mul3A_1034 = arith.constant 64 : i32
        %mul3A_1035 = vector.broadcast %mul3A_1034 : i32 to vector<16xi32>
        %mul3A_1036 = arith.muli %gather3A_1033, %mul3A_1035 : vector<16xi32>
        %add3A_1037 = arith.addi %mul3A_1036, %iota3A : vector<16xi32>
        %add3A_1038 = arith.constant 0 : i32
        %add3A_1039 = vector.broadcast %add3A_1038 : i32 to vector<16xi32>
        %add3A_1040 = arith.addi %add3A_1037, %add3A_1039 : vector<16xi32>
        %gather3A_1041 = tpu.vector_load_idx %arg7[%add3A_1040] : memref<41024xf32, #tpu.memory_space<vmem>>[vector<16xi32>], vector<16xf32>,
        %add3A_1042 = arith.constant 16 : i32
        %add3A_1043 = vector.broadcast %add3A_1042 : i32 to vector<16xi32>
        %add3A_1044 = arith.addi %add3A_1037, %add3A_1043 : vector<16xi32>
        %gather3A_1045 = tpu.vector_load_idx %arg7[%add3A_1044] : memref<41024xf32, #tpu.memory_space<vmem>>[vector<16xi32>], vector<16xf32>,
        %add3A_1046 = arith.constant 32 : i32
        %add3A_1047 = vector.broadcast %add3A_1046 : i32 to vector<16xi32>
        %add3A_1048 = arith.addi %add3A_1037, %add3A_1047 : vector<16xi32>
        %gather3A_1049 = tpu.vector_load_idx %arg7[%add3A_1048] : memref<41024xf32, #tpu.memory_space<vmem>>[vector<16xi32>], vector<16xf32>,
        %add3A_1050 = arith.constant 48 : i32
        %add3A_1051 = vector.broadcast %add3A_1050 : i32 to vector<16xi32>
        %add3A_1052 = arith.addi %add3A_1037, %add3A_1051 : vector<16xi32>
        %gather3A_1053 = tpu.vector_load_idx %arg7[%add3A_1052] : memref<41024xf32, #tpu.memory_space<vmem>>[vector<16xi32>], vector<16xf32>,
        %get3A_1054 = arith.constant 0 : index
        %get3A_1055 = tpu.vector_load %arg22[%get3A_1054] {strides = array<i32>} : memref<64xf32, #tpu.memory_space<vmem>>, vector<16xf32>,
        %get3A_1056 = arith.constant 16 : index
        %get3A_1057 = tpu.vector_load %arg22[%get3A_1056] {strides = array<i32>} : memref<64xf32, #tpu.memory_space<vmem>>, vector<16xf32>,
        %get3A_1058 = arith.constant 32 : index
        %get3A_1059 = tpu.vector_load %arg22[%get3A_1058] {strides = array<i32>} : memref<64xf32, #tpu.memory_space<vmem>>, vector<16xf32>,
        %get3A_1060 = arith.constant 48 : index
        %get3A_1061 = tpu.vector_load %arg22[%get3A_1060] {strides = array<i32>} : memref<64xf32, #tpu.memory_space<vmem>>, vector<16xf32>,
        %add3A_1062 = arith.constant 0 : i32
        %add3A_1063 = vector.broadcast %add3A_1062 : i32 to vector<16xi32>
        %add3A_1064 = arith.addi %add3A_1037, %add3A_1063 : vector<16xi32>
        %min3A_1065 = arith.minimumf %gather3A_1041, %get3A_1055 : vector<16xf32>
        tpu.vector_store_idx %arg7[%add3A_1064], %min3A_1065 : memref<41024xf32, #tpu.memory_space<vmem>>[vector<16xi32>], vector<16xf32>,
        %add3A_1066 = arith.constant 16 : i32
        %add3A_1067 = vector.broadcast %add3A_1066 : i32 to vector<16xi32>
        %add3A_1068 = arith.addi %add3A_1037, %add3A_1067 : vector<16xi32>
        %min3A_1069 = arith.minimumf %gather3A_1045, %get3A_1057 : vector<16xf32>
        tpu.vector_store_idx %arg7[%add3A_1068], %min3A_1069 : memref<41024xf32, #tpu.memory_space<vmem>>[vector<16xi32>], vector<16xf32>,
        %add3A_1070 = arith.constant 32 : i32
        %add3A_1071 = vector.broadcast %add3A_1070 : i32 to vector<16xi32>
        %add3A_1072 = arith.addi %add3A_1037, %add3A_1071 : vector<16xi32>
        %min3A_1073 = arith.minimumf %gather3A_1049, %get3A_1059 : vector<16xf32>
        tpu.vector_store_idx %arg7[%add3A_1072], %min3A_1073 : memref<41024xf32, #tpu.memory_space<vmem>>[vector<16xi32>], vector<16xf32>,
        %add3A_1074 = arith.constant 48 : i32
        %add3A_1075 = vector.broadcast %add3A_1074 : i32 to vector<16xi32>
        %add3A_1076 = arith.addi %add3A_1037, %add3A_1075 : vector<16xi32>
        %min3A_1077 = arith.minimumf %gather3A_1053, %get3A_1061 : vector<16xf32>
        tpu.vector_store_idx %arg7[%add3A_1076], %min3A_1077 : memref<41024xf32, #tpu.memory_space<vmem>>[vector<16xi32>], vector<16xf32>,
        %add3A_1078 = arith.constant 8 : i32
        %add3A_1079 = arith.addi %mul3A_587, %add3A_1078 : i32
        %add3A_1080 = arith.constant 7 : i32
        %add3A_1081 = arith.addi %add3A_1079, %add3A_1080 : i32
        %lt3A_1082 = arith.cmpi slt, %add3A_1081, %mul3A_496 : i32
        %convert_element_type3A_1083 = arith.extui %lt3A_1082 : i1 to i32
        %cond3A_1084 = arith.constant 0 : i32
        %cond3A_1085 = arith.cmpi ne, %convert_element_type3A_1083, %cond3A_1084 : i32
        scf.if %cond3A_1085 {
          %mul3A_1087 = arith.constant 64 : i32
          %mul3A_1088 = arith.muli %squeeze3A_607, %mul3A_1087 : i32
          %dma_start3A_1089 = tpu.memref_slice %arg23[%mul3A_1088] : memref<655360xf32, #tpu.memory_space<vmem_shared>> -> memref<64xf32, #tpu.memory_space<vmem_shared>>
          %dma_start3A_1090 = tpu.memref_slice %arg23[%mul3A_1088] : memref<655360xf32, #tpu.memory_space<vmem_shared>> -> memref<64xf32, #tpu.memory_space<vmem_shared>>
          tpu.enqueue_dma source(%dma_start3A_1090 : memref<64xf32, #tpu.memory_space<vmem_shared>>) target(%arg22 : memref<64xf32, #tpu.memory_space<vmem>>) target_semaphore(%arg35 : memref<!tpu.dma_semaphore, #tpu.memory_space<semaphore_mem>>)
        } else {
        }
        %while3A_1086 = arith.constant 0 : i32
        scf.yield %while3A_1086 : i32
      }
      %scan3A_583 = arith.constant 0 : i32
      scf.yield %scan3A_583 : i32
    }
    %scan3A_130 = arith.constant 50 : i32
    %mul3A_131 = arith.constant 10240 : i32
    %mul3A_132 = arith.muli %arg0, %mul3A_131 : i32
    %add3A_133 = arith.addi %mul3A_132, %mul3A_0 : i32
    %add3A_134 = arith.constant 0 : i32
    %add3A_135 = arith.addi %add3A_133, %add3A_134 : i32
    %mul3A_136 = arith.constant 64 : i32
    %mul3A_137 = arith.muli %add3A_135, %mul3A_136 : i32
    "tpu.region"() ({
      %run_scoped3A = tpu.sem_alloc : memref<!tpu.dma_semaphore, #tpu.memory_space<semaphore_mem>>
      %dma_start3A_271 = tpu.memref_slice %arg5[%mul3A_137] : memref<1310720xf32, #tpu.memory_space<hbm>> -> memref<4096xf32, #tpu.memory_space<hbm>>
      %dma_start3A_272 = tpu.memref_slice %arg5[%mul3A_137] : memref<1310720xf32, #tpu.memory_space<hbm>> -> memref<4096xf32, #tpu.memory_space<hbm>>
      tpu.enqueue_dma source(%dma_start3A_272 : memref<4096xf32, #tpu.memory_space<hbm>>) target(%arg14 : memref<4096xf32, #tpu.memory_space<vmem>>) target_semaphore(%run_scoped3A : memref<!tpu.dma_semaphore, #tpu.memory_space<semaphore_mem>>)
      %dma_wait3A = tpu.memref_slice %arg5[%mul3A_137] : memref<1310720xf32, #tpu.memory_space<hbm>> -> memref<4096xf32, #tpu.memory_space<hbm>>
      %dma_wait3A_273 = tpu.memref_slice %arg5[%mul3A_137] : memref<1310720xf32, #tpu.memory_space<hbm>> -> memref<4096xf32, #tpu.memory_space<hbm>>
      tpu.wait_dma2 semaphore(%run_scoped3A : memref<!tpu.dma_semaphore, #tpu.memory_space<semaphore_mem>>) src(%dma_wait3A_273 : memref<4096xf32, #tpu.memory_space<hbm>>) dst(%arg14 : memref<4096xf32, #tpu.memory_space<vmem>>)
      tpu.yield
    }) : () -> ()
    %scan3A_138 = arith.constant 0 : i32
    %scan3A_139 = arith.constant 0 : i32
    %scan3A_140 = arith.constant 256 : i32
    %scan3A_141 = arith.addi %scan3A_139, %scan3A_140 : i32
    %scan3A_142 = arith.constant 1 : i32
    %scan3A_143 = scf.for %scan3A_271 = %scan3A_139 to %scan3A_141 step %scan3A_142 iter_args(%scan3A_272 = %scan3A_138) -> (i32)  : i32 {
      %mul3A_273 = arith.constant 16 : i32
      %mul3A_274 = arith.muli %scan3A_271, %mul3A_273 : i32
      %add3A_275 = arith.constant 0 : i32
      %add3A_276 = arith.addi %add3A_275, %mul3A_274 : i32
      %get3A = arith.index_cast %add3A_276 : i32 to index
      %get3A_277 = tpu.vector_load %arg7[%get3A] {strides = array<i32>} : memref<41024xf32, #tpu.memory_space<vmem>>, vector<16xf32>,
      %mul3A_278 = arith.constant 16 : i32
      %mul3A_279 = arith.muli %scan3A_271, %mul3A_278 : i32
      %get3A_280 = arith.index_cast %mul3A_279 : i32 to index
      %get3A_281 = tpu.vector_load %arg14[%get3A_280] {strides = array<i32>} : memref<4096xf32, #tpu.memory_space<vmem>>, vector<16xf32>,
      %eq3A = arith.constant 0x7F800000 : f32
      %eq3A_282 = vector.broadcast %eq3A : f32 to vector<16xf32>
      %eq3A_283 = arith.cmpf oeq, %get3A_277, %eq3A_282 : vector<16xf32>
      %sub3A = arith.subf %get3A_281, %get3A_277 : vector<16xf32>
      %jit3A = arith.constant 0.000000e+00 : f32
      %broadcast_in_dim3A_284 = vector.broadcast %jit3A : f32 to vector<16xf32>
      %select_n3A = arith.select %eq3A_283, %broadcast_in_dim3A_284, %sub3A : vector<16xi1>, vector<16xf32>
      %mul3A_285 = arith.constant 16 : i32
      %mul3A_286 = arith.muli %scan3A_271, %mul3A_285 : i32
      %swap3A = arith.index_cast %mul3A_286 : i32 to index
      %swap3A_287 = tpu.vector_load %arg14[%swap3A] {strides = array<i32>} : memref<4096xf32, #tpu.memory_space<vmem>>, vector<16xf32>,
      tpu.vector_store %arg14[%swap3A], %select_n3A {strides = array<i32>} : memref<4096xf32, #tpu.memory_space<vmem>>, vector<16xf32>,
      %scan3A_288 = arith.constant 0 : i32
      scf.yield %scan3A_288 : i32
    }
    %scan3A_144 = arith.constant 256 : i32
    "tpu.region"() ({
      %run_scoped3A = tpu.sem_alloc : memref<!tpu.dma_semaphore, #tpu.memory_space<semaphore_mem>>
      %dma_start3A_271 = tpu.memref_slice %arg6[%mul3A_137] : memref<1310720xf32, #tpu.memory_space<hbm>> -> memref<4096xf32, #tpu.memory_space<hbm>>
      %dma_start3A_272 = tpu.memref_slice %arg6[%mul3A_137] : memref<1310720xf32, #tpu.memory_space<hbm>> -> memref<4096xf32, #tpu.memory_space<hbm>>
      tpu.enqueue_dma source(%arg14 : memref<4096xf32, #tpu.memory_space<vmem>>) target(%dma_start3A_272 : memref<4096xf32, #tpu.memory_space<hbm>>) target_semaphore(%run_scoped3A : memref<!tpu.dma_semaphore, #tpu.memory_space<semaphore_mem>>)
      %dma_wait3A = tpu.memref_slice %arg6[%mul3A_137] : memref<1310720xf32, #tpu.memory_space<hbm>> -> memref<4096xf32, #tpu.memory_space<hbm>>
      %dma_wait3A_273 = tpu.memref_slice %arg6[%mul3A_137] : memref<1310720xf32, #tpu.memory_space<hbm>> -> memref<4096xf32, #tpu.memory_space<hbm>>
      tpu.wait_dma2 semaphore(%run_scoped3A : memref<!tpu.dma_semaphore, #tpu.memory_space<semaphore_mem>>) src(%arg14 : memref<4096xf32, #tpu.memory_space<vmem>>) dst(%dma_wait3A_273 : memref<4096xf32, #tpu.memory_space<hbm>>)
      tpu.yield
    }) : () -> ()
    %mul3A_145 = arith.constant 10240 : i32
    %mul3A_146 = arith.muli %arg0, %mul3A_145 : i32
    %add3A_147 = arith.addi %mul3A_146, %mul3A_0 : i32
    %add3A_148 = arith.constant 64 : i32
    %add3A_149 = arith.addi %add3A_147, %add3A_148 : i32
    %mul3A_150 = arith.constant 64 : i32
    %mul3A_151 = arith.muli %add3A_149, %mul3A_150 : i32
    "tpu.region"() ({
      %run_scoped3A = tpu.sem_alloc : memref<!tpu.dma_semaphore, #tpu.memory_space<semaphore_mem>>
      %dma_start3A_271 = tpu.memref_slice %arg5[%mul3A_151] : memref<1310720xf32, #tpu.memory_space<hbm>> -> memref<4096xf32, #tpu.memory_space<hbm>>
      %dma_start3A_272 = tpu.memref_slice %arg5[%mul3A_151] : memref<1310720xf32, #tpu.memory_space<hbm>> -> memref<4096xf32, #tpu.memory_space<hbm>>
      tpu.enqueue_dma source(%dma_start3A_272 : memref<4096xf32, #tpu.memory_space<hbm>>) target(%arg14 : memref<4096xf32, #tpu.memory_space<vmem>>) target_semaphore(%run_scoped3A : memref<!tpu.dma_semaphore, #tpu.memory_space<semaphore_mem>>)
      %dma_wait3A = tpu.memref_slice %arg5[%mul3A_151] : memref<1310720xf32, #tpu.memory_space<hbm>> -> memref<4096xf32, #tpu.memory_space<hbm>>
      %dma_wait3A_273 = tpu.memref_slice %arg5[%mul3A_151] : memref<1310720xf32, #tpu.memory_space<hbm>> -> memref<4096xf32, #tpu.memory_space<hbm>>
      tpu.wait_dma2 semaphore(%run_scoped3A : memref<!tpu.dma_semaphore, #tpu.memory_space<semaphore_mem>>) src(%dma_wait3A_273 : memref<4096xf32, #tpu.memory_space<hbm>>) dst(%arg14 : memref<4096xf32, #tpu.memory_space<vmem>>)
      tpu.yield
    }) : () -> ()
    %scan3A_152 = arith.constant 0 : i32
    %scan3A_153 = arith.constant 0 : i32
    %scan3A_154 = arith.constant 256 : i32
    %scan3A_155 = arith.addi %scan3A_153, %scan3A_154 : i32
    %scan3A_156 = arith.constant 1 : i32
    %scan3A_157 = scf.for %scan3A_271 = %scan3A_153 to %scan3A_155 step %scan3A_156 iter_args(%scan3A_272 = %scan3A_152) -> (i32)  : i32 {
      %mul3A_273 = arith.constant 16 : i32
      %mul3A_274 = arith.muli %scan3A_271, %mul3A_273 : i32
      %add3A_275 = arith.constant 4096 : i32
      %add3A_276 = arith.addi %add3A_275, %mul3A_274 : i32
      %get3A = arith.index_cast %add3A_276 : i32 to index
      %get3A_277 = tpu.vector_load %arg7[%get3A] {strides = array<i32>} : memref<41024xf32, #tpu.memory_space<vmem>>, vector<16xf32>,
      %mul3A_278 = arith.constant 16 : i32
      %mul3A_279 = arith.muli %scan3A_271, %mul3A_278 : i32
      %get3A_280 = arith.index_cast %mul3A_279 : i32 to index
      %get3A_281 = tpu.vector_load %arg14[%get3A_280] {strides = array<i32>} : memref<4096xf32, #tpu.memory_space<vmem>>, vector<16xf32>,
      %eq3A = arith.constant 0x7F800000 : f32
      %eq3A_282 = vector.broadcast %eq3A : f32 to vector<16xf32>
      %eq3A_283 = arith.cmpf oeq, %get3A_277, %eq3A_282 : vector<16xf32>
      %sub3A = arith.subf %get3A_281, %get3A_277 : vector<16xf32>
      %jit3A = arith.constant 0.000000e+00 : f32
      %broadcast_in_dim3A_284 = vector.broadcast %jit3A : f32 to vector<16xf32>
      %select_n3A = arith.select %eq3A_283, %broadcast_in_dim3A_284, %sub3A : vector<16xi1>, vector<16xf32>
      %mul3A_285 = arith.constant 16 : i32
      %mul3A_286 = arith.muli %scan3A_271, %mul3A_285 : i32
      %swap3A = arith.index_cast %mul3A_286 : i32 to index
      %swap3A_287 = tpu.vector_load %arg14[%swap3A] {strides = array<i32>} : memref<4096xf32, #tpu.memory_space<vmem>>, vector<16xf32>,
      tpu.vector_store %arg14[%swap3A], %select_n3A {strides = array<i32>} : memref<4096xf32, #tpu.memory_space<vmem>>, vector<16xf32>,
      %scan3A_288 = arith.constant 0 : i32
      scf.yield %scan3A_288 : i32
    }
    %scan3A_158 = arith.constant 256 : i32
    "tpu.region"() ({
      %run_scoped3A = tpu.sem_alloc : memref<!tpu.dma_semaphore, #tpu.memory_space<semaphore_mem>>
      %dma_start3A_271 = tpu.memref_slice %arg6[%mul3A_151] : memref<1310720xf32, #tpu.memory_space<hbm>> -> memref<4096xf32, #tpu.memory_space<hbm>>
      %dma_start3A_272 = tpu.memref_slice %arg6[%mul3A_151] : memref<1310720xf32, #tpu.memory_space<hbm>> -> memref<4096xf32, #tpu.memory_space<hbm>>
      tpu.enqueue_dma source(%arg14 : memref<4096xf32, #tpu.memory_space<vmem>>) target(%dma_start3A_272 : memref<4096xf32, #tpu.memory_space<hbm>>) target_semaphore(%run_scoped3A : memref<!tpu.dma_semaphore, #tpu.memory_space<semaphore_mem>>)
      %dma_wait3A = tpu.memref_slice %arg6[%mul3A_151] : memref<1310720xf32, #tpu.memory_space<hbm>> -> memref<4096xf32, #tpu.memory_space<hbm>>
      %dma_wait3A_273 = tpu.memref_slice %arg6[%mul3A_151] : memref<1310720xf32, #tpu.memory_space<hbm>> -> memref<4096xf32, #tpu.memory_space<hbm>>
      tpu.wait_dma2 semaphore(%run_scoped3A : memref<!tpu.dma_semaphore, #tpu.memory_space<semaphore_mem>>) src(%arg14 : memref<4096xf32, #tpu.memory_space<vmem>>) dst(%dma_wait3A_273 : memref<4096xf32, #tpu.memory_space<hbm>>)
      tpu.yield
    }) : () -> ()
    %mul3A_159 = arith.constant 10240 : i32
    %mul3A_160 = arith.muli %arg0, %mul3A_159 : i32
    %add3A_161 = arith.addi %mul3A_160, %mul3A_0 : i32
    %add3A_162 = arith.constant 128 : i32
    %add3A_163 = arith.addi %add3A_161, %add3A_162 : i32
    %mul3A_164 = arith.constant 64 : i32
    %mul3A_165 = arith.muli %add3A_163, %mul3A_164 : i32
    "tpu.region"() ({
      %run_scoped3A = tpu.sem_alloc : memref<!tpu.dma_semaphore, #tpu.memory_space<semaphore_mem>>
      %dma_start3A_271 = tpu.memref_slice %arg5[%mul3A_165] : memref<1310720xf32, #tpu.memory_space<hbm>> -> memref<4096xf32, #tpu.memory_space<hbm>>
      %dma_start3A_272 = tpu.memref_slice %arg5[%mul3A_165] : memref<1310720xf32, #tpu.memory_space<hbm>> -> memref<4096xf32, #tpu.memory_space<hbm>>
      tpu.enqueue_dma source(%dma_start3A_272 : memref<4096xf32, #tpu.memory_space<hbm>>) target(%arg14 : memref<4096xf32, #tpu.memory_space<vmem>>) target_semaphore(%run_scoped3A : memref<!tpu.dma_semaphore, #tpu.memory_space<semaphore_mem>>)
      %dma_wait3A = tpu.memref_slice %arg5[%mul3A_165] : memref<1310720xf32, #tpu.memory_space<hbm>> -> memref<4096xf32, #tpu.memory_space<hbm>>
      %dma_wait3A_273 = tpu.memref_slice %arg5[%mul3A_165] : memref<1310720xf32, #tpu.memory_space<hbm>> -> memref<4096xf32, #tpu.memory_space<hbm>>
      tpu.wait_dma2 semaphore(%run_scoped3A : memref<!tpu.dma_semaphore, #tpu.memory_space<semaphore_mem>>) src(%dma_wait3A_273 : memref<4096xf32, #tpu.memory_space<hbm>>) dst(%arg14 : memref<4096xf32, #tpu.memory_space<vmem>>)
      tpu.yield
    }) : () -> ()
    %scan3A_166 = arith.constant 0 : i32
    %scan3A_167 = arith.constant 0 : i32
    %scan3A_168 = arith.constant 256 : i32
    %scan3A_169 = arith.addi %scan3A_167, %scan3A_168 : i32
    %scan3A_170 = arith.constant 1 : i32
    %scan3A_171 = scf.for %scan3A_271 = %scan3A_167 to %scan3A_169 step %scan3A_170 iter_args(%scan3A_272 = %scan3A_166) -> (i32)  : i32 {
      %mul3A_273 = arith.constant 16 : i32
      %mul3A_274 = arith.muli %scan3A_271, %mul3A_273 : i32
      %add3A_275 = arith.constant 8192 : i32
      %add3A_276 = arith.addi %add3A_275, %mul3A_274 : i32
      %get3A = arith.index_cast %add3A_276 : i32 to index
      %get3A_277 = tpu.vector_load %arg7[%get3A] {strides = array<i32>} : memref<41024xf32, #tpu.memory_space<vmem>>, vector<16xf32>,
      %mul3A_278 = arith.constant 16 : i32
      %mul3A_279 = arith.muli %scan3A_271, %mul3A_278 : i32
      %get3A_280 = arith.index_cast %mul3A_279 : i32 to index
      %get3A_281 = tpu.vector_load %arg14[%get3A_280] {strides = array<i32>} : memref<4096xf32, #tpu.memory_space<vmem>>, vector<16xf32>,
      %eq3A = arith.constant 0x7F800000 : f32
      %eq3A_282 = vector.broadcast %eq3A : f32 to vector<16xf32>
      %eq3A_283 = arith.cmpf oeq, %get3A_277, %eq3A_282 : vector<16xf32>
      %sub3A = arith.subf %get3A_281, %get3A_277 : vector<16xf32>
      %jit3A = arith.constant 0.000000e+00 : f32
      %broadcast_in_dim3A_284 = vector.broadcast %jit3A : f32 to vector<16xf32>
      %select_n3A = arith.select %eq3A_283, %broadcast_in_dim3A_284, %sub3A : vector<16xi1>, vector<16xf32>
      %mul3A_285 = arith.constant 16 : i32
      %mul3A_286 = arith.muli %scan3A_271, %mul3A_285 : i32
      %swap3A = arith.index_cast %mul3A_286 : i32 to index
      %swap3A_287 = tpu.vector_load %arg14[%swap3A] {strides = array<i32>} : memref<4096xf32, #tpu.memory_space<vmem>>, vector<16xf32>,
      tpu.vector_store %arg14[%swap3A], %select_n3A {strides = array<i32>} : memref<4096xf32, #tpu.memory_space<vmem>>, vector<16xf32>,
      %scan3A_288 = arith.constant 0 : i32
      scf.yield %scan3A_288 : i32
    }
    %scan3A_172 = arith.constant 256 : i32
    "tpu.region"() ({
      %run_scoped3A = tpu.sem_alloc : memref<!tpu.dma_semaphore, #tpu.memory_space<semaphore_mem>>
      %dma_start3A_271 = tpu.memref_slice %arg6[%mul3A_165] : memref<1310720xf32, #tpu.memory_space<hbm>> -> memref<4096xf32, #tpu.memory_space<hbm>>
      %dma_start3A_272 = tpu.memref_slice %arg6[%mul3A_165] : memref<1310720xf32, #tpu.memory_space<hbm>> -> memref<4096xf32, #tpu.memory_space<hbm>>
      tpu.enqueue_dma source(%arg14 : memref<4096xf32, #tpu.memory_space<vmem>>) target(%dma_start3A_272 : memref<4096xf32, #tpu.memory_space<hbm>>) target_semaphore(%run_scoped3A : memref<!tpu.dma_semaphore, #tpu.memory_space<semaphore_mem>>)
      %dma_wait3A = tpu.memref_slice %arg6[%mul3A_165] : memref<1310720xf32, #tpu.memory_space<hbm>> -> memref<4096xf32, #tpu.memory_space<hbm>>
      %dma_wait3A_273 = tpu.memref_slice %arg6[%mul3A_165] : memref<1310720xf32, #tpu.memory_space<hbm>> -> memref<4096xf32, #tpu.memory_space<hbm>>
      tpu.wait_dma2 semaphore(%run_scoped3A : memref<!tpu.dma_semaphore, #tpu.memory_space<semaphore_mem>>) src(%arg14 : memref<4096xf32, #tpu.memory_space<vmem>>) dst(%dma_wait3A_273 : memref<4096xf32, #tpu.memory_space<hbm>>)
      tpu.yield
    }) : () -> ()
    %mul3A_173 = arith.constant 10240 : i32
    %mul3A_174 = arith.muli %arg0, %mul3A_173 : i32
    %add3A_175 = arith.addi %mul3A_174, %mul3A_0 : i32
    %add3A_176 = arith.constant 192 : i32
    %add3A_177 = arith.addi %add3A_175, %add3A_176 : i32
    %mul3A_178 = arith.constant 64 : i32
    %mul3A_179 = arith.muli %add3A_177, %mul3A_178 : i32
    "tpu.region"() ({
      %run_scoped3A = tpu.sem_alloc : memref<!tpu.dma_semaphore, #tpu.memory_space<semaphore_mem>>
      %dma_start3A_271 = tpu.memref_slice %arg5[%mul3A_179] : memref<1310720xf32, #tpu.memory_space<hbm>> -> memref<4096xf32, #tpu.memory_space<hbm>>
      %dma_start3A_272 = tpu.memref_slice %arg5[%mul3A_179] : memref<1310720xf32, #tpu.memory_space<hbm>> -> memref<4096xf32, #tpu.memory_space<hbm>>
      tpu.enqueue_dma source(%dma_start3A_272 : memref<4096xf32, #tpu.memory_space<hbm>>) target(%arg14 : memref<4096xf32, #tpu.memory_space<vmem>>) target_semaphore(%run_scoped3A : memref<!tpu.dma_semaphore, #tpu.memory_space<semaphore_mem>>)
      %dma_wait3A = tpu.memref_slice %arg5[%mul3A_179] : memref<1310720xf32, #tpu.memory_space<hbm>> -> memref<4096xf32, #tpu.memory_space<hbm>>
      %dma_wait3A_273 = tpu.memref_slice %arg5[%mul3A_179] : memref<1310720xf32, #tpu.memory_space<hbm>> -> memref<4096xf32, #tpu.memory_space<hbm>>
      tpu.wait_dma2 semaphore(%run_scoped3A : memref<!tpu.dma_semaphore, #tpu.memory_space<semaphore_mem>>) src(%dma_wait3A_273 : memref<4096xf32, #tpu.memory_space<hbm>>) dst(%arg14 : memref<4096xf32, #tpu.memory_space<vmem>>)
      tpu.yield
    }) : () -> ()
    %scan3A_180 = arith.constant 0 : i32
    %scan3A_181 = arith.constant 0 : i32
    %scan3A_182 = arith.constant 256 : i32
    %scan3A_183 = arith.addi %scan3A_181, %scan3A_182 : i32
    %scan3A_184 = arith.constant 1 : i32
    %scan3A_185 = scf.for %scan3A_271 = %scan3A_181 to %scan3A_183 step %scan3A_184 iter_args(%scan3A_272 = %scan3A_180) -> (i32)  : i32 {
      %mul3A_273 = arith.constant 16 : i32
      %mul3A_274 = arith.muli %scan3A_271, %mul3A_273 : i32
      %add3A_275 = arith.constant 12288 : i32
      %add3A_276 = arith.addi %add3A_275, %mul3A_274 : i32
      %get3A = arith.index_cast %add3A_276 : i32 to index
      %get3A_277 = tpu.vector_load %arg7[%get3A] {strides = array<i32>} : memref<41024xf32, #tpu.memory_space<vmem>>, vector<16xf32>,
      %mul3A_278 = arith.constant 16 : i32
      %mul3A_279 = arith.muli %scan3A_271, %mul3A_278 : i32
      %get3A_280 = arith.index_cast %mul3A_279 : i32 to index
      %get3A_281 = tpu.vector_load %arg14[%get3A_280] {strides = array<i32>} : memref<4096xf32, #tpu.memory_space<vmem>>, vector<16xf32>,
      %eq3A = arith.constant 0x7F800000 : f32
      %eq3A_282 = vector.broadcast %eq3A : f32 to vector<16xf32>
      %eq3A_283 = arith.cmpf oeq, %get3A_277, %eq3A_282 : vector<16xf32>
      %sub3A = arith.subf %get3A_281, %get3A_277 : vector<16xf32>
      %jit3A = arith.constant 0.000000e+00 : f32
      %broadcast_in_dim3A_284 = vector.broadcast %jit3A : f32 to vector<16xf32>
      %select_n3A = arith.select %eq3A_283, %broadcast_in_dim3A_284, %sub3A : vector<16xi1>, vector<16xf32>
      %mul3A_285 = arith.constant 16 : i32
      %mul3A_286 = arith.muli %scan3A_271, %mul3A_285 : i32
      %swap3A = arith.index_cast %mul3A_286 : i32 to index
      %swap3A_287 = tpu.vector_load %arg14[%swap3A] {strides = array<i32>} : memref<4096xf32, #tpu.memory_space<vmem>>, vector<16xf32>,
      tpu.vector_store %arg14[%swap3A], %select_n3A {strides = array<i32>} : memref<4096xf32, #tpu.memory_space<vmem>>, vector<16xf32>,
      %scan3A_288 = arith.constant 0 : i32
      scf.yield %scan3A_288 : i32
    }
    %scan3A_186 = arith.constant 256 : i32
    "tpu.region"() ({
      %run_scoped3A = tpu.sem_alloc : memref<!tpu.dma_semaphore, #tpu.memory_space<semaphore_mem>>
      %dma_start3A_271 = tpu.memref_slice %arg6[%mul3A_179] : memref<1310720xf32, #tpu.memory_space<hbm>> -> memref<4096xf32, #tpu.memory_space<hbm>>
      %dma_start3A_272 = tpu.memref_slice %arg6[%mul3A_179] : memref<1310720xf32, #tpu.memory_space<hbm>> -> memref<4096xf32, #tpu.memory_space<hbm>>
      tpu.enqueue_dma source(%arg14 : memref<4096xf32, #tpu.memory_space<vmem>>) target(%dma_start3A_272 : memref<4096xf32, #tpu.memory_space<hbm>>) target_semaphore(%run_scoped3A : memref<!tpu.dma_semaphore, #tpu.memory_space<semaphore_mem>>)
      %dma_wait3A = tpu.memref_slice %arg6[%mul3A_179] : memref<1310720xf32, #tpu.memory_space<hbm>> -> memref<4096xf32, #tpu.memory_space<hbm>>
      %dma_wait3A_273 = tpu.memref_slice %arg6[%mul3A_179] : memref<1310720xf32, #tpu.memory_space<hbm>> -> memref<4096xf32, #tpu.memory_space<hbm>>
      tpu.wait_dma2 semaphore(%run_scoped3A : memref<!tpu.dma_semaphore, #tpu.memory_space<semaphore_mem>>) src(%arg14 : memref<4096xf32, #tpu.memory_space<vmem>>) dst(%dma_wait3A_273 : memref<4096xf32, #tpu.memory_space<hbm>>)
      tpu.yield
    }) : () -> ()
    %mul3A_187 = arith.constant 10240 : i32
    %mul3A_188 = arith.muli %arg0, %mul3A_187 : i32
    %add3A_189 = arith.addi %mul3A_188, %mul3A_0 : i32
    %add3A_190 = arith.constant 256 : i32
    %add3A_191 = arith.addi %add3A_189, %add3A_190 : i32
    %mul3A_192 = arith.constant 64 : i32
    %mul3A_193 = arith.muli %add3A_191, %mul3A_192 : i32
    "tpu.region"() ({
      %run_scoped3A = tpu.sem_alloc : memref<!tpu.dma_semaphore, #tpu.memory_space<semaphore_mem>>
      %dma_start3A_271 = tpu.memref_slice %arg5[%mul3A_193] : memref<1310720xf32, #tpu.memory_space<hbm>> -> memref<4096xf32, #tpu.memory_space<hbm>>
      %dma_start3A_272 = tpu.memref_slice %arg5[%mul3A_193] : memref<1310720xf32, #tpu.memory_space<hbm>> -> memref<4096xf32, #tpu.memory_space<hbm>>
      tpu.enqueue_dma source(%dma_start3A_272 : memref<4096xf32, #tpu.memory_space<hbm>>) target(%arg14 : memref<4096xf32, #tpu.memory_space<vmem>>) target_semaphore(%run_scoped3A : memref<!tpu.dma_semaphore, #tpu.memory_space<semaphore_mem>>)
      %dma_wait3A = tpu.memref_slice %arg5[%mul3A_193] : memref<1310720xf32, #tpu.memory_space<hbm>> -> memref<4096xf32, #tpu.memory_space<hbm>>
      %dma_wait3A_273 = tpu.memref_slice %arg5[%mul3A_193] : memref<1310720xf32, #tpu.memory_space<hbm>> -> memref<4096xf32, #tpu.memory_space<hbm>>
      tpu.wait_dma2 semaphore(%run_scoped3A : memref<!tpu.dma_semaphore, #tpu.memory_space<semaphore_mem>>) src(%dma_wait3A_273 : memref<4096xf32, #tpu.memory_space<hbm>>) dst(%arg14 : memref<4096xf32, #tpu.memory_space<vmem>>)
      tpu.yield
    }) : () -> ()
    %scan3A_194 = arith.constant 0 : i32
    %scan3A_195 = arith.constant 0 : i32
    %scan3A_196 = arith.constant 256 : i32
    %scan3A_197 = arith.addi %scan3A_195, %scan3A_196 : i32
    %scan3A_198 = arith.constant 1 : i32
    %scan3A_199 = scf.for %scan3A_271 = %scan3A_195 to %scan3A_197 step %scan3A_198 iter_args(%scan3A_272 = %scan3A_194) -> (i32)  : i32 {
      %mul3A_273 = arith.constant 16 : i32
      %mul3A_274 = arith.muli %scan3A_271, %mul3A_273 : i32
      %add3A_275 = arith.constant 16384 : i32
      %add3A_276 = arith.addi %add3A_275, %mul3A_274 : i32
      %get3A = arith.index_cast %add3A_276 : i32 to index
      %get3A_277 = tpu.vector_load %arg7[%get3A] {strides = array<i32>} : memref<41024xf32, #tpu.memory_space<vmem>>, vector<16xf32>,
      %mul3A_278 = arith.constant 16 : i32
      %mul3A_279 = arith.muli %scan3A_271, %mul3A_278 : i32
      %get3A_280 = arith.index_cast %mul3A_279 : i32 to index
      %get3A_281 = tpu.vector_load %arg14[%get3A_280] {strides = array<i32>} : memref<4096xf32, #tpu.memory_space<vmem>>, vector<16xf32>,
      %eq3A = arith.constant 0x7F800000 : f32
      %eq3A_282 = vector.broadcast %eq3A : f32 to vector<16xf32>
      %eq3A_283 = arith.cmpf oeq, %get3A_277, %eq3A_282 : vector<16xf32>
      %sub3A = arith.subf %get3A_281, %get3A_277 : vector<16xf32>
      %jit3A = arith.constant 0.000000e+00 : f32
      %broadcast_in_dim3A_284 = vector.broadcast %jit3A : f32 to vector<16xf32>
      %select_n3A = arith.select %eq3A_283, %broadcast_in_dim3A_284, %sub3A : vector<16xi1>, vector<16xf32>
      %mul3A_285 = arith.constant 16 : i32
      %mul3A_286 = arith.muli %scan3A_271, %mul3A_285 : i32
      %swap3A = arith.index_cast %mul3A_286 : i32 to index
      %swap3A_287 = tpu.vector_load %arg14[%swap3A] {strides = array<i32>} : memref<4096xf32, #tpu.memory_space<vmem>>, vector<16xf32>,
      tpu.vector_store %arg14[%swap3A], %select_n3A {strides = array<i32>} : memref<4096xf32, #tpu.memory_space<vmem>>, vector<16xf32>,
      %scan3A_288 = arith.constant 0 : i32
      scf.yield %scan3A_288 : i32
    }
    %scan3A_200 = arith.constant 256 : i32
    "tpu.region"() ({
      %run_scoped3A = tpu.sem_alloc : memref<!tpu.dma_semaphore, #tpu.memory_space<semaphore_mem>>
      %dma_start3A_271 = tpu.memref_slice %arg6[%mul3A_193] : memref<1310720xf32, #tpu.memory_space<hbm>> -> memref<4096xf32, #tpu.memory_space<hbm>>
      %dma_start3A_272 = tpu.memref_slice %arg6[%mul3A_193] : memref<1310720xf32, #tpu.memory_space<hbm>> -> memref<4096xf32, #tpu.memory_space<hbm>>
      tpu.enqueue_dma source(%arg14 : memref<4096xf32, #tpu.memory_space<vmem>>) target(%dma_start3A_272 : memref<4096xf32, #tpu.memory_space<hbm>>) target_semaphore(%run_scoped3A : memref<!tpu.dma_semaphore, #tpu.memory_space<semaphore_mem>>)
      %dma_wait3A = tpu.memref_slice %arg6[%mul3A_193] : memref<1310720xf32, #tpu.memory_space<hbm>> -> memref<4096xf32, #tpu.memory_space<hbm>>
      %dma_wait3A_273 = tpu.memref_slice %arg6[%mul3A_193] : memref<1310720xf32, #tpu.memory_space<hbm>> -> memref<4096xf32, #tpu.memory_space<hbm>>
      tpu.wait_dma2 semaphore(%run_scoped3A : memref<!tpu.dma_semaphore, #tpu.memory_space<semaphore_mem>>) src(%arg14 : memref<4096xf32, #tpu.memory_space<vmem>>) dst(%dma_wait3A_273 : memref<4096xf32, #tpu.memory_space<hbm>>)
      tpu.yield
    }) : () -> ()
    %mul3A_201 = arith.constant 10240 : i32
    %mul3A_202 = arith.muli %arg0, %mul3A_201 : i32
    %add3A_203 = arith.addi %mul3A_202, %mul3A_0 : i32
    %add3A_204 = arith.constant 320 : i32
    %add3A_205 = arith.addi %add3A_203, %add3A_204 : i32
    %mul3A_206 = arith.constant 64 : i32
    %mul3A_207 = arith.muli %add3A_205, %mul3A_206 : i32
    "tpu.region"() ({
      %run_scoped3A = tpu.sem_alloc : memref<!tpu.dma_semaphore, #tpu.memory_space<semaphore_mem>>
      %dma_start3A_271 = tpu.memref_slice %arg5[%mul3A_207] : memref<1310720xf32, #tpu.memory_space<hbm>> -> memref<4096xf32, #tpu.memory_space<hbm>>
      %dma_start3A_272 = tpu.memref_slice %arg5[%mul3A_207] : memref<1310720xf32, #tpu.memory_space<hbm>> -> memref<4096xf32, #tpu.memory_space<hbm>>
      tpu.enqueue_dma source(%dma_start3A_272 : memref<4096xf32, #tpu.memory_space<hbm>>) target(%arg14 : memref<4096xf32, #tpu.memory_space<vmem>>) target_semaphore(%run_scoped3A : memref<!tpu.dma_semaphore, #tpu.memory_space<semaphore_mem>>)
      %dma_wait3A = tpu.memref_slice %arg5[%mul3A_207] : memref<1310720xf32, #tpu.memory_space<hbm>> -> memref<4096xf32, #tpu.memory_space<hbm>>
      %dma_wait3A_273 = tpu.memref_slice %arg5[%mul3A_207] : memref<1310720xf32, #tpu.memory_space<hbm>> -> memref<4096xf32, #tpu.memory_space<hbm>>
      tpu.wait_dma2 semaphore(%run_scoped3A : memref<!tpu.dma_semaphore, #tpu.memory_space<semaphore_mem>>) src(%dma_wait3A_273 : memref<4096xf32, #tpu.memory_space<hbm>>) dst(%arg14 : memref<4096xf32, #tpu.memory_space<vmem>>)
      tpu.yield
    }) : () -> ()
    %scan3A_208 = arith.constant 0 : i32
    %scan3A_209 = arith.constant 0 : i32
    %scan3A_210 = arith.constant 256 : i32
    %scan3A_211 = arith.addi %scan3A_209, %scan3A_210 : i32
    %scan3A_212 = arith.constant 1 : i32
    %scan3A_213 = scf.for %scan3A_271 = %scan3A_209 to %scan3A_211 step %scan3A_212 iter_args(%scan3A_272 = %scan3A_208) -> (i32)  : i32 {
      %mul3A_273 = arith.constant 16 : i32
      %mul3A_274 = arith.muli %scan3A_271, %mul3A_273 : i32
      %add3A_275 = arith.constant 20480 : i32
      %add3A_276 = arith.addi %add3A_275, %mul3A_274 : i32
      %get3A = arith.index_cast %add3A_276 : i32 to index
      %get3A_277 = tpu.vector_load %arg7[%get3A] {strides = array<i32>} : memref<41024xf32, #tpu.memory_space<vmem>>, vector<16xf32>,
      %mul3A_278 = arith.constant 16 : i32
      %mul3A_279 = arith.muli %scan3A_271, %mul3A_278 : i32
      %get3A_280 = arith.index_cast %mul3A_279 : i32 to index
      %get3A_281 = tpu.vector_load %arg14[%get3A_280] {strides = array<i32>} : memref<4096xf32, #tpu.memory_space<vmem>>, vector<16xf32>,
      %eq3A = arith.constant 0x7F800000 : f32
      %eq3A_282 = vector.broadcast %eq3A : f32 to vector<16xf32>
      %eq3A_283 = arith.cmpf oeq, %get3A_277, %eq3A_282 : vector<16xf32>
      %sub3A = arith.subf %get3A_281, %get3A_277 : vector<16xf32>
      %jit3A = arith.constant 0.000000e+00 : f32
      %broadcast_in_dim3A_284 = vector.broadcast %jit3A : f32 to vector<16xf32>
      %select_n3A = arith.select %eq3A_283, %broadcast_in_dim3A_284, %sub3A : vector<16xi1>, vector<16xf32>
      %mul3A_285 = arith.constant 16 : i32
      %mul3A_286 = arith.muli %scan3A_271, %mul3A_285 : i32
      %swap3A = arith.index_cast %mul3A_286 : i32 to index
      %swap3A_287 = tpu.vector_load %arg14[%swap3A] {strides = array<i32>} : memref<4096xf32, #tpu.memory_space<vmem>>, vector<16xf32>,
      tpu.vector_store %arg14[%swap3A], %select_n3A {strides = array<i32>} : memref<4096xf32, #tpu.memory_space<vmem>>, vector<16xf32>,
      %scan3A_288 = arith.constant 0 : i32
      scf.yield %scan3A_288 : i32
    }
    %scan3A_214 = arith.constant 256 : i32
    "tpu.region"() ({
      %run_scoped3A = tpu.sem_alloc : memref<!tpu.dma_semaphore, #tpu.memory_space<semaphore_mem>>
      %dma_start3A_271 = tpu.memref_slice %arg6[%mul3A_207] : memref<1310720xf32, #tpu.memory_space<hbm>> -> memref<4096xf32, #tpu.memory_space<hbm>>
      %dma_start3A_272 = tpu.memref_slice %arg6[%mul3A_207] : memref<1310720xf32, #tpu.memory_space<hbm>> -> memref<4096xf32, #tpu.memory_space<hbm>>
      tpu.enqueue_dma source(%arg14 : memref<4096xf32, #tpu.memory_space<vmem>>) target(%dma_start3A_272 : memref<4096xf32, #tpu.memory_space<hbm>>) target_semaphore(%run_scoped3A : memref<!tpu.dma_semaphore, #tpu.memory_space<semaphore_mem>>)
      %dma_wait3A = tpu.memref_slice %arg6[%mul3A_207] : memref<1310720xf32, #tpu.memory_space<hbm>> -> memref<4096xf32, #tpu.memory_space<hbm>>
      %dma_wait3A_273 = tpu.memref_slice %arg6[%mul3A_207] : memref<1310720xf32, #tpu.memory_space<hbm>> -> memref<4096xf32, #tpu.memory_space<hbm>>
      tpu.wait_dma2 semaphore(%run_scoped3A : memref<!tpu.dma_semaphore, #tpu.memory_space<semaphore_mem>>) src(%arg14 : memref<4096xf32, #tpu.memory_space<vmem>>) dst(%dma_wait3A_273 : memref<4096xf32, #tpu.memory_space<hbm>>)
      tpu.yield
    }) : () -> ()
    %mul3A_215 = arith.constant 10240 : i32
    %mul3A_216 = arith.muli %arg0, %mul3A_215 : i32
    %add3A_217 = arith.addi %mul3A_216, %mul3A_0 : i32
    %add3A_218 = arith.constant 384 : i32
    %add3A_219 = arith.addi %add3A_217, %add3A_218 : i32
    %mul3A_220 = arith.constant 64 : i32
    %mul3A_221 = arith.muli %add3A_219, %mul3A_220 : i32
    "tpu.region"() ({
      %run_scoped3A = tpu.sem_alloc : memref<!tpu.dma_semaphore, #tpu.memory_space<semaphore_mem>>
      %dma_start3A_271 = tpu.memref_slice %arg5[%mul3A_221] : memref<1310720xf32, #tpu.memory_space<hbm>> -> memref<4096xf32, #tpu.memory_space<hbm>>
      %dma_start3A_272 = tpu.memref_slice %arg5[%mul3A_221] : memref<1310720xf32, #tpu.memory_space<hbm>> -> memref<4096xf32, #tpu.memory_space<hbm>>
      tpu.enqueue_dma source(%dma_start3A_272 : memref<4096xf32, #tpu.memory_space<hbm>>) target(%arg14 : memref<4096xf32, #tpu.memory_space<vmem>>) target_semaphore(%run_scoped3A : memref<!tpu.dma_semaphore, #tpu.memory_space<semaphore_mem>>)
      %dma_wait3A = tpu.memref_slice %arg5[%mul3A_221] : memref<1310720xf32, #tpu.memory_space<hbm>> -> memref<4096xf32, #tpu.memory_space<hbm>>
      %dma_wait3A_273 = tpu.memref_slice %arg5[%mul3A_221] : memref<1310720xf32, #tpu.memory_space<hbm>> -> memref<4096xf32, #tpu.memory_space<hbm>>
      tpu.wait_dma2 semaphore(%run_scoped3A : memref<!tpu.dma_semaphore, #tpu.memory_space<semaphore_mem>>) src(%dma_wait3A_273 : memref<4096xf32, #tpu.memory_space<hbm>>) dst(%arg14 : memref<4096xf32, #tpu.memory_space<vmem>>)
      tpu.yield
    }) : () -> ()
    %scan3A_222 = arith.constant 0 : i32
    %scan3A_223 = arith.constant 0 : i32
    %scan3A_224 = arith.constant 256 : i32
    %scan3A_225 = arith.addi %scan3A_223, %scan3A_224 : i32
    %scan3A_226 = arith.constant 1 : i32
    %scan3A_227 = scf.for %scan3A_271 = %scan3A_223 to %scan3A_225 step %scan3A_226 iter_args(%scan3A_272 = %scan3A_222) -> (i32)  : i32 {
      %mul3A_273 = arith.constant 16 : i32
      %mul3A_274 = arith.muli %scan3A_271, %mul3A_273 : i32
      %add3A_275 = arith.constant 24576 : i32
      %add3A_276 = arith.addi %add3A_275, %mul3A_274 : i32
      %get3A = arith.index_cast %add3A_276 : i32 to index
      %get3A_277 = tpu.vector_load %arg7[%get3A] {strides = array<i32>} : memref<41024xf32, #tpu.memory_space<vmem>>, vector<16xf32>,
      %mul3A_278 = arith.constant 16 : i32
      %mul3A_279 = arith.muli %scan3A_271, %mul3A_278 : i32
      %get3A_280 = arith.index_cast %mul3A_279 : i32 to index
      %get3A_281 = tpu.vector_load %arg14[%get3A_280] {strides = array<i32>} : memref<4096xf32, #tpu.memory_space<vmem>>, vector<16xf32>,
      %eq3A = arith.constant 0x7F800000 : f32
      %eq3A_282 = vector.broadcast %eq3A : f32 to vector<16xf32>
      %eq3A_283 = arith.cmpf oeq, %get3A_277, %eq3A_282 : vector<16xf32>
      %sub3A = arith.subf %get3A_281, %get3A_277 : vector<16xf32>
      %jit3A = arith.constant 0.000000e+00 : f32
      %broadcast_in_dim3A_284 = vector.broadcast %jit3A : f32 to vector<16xf32>
      %select_n3A = arith.select %eq3A_283, %broadcast_in_dim3A_284, %sub3A : vector<16xi1>, vector<16xf32>
      %mul3A_285 = arith.constant 16 : i32
      %mul3A_286 = arith.muli %scan3A_271, %mul3A_285 : i32
      %swap3A = arith.index_cast %mul3A_286 : i32 to index
      %swap3A_287 = tpu.vector_load %arg14[%swap3A] {strides = array<i32>} : memref<4096xf32, #tpu.memory_space<vmem>>, vector<16xf32>,
      tpu.vector_store %arg14[%swap3A], %select_n3A {strides = array<i32>} : memref<4096xf32, #tpu.memory_space<vmem>>, vector<16xf32>,
      %scan3A_288 = arith.constant 0 : i32
      scf.yield %scan3A_288 : i32
    }
    %scan3A_228 = arith.constant 256 : i32
    "tpu.region"() ({
      %run_scoped3A = tpu.sem_alloc : memref<!tpu.dma_semaphore, #tpu.memory_space<semaphore_mem>>
      %dma_start3A_271 = tpu.memref_slice %arg6[%mul3A_221] : memref<1310720xf32, #tpu.memory_space<hbm>> -> memref<4096xf32, #tpu.memory_space<hbm>>
      %dma_start3A_272 = tpu.memref_slice %arg6[%mul3A_221] : memref<1310720xf32, #tpu.memory_space<hbm>> -> memref<4096xf32, #tpu.memory_space<hbm>>
      tpu.enqueue_dma source(%arg14 : memref<4096xf32, #tpu.memory_space<vmem>>) target(%dma_start3A_272 : memref<4096xf32, #tpu.memory_space<hbm>>) target_semaphore(%run_scoped3A : memref<!tpu.dma_semaphore, #tpu.memory_space<semaphore_mem>>)
      %dma_wait3A = tpu.memref_slice %arg6[%mul3A_221] : memref<1310720xf32, #tpu.memory_space<hbm>> -> memref<4096xf32, #tpu.memory_space<hbm>>
      %dma_wait3A_273 = tpu.memref_slice %arg6[%mul3A_221] : memref<1310720xf32, #tpu.memory_space<hbm>> -> memref<4096xf32, #tpu.memory_space<hbm>>
      tpu.wait_dma2 semaphore(%run_scoped3A : memref<!tpu.dma_semaphore, #tpu.memory_space<semaphore_mem>>) src(%arg14 : memref<4096xf32, #tpu.memory_space<vmem>>) dst(%dma_wait3A_273 : memref<4096xf32, #tpu.memory_space<hbm>>)
      tpu.yield
    }) : () -> ()
    %mul3A_229 = arith.constant 10240 : i32
    %mul3A_230 = arith.muli %arg0, %mul3A_229 : i32
    %add3A_231 = arith.addi %mul3A_230, %mul3A_0 : i32
    %add3A_232 = arith.constant 448 : i32
    %add3A_233 = arith.addi %add3A_231, %add3A_232 : i32
    %mul3A_234 = arith.constant 64 : i32
    %mul3A_235 = arith.muli %add3A_233, %mul3A_234 : i32
    "tpu.region"() ({
      %run_scoped3A = tpu.sem_alloc : memref<!tpu.dma_semaphore, #tpu.memory_space<semaphore_mem>>
      %dma_start3A_271 = tpu.memref_slice %arg5[%mul3A_235] : memref<1310720xf32, #tpu.memory_space<hbm>> -> memref<4096xf32, #tpu.memory_space<hbm>>
      %dma_start3A_272 = tpu.memref_slice %arg5[%mul3A_235] : memref<1310720xf32, #tpu.memory_space<hbm>> -> memref<4096xf32, #tpu.memory_space<hbm>>
      tpu.enqueue_dma source(%dma_start3A_272 : memref<4096xf32, #tpu.memory_space<hbm>>) target(%arg14 : memref<4096xf32, #tpu.memory_space<vmem>>) target_semaphore(%run_scoped3A : memref<!tpu.dma_semaphore, #tpu.memory_space<semaphore_mem>>)
      %dma_wait3A = tpu.memref_slice %arg5[%mul3A_235] : memref<1310720xf32, #tpu.memory_space<hbm>> -> memref<4096xf32, #tpu.memory_space<hbm>>
      %dma_wait3A_273 = tpu.memref_slice %arg5[%mul3A_235] : memref<1310720xf32, #tpu.memory_space<hbm>> -> memref<4096xf32, #tpu.memory_space<hbm>>
      tpu.wait_dma2 semaphore(%run_scoped3A : memref<!tpu.dma_semaphore, #tpu.memory_space<semaphore_mem>>) src(%dma_wait3A_273 : memref<4096xf32, #tpu.memory_space<hbm>>) dst(%arg14 : memref<4096xf32, #tpu.memory_space<vmem>>)
      tpu.yield
    }) : () -> ()
    %scan3A_236 = arith.constant 0 : i32
    %scan3A_237 = arith.constant 0 : i32
    %scan3A_238 = arith.constant 256 : i32
    %scan3A_239 = arith.addi %scan3A_237, %scan3A_238 : i32
    %scan3A_240 = arith.constant 1 : i32
    %scan3A_241 = scf.for %scan3A_271 = %scan3A_237 to %scan3A_239 step %scan3A_240 iter_args(%scan3A_272 = %scan3A_236) -> (i32)  : i32 {
      %mul3A_273 = arith.constant 16 : i32
      %mul3A_274 = arith.muli %scan3A_271, %mul3A_273 : i32
      %add3A_275 = arith.constant 28672 : i32
      %add3A_276 = arith.addi %add3A_275, %mul3A_274 : i32
      %get3A = arith.index_cast %add3A_276 : i32 to index
      %get3A_277 = tpu.vector_load %arg7[%get3A] {strides = array<i32>} : memref<41024xf32, #tpu.memory_space<vmem>>, vector<16xf32>,
      %mul3A_278 = arith.constant 16 : i32
      %mul3A_279 = arith.muli %scan3A_271, %mul3A_278 : i32
      %get3A_280 = arith.index_cast %mul3A_279 : i32 to index
      %get3A_281 = tpu.vector_load %arg14[%get3A_280] {strides = array<i32>} : memref<4096xf32, #tpu.memory_space<vmem>>, vector<16xf32>,
      %eq3A = arith.constant 0x7F800000 : f32
      %eq3A_282 = vector.broadcast %eq3A : f32 to vector<16xf32>
      %eq3A_283 = arith.cmpf oeq, %get3A_277, %eq3A_282 : vector<16xf32>
      %sub3A = arith.subf %get3A_281, %get3A_277 : vector<16xf32>
      %jit3A = arith.constant 0.000000e+00 : f32
      %broadcast_in_dim3A_284 = vector.broadcast %jit3A : f32 to vector<16xf32>
      %select_n3A = arith.select %eq3A_283, %broadcast_in_dim3A_284, %sub3A : vector<16xi1>, vector<16xf32>
      %mul3A_285 = arith.constant 16 : i32
      %mul3A_286 = arith.muli %scan3A_271, %mul3A_285 : i32
      %swap3A = arith.index_cast %mul3A_286 : i32 to index
      %swap3A_287 = tpu.vector_load %arg14[%swap3A] {strides = array<i32>} : memref<4096xf32, #tpu.memory_space<vmem>>, vector<16xf32>,
      tpu.vector_store %arg14[%swap3A], %select_n3A {strides = array<i32>} : memref<4096xf32, #tpu.memory_space<vmem>>, vector<16xf32>,
      %scan3A_288 = arith.constant 0 : i32
      scf.yield %scan3A_288 : i32
    }
    %scan3A_242 = arith.constant 256 : i32
    "tpu.region"() ({
      %run_scoped3A = tpu.sem_alloc : memref<!tpu.dma_semaphore, #tpu.memory_space<semaphore_mem>>
      %dma_start3A_271 = tpu.memref_slice %arg6[%mul3A_235] : memref<1310720xf32, #tpu.memory_space<hbm>> -> memref<4096xf32, #tpu.memory_space<hbm>>
      %dma_start3A_272 = tpu.memref_slice %arg6[%mul3A_235] : memref<1310720xf32, #tpu.memory_space<hbm>> -> memref<4096xf32, #tpu.memory_space<hbm>>
      tpu.enqueue_dma source(%arg14 : memref<4096xf32, #tpu.memory_space<vmem>>) target(%dma_start3A_272 : memref<4096xf32, #tpu.memory_space<hbm>>) target_semaphore(%run_scoped3A : memref<!tpu.dma_semaphore, #tpu.memory_space<semaphore_mem>>)
      %dma_wait3A = tpu.memref_slice %arg6[%mul3A_235] : memref<1310720xf32, #tpu.memory_space<hbm>> -> memref<4096xf32, #tpu.memory_space<hbm>>
      %dma_wait3A_273 = tpu.memref_slice %arg6[%mul3A_235] : memref<1310720xf32, #tpu.memory_space<hbm>> -> memref<4096xf32, #tpu.memory_space<hbm>>
      tpu.wait_dma2 semaphore(%run_scoped3A : memref<!tpu.dma_semaphore, #tpu.memory_space<semaphore_mem>>) src(%arg14 : memref<4096xf32, #tpu.memory_space<vmem>>) dst(%dma_wait3A_273 : memref<4096xf32, #tpu.memory_space<hbm>>)
      tpu.yield
    }) : () -> ()
    %mul3A_243 = arith.constant 10240 : i32
    %mul3A_244 = arith.muli %arg0, %mul3A_243 : i32
    %add3A_245 = arith.addi %mul3A_244, %mul3A_0 : i32
    %add3A_246 = arith.constant 512 : i32
    %add3A_247 = arith.addi %add3A_245, %add3A_246 : i32
    %mul3A_248 = arith.constant 64 : i32
    %mul3A_249 = arith.muli %add3A_247, %mul3A_248 : i32
    "tpu.region"() ({
      %run_scoped3A = tpu.sem_alloc : memref<!tpu.dma_semaphore, #tpu.memory_space<semaphore_mem>>
      %dma_start3A_271 = tpu.memref_slice %arg5[%mul3A_249] : memref<1310720xf32, #tpu.memory_space<hbm>> -> memref<4096xf32, #tpu.memory_space<hbm>>
      %dma_start3A_272 = tpu.memref_slice %arg5[%mul3A_249] : memref<1310720xf32, #tpu.memory_space<hbm>> -> memref<4096xf32, #tpu.memory_space<hbm>>
      tpu.enqueue_dma source(%dma_start3A_272 : memref<4096xf32, #tpu.memory_space<hbm>>) target(%arg14 : memref<4096xf32, #tpu.memory_space<vmem>>) target_semaphore(%run_scoped3A : memref<!tpu.dma_semaphore, #tpu.memory_space<semaphore_mem>>)
      %dma_wait3A = tpu.memref_slice %arg5[%mul3A_249] : memref<1310720xf32, #tpu.memory_space<hbm>> -> memref<4096xf32, #tpu.memory_space<hbm>>
      %dma_wait3A_273 = tpu.memref_slice %arg5[%mul3A_249] : memref<1310720xf32, #tpu.memory_space<hbm>> -> memref<4096xf32, #tpu.memory_space<hbm>>
      tpu.wait_dma2 semaphore(%run_scoped3A : memref<!tpu.dma_semaphore, #tpu.memory_space<semaphore_mem>>) src(%dma_wait3A_273 : memref<4096xf32, #tpu.memory_space<hbm>>) dst(%arg14 : memref<4096xf32, #tpu.memory_space<vmem>>)
      tpu.yield
    }) : () -> ()
    %scan3A_250 = arith.constant 0 : i32
    %scan3A_251 = arith.constant 0 : i32
    %scan3A_252 = arith.constant 256 : i32
    %scan3A_253 = arith.addi %scan3A_251, %scan3A_252 : i32
    %scan3A_254 = arith.constant 1 : i32
    %scan3A_255 = scf.for %scan3A_271 = %scan3A_251 to %scan3A_253 step %scan3A_254 iter_args(%scan3A_272 = %scan3A_250) -> (i32)  : i32 {
      %mul3A_273 = arith.constant 16 : i32
      %mul3A_274 = arith.muli %scan3A_271, %mul3A_273 : i32
      %add3A_275 = arith.constant 32768 : i32
      %add3A_276 = arith.addi %add3A_275, %mul3A_274 : i32
      %get3A = arith.index_cast %add3A_276 : i32 to index
      %get3A_277 = tpu.vector_load %arg7[%get3A] {strides = array<i32>} : memref<41024xf32, #tpu.memory_space<vmem>>, vector<16xf32>,
      %mul3A_278 = arith.constant 16 : i32
      %mul3A_279 = arith.muli %scan3A_271, %mul3A_278 : i32
      %get3A_280 = arith.index_cast %mul3A_279 : i32 to index
      %get3A_281 = tpu.vector_load %arg14[%get3A_280] {strides = array<i32>} : memref<4096xf32, #tpu.memory_space<vmem>>, vector<16xf32>,
      %eq3A = arith.constant 0x7F800000 : f32
      %eq3A_282 = vector.broadcast %eq3A : f32 to vector<16xf32>
      %eq3A_283 = arith.cmpf oeq, %get3A_277, %eq3A_282 : vector<16xf32>
      %sub3A = arith.subf %get3A_281, %get3A_277 : vector<16xf32>
      %jit3A = arith.constant 0.000000e+00 : f32
      %broadcast_in_dim3A_284 = vector.broadcast %jit3A : f32 to vector<16xf32>
      %select_n3A = arith.select %eq3A_283, %broadcast_in_dim3A_284, %sub3A : vector<16xi1>, vector<16xf32>
      %mul3A_285 = arith.constant 16 : i32
      %mul3A_286 = arith.muli %scan3A_271, %mul3A_285 : i32
      %swap3A = arith.index_cast %mul3A_286 : i32 to index
      %swap3A_287 = tpu.vector_load %arg14[%swap3A] {strides = array<i32>} : memref<4096xf32, #tpu.memory_space<vmem>>, vector<16xf32>,
      tpu.vector_store %arg14[%swap3A], %select_n3A {strides = array<i32>} : memref<4096xf32, #tpu.memory_space<vmem>>, vector<16xf32>,
      %scan3A_288 = arith.constant 0 : i32
      scf.yield %scan3A_288 : i32
    }
    %scan3A_256 = arith.constant 256 : i32
    "tpu.region"() ({
      %run_scoped3A = tpu.sem_alloc : memref<!tpu.dma_semaphore, #tpu.memory_space<semaphore_mem>>
      %dma_start3A_271 = tpu.memref_slice %arg6[%mul3A_249] : memref<1310720xf32, #tpu.memory_space<hbm>> -> memref<4096xf32, #tpu.memory_space<hbm>>
      %dma_start3A_272 = tpu.memref_slice %arg6[%mul3A_249] : memref<1310720xf32, #tpu.memory_space<hbm>> -> memref<4096xf32, #tpu.memory_space<hbm>>
      tpu.enqueue_dma source(%arg14 : memref<4096xf32, #tpu.memory_space<vmem>>) target(%dma_start3A_272 : memref<4096xf32, #tpu.memory_space<hbm>>) target_semaphore(%run_scoped3A : memref<!tpu.dma_semaphore, #tpu.memory_space<semaphore_mem>>)
      %dma_wait3A = tpu.memref_slice %arg6[%mul3A_249] : memref<1310720xf32, #tpu.memory_space<hbm>> -> memref<4096xf32, #tpu.memory_space<hbm>>
      %dma_wait3A_273 = tpu.memref_slice %arg6[%mul3A_249] : memref<1310720xf32, #tpu.memory_space<hbm>> -> memref<4096xf32, #tpu.memory_space<hbm>>
      tpu.wait_dma2 semaphore(%run_scoped3A : memref<!tpu.dma_semaphore, #tpu.memory_space<semaphore_mem>>) src(%arg14 : memref<4096xf32, #tpu.memory_space<vmem>>) dst(%dma_wait3A_273 : memref<4096xf32, #tpu.memory_space<hbm>>)
      tpu.yield
    }) : () -> ()
    %mul3A_257 = arith.constant 10240 : i32
    %mul3A_258 = arith.muli %arg0, %mul3A_257 : i32
    %add3A_259 = arith.addi %mul3A_258, %mul3A_0 : i32
    %add3A_260 = arith.constant 576 : i32
    %add3A_261 = arith.addi %add3A_259, %add3A_260 : i32
    %mul3A_262 = arith.constant 64 : i32
    %mul3A_263 = arith.muli %add3A_261, %mul3A_262 : i32
    "tpu.region"() ({
      %run_scoped3A = tpu.sem_alloc : memref<!tpu.dma_semaphore, #tpu.memory_space<semaphore_mem>>
      %dma_start3A_271 = tpu.memref_slice %arg5[%mul3A_263] : memref<1310720xf32, #tpu.memory_space<hbm>> -> memref<4096xf32, #tpu.memory_space<hbm>>
      %dma_start3A_272 = tpu.memref_slice %arg5[%mul3A_263] : memref<1310720xf32, #tpu.memory_space<hbm>> -> memref<4096xf32, #tpu.memory_space<hbm>>
      tpu.enqueue_dma source(%dma_start3A_272 : memref<4096xf32, #tpu.memory_space<hbm>>) target(%arg14 : memref<4096xf32, #tpu.memory_space<vmem>>) target_semaphore(%run_scoped3A : memref<!tpu.dma_semaphore, #tpu.memory_space<semaphore_mem>>)
      %dma_wait3A = tpu.memref_slice %arg5[%mul3A_263] : memref<1310720xf32, #tpu.memory_space<hbm>> -> memref<4096xf32, #tpu.memory_space<hbm>>
      %dma_wait3A_273 = tpu.memref_slice %arg5[%mul3A_263] : memref<1310720xf32, #tpu.memory_space<hbm>> -> memref<4096xf32, #tpu.memory_space<hbm>>
      tpu.wait_dma2 semaphore(%run_scoped3A : memref<!tpu.dma_semaphore, #tpu.memory_space<semaphore_mem>>) src(%dma_wait3A_273 : memref<4096xf32, #tpu.memory_space<hbm>>) dst(%arg14 : memref<4096xf32, #tpu.memory_space<vmem>>)
      tpu.yield
    }) : () -> ()
    %scan3A_264 = arith.constant 0 : i32
    %scan3A_265 = arith.constant 0 : i32
    %scan3A_266 = arith.constant 256 : i32
    %scan3A_267 = arith.addi %scan3A_265, %scan3A_266 : i32
    %scan3A_268 = arith.constant 1 : i32
    %scan3A_269 = scf.for %scan3A_271 = %scan3A_265 to %scan3A_267 step %scan3A_268 iter_args(%scan3A_272 = %scan3A_264) -> (i32)  : i32 {
      %mul3A_273 = arith.constant 16 : i32
      %mul3A_274 = arith.muli %scan3A_271, %mul3A_273 : i32
      %add3A_275 = arith.constant 36864 : i32
      %add3A_276 = arith.addi %add3A_275, %mul3A_274 : i32
      %get3A = arith.index_cast %add3A_276 : i32 to index
      %get3A_277 = tpu.vector_load %arg7[%get3A] {strides = array<i32>} : memref<41024xf32, #tpu.memory_space<vmem>>, vector<16xf32>,
      %mul3A_278 = arith.constant 16 : i32
      %mul3A_279 = arith.muli %scan3A_271, %mul3A_278 : i32
      %get3A_280 = arith.index_cast %mul3A_279 : i32 to index
      %get3A_281 = tpu.vector_load %arg14[%get3A_280] {strides = array<i32>} : memref<4096xf32, #tpu.memory_space<vmem>>, vector<16xf32>,
      %eq3A = arith.constant 0x7F800000 : f32
      %eq3A_282 = vector.broadcast %eq3A : f32 to vector<16xf32>
      %eq3A_283 = arith.cmpf oeq, %get3A_277, %eq3A_282 : vector<16xf32>
      %sub3A = arith.subf %get3A_281, %get3A_277 : vector<16xf32>
      %jit3A = arith.constant 0.000000e+00 : f32
      %broadcast_in_dim3A_284 = vector.broadcast %jit3A : f32 to vector<16xf32>
      %select_n3A = arith.select %eq3A_283, %broadcast_in_dim3A_284, %sub3A : vector<16xi1>, vector<16xf32>
      %mul3A_285 = arith.constant 16 : i32
      %mul3A_286 = arith.muli %scan3A_271, %mul3A_285 : i32
      %swap3A = arith.index_cast %mul3A_286 : i32 to index
      %swap3A_287 = tpu.vector_load %arg14[%swap3A] {strides = array<i32>} : memref<4096xf32, #tpu.memory_space<vmem>>, vector<16xf32>,
      tpu.vector_store %arg14[%swap3A], %select_n3A {strides = array<i32>} : memref<4096xf32, #tpu.memory_space<vmem>>, vector<16xf32>,
      %scan3A_288 = arith.constant 0 : i32
      scf.yield %scan3A_288 : i32
    }
    %scan3A_270 = arith.constant 256 : i32
    "tpu.region"() ({
      %run_scoped3A = tpu.sem_alloc : memref<!tpu.dma_semaphore, #tpu.memory_space<semaphore_mem>>
      %dma_start3A_271 = tpu.memref_slice %arg6[%mul3A_263] : memref<1310720xf32, #tpu.memory_space<hbm>> -> memref<4096xf32, #tpu.memory_space<hbm>>
      %dma_start3A_272 = tpu.memref_slice %arg6[%mul3A_263] : memref<1310720xf32, #tpu.memory_space<hbm>> -> memref<4096xf32, #tpu.memory_space<hbm>>
      tpu.enqueue_dma source(%arg14 : memref<4096xf32, #tpu.memory_space<vmem>>) target(%dma_start3A_272 : memref<4096xf32, #tpu.memory_space<hbm>>) target_semaphore(%run_scoped3A : memref<!tpu.dma_semaphore, #tpu.memory_space<semaphore_mem>>)
      %dma_wait3A = tpu.memref_slice %arg6[%mul3A_263] : memref<1310720xf32, #tpu.memory_space<hbm>> -> memref<4096xf32, #tpu.memory_space<hbm>>
      %dma_wait3A_273 = tpu.memref_slice %arg6[%mul3A_263] : memref<1310720xf32, #tpu.memory_space<hbm>> -> memref<4096xf32, #tpu.memory_space<hbm>>
      tpu.wait_dma2 semaphore(%run_scoped3A : memref<!tpu.dma_semaphore, #tpu.memory_space<semaphore_mem>>) src(%arg14 : memref<4096xf32, #tpu.memory_space<vmem>>) dst(%dma_wait3A_273 : memref<4096xf32, #tpu.memory_space<hbm>>)
      tpu.yield
    }) : () -> ()
    return
  }
}

module attributes {stable_mosaic.version = 14 : i64} {
  func.func @_ab_body(%arg0: i32, %arg1: memref<400x128xf32, #tpu.memory_space<vmem>>, %arg2: memref<128x128xf32, #tpu.memory_space<vmem>>, %arg3: memref<128x128xf32, #tpu.memory_space<vmem>>, %arg4: memref<1x128xf32, #tpu.memory_space<vmem>>, %arg5: memref<400x128xf32, #tpu.memory_space<vmem>>, %arg6: memref<400x128xf32, #tpu.memory_space<vmem>>) attributes {dimension_semantics = [#tpu.dimension_semantics<arbitrary>], iteration_bounds = array<i64: 25>, scalar_prefetch = 0 : i64, scratch_operands = 0 : i64, tpu.core_type = #tpu.core_type<tc>, window_params = [{transform_indices = @transform_0, window_bounds = array<i64: 400, 128>}, {pipeline_mode = #tpu.pipeline_mode<synchronous>, transform_indices = @transform_1, window_bounds = array<i64: 128, 128>}, {pipeline_mode = #tpu.pipeline_mode<synchronous>, transform_indices = @transform_2, window_bounds = array<i64: 128, 128>}, {pipeline_mode = #tpu.pipeline_mode<synchronous>, transform_indices = @transform_3, window_bounds = array<i64: 1, 128>}, {transform_indices = @transform_4, window_bounds = array<i64: 400, 128>}, {transform_indices = @transform_5, window_bounds = array<i64: 400, 128>}]} {
    %get3A = arith.constant 0 : index
    %get3A_0 = arith.constant 0 : index
    %get3A_1 = vector.load %arg1[%get3A, %get3A_0] : memref<400x128xf32, #tpu.memory_space<vmem>>, vector<400x128xf32>
    %get3A_2 = arith.constant 0 : index
    %get3A_3 = arith.constant 0 : index
    %get3A_4 = vector.load %arg2[%get3A_2, %get3A_3] : memref<128x128xf32, #tpu.memory_space<vmem>>, vector<128x128xf32>
    %dot_general3A = arith.constant dense<0.000000e+00> : vector<400x128xf32>
    %dot_general3A_5 = tpu.matmul %get3A_1, %get3A_4, %dot_general3A {dimension_numbers = #tpu.dot_dimension_numbers<[1], [0], [0], [1], [0, 0, 1, 1], [], []>, transpose_lhs_hint = false} : vector<400x128xf32>, vector<128x128xf32>, vector<400x128xf32> -> vector<400x128xf32>
    %swap3A = arith.constant 0 : index
    %swap3A_6 = arith.constant 0 : index
    %swap3A_7 = vector.load %arg6[%swap3A, %swap3A_6] : memref<400x128xf32, #tpu.memory_space<vmem>>, vector<400x128xf32>
    tpu.vector_store %arg6[%swap3A, %swap3A_6], %dot_general3A_5 {strides = array<i32>} : memref<400x128xf32, #tpu.memory_space<vmem>>, vector<400x128xf32>,
    %get3A_8 = arith.constant 0 : index
    %get3A_9 = arith.constant 0 : index
    %get3A_10 = vector.load %arg3[%get3A_8, %get3A_9] : memref<128x128xf32, #tpu.memory_space<vmem>>, vector<128x128xf32>
    %dot_general3A_11 = arith.constant dense<0.000000e+00> : vector<400x128xf32>
    %dot_general3A_12 = tpu.matmul %get3A_1, %get3A_10, %dot_general3A_11 {dimension_numbers = #tpu.dot_dimension_numbers<[1], [0], [0], [1], [0, 0, 1, 1], [], []>, transpose_lhs_hint = false} : vector<400x128xf32>, vector<128x128xf32>, vector<400x128xf32> -> vector<400x128xf32>
    %get3A_13 = arith.constant 0 : index
    %get3A_14 = arith.constant 0 : index
    %get3A_15 = vector.load %arg4[%get3A_13, %get3A_14] : memref<1x128xf32, #tpu.memory_space<vmem>>, vector<1x128xf32>
    %add3A = vector.broadcast %get3A_15 : vector<1x128xf32> to vector<400x128xf32>
    %add3A_16 = arith.addf %dot_general3A_12, %add3A : vector<400x128xf32>
    %swap3A_17 = arith.constant 0 : index
    %swap3A_18 = arith.constant 0 : index
    %swap3A_19 = vector.load %arg5[%swap3A_17, %swap3A_18] : memref<400x128xf32, #tpu.memory_space<vmem>>, vector<400x128xf32>
    tpu.vector_store %arg5[%swap3A_17, %swap3A_18], %add3A_16 {strides = array<i32>} : memref<400x128xf32, #tpu.memory_space<vmem>>, vector<400x128xf32>,
    return
  }
  func.func @transform_0(%arg0: i32) -> (i32, i32) {
    %c0_i32 = arith.constant 0 : i32
    %c0_i32_0 = arith.constant 0 : i32
    return %arg0, %c0_i32 : i32, i32
  }
  func.func @transform_1(%arg0: i32) -> (i32, i32) {
    %c0_i32 = arith.constant 0 : i32
    %c0_i32_0 = arith.constant 0 : i32
    %c0_i32_1 = arith.constant 0 : i32
    return %c0_i32, %c0_i32_0 : i32, i32
  }
  func.func @transform_2(%arg0: i32) -> (i32, i32) {
    %c0_i32 = arith.constant 0 : i32
    %c0_i32_0 = arith.constant 0 : i32
    %c0_i32_1 = arith.constant 0 : i32
    return %c0_i32, %c0_i32_0 : i32, i32
  }
  func.func @transform_3(%arg0: i32) -> (i32, i32) {
    %c0_i32 = arith.constant 0 : i32
    %c0_i32_0 = arith.constant 0 : i32
    %c0_i32_1 = arith.constant 0 : i32
    return %c0_i32, %c0_i32_0 : i32, i32
  }
  func.func @transform_4(%arg0: i32) -> (i32, i32) {
    %c0_i32 = arith.constant 0 : i32
    %c0_i32_0 = arith.constant 0 : i32
    return %arg0, %c0_i32 : i32, i32
  }
  func.func @transform_5(%arg0: i32) -> (i32, i32) {
    %c0_i32 = arith.constant 0 : i32
    %c0_i32_0 = arith.constant 0 : i32
    return %arg0, %c0_i32 : i32, i32
  }
}

</mosaic_0001>

<sc_bundles>
// kernel: kernel.4.cloned.1.call-start
scs
__scs_entry_jumppad:
0x0: {  	(pc) =	sbr.rel $0x88, $3  }
0x1: {  	(tag) =	ssettag $0x0;
	lr =	simm.s32 $0x1  }
0x2: {  	[smem:$0x3F9B] =	sst lr;
	_ =	strace $0xD0000000  }
0x3: {  	_ = 	snop  }
0x4: {  	_ = 	snop  }
0x5: {  	_ = 	snop  }
0x6: {  	_ = 	snop  }
0x7: {  	_ = 	snop  }
__scs_overlays_trampoline_lowered:
0x8: {  	[smem:$0x3FAA] =	sst s0  }
0x9: {  	[smem:$0x3FAB] =	sst s1  }
0xa: {  	[smem:$0x3FAC] =	sst s2  }
0xb: {  	[smem:$0x3FAD] =	sst s3  }
0xc: {  	[smem:$0x3FAE] =	sst s4  }
0xd: {  	[smem:$0x3FAF] =	sst s5  }
0xe: {  	[smem:$0x3FB0] =	sst s6  }
0xf: {  	[smem:$0x3FB1] =	sst s7  }
0x10: {  	[smem:$0x3FB2] =	sst s8  }
0x11: {  	[smem:$0x3FB3] =	sst s9;
	s0 =	simm.s32 @!p0 $0x0  }
0x12: {  	s1 =	sld [smem:$0x3F99];
	s0 =	simm.s32 @p0 $0x1  }
0x13: {  	[smem:$0x3FB4] =	sst s0;
	s0 =	simm.s32 @!p1 $0x0  }
0x14: {  	s2 =	sld [smem:$0x3F98];
	s0 =	simm.s32 @p1 $0x1  }
0x15: {  	[smem:$0x3FB5] =	sst s0;
	s0 =	simm.s32 @!p2 $0x0  }
0x16: {  	s3 =	sld [smem:$0x3FDB];
	s0 =	simm.s32 @p2 $0x1  }
0x17: {  	s4 =	simm.s32 $0x1BF5;
	[smem:$0x3FB7] =	sst s0  }
0x18: {  	s0 =	sld [smem:$0x3F9A];
	_ =	swait.ge [sflag:s4], $0x0  }
0x19: {  	s7 =	sld [smem:$0x3F9B]  }
0x1a: {  	s8 =	sadd.s32 $0xFFFFE003, lr  }
0x1b: {  	s9 =	sadd.s32 $0xFFFFFEF7, lr;
	s5 =	simm.s32 $0xFFFFFFFF;
	p2 =	slt.u32 s8, $0xFFFFF086  }
0x1c: {  	p1 =	slt.u32 s9, $0xF7A;
	s5 =	simm.s32 @!p2 $0x0  }
0x1d: {  	s5 =	simm.s32 @p1 $0x1;
	p0 =	seq.s32 s7, s2  }
0x1e: {  	s7 =	smul.u32 @!p0 $0xF7A, s2;
	p2 =	seq.s32 @!p0 s5, $0x0  }
0x1f: {  	s9 =	smul.u32 $0xF7A, s1;
	s8 =	simm.s32 @!p0 $0x1BF5;
	p2 =	por !p2, p0  }
0x20: {  	[sflag:s8] =	ssyncset.s32 @!p0 $0xFFFFF086;
	s6 =	sadd.s32 @!p0 s3, s7;
	s7 =	simm.s32 @!p0 $0x108  }
0x21: {  	s3 =	sadd.s32 s3, s9;
	s6 =	sadd.s32 @!p0 $0x88, s6;
	s7 =	simm.s32 @p2 $0x1082  }
0x22: {  	[simem:s7], [sflag:s8] =	dma.local @!p0 [hbm:s6], $0xF7A  }
0x23: {  	s9 =	sor.u32 $0xD0000000, s2;
	s6 =	simm.s32 $0x108;
	_ =	swait.ge @!p0 [sflag:s8], $0x0  }
0x24: {  	s3 =	sadd.s32 $0x88, s3;
	s6 =	simm.s32 @!p1 $0x1082;
	[sflag:s4] =	ssyncset.s32 $0xFFFFF086  }
0x25: {  	[simem:s6], [sflag:s4] =	dma.local [hbm:s3], $0xF7A  }
0x26: {  	[smem:$0x3F9B] =	sst s1;
	(tag) =	ssettag s2;
	_ =	strace s9  }
0x27: {  	s1 =	sld [smem:$0x3FAB]  }
0x28: {  	s2 =	sld [smem:$0x3FAC]  }
0x29: {  	s4 =	sld [smem:$0x3FAE]  }
0x2a: {  	p0 =	seq.s32 s5, $0x0;
	s5 =	sld [smem:$0x3FAF]  }
0x2b: {  	s6 =	sld [smem:$0x3FB0]  }
0x2c: {  	s7 =	sld [smem:$0x3FB1]  }
0x2d: {  	s3 =	simm.s32 $0x108;
	s8 =	sld [smem:$0x3FB2]  }
0x2e: {  	s3 =	simm.s32 @!p0 $0x1082;
	s9 =	sld [smem:$0x3FB3]  }
0x2f: {  	lr =	sadd.s32 s0, s3;
	s0 =	sld [smem:$0x3FAA]  }
0x30: {  	s3 =	sld [smem:$0x3FAD]  }
0x31: {  	[smem:$0x3FB6] =	sst s10  }
0x32: {  	s10 =	sld [smem:$0x3FB4];
	_ =	sdelay $0x3  }
0x33: {  	p0 =	seq.s32 s10, $0x1;
	s10 =	sld [smem:$0x3FB6];
	_ =	sdelay $0x3  }
0x34: {  	[smem:$0x3FB6] =	sst s10  }
0x35: {  	s10 =	sld [smem:$0x3FB5];
	_ =	sdelay $0x3  }
0x36: {  	p1 =	seq.s32 s10, $0x1;
	s10 =	sld [smem:$0x3FB6];
	_ =	sdelay $0x3  }
0x37: {  	[smem:$0x3FB6] =	sst s10  }
0x38: {  	s10 =	sld [smem:$0x3FB7]  }
0x39: {  	_ = 	snop;
	(pc) =	sbr.ind lr, $3  }
0x3a: {  	_ = 	snop  }
0x3b: {  	_ = 	snop  }
0x3c: {  	p2 =	seq.s32 s10, $0x1;
	s10 =	sld [smem:$0x3FB6]  }
0x3d: {  	_ =	shalt  }
0x3e: {  	_ =	shalt  }
0x3f: {  	_ =	shalt  }
0x40: {  	_ =	shalt  }
0x41: {  	_ =	shalt  }
0x42: {  	_ =	shalt  }
0x43: {  	_ =	shalt  }
0x44: {  	_ =	shalt  }
0x45: {  	_ =	shalt  }
0x46: {  	_ =	shalt  }
0x47: {  	_ =	shalt  }
0x48: {  	_ =	shalt  }
0x49: {  	_ =	shalt  }
0x4a: {  	_ =	shalt  }
0x4b: {  	_ =	shalt  }
0x4c: {  	_ =	shalt  }
0x4d: {  	_ =	shalt  }
0x4e: {  	_ =	shalt  }
0x4f: {  	_ =	shalt  }
0x50: {  	_ =	shalt  }
0x51: {  	_ =	shalt  }
0x52: {  	_ =	shalt  }
0x53: {  	_ =	shalt  }
0x54: {  	_ =	shalt  }
0x55: {  	_ =	shalt  }
0x56: {  	_ =	shalt  }
0x57: {  	_ =	shalt  }
0x58: {  	_ =	shalt  }
0x59: {  	_ =	shalt  }
0x5a: {  	_ =	shalt  }
0x5b: {  	_ =	shalt  }
0x5c: {  	_ =	shalt  }
0x5d: {  	_ =	shalt  }
0x5e: {  	_ =	shalt  }
0x5f: {  	_ =	shalt  }
0x60: {  	_ =	shalt  }
0x61: {  	_ =	shalt  }
0x62: {  	_ =	shalt  }
0x63: {  	_ =	shalt  }
0x64: {  	_ =	shalt  }
0x65: {  	_ =	shalt  }
0x66: {  	_ =	shalt  }
0x67: {  	_ =	shalt  }
0x68: {  	_ =	shalt  }
0x69: {  	_ =	shalt  }
0x6a: {  	_ =	shalt  }
0x6b: {  	_ =	shalt  }
0x6c: {  	_ =	shalt  }
0x6d: {  	_ =	shalt  }
0x6e: {  	_ =	shalt  }
0x6f: {  	_ =	shalt  }
0x70: {  	_ =	shalt  }
0x71: {  	_ =	shalt  }
0x72: {  	_ =	shalt  }
0x73: {  	_ =	shalt  }
0x74: {  	_ =	shalt  }
0x75: {  	_ =	shalt  }
0x76: {  	_ =	shalt  }
0x77: {  	_ =	shalt  }
0x78: {  	_ =	shalt  }
0x79: {  	_ =	shalt  }
0x7a: {  	_ =	shalt  }
0x7b: {  	_ =	shalt  }
0x7c: {  	_ =	shalt  }
0x7d: {  	_ =	shalt  }
0x7e: {  	_ =	shalt  }
0x7f: {  	_ =	shalt  }
0x80: {  	_ =	shalt  }
0x81: {  	_ =	shalt  }
0x82: {  	_ =	shalt  }
0x83: {  	_ =	shalt  }
0x84: {  	_ =	shalt  }
0x85: {  	_ =	shalt  }
0x86: {  	_ =	shalt  }
0x87: {  	_ =	shalt  }
.Lfunc_end0:
.L_simem_size_0:
called_computation_lowered:
.L_overlay_start_0:
0x88: {  	s2 =	sld [smem:$0x3FD9]  }
0x89: {  	s3 =	sld [smem:$0x3FFE];
	_ =	sdelay $0x1  }
0x8a: {  	s1 =	srdreg.scid  }
0x8b: {  	s0 =	sand.u32 $0x1, s1  }
0x8c: {  	s17 =	sshll.u32 s0, $0xA;
	s2 =	sadd.s32 s3, s2  }
0x8d: {  	s2 =	sadd.s32 s2, s17  }
0x8e: {  	[smem:$0x3FC2] =	sst s2  }
0x8f: {  	_ = 	snop  }
0x90: {  	s2 =	sld [smem:$0x3FD0];
	(tm) =	ssettm $0x1  }
0x91: {  	s18 =	sld [smem:$0x3FFB];
	_ =	sdelay $0x3  }
0x92: {  	_ =	strace s18  }
0x93: {  	s3 =	sld [smem:$0x3FFC];
	_ =	sdelay $0x3  }
0x94: {  	_ =	strace s3  }
0x95: {  	s3 =	sld [smem:$0x3FFD];
	_ =	sdelay $0x3  }
0x96: {  	_ =	strace s3  }
0x97: {  	_ =	strace $0x8FFFFFFF  }
0x98: {  	s19 =	sld [smem:$0x3FDB];
	_ =	sdelay $0x1  }
0x99: {  	s4 =	simm.s32 $_scs_section_size  }
0x9a: {  	s5 =	simm.s32 $_size__tile_overlayer_lowered;
	s6 =	simm.s32 $_tile_overlayer_lowered  }
0x9b: {  	s22 =	simm.s32 $0x1BFF;
	s21 =	sshll.u32 s6, $0x1;
	s3 =	sadd.s32 s4, s19  }
0x9c: {  	s7 =	simm.s32 $0x0;
	s20 =	sshll.u32 s5, $0x1;
	s5 =	sadd.s32 s21, s3  }
0x9d: {  	[timem:s7], [sflag:s22] =	dma.local [hbm:s5], s20  }
0x9e: {  	_ =	swait.ge [sflag:s22], s20  }
0x9f: {  	s4 =	ssub.s32 $0x0, s20;
	[sflag:s22] =	ssyncset.done $0x0  }
0xa0: {  	[sflag:s22] =	ssyncadd.s32 s4;
	_ =	sdelay $0x1  }
0xa1: {  	s23 =	simm.s32 $0x1B8B  }
0xa2: {  	_ =	swait.ge [sflag:s23], $0x1  }
0xa3: {  	[sflag:s23] =	ssyncset.done $0x0  }
0xa4: {  	s25 =	simm.s32 $0x1B8E;
	s24 =	sld [smem:$0x3FFE];
	[sflag:s23] =	ssyncadd.s32 $0xFFFFFFFF  }
0xa5: {  	s26 =	simm.s32 $execute0_lowered;
	[smem:$0x3FD2] =	sst s25  }
0xa6: {  	s5 =	sshll.u32 s26, $0x1;
	_ =	strace $0x80000046;
	[dreg:$0x1] =	wrdreg $0xFFFFFFFF  }
0xa7: {  	s28 =	simm.s32 $_size_execute0_lowered;
	s3 =	sadd.s32 s3, s5;
	[dreg:$0x0] =	wrdreg $0x0  }
0xa8: {  	s5 =	sshll.u32 s28, $0x1;
	[dreg:$0x2] =	wrdreg s3  }
0xa9: {  	[dreg:$0x3] =	wrdreg s5  }
0xaa: {  	[dreg:$0x4] =	wrdreg $0xC0  }
0xab: {  	_ =	task [dreg:s7], $0x5FFFF  }
0xac: {  	[dreg:$0x1] =	wrdreg $0xFFFFFFFF  }
0xad: {  	[dreg:$0x0] =	wrdreg $0x60  }
0xae: {  	[dreg:$0x2] =	wrdreg s24  }
0xaf: {  	[dreg:$0x3] =	wrdreg s2  }
0xb0: {  	[dreg:$0x4] =	wrdreg $0x100800  }
0xb1: {  	[dreg:$0x5] =	wrdreg $0x9  }
0xb2: {  	_ =	task.clear_ibuf [dreg:s7], $0x6FFFF;
	_ =	strace $0x90000046  }
0xb3: {  	s29 =	simm.s32 $0x9;
	_ =	strace $0x80000048  }
0xb4: {  	_ =	swait.ge [sflag:s29], $0x1  }
0xb5: {  	[sflag:s29] =	ssyncadd.s32 $0xFFFFFFFF  }
0xb6: {  	_ =	strace $0x90000048  }
0xb7: {  	_ =	sfence  }
0xb8: {  	s30 =	sld [smem:$0x0];
	_ =	sdelay $0x2  }
0xb9: {  	s31 =	sshll.u32 s1, $0xD;
	s1 =	sshrl.u32 s1, $0x2  }
0xba: {  	s3 =	sand.u32 $0x4000, s31;
	s1 =	sadd.s32 s1, s30  }
0xbb: {  	s0 =	sor.u32 s3, s0;
	s1 =	sshll.u32 s1, $0x11  }
0xbc: {  	s0 =	sor.u32 s1, s0  }
0xbd: {  	s0 =	sadd.s32 $0x8F2B, s0  }
0xbe: {  	[sflag:s0] =	ssyncadd.remote.s32 $0x1  }
0xbf: {  	_ =	sfence.sel $0xFFFF  }
0xc0: {  	[dreg:$0x0] =	wrdreg $0xFFFFFFFF;
	(pc) =	sbr.abs _section_cstart, $3  }
0xc1: {  	[dreg:$0x1] =	wrdreg $0xFFFFFFFF  }
0xc2: {  	_ =	task.clear_ibuf [dreg:s7], $0x2FFFF;
	_ =	strace $0x9FFFFFFF  }
0xc3: {  	(tm) =	ssettm $0x7FFFFFFF  }
tec
execute0_lowered:
.L_overlay_start_1:
0x0: {  	(tag) =	ssettag $0x1  }
0x1: {  	s0 =	srdreg.scid  }
0x2: {  	s7 =	stileid.u32;
	s2 =	rddreg [dreg:$0x0]  }
0x3: {  	s30 =	rddreg [dreg:$0x1];
	s3 =	sand.u32 $0x1, s0;
	s4 =	smul.u32 $0xA000, s7  }
0x4: {  	s13 =	sadd.s32 $0x28600, s2;
	s11 =	smul.u32 $0xA0000, s3;
	s0 =	ssub.s32 $0x2, s3  }
0x5: {  	s3 =	smul.u32 $0x2800, s3;
	s1 =	sshrl.u32 s0, $0x1;
	s5 =	sor.u32 $0x1000, s4  }
0x6: {  	s1 =	ssub.s32 s0, s1;
	s6 =	sadd.s32 s4, s11;
	s14 =	sadd.s32 s11, s5  }
0x7: {  	s0 =	smul.u32 $0x280, s7;
	s6 =	sshrl.u32 s6, $0x3;
	s7 =	sshrl.u32 s14, $0x3  }
0x8: {  	s31 =	rddreg [dreg:$0x2];
	s6 =	sadd.s32 s13, s6;
	s7 =	sadd.s32 s13, s7  }
0x9: {  	s3 =	sadd.s32 s0, s3;
	[dreg:$0x4] =	wrdreg s6;
	s6 =	sadd.s32 $0x2000, s4  }
0xa: {  	[dreg:$0x5] =	wrdreg s7;
	s7 =	sadd.s32 $0x3000, s4;
	s8 =	sadd.s32 s11, s6  }
0xb: {  	s3 =	sshll.u32 s3, $0x3;
	s10 =	sadd.s32 s11, s7;
	s9 =	sshrl.u32 s8, $0x3  }
0xc: {  	s8 =	sadd.s32 $0x4000, s4;
	s15 =	sshrl.u32 s10, $0x3;
	s9 =	sadd.s32 s13, s9  }
0xd: {  	s16 =	sadd.s32 s11, s8;
	[dreg:$0x6] =	wrdreg s9;
	s9 =	sadd.s32 s13, s15  }
0xe: {  	s10 =	sshrl.u32 s16, $0x3;
	[dreg:$0x7] =	wrdreg s9;
	s9 =	sadd.s32 $0x5000, s4  }
0xf: {  	s21 =	sor.u32 $0x200, s3;
	s10 =	sadd.s32 s13, s10;
	s12 =	sadd.s32 s11, s9  }
0x10: {  	[dreg:$0x8] =	wrdreg s10;
	s10 =	sadd.s32 $0x6000, s4;
	s14 =	sshrl.u32 s12, $0x3  }
0x11: {  	s15 =	sadd.s32 s11, s10;
	s12 =	sadd.s32 $0x7000, s4;
	s14 =	sadd.s32 s13, s14  }
0x12: {  	s17 =	sshrl.u32 s15, $0x3;
	s18 =	sadd.s32 s11, s12;
	s15 =	sadd.s32 $0x8000, s4  }
0x13: {  	[dreg:$0x9] =	wrdreg s14;
	s14 =	sadd.s32 s13, s17;
	s19 =	sshrl.u32 s18, $0x3  }
0x14: {  	s16 =	sadd.s32 s11, s15;
	s17 =	sadd.s32 $0x9000, s4;
	[dreg:$0xa] =	wrdreg s14  }
0x15: {  	s14 =	sadd.s32 s13, s19;
	s20 =	sshrl.u32 s16, $0x3;
	s11 =	sadd.s32 s11, s17  }
0x16: {  	[dreg:$0xb] =	wrdreg s14;
	s14 =	sadd.s32 s13, s20;
	s11 =	sshrl.u32 s11, $0x3  }
0x17: {  	s16 =	sadd.s32 $0x5A400, s2;
	[dreg:$0xc] =	wrdreg s14;
	s11 =	sadd.s32 s13, s11  }
0x18: {  	s14 =	sadd.s32 s16, s21;
	[dreg:$0xd] =	wrdreg s11  }
0x19: {  	s13 =	sadd.s32 $0x600, s2;
	s11 =	simm.s32 $0x0;
	[dreg:$0xf] =	wrdreg s14  }
0x1a: {  	s22 =	sadd.s32 $0x400, s3;
	s18 =	sadd.s32 s13, s21;
	[smem:$0x7FF] =	sst s11  }
0x1b: {  	s24 =	sadd.s32 $0x600, s3;
	s23 =	sadd.s32 s13, s22;
	[dreg:$0xe] =	wrdreg s18  }
0x1c: {  	s25 =	sadd.s32 s13, s24;
	[dreg:$0x10] =	wrdreg s23  }
0x1d: {  	s26 =	sadd.s32 $0x800, s3;
	s14 =	sadd.s32 s16, s24;
	[dreg:$0x12] =	wrdreg s25  }
0x1e: {  	s29 =	sadd.s32 $0xA00, s3;
	s28 =	sadd.s32 s13, s26;
	[dreg:$0x13] =	wrdreg s14  }
0x1f: {  	s20 =	sadd.s32 $0xC00, s3;
	s19 =	sadd.s32 s13, s29;
	[dreg:$0x14] =	wrdreg s28  }
0x20: {  	s21 =	sadd.s32 s13, s20;
	[dreg:$0x16] =	wrdreg s19  }
0x21: {  	s18 =	sadd.s32 s16, s22;
	[dreg:$0x18] =	wrdreg s21  }
0x22: {  	s24 =	sadd.s32 $0x1000, s3;
	s14 =	sadd.s32 s16, s29;
	[dreg:$0x11] =	wrdreg s18  }
0x23: {  	s25 =	sadd.s32 s13, s24;
	[dreg:$0x17] =	wrdreg s14  }
0x24: {  	s28 =	sadd.s32 s13, s3;
	[dreg:$0x1c] =	wrdreg s25  }
0x25: {  	s29 =	sadd.s32 s16, s3;
	[dreg:$0x1e] =	wrdreg s28  }
0x26: {  	s22 =	sadd.s32 $0xE00, s3;
	s18 =	sadd.s32 s16, s26;
	[dreg:$0x1f] =	wrdreg s29  }
0x27: {  	s23 =	sadd.s32 s13, s22;
	[dreg:$0x15] =	wrdreg s18  }
0x28: {  	s14 =	sadd.s32 s16, s22;
	[dreg:$0x1a] =	wrdreg s23  }
0x29: {  	s3 =	sadd.s32 $0x1200, s3;
	s26 =	sadd.s32 s16, s24;
	[dreg:$0x1b] =	wrdreg s14  }
0x2a: {  	s13 =	sadd.s32 s13, s3;
	[dreg:$0x1d] =	wrdreg s26  }
0x2b: {  	s3 =	sadd.s32 s16, s3;
	[smem:$0x7F1] =	sst s13  }
0x2c: {  	s1 =	smax.u32 s1, $0x1;
	s18 =	sadd.s32 s16, s20;
	[smem:$0x7F2] =	sst s3  }
0x2d: {  	s19 =	sadd.s32 s5, s31;
	[dreg:$0x19] =	wrdreg s18;
	s18 =	sadd.s32 s4, s31  }
0x2e: {  	s21 =	sadd.s32 s7, s31;
	_ =	strace $0x80000047;
	[smem:$0x7F3] =	sst s18  }
0x2f: {  	s5 =	simm.s32 $0x6;
	s20 =	sadd.s32 s6, s31;
	[smem:$0x7F4] =	sst s19  }
0x30: {  	s7 =	simm.s32 $0x8;
	s22 =	sadd.s32 s8, s31;
	[smem:$0x7F5] =	sst s20  }
0x31: {  	s24 =	sadd.s32 s10, s31;
	s25 =	sadd.s32 s12, s31;
	[smem:$0x7F6] =	sst s21  }
0x32: {  	s28 =	sadd.s32 s17, s31;
	s23 =	sadd.s32 s9, s31;
	[smem:$0x7F7] =	sst s22  }
0x33: {  	s29 =	sadd.s32 $0x280, s0;
	s17 =	simm.s32 $0xD;
	[smem:$0x7F8] =	sst s23  }
0x34: {  	s8 =	simm.s32 $0x9;
	s10 =	simm.s32 $0xB;
	[smem:$0x7F9] =	sst s24  }
0x35: {  	s12 =	simm.s32 $0xC;
	s26 =	sadd.s32 s15, s31;
	[smem:$0x7FA] =	sst s25  }
0x36: {  	s3 =	sadd.s32 $0x50600, s2;
	s13 =	simm.s32 $0xEC80;
	[smem:$0x7FB] =	sst s26  }
0x37: {  	v2 =	vimm.f32 $+Inf;
	v3 =	vimm.s32 $0x0;
	v4 =	vlaneseq.u32;
	s6 =	simm.s32 $0x7;
	s9 =	simm.s32 $0xA;
	[smem:$0x7FC] =	sst s28  }
0x38: {  	v5 =	vimm.s32 $0x280;
	v6 =	vor.u32 $0x10, v4;
	v7 =	vor.u32 $0x20, v4;
	s15 =	simm.s32 $0x0;
	s4 =	simm.s32 $0x5;
	[smem:$0x7FD] =	sst s1  }
0x39: {  	v8 =	vor.u32 $0x30, v4;
	v0 =	vmov s0;
	v1 =	vmov s29;
	s22 =	simm.s32 $0xD280;
	s23 =	simm.s32 $0xDF80;
	s1 =	simm.s32 $0x0  }
.LBB2_1:
0x3a: {  	[smem:$0x7F0] =	sst s1  }
0x3b: {  	s0 =	rddreg [dreg:$0x4]  }
0x3c: {  	[tilespmem:s13], [sflag:$0xD] =	stream.linear.gather [hbm4b:s0+s11], $0x1000, $0x38;
	[tilespmem:$0x1A080] =	vst v63  }
0x3d: {  	_ =	swait.ge [sflag:s17], $0x1000  }
0x3e: {  	s21 =	sld [smem:$0x7F3]  }
0x3f: {  	[sflag:s17] =	ssyncset.done $0x0  }
0x40: {  	[sflag:s17] =	ssyncadd.s32 $0xFFFFF000  }
0x41: {  	[spmem:s21] =	stream.linear.scatter [tilespmem:s13], [sflag:$0xD], $0x1000, $0x38;
	[tilespmem:$0x1A080] =	vst v63  }
0x42: {  	_ =	swait.ge [sflag:s17], $0x1000  }
0x43: {  	[sflag:s17] =	ssyncset.done $0x0  }
0x44: {  	s24 =	rddreg [dreg:$0x5];
	[sflag:s17] =	ssyncadd.s32 $0xFFFFF000  }
0x45: {  	[tilespmem:s13], [sflag:$0xD] =	stream.linear.gather [hbm4b:s24+s11], $0x1000, $0x38;
	[tilespmem:$0x1A080] =	vst v63  }
0x46: {  	_ =	swait.ge [sflag:s17], $0x1000  }
0x47: {  	s25 =	sld [smem:$0x7F4]  }
0x48: {  	[sflag:s17] =	ssyncset.done $0x0  }
0x49: {  	[sflag:s17] =	ssyncadd.s32 $0xFFFFF000  }
0x4a: {  	[spmem:s25] =	stream.linear.scatter [tilespmem:s13], [sflag:$0xD], $0x1000, $0x38;
	[tilespmem:$0x1A080] =	vst v63  }
0x4b: {  	_ =	swait.ge [sflag:s17], $0x1000  }
0x4c: {  	[sflag:s17] =	ssyncset.done $0x0  }
0x4d: {  	s26 =	rddreg [dreg:$0x6];
	[sflag:s17] =	ssyncadd.s32 $0xFFFFF000  }
0x4e: {  	[tilespmem:s13], [sflag:$0xD] =	stream.linear.gather [hbm4b:s26+s11], $0x1000, $0x38;
	[tilespmem:$0x1A080] =	vst v63  }
0x4f: {  	_ =	swait.ge [sflag:s17], $0x1000  }
0x50: {  	s28 =	sld [smem:$0x7F5]  }
0x51: {  	[sflag:s17] =	ssyncset.done $0x0  }
0x52: {  	[sflag:s17] =	ssyncadd.s32 $0xFFFFF000  }
0x53: {  	[spmem:s28] =	stream.linear.scatter [tilespmem:s13], [sflag:$0xD], $0x1000, $0x38;
	[tilespmem:$0x1A080] =	vst v63  }
0x54: {  	_ =	swait.ge [sflag:s17], $0x1000  }
0x55: {  	[sflag:s17] =	ssyncset.done $0x0  }
0x56: {  	s29 =	rddreg [dreg:$0x7];
	[sflag:s17] =	ssyncadd.s32 $0xFFFFF000  }
0x57: {  	[tilespmem:s13], [sflag:$0xD] =	stream.linear.gather [hbm4b:s29+s11], $0x1000, $0x38;
	[tilespmem:$0x1A080] =	vst v63  }
0x58: {  	_ =	swait.ge [sflag:s17], $0x1000  }
0x59: {  	s1 =	sld [smem:$0x7F6]  }
0x5a: {  	[sflag:s17] =	ssyncset.done $0x0  }
0x5b: {  	[sflag:s17] =	ssyncadd.s32 $0xFFFFF000  }
0x5c: {  	[spmem:s1] =	stream.linear.scatter [tilespmem:s13], [sflag:$0xD], $0x1000, $0x38;
	[tilespmem:$0x1A080] =	vst v63  }
0x5d: {  	_ =	swait.ge [sflag:s17], $0x1000  }
0x5e: {  	[sflag:s17] =	ssyncset.done $0x0  }
0x5f: {  	s2 =	rddreg [dreg:$0x8];
	[sflag:s17] =	ssyncadd.s32 $0xFFFFF000  }
0x60: {  	[tilespmem:s13], [sflag:$0xD] =	stream.linear.gather [hbm4b:s2+s11], $0x1000, $0x38;
	[tilespmem:$0x1A080] =	vst v63  }
0x61: {  	_ =	swait.ge [sflag:s17], $0x1000  }
0x62: {  	s14 =	sld [smem:$0x7F7]  }
0x63: {  	[sflag:s17] =	ssyncset.done $0x0  }
0x64: {  	[sflag:s17] =	ssyncadd.s32 $0xFFFFF000  }
0x65: {  	[spmem:s14] =	stream.linear.scatter [tilespmem:s13], [sflag:$0xD], $0x1000, $0x38;
	[tilespmem:$0x1A080] =	vst v63  }
0x66: {  	_ =	swait.ge [sflag:s17], $0x1000  }
0x67: {  	[sflag:s17] =	ssyncset.done $0x0  }
0x68: {  	s16 =	rddreg [dreg:$0x9];
	[sflag:s17] =	ssyncadd.s32 $0xFFFFF000  }
0x69: {  	[tilespmem:s13], [sflag:$0xD] =	stream.linear.gather [hbm4b:s16+s11], $0x1000, $0x38;
	[tilespmem:$0x1A080] =	vst v63  }
0x6a: {  	_ =	swait.ge [sflag:s17], $0x1000  }
0x6b: {  	s18 =	sld [smem:$0x7F8]  }
0x6c: {  	[sflag:s17] =	ssyncset.done $0x0  }
0x6d: {  	[sflag:s17] =	ssyncadd.s32 $0xFFFFF000  }
0x6e: {  	[spmem:s18] =	stream.linear.scatter [tilespmem:s13], [sflag:$0xD], $0x1000, $0x38;
	[tilespmem:$0x1A080] =	vst v63  }
0x6f: {  	_ =	swait.ge [sflag:s17], $0x1000  }
0x70: {  	[sflag:s17] =	ssyncset.done $0x0  }
0x71: {  	s19 =	rddreg [dreg:$0xa];
	[sflag:s17] =	ssyncadd.s32 $0xFFFFF000  }
0x72: {  	[tilespmem:s13], [sflag:$0xD] =	stream.linear.gather [hbm4b:s19+s11], $0x1000, $0x38;
	[tilespmem:$0x1A080] =	vst v63  }
0x73: {  	_ =	swait.ge [sflag:s17], $0x1000  }
0x74: {  	s20 =	sld [smem:$0x7F9]  }
0x75: {  	[sflag:s17] =	ssyncset.done $0x0  }
0x76: {  	[sflag:s17] =	ssyncadd.s32 $0xFFFFF000  }
0x77: {  	[spmem:s20] =	stream.linear.scatter [tilespmem:s13], [sflag:$0xD], $0x1000, $0x38;
	[tilespmem:$0x1A080] =	vst v63  }
0x78: {  	_ =	swait.ge [sflag:s17], $0x1000  }
0x79: {  	[sflag:s17] =	ssyncset.done $0x0  }
0x7a: {  	s21 =	rddreg [dreg:$0xb];
	[sflag:s17] =	ssyncadd.s32 $0xFFFFF000  }
0x7b: {  	[tilespmem:s13], [sflag:$0xD] =	stream.linear.gather [hbm4b:s21+s11], $0x1000, $0x38;
	[tilespmem:$0x1A080] =	vst v63  }
0x7c: {  	_ =	swait.ge [sflag:s17], $0x1000  }
0x7d: {  	s24 =	sld [smem:$0x7FA]  }
0x7e: {  	[sflag:s17] =	ssyncset.done $0x0  }
0x7f: {  	[sflag:s17] =	ssyncadd.s32 $0xFFFFF000  }
0x80: {  	[spmem:s24] =	stream.linear.scatter [tilespmem:s13], [sflag:$0xD], $0x1000, $0x38;
	[tilespmem:$0x1A080] =	vst v63  }
0x81: {  	_ =	swait.ge [sflag:s17], $0x1000  }
0x82: {  	[sflag:s17] =	ssyncset.done $0x0  }
0x83: {  	s25 =	rddreg [dreg:$0xc];
	[sflag:s17] =	ssyncadd.s32 $0xFFFFF000  }
0x84: {  	[tilespmem:s13], [sflag:$0xD] =	stream.linear.gather [hbm4b:s25+s11], $0x1000, $0x38;
	[tilespmem:$0x1A080] =	vst v63  }
0x85: {  	_ =	swait.ge [sflag:s17], $0x1000  }
0x86: {  	s26 =	sld [smem:$0x7FB]  }
0x87: {  	[sflag:s17] =	ssyncset.done $0x0  }
0x88: {  	[sflag:s17] =	ssyncadd.s32 $0xFFFFF000  }
0x89: {  	[spmem:s26] =	stream.linear.scatter [tilespmem:s13], [sflag:$0xD], $0x1000, $0x38;
	[tilespmem:$0x1A080] =	vst v63  }
0x8a: {  	_ =	swait.ge [sflag:s17], $0x1000  }
0x8b: {  	[sflag:s17] =	ssyncset.done $0x0  }
0x8c: {  	s28 =	rddreg [dreg:$0xd];
	[sflag:s17] =	ssyncadd.s32 $0xFFFFF000  }
0x8d: {  	[tilespmem:s13], [sflag:$0xD] =	stream.linear.gather [hbm4b:s28+s11], $0x1000, $0x38;
	[tilespmem:$0x1A080] =	vst v63  }
0x8e: {  	_ =	swait.ge [sflag:s17], $0x1000  }
0x8f: {  	s29 =	sld [smem:$0x7FC]  }
0x90: {  	[sflag:s17] =	ssyncset.done $0x0  }
0x91: {  	[sflag:s17] =	ssyncadd.s32 $0xFFFFF000  }
0x92: {  	[spmem:s29] =	stream.linear.scatter [tilespmem:s13], [sflag:$0xD], $0x1000, $0x38;
	[tilespmem:$0x1A080] =	vst v63  }
0x93: {  	_ =	swait.ge [sflag:s17], $0x1000  }
0x94: {  	[sflag:s17] =	ssyncset.done $0x0  }
0x95: {  	[sflag:s17] =	ssyncadd.s32 $0xFFFFF000  }
0x96: {  	s0 =	simm.s32 $0x40;
	s1 =	simm.s32 $0x0;
	[bflag:$0x0] =	sbarrier.arrive $0xFFFF  }
.LBB2_2:
0x97: {  	p0 =	sne.s32 s0, $0x280C0;
	[tilespmem:s1+$0x0] =	vst v2;
	s1 =	smov.u32 s0;
	s0 =	sadd.s32 $0x40, s0  }
.Ltmp0:
0x98: {  	(pc) =	sbr.rel @p0 .LBB2_2-.Ltmp0, $2  }
0x99: {  	_ =	sdelay $0x2  }
0x9a: {  	s1 =	sshra.s32 s1, $0x2  }
.Ltmp1:
0x9b: {  	(pc) =	sbr.rel .LBB2_5-.Ltmp1, $4  }
0x9c: {  	[tilespmem:s1+$0x0] =	vst v2;
	s0 =	simm.s32 $0xA080  }
0x9d: {  	[tilespmem:s0], [sflag:$0x1] =	stream.linear.gather [hbm4b:s3+s15], $0xC80, $0x38;
	[tilespmem:$0x1A080] =	vst v63  }
0x9e: {  	s29 =	simm.s32 $0xAD00;
	s16 =	simm.s32 $0x0  }
0x9f: {  	[tilespmem:s29], [sflag:$0x2] =	stream.linear.gather [hbm4b:s30+s15], $0xC80, $0x38;
	[tilespmem:$0x1A080] =	vst v63  }
.LBB2_4:
0xa0: {  	p0 =	seq.s32 s16, $0x32  }
.Ltmp2:
0xa1: {  	_ = 	snop;
	(pc) =	sbr.rel @p0 .LBB2_15-.Ltmp2, $1  }
0xa2: {  	_ =	sdelay $0x3  }
.LBB2_5:
0xa3: {  	s0 =	simm.s32 $0x1  }
0xa4: {  	_ =	swait.ge [sflag:s0], $0xC80  }
0xa5: {  	s20 =	smul.u32 $0x1900, s16;
	[sflag:s0] =	ssyncset.done $0x0  }
0xa6: {  	s1 =	simm.s32 $0x2;
	[sflag:s0] =	ssyncadd.s32 $0xFFFFF380  }
0xa7: {  	s28 =	sshrl.u32 s20, $0x3;
	_ =	swait.ge [sflag:s1], $0xC80  }
0xa8: {  	s0 =	sadd.s32 $0x190, s28;
	[sflag:s1] =	ssyncset.done $0x0  }
0xa9: {  	s2 =	simm.s32 $0xB980;
	s29 =	sadd.s32 s3, s0;
	[sflag:s1] =	ssyncadd.s32 $0xFFFFF380  }
0xaa: {  	[tilespmem:s2], [sflag:$0x3] =	stream.linear.gather [hbm4b:s29+s15], $0xC80, $0x38;
	[tilespmem:$0x1A080] =	vst v63  }
0xab: {  	s14 =	smov.u32 s30;
	s0 =	sadd.s32 s30, s0;
	s30 =	simm.s32 $0xC600  }
0xac: {  	[tilespmem:s30], [sflag:$0x4] =	stream.linear.gather [hbm4b:s0+s15], $0xC80, $0x38;
	[tilespmem:$0x1A080] =	vst v63  }
0xad: {  	v9 =	vimm.s32 $0x0;
	s0 =	simm.s32 $0x0  }
.LBB2_6:
0xae: {  	s1 =	sshra.s32 s0, $0x2  }
0xaf: {  	v10 =	vld [tilespmem:s1+$0xAD00];
	_ =	sdelay $0x4  }
0xb0: {  	vm0 =	vge.s32 v10, v0;
	vm1 =	vlt.s32 v10, v1  }
0xb1: {  	vm0 =	vmand vm0, vm1  }
0xb2: {  	v11 =	vsel vm0, $0x1, v3  }
0xb3: {  	(xrf0) =	vadd.scan.msk.s32 $0xffff, v11;
	_ =	sdelay $0x5  }
0xb4: {  	v11, _, _ =	vpop (xrf0)  }
0xb5: {  	v11 =	vadd.s32 v11, v9  }
0xb6: {  	v12 =	vld [tilespmem:s1+$0xA080];
	v11 =	vadd.s32 $0xFFFFFFFF, v11;
	_ =	sdelay $0x4  }
0xb7: {  	v10 =	vsub.s32 v10, v0;
	[tilespmem:v11+s22+$0x0] =	vst.idx.msk vm0, v12  }
0xb8: {  	[tilespmem:v11+s23+$0x0] =	vst.idx.msk vm0, v10  }
0xb9: {  	v10 =	vld [tilespmem:s1+$0xAD10];
	_ =	sdelay $0x4  }
0xba: {  	vm11 =	vge.s32 v10, v0;
	vm2 =	vlt.s32 v10, v1  }
0xbb: {  	vm1 =	vmand vm11, vm2  }
0xbc: {  	v11 =	vsel vm1, $0x1, v3  }
0xbd: {  	(xrf0) =	vadd.scan.msk.s32 $0xffff, v11;
	_ =	sdelay $0x1  }
0xbe: {  	v11 =	vmpcnt.ones.xlane vm0;
	_ =	sdelay $0x3  }
0xbf: {  	v9 =	vadd.s32 v9, v11;
	v11, _, _ =	vpop (xrf0)  }
0xc0: {  	v11 =	vadd.s32 v11, v9  }
0xc1: {  	v12 =	vld [tilespmem:s1+$0xA090];
	v11 =	vadd.s32 $0xFFFFFFFF, v11;
	_ =	sdelay $0x4  }
0xc2: {  	v10 =	vsub.s32 v10, v0;
	[tilespmem:v11+s22+$0x0] =	vst.idx.msk vm1, v12  }
0xc3: {  	[tilespmem:v11+s23+$0x0] =	vst.idx.msk vm1, v10  }
0xc4: {  	v10 =	vld [tilespmem:s1+$0xAD20];
	_ =	sdelay $0x4  }
0xc5: {  	vm12 =	vge.s32 v10, v0;
	vm13 =	vlt.s32 v10, v1  }
0xc6: {  	vm0 =	vmand vm12, vm13  }
0xc7: {  	v11 =	vsel vm0, $0x1, v3  }
0xc8: {  	(xrf0) =	vadd.scan.msk.s32 $0xffff, v11;
	_ =	sdelay $0x1  }
0xc9: {  	v11 =	vmpcnt.ones.xlane vm1;
	_ =	sdelay $0x3  }
0xca: {  	v9 =	vadd.s32 v9, v11;
	v11, _, _ =	vpop (xrf0)  }
0xcb: {  	v11 =	vadd.s32 v11, v9  }
0xcc: {  	v12 =	vld [tilespmem:s1+$0xA0A0];
	v11 =	vadd.s32 $0xFFFFFFFF, v11;
	_ =	sdelay $0x4  }
0xcd: {  	v10 =	vsub.s32 v10, v0;
	[tilespmem:v11+s22+$0x0] =	vst.idx.msk vm0, v12  }
0xce: {  	[tilespmem:v11+s23+$0x0] =	vst.idx.msk vm0, v10  }
0xcf: {  	v10 =	vld [tilespmem:s1+$0xAD30];
	_ =	sdelay $0x4  }
0xd0: {  	vm14 =	vge.s32 v10, v0;
	vm15 =	vlt.s32 v10, v1  }
0xd1: {  	vm1 =	vmand vm14, vm15  }
0xd2: {  	v11 =	vsel vm1, $0x1, v3  }
0xd3: {  	(xrf0) =	vadd.scan.msk.s32 $0xffff, v11;
	_ =	sdelay $0x1  }
0xd4: {  	v11 =	vmpcnt.ones.xlane vm0;
	_ =	sdelay $0x3  }
0xd5: {  	v9 =	vadd.s32 v9, v11;
	v11, _, _ =	vpop (xrf0)  }
0xd6: {  	v11 =	vadd.s32 v11, v9  }
0xd7: {  	v12 =	vld [tilespmem:s1+$0xA0B0];
	v11 =	vadd.s32 $0xFFFFFFFF, v11  }
0xd8: {  	p0 =	sne.s32 s0, $0x3100  }
.Ltmp3:
0xd9: {  	_ = 	snop;
	(pc) =	sbr.rel @p0 .LBB2_6-.Ltmp3, $4  }
0xda: {  	_ = 	snop  }
0xdb: {  	v13 =	vmpcnt.ones.xlane vm1  }
0xdc: {  	v10 =	vsub.s32 v10, v0;
	[tilespmem:v11+s22+$0x0] =	vst.idx.msk vm1, v12  }
0xdd: {  	s0 =	sadd.s32 $0x100, s0;
	v9 =	vadd.s32 v9, v13;
	[tilespmem:v11+s23+$0x0] =	vst.idx.msk vm1, v10  }
0xde: {  	v10 =	vadd.s32 v4, v9;
	_ =	sdelay $0x1  }
0xdf: {  	v11 =	vadd.s32 v6, v9;
	_ =	sdelay $0x2  }
0xe0: {  	[tilespmem:v10+s22+$0x0] =	vst.idx.msk $0xffff, v3  }
0xe1: {  	[tilespmem:v10+s23+$0x0] =	vst.idx.msk $0xffff, v5  }
0xe2: {  	[tilespmem:v11+s22+$0x0] =	vst.idx.msk $0xffff, v3  }
0xe3: {  	v9 =	vxor.u32 $0x80000000, v9;
	[tilespmem:v11+s23+$0x0] =	vst.idx.msk $0xffff, v5  }
0xe4: {  	(xrf0) =	vmax.scan.msk.u32 $0xffff, v9;
	v9 =	vld [tilespmem:$0xD280];
	_ =	sdelay $0x4  }
0xe5: {  	v9 =	vshll.u32 v9, $0x8  }
0xe6: {  	v10, _, _ =	vpop (xrf0);
	v9 =	vshra.s32 v9, $0x2  }
0xe7: {  	(v2sf) =	vpush v10, $0xF;
	v9 =	vadd.s32 s31, v9  }
0xe8: {  	(v2sf) =	vpush v9, $0x0;
	_ =	sdelay $0x1  }
0xe9: {  	(v2sf) =	vpush v9, $0x1;
	_ =	sdelay $0x2  }
0xea: {  	(v2sf) =	vpush v9, $0x2;
	_ =	sdelay $0x1  }
0xeb: {  	(v2sf) =	vpush v9, $0x3;
	_ =	sdelay $0x2  }
0xec: {  	(v2sf) =	vpush v9, $0x4;
	_ =	sdelay $0x1  }
0xed: {  	(v2sf) =	vpush v9, $0x5;
	_ =	sdelay $0x1  }
0xee: {  	s2 =	simm.s32 $0xFC80;
	s0 =	spop (v2sf);
	(v2sf) =	vpush v9, $0x6  }
0xef: {  	s25 =	simm.s32 $0xFD00;
	s28 =	simm.s32 $0xFD80;
	s1 =	spop (v2sf)  }
0xf0: {  	[tilespmem:s2], [sflag:$0x5] =	stream.linear.gather [spmem:s1], $0x40, $0x38;
	[tilespmem:$0x1A080] =	vst v63  }
0xf1: {  	s30 =	simm.s32 $0xFE00;
	s0 =	sadd.s32 $0x8000000F, s0;
	s24 =	spop (v2sf)  }
0xf2: {  	[tilespmem:s25], [sflag:$0x6] =	stream.linear.gather [spmem:s24], $0x40, $0x38;
	[tilespmem:$0x1A080] =	vst v63  }
0xf3: {  	s18 =	simm.s32 $0xFE80;
	p1 =	slt.s32 s0, $0x1;
	s24 =	sand.u32 $0x7, s0  }
0xf4: {  	s26 =	spop (v2sf);
	s25 =	sshra.s32 s0, $0x1F;
	p0 =	sne.s32 s24, $0x0  }
0xf5: {  	(v2sf) =	vpush v9, $0x7;
	[tilespmem:s28], [sflag:$0x7] =	stream.linear.gather [spmem:s26], $0x40, $0x38;
	[tilespmem:$0x1A080] =	vst v63  }
0xf6: {  	s29 =	spop (v2sf);
	s1 =	sshrl.u32 s25, $0x1D;
	p0 =	por !p1, !p0  }
0xf7: {  	s0 =	sadd.s32 s1, s0;
	s1 =	simm.s32 $0x1;
	p0 =	por !p0, !p0  }
0xf8: {  	[tilespmem:s30], [sflag:$0x8] =	stream.linear.gather [spmem:s29], $0x40, $0x38;
	[tilespmem:$0x1A080] =	vst v63  }
0xf9: {  	s13 =	spop (v2sf);
	s0 =	sshrl.u32 s0, $0x3;
	s1 =	simm.s32 @!p0 $0x0  }
0xfa: {  	[tilespmem:s18], [sflag:$0x9] =	stream.linear.gather [spmem:s13], $0x40, $0x38;
	[tilespmem:$0x1A080] =	vst v63  }
0xfb: {  	s21 =	simm.s32 $0xFF00;
	s19 =	spop (v2sf);
	s0 =	ssub.s32 s0, s1  }
0xfc: {  	[tilespmem:s21], [sflag:$0xA] =	stream.linear.gather [spmem:s19], $0x40, $0x38;
	[tilespmem:$0x1A080] =	vst v63  }
0xfd: {  	s28 =	simm.s32 $0xFF80;
	s26 =	spop (v2sf);
	s21 =	sshll.u32 s0, $0x3  }
0xfe: {  	[tilespmem:s28], [sflag:$0xB] =	stream.linear.gather [spmem:s26], $0x40, $0x38;
	[tilespmem:$0x1A080] =	vst v63  }
0xff: {  	s26 =	sshra.s32 s21, $0x3  }
0x100: {  	p0 =	slt.s32 s26, $0x1  }
.Ltmp4:
0x101: {  	_ = 	snop;
	(pc) =	sbr.rel @p0 .LBB2_10-.Ltmp4, $3  }
0x102: {  	_ =	sdelay $0x1  }
0x103: {  	s30 =	simm.s32 $0x10000;
	s29 =	spop (v2sf)  }
0x104: {  	[tilespmem:s30], [sflag:$0xC] =	stream.linear.gather [spmem:s29], $0x40, $0x38;
	[tilespmem:$0x1A080] =	vst v63  }
0x105: {  	s24 =	simm.s32 $0x7;
	s25 =	simm.s32 $0xD288  }
.LBB2_9:
0x106: {  	v9 =	vld [tilespmem:s25+$0x0];
	_ =	sdelay $0x4  }
0x107: {  	(v2sf) =	vpush v9, $0x1  }
0x108: {  	(v2sf) =	vpush v9, $0x2  }
0x109: {  	(v2sf) =	vpush v9, $0x3  }
0x10a: {  	(v2sf) =	vpush v9, $0x4  }
0x10b: {  	(v2sf) =	vpush v9, $0x5  }
0x10c: {  	(v2sf) =	vpush v9, $0x6  }
0x10d: {  	(v2sf) =	vpush v9, $0x7;
	_ =	sdelay $0x8  }
0x10e: {  	s18 =	spop (v2sf)  }
0x10f: {  	s0 =	sadd.s32 $0xFFFFFFF9, s24;
	s2 =	spop (v2sf)  }
0x110: {  	v10 =	vmov s0;
	s1 =	spop (v2sf)  }
0x111: {  	v10 =	vand.u32 $0xFFFFFFF8, v10;
	s0 =	spop (v2sf)  }
0x112: {  	v10 =	vbroadcast v10, $0x0;
	s28 =	spop (v2sf)  }
0x113: {  	s30 =	spop (v2sf)  }
0x114: {  	s29 =	spop (v2sf)  }
0x115: {  	_ =	swait.ge [sflag:s4], $0x40  }
0x116: {  	[sflag:s4] =	ssyncset.done $0x0  }
0x117: {  	[sflag:s4] =	ssyncadd.s32 $0xFFFFFFC0  }
0x118: {  	s19 =	sadd.s32 $0x1, s24;
	v10 =	vld.idx.msk [tilespmem:v10+s23+$0x0], $0xffff  }
0x119: {  	p0 =	sge.s32 s19, s21  }
0x11a: {  	(v2sf) =	vpush @!p0 v9, $0x0;
	_ =	sdelay $0x2  }
0x11b: {  	v10 =	vshll.u32 v10, $0x6  }
0x11c: {  	v11 =	vor.u32 v4, v10  }
0x11d: {  	v17 =	vld [tilespmem:$0xFC80];
	v9 =	vor.u32 v6, v10  }
0x11e: {  	v18 =	vld [tilespmem:$0xFC90];
	v12 =	vor.u32 v7, v10  }
0x11f: {  	v19 =	vld [tilespmem:$0xFCA0];
	v10 =	vor.u32 v8, v10  }
0x120: {  	v20 =	vld [tilespmem:$0xFCB0]  }
0x121: {  	v13 =	vld.idx.msk [tilespmem:v11+s11+$0x0], $0xffff  }
0x122: {  	v14 =	vld.idx.msk [tilespmem:v9+s11+$0x0], $0xffff  }
0x123: {  	v15 =	vld.idx.msk [tilespmem:v12+s11+$0x0], $0xffff  }
0x124: {  	v16 =	vld.idx.msk [tilespmem:v10+s11+$0x0], $0xffff;
	_ =	sdelay $0x1  }
0x125: {  	s19 =	sadd.s32 $0xFFFFFFFA, s24;
	v13 =	vmin.f32 v13, v17  }
0x126: {  	v35 =	vmov s19;
	s13 =	spop @!p0 (v2sf);
	[tilespmem:v11+s11+$0x0] =	vst.idx.msk $0xffff, v13;
	v11 =	vmin.f32 v14, v18  }
0x127: {  	s13 =	sshll.u32 @!p0 s13, $0x8;
	[tilespmem:v9+s11+$0x0] =	vst.idx.msk $0xffff, v11;
	v9 =	vmin.f32 v15, v19;
	v11 =	vand.u32 $0xFFFFFFF9, v35  }
0x128: {  	s13 =	sshra.s32 @!p0 s13, $0x2;
	[tilespmem:v12+s11+$0x0] =	vst.idx.msk $0xffff, v9;
	v9 =	vmin.f32 v16, v20;
	v11 =	vbroadcast v11, $0x0  }
0x129: {  	s19 =	simm.s32 @!p0 $0xFC80;
	s13 =	sadd.s32 @!p0 s13, s31;
	[tilespmem:v10+s11+$0x0] =	vst.idx.msk $0xffff, v9  }
0x12a: {  	[tilespmem:s19], [sflag:$0x5] =	stream.linear.gather @!p0 [spmem:s13], $0x40, $0x38;
	[tilespmem:$0x1A080] =	vst v63  }
0x12b: {  	_ =	swait.ge [sflag:s5], $0x40  }
0x12c: {  	[sflag:s5] =	ssyncset.done $0x0  }
0x12d: {  	[sflag:s5] =	ssyncadd.s32 $0xFFFFFFC0  }
0x12e: {  	v9 =	vld.idx.msk [tilespmem:v11+s23+$0x0], $0xffff;
	_ =	sdelay $0x4  }
0x12f: {  	v9 =	vshll.u32 v9, $0x6  }
0x130: {  	v10 =	vor.u32 v4, v9  }
0x131: {  	v41 =	vld [tilespmem:$0xFD00];
	v11 =	vor.u32 v6, v9  }
0x132: {  	v42 =	vld [tilespmem:$0xFD10];
	v36 =	vor.u32 v7, v9  }
0x133: {  	v43 =	vld [tilespmem:$0xFD20];
	v9 =	vor.u32 v8, v9  }
0x134: {  	v44 =	vld [tilespmem:$0xFD30]  }
0x135: {  	v37 =	vld.idx.msk [tilespmem:v10+s11+$0x0], $0xffff  }
0x136: {  	v38 =	vld.idx.msk [tilespmem:v11+s11+$0x0], $0xffff  }
0x137: {  	v39 =	vld.idx.msk [tilespmem:v36+s11+$0x0], $0xffff  }
0x138: {  	v40 =	vld.idx.msk [tilespmem:v9+s11+$0x0], $0xffff;
	_ =	sdelay $0x1  }
0x139: {  	s13 =	sadd.s32 $0x2, s24;
	s19 =	sadd.s32 $0xFFFFFFFB, s24;
	v13 =	vmin.f32 v37, v41  }
0x13a: {  	p0 =	sge.s32 s13, s21;
	v45 =	vmov s19;
	[tilespmem:v10+s11+$0x0] =	vst.idx.msk $0xffff, v13;
	v10 =	vmin.f32 v38, v42  }
0x13b: {  	s13 =	sshll.u32 @!p0 s18, $0x8;
	[tilespmem:v11+s11+$0x0] =	vst.idx.msk $0xffff, v10;
	v10 =	vmin.f32 v39, v43;
	v11 =	vand.u32 $0xFFFFFFFA, v45  }
0x13c: {  	s13 =	sshra.s32 @!p0 s13, $0x2;
	[tilespmem:v36+s11+$0x0] =	vst.idx.msk $0xffff, v10;
	v10 =	vmin.f32 v40, v44;
	v11 =	vbroadcast v11, $0x0  }
0x13d: {  	s18 =	simm.s32 @!p0 $0xFD00;
	s13 =	sadd.s32 @!p0 s13, s31;
	[tilespmem:v9+s11+$0x0] =	vst.idx.msk $0xffff, v10  }
0x13e: {  	[tilespmem:s18], [sflag:$0x6] =	stream.linear.gather @!p0 [spmem:s13], $0x40, $0x38;
	[tilespmem:$0x1A080] =	vst v63  }
0x13f: {  	_ =	swait.ge [sflag:s6], $0x40  }
0x140: {  	[sflag:s6] =	ssyncset.done $0x0  }
0x141: {  	[sflag:s6] =	ssyncadd.s32 $0xFFFFFFC0  }
0x142: {  	v9 =	vld.idx.msk [tilespmem:v11+s23+$0x0], $0xffff;
	_ =	sdelay $0x4  }
0x143: {  	v9 =	vshll.u32 v9, $0x6  }
0x144: {  	v10 =	vor.u32 v4, v9  }
0x145: {  	v51 =	vld [tilespmem:$0xFD80];
	v11 =	vor.u32 v6, v9  }
0x146: {  	v52 =	vld [tilespmem:$0xFD90];
	v46 =	vor.u32 v7, v9  }
0x147: {  	v53 =	vld [tilespmem:$0xFDA0];
	v9 =	vor.u32 v8, v9  }
0x148: {  	v54 =	vld [tilespmem:$0xFDB0]  }
0x149: {  	v47 =	vld.idx.msk [tilespmem:v10+s11+$0x0], $0xffff  }
0x14a: {  	v48 =	vld.idx.msk [tilespmem:v11+s11+$0x0], $0xffff  }
0x14b: {  	v49 =	vld.idx.msk [tilespmem:v46+s11+$0x0], $0xffff  }
0x14c: {  	v50 =	vld.idx.msk [tilespmem:v9+s11+$0x0], $0xffff;
	_ =	sdelay $0x1  }
0x14d: {  	s19 =	sadd.s32 $0xFFFFFFFC, s24;
	s18 =	sadd.s32 $0x3, s24;
	v13 =	vmin.f32 v47, v51  }
0x14e: {  	v55 =	vmov s19;
	p0 =	sge.s32 s18, s21;
	[tilespmem:v10+s11+$0x0] =	vst.idx.msk $0xffff, v13;
	v10 =	vmin.f32 v48, v52  }
0x14f: {  	s2 =	sshll.u32 @!p0 s2, $0x8;
	[tilespmem:v11+s11+$0x0] =	vst.idx.msk $0xffff, v10;
	v10 =	vmin.f32 v49, v53;
	v11 =	vand.u32 $0xFFFFFFFB, v55  }
0x150: {  	s2 =	sshra.s32 @!p0 s2, $0x2;
	[tilespmem:v46+s11+$0x0] =	vst.idx.msk $0xffff, v10;
	v10 =	vmin.f32 v50, v54;
	v11 =	vbroadcast v11, $0x0  }
0x151: {  	s13 =	simm.s32 @!p0 $0xFD80;
	s2 =	sadd.s32 @!p0 s2, s31;
	[tilespmem:v9+s11+$0x0] =	vst.idx.msk $0xffff, v10  }
0x152: {  	[tilespmem:s13], [sflag:$0x7] =	stream.linear.gather @!p0 [spmem:s2], $0x40, $0x38;
	[tilespmem:$0x1A080] =	vst v63  }
0x153: {  	_ =	swait.ge [sflag:s7], $0x40  }
0x154: {  	[sflag:s7] =	ssyncset.done $0x0  }
0x155: {  	[sflag:s7] =	ssyncadd.s32 $0xFFFFFFC0  }
0x156: {  	v9 =	vld.idx.msk [tilespmem:v11+s23+$0x0], $0xffff;
	_ =	sdelay $0x4  }
0x157: {  	v9 =	vshll.u32 v9, $0x6  }
0x158: {  	v10 =	vor.u32 v4, v9  }
0x159: {  	v61 =	vld [tilespmem:$0xFE00];
	v11 =	vor.u32 v6, v9  }
0x15a: {  	v62 =	vld [tilespmem:$0xFE10];
	v56 =	vor.u32 v7, v9  }
0x15b: {  	v63 =	vld [tilespmem:$0xFE20];
	v9 =	vor.u32 v8, v9  }
0x15c: {  	v24 =	vld [tilespmem:$0xFE30]  }
0x15d: {  	v57 =	vld.idx.msk [tilespmem:v10+s11+$0x0], $0xffff  }
0x15e: {  	v58 =	vld.idx.msk [tilespmem:v11+s11+$0x0], $0xffff  }
0x15f: {  	v59 =	vld.idx.msk [tilespmem:v56+s11+$0x0], $0xffff  }
0x160: {  	v60 =	vld.idx.msk [tilespmem:v9+s11+$0x0], $0xffff;
	_ =	sdelay $0x1  }
0x161: {  	s19 =	sadd.s32 $0xFFFFFFFD, s24;
	s18 =	sadd.s32 $0x4, s24;
	v13 =	vmin.f32 v57, v61  }
0x162: {  	v25 =	vmov s19;
	p0 =	sge.s32 s18, s21;
	[tilespmem:v10+s11+$0x0] =	vst.idx.msk $0xffff, v13;
	v10 =	vmin.f32 v58, v62  }
0x163: {  	s1 =	sshll.u32 @!p0 s1, $0x8;
	[tilespmem:v11+s11+$0x0] =	vst.idx.msk $0xffff, v10;
	v10 =	vmin.f32 v59, v63;
	v11 =	vand.u32 $0xFFFFFFFC, v25  }
0x164: {  	s1 =	sshra.s32 @!p0 s1, $0x2;
	[tilespmem:v56+s11+$0x0] =	vst.idx.msk $0xffff, v10;
	v10 =	vmin.f32 v60, v24;
	v11 =	vbroadcast v11, $0x0  }
0x165: {  	s2 =	simm.s32 @!p0 $0xFE00;
	s1 =	sadd.s32 @!p0 s1, s31;
	[tilespmem:v9+s11+$0x0] =	vst.idx.msk $0xffff, v10  }
0x166: {  	[tilespmem:s2], [sflag:$0x8] =	stream.linear.gather @!p0 [spmem:s1], $0x40, $0x38;
	[tilespmem:$0x1A080] =	vst v63  }
0x167: {  	_ =	swait.ge [sflag:s8], $0x40  }
0x168: {  	[sflag:s8] =	ssyncset.done $0x0  }
0x169: {  	[sflag:s8] =	ssyncadd.s32 $0xFFFFFFC0  }
0x16a: {  	v9 =	vld.idx.msk [tilespmem:v11+s23+$0x0], $0xffff;
	_ =	sdelay $0x4  }
0x16b: {  	v9 =	vshll.u32 v9, $0x6  }
0x16c: {  	v10 =	vor.u32 v4, v9  }
0x16d: {  	v31 =	vld [tilespmem:$0xFE80];
	v11 =	vor.u32 v6, v9  }
0x16e: {  	v32 =	vld [tilespmem:$0xFE90];
	v26 =	vor.u32 v7, v9  }
0x16f: {  	v33 =	vld [tilespmem:$0xFEA0];
	v9 =	vor.u32 v8, v9  }
0x170: {  	v34 =	vld [tilespmem:$0xFEB0]  }
0x171: {  	v27 =	vld.idx.msk [tilespmem:v10+s11+$0x0], $0xffff  }
0x172: {  	v28 =	vld.idx.msk [tilespmem:v11+s11+$0x0], $0xffff  }
0x173: {  	v29 =	vld.idx.msk [tilespmem:v26+s11+$0x0], $0xffff  }
0x174: {  	v30 =	vld.idx.msk [tilespmem:v9+s11+$0x0], $0xffff;
	_ =	sdelay $0x1  }
0x175: {  	s13 =	sadd.s32 $0xFFFFFFFE, s24;
	s2 =	sadd.s32 $0x5, s24;
	v13 =	vmin.f32 v27, v31  }
0x176: {  	v35 =	vmov s13;
	p0 =	sge.s32 s2, s21;
	[tilespmem:v10+s11+$0x0] =	vst.idx.msk $0xffff, v13;
	v10 =	vmin.f32 v28, v32  }
0x177: {  	s0 =	sshll.u32 @!p0 s0, $0x8;
	[tilespmem:v11+s11+$0x0] =	vst.idx.msk $0xffff, v10;
	v10 =	vmin.f32 v29, v33;
	v11 =	vand.u32 $0xFFFFFFFD, v35  }
0x178: {  	s0 =	sshra.s32 @!p0 s0, $0x2;
	[tilespmem:v26+s11+$0x0] =	vst.idx.msk $0xffff, v10;
	v10 =	vmin.f32 v30, v34;
	v11 =	vbroadcast v11, $0x0  }
0x179: {  	s1 =	simm.s32 @!p0 $0xFE80;
	s0 =	sadd.s32 @!p0 s0, s31;
	[tilespmem:v9+s11+$0x0] =	vst.idx.msk $0xffff, v10  }
0x17a: {  	[tilespmem:s1], [sflag:$0x9] =	stream.linear.gather @!p0 [spmem:s0], $0x40, $0x38;
	[tilespmem:$0x1A080] =	vst v63  }
0x17b: {  	_ =	swait.ge [sflag:s9], $0x40  }
0x17c: {  	[sflag:s9] =	ssyncset.done $0x0  }
0x17d: {  	[sflag:s9] =	ssyncadd.s32 $0xFFFFFFC0  }
0x17e: {  	v9 =	vld.idx.msk [tilespmem:v11+s23+$0x0], $0xffff;
	_ =	sdelay $0x4  }
0x17f: {  	v9 =	vshll.u32 v9, $0x6  }
0x180: {  	v10 =	vor.u32 v4, v9  }
0x181: {  	v41 =	vld [tilespmem:$0xFF00];
	v11 =	vor.u32 v6, v9  }
0x182: {  	v42 =	vld [tilespmem:$0xFF10];
	v36 =	vor.u32 v7, v9  }
0x183: {  	v43 =	vld [tilespmem:$0xFF20];
	v9 =	vor.u32 v8, v9  }
0x184: {  	v44 =	vld [tilespmem:$0xFF30]  }
0x185: {  	v37 =	vld.idx.msk [tilespmem:v10+s11+$0x0], $0xffff  }
0x186: {  	v38 =	vld.idx.msk [tilespmem:v11+s11+$0x0], $0xffff  }
0x187: {  	v39 =	vld.idx.msk [tilespmem:v36+s11+$0x0], $0xffff  }
0x188: {  	v40 =	vld.idx.msk [tilespmem:v9+s11+$0x0], $0xffff;
	_ =	sdelay $0x1  }
0x189: {  	s19 =	sadd.s32 $0xFFFFFFFF, s24;
	s18 =	sadd.s32 $0x6, s24;
	v13 =	vmin.f32 v37, v41  }
0x18a: {  	v45 =	vmov s19;
	p0 =	sge.s32 s18, s21;
	[tilespmem:v10+s11+$0x0] =	vst.idx.msk $0xffff, v13;
	v10 =	vmin.f32 v38, v42  }
0x18b: {  	s0 =	sshll.u32 @!p0 s28, $0x8;
	[tilespmem:v11+s11+$0x0] =	vst.idx.msk $0xffff, v10;
	v10 =	vmin.f32 v39, v43;
	v11 =	vand.u32 $0xFFFFFFFE, v45  }
0x18c: {  	s0 =	sshra.s32 @!p0 s0, $0x2;
	[tilespmem:v36+s11+$0x0] =	vst.idx.msk $0xffff, v10;
	v10 =	vmin.f32 v40, v44;
	v11 =	vbroadcast v11, $0x0  }
0x18d: {  	s1 =	simm.s32 @!p0 $0xFF00;
	s0 =	sadd.s32 @!p0 s0, s31;
	[tilespmem:v9+s11+$0x0] =	vst.idx.msk $0xffff, v10  }
0x18e: {  	[tilespmem:s1], [sflag:$0xA] =	stream.linear.gather @!p0 [spmem:s0], $0x40, $0x38;
	[tilespmem:$0x1A080] =	vst v63  }
0x18f: {  	_ =	swait.ge [sflag:s10], $0x40  }
0x190: {  	[sflag:s10] =	ssyncset.done $0x0  }
0x191: {  	[sflag:s10] =	ssyncadd.s32 $0xFFFFFFC0  }
0x192: {  	v9 =	vld.idx.msk [tilespmem:v11+s23+$0x0], $0xffff;
	_ =	sdelay $0x4  }
0x193: {  	v9 =	vshll.u32 v9, $0x6  }
0x194: {  	v10 =	vor.u32 v4, v9  }
0x195: {  	v51 =	vld [tilespmem:$0xFF80];
	v11 =	vor.u32 v6, v9  }
0x196: {  	v52 =	vld [tilespmem:$0xFF90];
	v46 =	vor.u32 v7, v9  }
0x197: {  	v53 =	vld [tilespmem:$0xFFA0];
	v9 =	vor.u32 v8, v9  }
0x198: {  	v54 =	vld [tilespmem:$0xFFB0]  }
0x199: {  	v47 =	vld.idx.msk [tilespmem:v10+s11+$0x0], $0xffff  }
0x19a: {  	v48 =	vld.idx.msk [tilespmem:v11+s11+$0x0], $0xffff  }
0x19b: {  	v49 =	vld.idx.msk [tilespmem:v46+s11+$0x0], $0xffff  }
0x19c: {  	v50 =	vld.idx.msk [tilespmem:v9+s11+$0x0], $0xffff;
	_ =	sdelay $0x1  }
0x19d: {  	s28 =	sadd.s32 $0x7, s24;
	v13 =	vmin.f32 v47, v51  }
0x19e: {  	p0 =	sge.s32 s28, s21;
	[tilespmem:v10+s11+$0x0] =	vst.idx.msk $0xffff, v13;
	v10 =	vmin.f32 v48, v52  }
0x19f: {  	s0 =	sshll.u32 @!p0 s30, $0x8;
	[tilespmem:v11+s11+$0x0] =	vst.idx.msk $0xffff, v10;
	v10 =	vmin.f32 v49, v53  }
0x1a0: {  	s0 =	sshra.s32 @!p0 s0, $0x2;
	[tilespmem:v46+s11+$0x0] =	vst.idx.msk $0xffff, v10;
	v10 =	vmin.f32 v50, v54  }
0x1a1: {  	s1 =	simm.s32 @!p0 $0xFF80;
	s0 =	sadd.s32 @!p0 s0, s31;
	[tilespmem:v9+s11+$0x0] =	vst.idx.msk $0xffff, v10;
	v9 =	vmov s24  }
0x1a2: {  	[tilespmem:s1], [sflag:$0xB] =	stream.linear.gather @!p0 [spmem:s0], $0x40, $0x38;
	[tilespmem:$0x1A080] =	vst v63  }
0x1a3: {  	_ =	swait.ge [sflag:s12], $0x40  }
0x1a4: {  	[sflag:s12] =	ssyncset.done $0x0  }
0x1a5: {  	[sflag:s12] =	ssyncadd.s32 $0xFFFFFFC0  }
0x1a6: {  	v9 =	vld.idx.msk [tilespmem:v9+s23+$0x0], $0xffff;
	_ =	sdelay $0x4  }
0x1a7: {  	v9 =	vshll.u32 v9, $0x6  }
0x1a8: {  	v10 =	vor.u32 v4, v9  }
0x1a9: {  	v60 =	vld [tilespmem:$0x10000];
	v11 =	vor.u32 v6, v9  }
0x1aa: {  	v61 =	vld [tilespmem:$0x10010];
	v55 =	vor.u32 v7, v9  }
0x1ab: {  	v62 =	vld [tilespmem:$0x10020];
	v9 =	vor.u32 v8, v9  }
0x1ac: {  	v63 =	vld [tilespmem:$0x10030]  }
0x1ad: {  	v56 =	vld.idx.msk [tilespmem:v10+s11+$0x0], $0xffff  }
0x1ae: {  	v57 =	vld.idx.msk [tilespmem:v11+s11+$0x0], $0xffff  }
0x1af: {  	v58 =	vld.idx.msk [tilespmem:v55+s11+$0x0], $0xffff  }
0x1b0: {  	v59 =	vld.idx.msk [tilespmem:v9+s11+$0x0], $0xffff;
	_ =	sdelay $0x1  }
0x1b1: {  	s24 =	sadd.s32 $0x8, s24;
	v13 =	vmin.f32 v56, v60  }
0x1b2: {  	p0 =	sge.s32 s24, s21;
	[tilespmem:v10+s11+$0x0] =	vst.idx.msk $0xffff, v13;
	v10 =	vmin.f32 v57, v61  }
0x1b3: {  	s0 =	sshll.u32 @!p0 s29, $0x8;
	[tilespmem:v11+s11+$0x0] =	vst.idx.msk $0xffff, v10;
	v10 =	vmin.f32 v58, v62  }
0x1b4: {  	s0 =	sshra.s32 @!p0 s0, $0x2;
	[tilespmem:v55+s11+$0x0] =	vst.idx.msk $0xffff, v10;
	v10 =	vmin.f32 v59, v63  }
0x1b5: {  	s26 =	sadd.s32 $0xFFFFFFFF, s26;
	s1 =	simm.s32 @!p0 $0x10000;
	s0 =	sadd.s32 @!p0 s0, s31;
	[tilespmem:v9+s11+$0x0] =	vst.idx.msk $0xffff, v10  }
0x1b6: {  	[tilespmem:s1], [sflag:$0xC] =	stream.linear.gather @!p0 [spmem:s0], $0x40, $0x38;
	[tilespmem:$0x1A080] =	vst v63  }
0x1b7: {  	p0 =	sne.s32 s26, $0x0  }
.Ltmp5:
0x1b8: {  	_ = 	snop;
	(pc) =	sbr.rel @p0 .LBB2_9-.Ltmp5, $2  }
0x1b9: {  	_ =	sdelay $0x2  }
0x1ba: {  	s25 =	sadd.s32 $0x8, s25  }
.LBB2_10:
0x1bb: {  	s0 =	simm.s32 $0x3  }
0x1bc: {  	_ =	swait.ge [sflag:s0], $0xC80  }
0x1bd: {  	[sflag:s0] =	ssyncset.done $0x0  }
0x1be: {  	s1 =	simm.s32 $0x4;
	p0 =	seq.s32 s16, $0x31;
	[sflag:s0] =	ssyncadd.s32 $0xFFFFF380  }
0x1bf: {  	s0 =	sshrl.u32 @!p0 s20, $0x3;
	_ =	swait.ge [sflag:s1], $0xC80  }
0x1c0: {  	s2 =	simm.s32 @!p0 $0x0;
	s0 =	sadd.s32 @!p0 $0x320, s0;
	[sflag:s1] =	ssyncset.done $0x0  }
0x1c1: {  	s13 =	simm.s32 @!p0 $0xA080;
	[sflag:s1] =	ssyncadd.s32 $0xFFFFF380;
	s1 =	sadd.s32 @!p0 s3, s0  }
0x1c2: {  	[tilespmem:s13], [sflag:$0x1] =	stream.linear.gather @!p0 [hbm4b:s1+s2], $0xC80, $0x38;
	[tilespmem:$0x1A080] =	vst v63  }
0x1c3: {  	s0 =	sadd.s32 @!p0 s14, s0;
	s1 =	simm.s32 @!p0 $0xAD00  }
0x1c4: {  	[tilespmem:s1], [sflag:$0x2] =	stream.linear.gather @!p0 [hbm4b:s0+s2], $0xC80, $0x38;
	[tilespmem:$0x1A080] =	vst v63  }
0x1c5: {  	s30 =	smov.u32 s14;
	s16 =	sadd.s32 $0x1, s16;
	v9 =	vimm.s32 $0x0;
	s0 =	simm.s32 $0x0  }
.LBB2_11:
0x1c6: {  	s1 =	sshra.s32 s0, $0x2  }
0x1c7: {  	v10 =	vld [tilespmem:s1+$0xC600];
	_ =	sdelay $0x4  }
0x1c8: {  	vm0 =	vge.s32 v10, v0;
	vm1 =	vlt.s32 v10, v1  }
0x1c9: {  	vm0 =	vmand vm0, vm1  }
0x1ca: {  	v11 =	vsel vm0, $0x1, v3  }
0x1cb: {  	(xrf0) =	vadd.scan.msk.s32 $0xffff, v11;
	_ =	sdelay $0x5  }
0x1cc: {  	v11, _, _ =	vpop (xrf0)  }
0x1cd: {  	v11 =	vadd.s32 v11, v9  }
0x1ce: {  	v12 =	vld [tilespmem:s1+$0xB980];
	v11 =	vadd.s32 $0xFFFFFFFF, v11;
	_ =	sdelay $0x4  }
0x1cf: {  	v10 =	vsub.s32 v10, v0;
	[tilespmem:v11+s22+$0x0] =	vst.idx.msk vm0, v12  }
0x1d0: {  	[tilespmem:v11+s23+$0x0] =	vst.idx.msk vm0, v10  }
0x1d1: {  	v10 =	vld [tilespmem:s1+$0xC610];
	_ =	sdelay $0x4  }
0x1d2: {  	vm11 =	vge.s32 v10, v0;
	vm2 =	vlt.s32 v10, v1  }
0x1d3: {  	vm1 =	vmand vm11, vm2  }
0x1d4: {  	v11 =	vsel vm1, $0x1, v3  }
0x1d5: {  	(xrf0) =	vadd.scan.msk.s32 $0xffff, v11;
	_ =	sdelay $0x1  }
0x1d6: {  	v11 =	vmpcnt.ones.xlane vm0;
	_ =	sdelay $0x3  }
0x1d7: {  	v9 =	vadd.s32 v9, v11;
	v11, _, _ =	vpop (xrf0)  }
0x1d8: {  	v11 =	vadd.s32 v11, v9  }
0x1d9: {  	v12 =	vld [tilespmem:s1+$0xB990];
	v11 =	vadd.s32 $0xFFFFFFFF, v11;
	_ =	sdelay $0x4  }
0x1da: {  	v10 =	vsub.s32 v10, v0;
	[tilespmem:v11+s22+$0x0] =	vst.idx.msk vm1, v12  }
0x1db: {  	[tilespmem:v11+s23+$0x0] =	vst.idx.msk vm1, v10  }
0x1dc: {  	v10 =	vld [tilespmem:s1+$0xC620];
	_ =	sdelay $0x4  }
0x1dd: {  	vm12 =	vge.s32 v10, v0;
	vm13 =	vlt.s32 v10, v1  }
0x1de: {  	vm0 =	vmand vm12, vm13  }
0x1df: {  	v11 =	vsel vm0, $0x1, v3  }
0x1e0: {  	(xrf0) =	vadd.scan.msk.s32 $0xffff, v11;
	_ =	sdelay $0x1  }
0x1e1: {  	v11 =	vmpcnt.ones.xlane vm1;
	_ =	sdelay $0x3  }
0x1e2: {  	v9 =	vadd.s32 v9, v11;
	v11, _, _ =	vpop (xrf0)  }
0x1e3: {  	v11 =	vadd.s32 v11, v9  }
0x1e4: {  	v12 =	vld [tilespmem:s1+$0xB9A0];
	v11 =	vadd.s32 $0xFFFFFFFF, v11;
	_ =	sdelay $0x4  }
0x1e5: {  	v10 =	vsub.s32 v10, v0;
	[tilespmem:v11+s22+$0x0] =	vst.idx.msk vm0, v12  }
0x1e6: {  	[tilespmem:v11+s23+$0x0] =	vst.idx.msk vm0, v10  }
0x1e7: {  	v10 =	vld [tilespmem:s1+$0xC630];
	_ =	sdelay $0x4  }
0x1e8: {  	vm14 =	vge.s32 v10, v0;
	vm15 =	vlt.s32 v10, v1  }
0x1e9: {  	vm1 =	vmand vm14, vm15  }
0x1ea: {  	v11 =	vsel vm1, $0x1, v3  }
0x1eb: {  	(xrf0) =	vadd.scan.msk.s32 $0xffff, v11;
	_ =	sdelay $0x1  }
0x1ec: {  	v11 =	vmpcnt.ones.xlane vm0;
	_ =	sdelay $0x3  }
0x1ed: {  	v9 =	vadd.s32 v9, v11;
	v11, _, _ =	vpop (xrf0)  }
0x1ee: {  	v11 =	vadd.s32 v11, v9  }
0x1ef: {  	v12 =	vld [tilespmem:s1+$0xB9B0];
	v11 =	vadd.s32 $0xFFFFFFFF, v11  }
0x1f0: {  	p0 =	sne.s32 s0, $0x3100  }
.Ltmp6:
0x1f1: {  	_ = 	snop;
	(pc) =	sbr.rel @p0 .LBB2_11-.Ltmp6, $4  }
0x1f2: {  	_ = 	snop  }
0x1f3: {  	v13 =	vmpcnt.ones.xlane vm1  }
0x1f4: {  	v10 =	vsub.s32 v10, v0;
	[tilespmem:v11+s22+$0x0] =	vst.idx.msk vm1, v12  }
0x1f5: {  	s0 =	sadd.s32 $0x100, s0;
	v9 =	vadd.s32 v9, v13;
	[tilespmem:v11+s23+$0x0] =	vst.idx.msk vm1, v10  }
0x1f6: {  	v10 =	vadd.s32 v4, v9;
	_ =	sdelay $0x1  }
0x1f7: {  	v11 =	vadd.s32 v6, v9;
	_ =	sdelay $0x2  }
0x1f8: {  	[tilespmem:v10+s22+$0x0] =	vst.idx.msk $0xffff, v3  }
0x1f9: {  	v9 =	vxor.u32 $0x80000000, v9;
	[tilespmem:v10+s23+$0x0] =	vst.idx.msk $0xffff, v5  }
0x1fa: {  	(xrf0) =	vmax.scan.msk.u32 $0xffff, v9;
	[tilespmem:v11+s22+$0x0] =	vst.idx.msk $0xffff, v3  }
0x1fb: {  	[tilespmem:v11+s23+$0x0] =	vst.idx.msk $0xffff, v5  }
0x1fc: {  	v9 =	vld [tilespmem:$0xD280];
	_ =	sdelay $0x3  }
0x1fd: {  	v10, _, _ =	vpop (xrf0)  }
0x1fe: {  	(v2sf) =	vpush v10, $0xF;
	v9 =	vshll.u32 v9, $0x8  }
0x1ff: {  	v9 =	vshra.s32 v9, $0x2  }
0x200: {  	v9 =	vadd.s32 s31, v9  }
0x201: {  	(v2sf) =	vpush v9, $0x0;
	_ =	sdelay $0x1  }
0x202: {  	(v2sf) =	vpush v9, $0x1;
	_ =	sdelay $0x1  }
0x203: {  	(v2sf) =	vpush v9, $0x2;
	_ =	sdelay $0x1  }
0x204: {  	(v2sf) =	vpush v9, $0x3;
	_ =	sdelay $0x1  }
0x205: {  	(v2sf) =	vpush v9, $0x4;
	_ =	sdelay $0x1  }
0x206: {  	(v2sf) =	vpush v9, $0x5;
	_ =	sdelay $0x1  }
0x207: {  	s2 =	simm.s32 $0xFC80;
	s0 =	spop (v2sf)  }
0x208: {  	s26 =	simm.s32 $0xFD00;
	s29 =	simm.s32 $0xFD80;
	s0 =	sadd.s32 $0x8000000F, s0  }
0x209: {  	s13 =	simm.s32 $0xFE00;
	s18 =	simm.s32 $0xFE80;
	s21 =	sand.u32 $0x7, s0  }
0x20a: {  	p1 =	slt.s32 s0, $0x1;
	p0 =	sne.s32 s21, $0x0;
	s1 =	spop (v2sf)  }
0x20b: {  	(v2sf) =	vpush v9, $0x6;
	[tilespmem:s2], [sflag:$0x5] =	stream.linear.gather [spmem:s1], $0x40, $0x38;
	[tilespmem:$0x1A080] =	vst v63  }
0x20c: {  	s24 =	sshra.s32 s0, $0x1F;
	p0 =	por !p1, !p0;
	s25 =	spop (v2sf)  }
0x20d: {  	(v2sf) =	vpush v9, $0x7;
	[tilespmem:s26], [sflag:$0x6] =	stream.linear.gather [spmem:s25], $0x40, $0x38;
	[tilespmem:$0x1A080] =	vst v63  }
0x20e: {  	p0 =	por !p0, !p0;
	s1 =	sshrl.u32 s24, $0x1D;
	s28 =	spop (v2sf)  }
0x20f: {  	[tilespmem:s29], [sflag:$0x7] =	stream.linear.gather [spmem:s28], $0x40, $0x38;
	[tilespmem:$0x1A080] =	vst v63  }
0x210: {  	s0 =	sadd.s32 s1, s0;
	s1 =	simm.s32 $0x1;
	s2 =	spop (v2sf)  }
0x211: {  	[tilespmem:s13], [sflag:$0x8] =	stream.linear.gather [spmem:s2], $0x40, $0x38;
	[tilespmem:$0x1A080] =	vst v63  }
0x212: {  	s0 =	sshrl.u32 s0, $0x3;
	s1 =	simm.s32 @!p0 $0x0;
	s14 =	spop (v2sf)  }
0x213: {  	[tilespmem:s18], [sflag:$0x9] =	stream.linear.gather [spmem:s14], $0x40, $0x38;
	[tilespmem:$0x1A080] =	vst v63  }
0x214: {  	s20 =	simm.s32 $0xFF00;
	s0 =	ssub.s32 s0, s1;
	s19 =	spop (v2sf)  }
0x215: {  	[tilespmem:s20], [sflag:$0xA] =	stream.linear.gather [spmem:s19], $0x40, $0x38;
	[tilespmem:$0x1A080] =	vst v63  }
0x216: {  	s20 =	sshll.u32 s0, $0x3  }
0x217: {  	s21 =	sshra.s32 s20, $0x3  }
0x218: {  	p0 =	slt.s32 s21, $0x1  }
.Ltmp7:
0x219: {  	_ = 	snop;
	(pc) =	sbr.rel @p0 .LBB2_4-.Ltmp7, $4  }
0x21a: {  	s26 =	simm.s32 $0xFF80;
	s25 =	spop (v2sf)  }
0x21b: {  	[tilespmem:s26], [sflag:$0xB] =	stream.linear.gather [spmem:s25], $0x40, $0x38;
	[tilespmem:$0x1A080] =	vst v63  }
0x21c: {  	s29 =	simm.s32 $0x10000;
	s28 =	spop (v2sf)  }
0x21d: {  	[tilespmem:s29], [sflag:$0xC] =	stream.linear.gather [spmem:s28], $0x40, $0x38;
	[tilespmem:$0x1A080] =	vst v63  }
0x21e: {  	s24 =	simm.s32 $0x7;
	s25 =	simm.s32 $0xD288  }
.LBB2_14:
0x21f: {  	v9 =	vld [tilespmem:s25+$0x0];
	_ =	sdelay $0x4  }
0x220: {  	(v2sf) =	vpush v9, $0x1  }
0x221: {  	(v2sf) =	vpush v9, $0x2  }
0x222: {  	(v2sf) =	vpush v9, $0x3  }
0x223: {  	(v2sf) =	vpush v9, $0x4  }
0x224: {  	(v2sf) =	vpush v9, $0x5  }
0x225: {  	(v2sf) =	vpush v9, $0x6  }
0x226: {  	(v2sf) =	vpush v9, $0x7;
	_ =	sdelay $0x8  }
0x227: {  	s18 =	spop (v2sf)  }
0x228: {  	s0 =	sadd.s32 $0xFFFFFFF9, s24;
	s2 =	spop (v2sf)  }
0x229: {  	v10 =	vmov s0;
	s1 =	spop (v2sf)  }
0x22a: {  	v10 =	vand.u32 $0xFFFFFFF8, v10;
	s0 =	spop (v2sf)  }
0x22b: {  	v10 =	vbroadcast v10, $0x0;
	s28 =	spop (v2sf)  }
0x22c: {  	s29 =	spop (v2sf)  }
0x22d: {  	s26 =	spop (v2sf)  }
0x22e: {  	_ =	swait.ge [sflag:s4], $0x40  }
0x22f: {  	[sflag:s4] =	ssyncset.done $0x0  }
0x230: {  	[sflag:s4] =	ssyncadd.s32 $0xFFFFFFC0  }
0x231: {  	s13 =	sadd.s32 $0x1, s24;
	v10 =	vld.idx.msk [tilespmem:v10+s23+$0x0], $0xffff  }
0x232: {  	p0 =	sge.s32 s13, s20  }
0x233: {  	(v2sf) =	vpush @!p0 v9, $0x0;
	_ =	sdelay $0x2  }
0x234: {  	v10 =	vshll.u32 v10, $0x6  }
0x235: {  	v11 =	vor.u32 v4, v10  }
0x236: {  	v17 =	vld [tilespmem:$0xFC80];
	v9 =	vor.u32 v6, v10  }
0x237: {  	v18 =	vld [tilespmem:$0xFC90];
	v12 =	vor.u32 v7, v10  }
0x238: {  	v19 =	vld [tilespmem:$0xFCA0];
	v10 =	vor.u32 v8, v10  }
0x239: {  	v20 =	vld [tilespmem:$0xFCB0]  }
0x23a: {  	v13 =	vld.idx.msk [tilespmem:v11+s11+$0x0], $0xffff  }
0x23b: {  	v14 =	vld.idx.msk [tilespmem:v9+s11+$0x0], $0xffff  }
0x23c: {  	v15 =	vld.idx.msk [tilespmem:v12+s11+$0x0], $0xffff  }
0x23d: {  	v16 =	vld.idx.msk [tilespmem:v10+s11+$0x0], $0xffff;
	_ =	sdelay $0x1  }
0x23e: {  	s14 =	sadd.s32 $0xFFFFFFFA, s24;
	v13 =	vmin.f32 v13, v17  }
0x23f: {  	v35 =	vmov s14;
	s19 =	spop @!p0 (v2sf);
	[tilespmem:v11+s11+$0x0] =	vst.idx.msk $0xffff, v13;
	v11 =	vmin.f32 v14, v18  }
0x240: {  	s13 =	sshll.u32 @!p0 s19, $0x8;
	[tilespmem:v9+s11+$0x0] =	vst.idx.msk $0xffff, v11;
	v9 =	vmin.f32 v15, v19;
	v11 =	vand.u32 $0xFFFFFFF9, v35  }
0x241: {  	s13 =	sshra.s32 @!p0 s13, $0x2;
	[tilespmem:v12+s11+$0x0] =	vst.idx.msk $0xffff, v9;
	v9 =	vmin.f32 v16, v20;
	v11 =	vbroadcast v11, $0x0  }
0x242: {  	s19 =	simm.s32 @!p0 $0xFC80;
	s13 =	sadd.s32 @!p0 s13, s31;
	[tilespmem:v10+s11+$0x0] =	vst.idx.msk $0xffff, v9  }
0x243: {  	[tilespmem:s19], [sflag:$0x5] =	stream.linear.gather @!p0 [spmem:s13], $0x40, $0x38;
	[tilespmem:$0x1A080] =	vst v63  }
0x244: {  	_ =	swait.ge [sflag:s5], $0x40  }
0x245: {  	[sflag:s5] =	ssyncset.done $0x0  }
0x246: {  	[sflag:s5] =	ssyncadd.s32 $0xFFFFFFC0  }
0x247: {  	v9 =	vld.idx.msk [tilespmem:v11+s23+$0x0], $0xffff;
	_ =	sdelay $0x4  }
0x248: {  	v9 =	vshll.u32 v9, $0x6  }
0x249: {  	v10 =	vor.u32 v4, v9  }
0x24a: {  	v41 =	vld [tilespmem:$0xFD00];
	v11 =	vor.u32 v6, v9  }
0x24b: {  	v42 =	vld [tilespmem:$0xFD10];
	v36 =	vor.u32 v7, v9  }
0x24c: {  	v43 =	vld [tilespmem:$0xFD20];
	v9 =	vor.u32 v8, v9  }
0x24d: {  	v44 =	vld [tilespmem:$0xFD30]  }
0x24e: {  	v37 =	vld.idx.msk [tilespmem:v10+s11+$0x0], $0xffff  }
0x24f: {  	v38 =	vld.idx.msk [tilespmem:v11+s11+$0x0], $0xffff  }
0x250: {  	v39 =	vld.idx.msk [tilespmem:v36+s11+$0x0], $0xffff  }
0x251: {  	v40 =	vld.idx.msk [tilespmem:v9+s11+$0x0], $0xffff;
	_ =	sdelay $0x1  }
0x252: {  	s14 =	sadd.s32 $0xFFFFFFFB, s24;
	s19 =	sadd.s32 $0x2, s24;
	v13 =	vmin.f32 v37, v41  }
0x253: {  	v45 =	vmov s14;
	p0 =	sge.s32 s19, s20;
	[tilespmem:v10+s11+$0x0] =	vst.idx.msk $0xffff, v13;
	v10 =	vmin.f32 v38, v42  }
0x254: {  	s13 =	sshll.u32 @!p0 s18, $0x8;
	[tilespmem:v11+s11+$0x0] =	vst.idx.msk $0xffff, v10;
	v10 =	vmin.f32 v39, v43;
	v11 =	vand.u32 $0xFFFFFFFA, v45  }
0x255: {  	s13 =	sshra.s32 @!p0 s13, $0x2;
	[tilespmem:v36+s11+$0x0] =	vst.idx.msk $0xffff, v10;
	v10 =	vmin.f32 v40, v44;
	v11 =	vbroadcast v11, $0x0  }
0x256: {  	s18 =	simm.s32 @!p0 $0xFD00;
	s13 =	sadd.s32 @!p0 s13, s31;
	[tilespmem:v9+s11+$0x0] =	vst.idx.msk $0xffff, v10  }
0x257: {  	[tilespmem:s18], [sflag:$0x6] =	stream.linear.gather @!p0 [spmem:s13], $0x40, $0x38;
	[tilespmem:$0x1A080] =	vst v63  }
0x258: {  	_ =	swait.ge [sflag:s6], $0x40  }
0x259: {  	[sflag:s6] =	ssyncset.done $0x0  }
0x25a: {  	[sflag:s6] =	ssyncadd.s32 $0xFFFFFFC0  }
0x25b: {  	v9 =	vld.idx.msk [tilespmem:v11+s23+$0x0], $0xffff;
	_ =	sdelay $0x4  }
0x25c: {  	v9 =	vshll.u32 v9, $0x6  }
0x25d: {  	v10 =	vor.u32 v4, v9  }
0x25e: {  	v51 =	vld [tilespmem:$0xFD80];
	v11 =	vor.u32 v6, v9  }
0x25f: {  	v52 =	vld [tilespmem:$0xFD90];
	v46 =	vor.u32 v7, v9  }
0x260: {  	v53 =	vld [tilespmem:$0xFDA0];
	v9 =	vor.u32 v8, v9  }
0x261: {  	v54 =	vld [tilespmem:$0xFDB0]  }
0x262: {  	v47 =	vld.idx.msk [tilespmem:v10+s11+$0x0], $0xffff  }
0x263: {  	v48 =	vld.idx.msk [tilespmem:v11+s11+$0x0], $0xffff  }
0x264: {  	v49 =	vld.idx.msk [tilespmem:v46+s11+$0x0], $0xffff  }
0x265: {  	v50 =	vld.idx.msk [tilespmem:v9+s11+$0x0], $0xffff;
	_ =	sdelay $0x1  }
0x266: {  	s14 =	sadd.s32 $0xFFFFFFFC, s24;
	s19 =	sadd.s32 $0x3, s24;
	v13 =	vmin.f32 v47, v51  }
0x267: {  	v55 =	vmov s14;
	p0 =	sge.s32 s19, s20;
	[tilespmem:v10+s11+$0x0] =	vst.idx.msk $0xffff, v13;
	v10 =	vmin.f32 v48, v52  }
0x268: {  	s2 =	sshll.u32 @!p0 s2, $0x8;
	[tilespmem:v11+s11+$0x0] =	vst.idx.msk $0xffff, v10;
	v10 =	vmin.f32 v49, v53;
	v11 =	vand.u32 $0xFFFFFFFB, v55  }
0x269: {  	s2 =	sshra.s32 @!p0 s2, $0x2;
	[tilespmem:v46+s11+$0x0] =	vst.idx.msk $0xffff, v10;
	v10 =	vmin.f32 v50, v54;
	v11 =	vbroadcast v11, $0x0  }
0x26a: {  	s13 =	simm.s32 @!p0 $0xFD80;
	s2 =	sadd.s32 @!p0 s2, s31;
	[tilespmem:v9+s11+$0x0] =	vst.idx.msk $0xffff, v10  }
0x26b: {  	[tilespmem:s13], [sflag:$0x7] =	stream.linear.gather @!p0 [spmem:s2], $0x40, $0x38;
	[tilespmem:$0x1A080] =	vst v63  }
0x26c: {  	_ =	swait.ge [sflag:s7], $0x40  }
0x26d: {  	[sflag:s7] =	ssyncset.done $0x0  }
0x26e: {  	[sflag:s7] =	ssyncadd.s32 $0xFFFFFFC0  }
0x26f: {  	v9 =	vld.idx.msk [tilespmem:v11+s23+$0x0], $0xffff;
	_ =	sdelay $0x4  }
0x270: {  	v9 =	vshll.u32 v9, $0x6  }
0x271: {  	v10 =	vor.u32 v4, v9  }
0x272: {  	v61 =	vld [tilespmem:$0xFE00];
	v11 =	vor.u32 v6, v9  }
0x273: {  	v62 =	vld [tilespmem:$0xFE10];
	v56 =	vor.u32 v7, v9  }
0x274: {  	v63 =	vld [tilespmem:$0xFE20];
	v9 =	vor.u32 v8, v9  }
0x275: {  	v24 =	vld [tilespmem:$0xFE30]  }
0x276: {  	v57 =	vld.idx.msk [tilespmem:v10+s11+$0x0], $0xffff  }
0x277: {  	v58 =	vld.idx.msk [tilespmem:v11+s11+$0x0], $0xffff  }
0x278: {  	v59 =	vld.idx.msk [tilespmem:v56+s11+$0x0], $0xffff  }
0x279: {  	v60 =	vld.idx.msk [tilespmem:v9+s11+$0x0], $0xffff;
	_ =	sdelay $0x1  }
0x27a: {  	s18 =	sadd.s32 $0x4, s24;
	s19 =	sadd.s32 $0xFFFFFFFD, s24;
	v13 =	vmin.f32 v57, v61  }
0x27b: {  	v25 =	vmov s19;
	p0 =	sge.s32 s18, s20;
	[tilespmem:v10+s11+$0x0] =	vst.idx.msk $0xffff, v13;
	v10 =	vmin.f32 v58, v62  }
0x27c: {  	s1 =	sshll.u32 @!p0 s1, $0x8;
	[tilespmem:v11+s11+$0x0] =	vst.idx.msk $0xffff, v10;
	v10 =	vmin.f32 v59, v63;
	v11 =	vand.u32 $0xFFFFFFFC, v25  }
0x27d: {  	s1 =	sshra.s32 @!p0 s1, $0x2;
	[tilespmem:v56+s11+$0x0] =	vst.idx.msk $0xffff, v10;
	v10 =	vmin.f32 v60, v24;
	v11 =	vbroadcast v11, $0x0  }
0x27e: {  	s2 =	simm.s32 @!p0 $0xFE00;
	s1 =	sadd.s32 @!p0 s1, s31;
	[tilespmem:v9+s11+$0x0] =	vst.idx.msk $0xffff, v10  }
0x27f: {  	[tilespmem:s2], [sflag:$0x8] =	stream.linear.gather @!p0 [spmem:s1], $0x40, $0x38;
	[tilespmem:$0x1A080] =	vst v63  }
0x280: {  	_ =	swait.ge [sflag:s8], $0x40  }
0x281: {  	[sflag:s8] =	ssyncset.done $0x0  }
0x282: {  	[sflag:s8] =	ssyncadd.s32 $0xFFFFFFC0  }
0x283: {  	v9 =	vld.idx.msk [tilespmem:v11+s23+$0x0], $0xffff;
	_ =	sdelay $0x4  }
0x284: {  	v9 =	vshll.u32 v9, $0x6  }
0x285: {  	v10 =	vor.u32 v4, v9  }
0x286: {  	v31 =	vld [tilespmem:$0xFE80];
	v11 =	vor.u32 v6, v9  }
0x287: {  	v32 =	vld [tilespmem:$0xFE90];
	v26 =	vor.u32 v7, v9  }
0x288: {  	v33 =	vld [tilespmem:$0xFEA0];
	v9 =	vor.u32 v8, v9  }
0x289: {  	v34 =	vld [tilespmem:$0xFEB0]  }
0x28a: {  	v27 =	vld.idx.msk [tilespmem:v10+s11+$0x0], $0xffff  }
0x28b: {  	v28 =	vld.idx.msk [tilespmem:v11+s11+$0x0], $0xffff  }
0x28c: {  	v29 =	vld.idx.msk [tilespmem:v26+s11+$0x0], $0xffff  }
0x28d: {  	v30 =	vld.idx.msk [tilespmem:v9+s11+$0x0], $0xffff;
	_ =	sdelay $0x1  }
0x28e: {  	s14 =	sadd.s32 $0xFFFFFFFE, s24;
	s13 =	sadd.s32 $0x5, s24;
	v13 =	vmin.f32 v27, v31  }
0x28f: {  	v35 =	vmov s14;
	p0 =	sge.s32 s13, s20;
	[tilespmem:v10+s11+$0x0] =	vst.idx.msk $0xffff, v13;
	v10 =	vmin.f32 v28, v32  }
0x290: {  	s0 =	sshll.u32 @!p0 s0, $0x8;
	[tilespmem:v11+s11+$0x0] =	vst.idx.msk $0xffff, v10;
	v10 =	vmin.f32 v29, v33;
	v11 =	vand.u32 $0xFFFFFFFD, v35  }
0x291: {  	s0 =	sshra.s32 @!p0 s0, $0x2;
	[tilespmem:v26+s11+$0x0] =	vst.idx.msk $0xffff, v10;
	v10 =	vmin.f32 v30, v34;
	v11 =	vbroadcast v11, $0x0  }
0x292: {  	s1 =	simm.s32 @!p0 $0xFE80;
	s0 =	sadd.s32 @!p0 s0, s31;
	[tilespmem:v9+s11+$0x0] =	vst.idx.msk $0xffff, v10  }
0x293: {  	[tilespmem:s1], [sflag:$0x9] =	stream.linear.gather @!p0 [spmem:s0], $0x40, $0x38;
	[tilespmem:$0x1A080] =	vst v63  }
0x294: {  	_ =	swait.ge [sflag:s9], $0x40  }
0x295: {  	[sflag:s9] =	ssyncset.done $0x0  }
0x296: {  	[sflag:s9] =	ssyncadd.s32 $0xFFFFFFC0  }
0x297: {  	v9 =	vld.idx.msk [tilespmem:v11+s23+$0x0], $0xffff;
	_ =	sdelay $0x4  }
0x298: {  	v9 =	vshll.u32 v9, $0x6  }
0x299: {  	v10 =	vor.u32 v4, v9  }
0x29a: {  	v41 =	vld [tilespmem:$0xFF00];
	v11 =	vor.u32 v6, v9  }
0x29b: {  	v42 =	vld [tilespmem:$0xFF10];
	v36 =	vor.u32 v7, v9  }
0x29c: {  	v43 =	vld [tilespmem:$0xFF20];
	v9 =	vor.u32 v8, v9  }
0x29d: {  	v44 =	vld [tilespmem:$0xFF30]  }
0x29e: {  	v37 =	vld.idx.msk [tilespmem:v10+s11+$0x0], $0xffff  }
0x29f: {  	v38 =	vld.idx.msk [tilespmem:v11+s11+$0x0], $0xffff  }
0x2a0: {  	v39 =	vld.idx.msk [tilespmem:v36+s11+$0x0], $0xffff  }
0x2a1: {  	v40 =	vld.idx.msk [tilespmem:v9+s11+$0x0], $0xffff;
	_ =	sdelay $0x1  }
0x2a2: {  	s19 =	sadd.s32 $0xFFFFFFFF, s24;
	s18 =	sadd.s32 $0x6, s24;
	v13 =	vmin.f32 v37, v41  }
0x2a3: {  	v45 =	vmov s19;
	p0 =	sge.s32 s18, s20;
	[tilespmem:v10+s11+$0x0] =	vst.idx.msk $0xffff, v13;
	v10 =	vmin.f32 v38, v42  }
0x2a4: {  	s0 =	sshll.u32 @!p0 s28, $0x8;
	[tilespmem:v11+s11+$0x0] =	vst.idx.msk $0xffff, v10;
	v10 =	vmin.f32 v39, v43;
	v11 =	vand.u32 $0xFFFFFFFE, v45  }
0x2a5: {  	s0 =	sshra.s32 @!p0 s0, $0x2;
	[tilespmem:v36+s11+$0x0] =	vst.idx.msk $0xffff, v10;
	v10 =	vmin.f32 v40, v44;
	v11 =	vbroadcast v11, $0x0  }
0x2a6: {  	s1 =	simm.s32 @!p0 $0xFF00;
	s0 =	sadd.s32 @!p0 s0, s31;
	[tilespmem:v9+s11+$0x0] =	vst.idx.msk $0xffff, v10  }
0x2a7: {  	[tilespmem:s1], [sflag:$0xA] =	stream.linear.gather @!p0 [spmem:s0], $0x40, $0x38;
	[tilespmem:$0x1A080] =	vst v63  }
0x2a8: {  	_ =	swait.ge [sflag:s10], $0x40  }
0x2a9: {  	[sflag:s10] =	ssyncset.done $0x0  }
0x2aa: {  	[sflag:s10] =	ssyncadd.s32 $0xFFFFFFC0  }
0x2ab: {  	v9 =	vld.idx.msk [tilespmem:v11+s23+$0x0], $0xffff;
	_ =	sdelay $0x4  }
0x2ac: {  	v9 =	vshll.u32 v9, $0x6  }
0x2ad: {  	v10 =	vor.u32 v4, v9  }
0x2ae: {  	v51 =	vld [tilespmem:$0xFF80];
	v11 =	vor.u32 v6, v9  }
0x2af: {  	v52 =	vld [tilespmem:$0xFF90];
	v46 =	vor.u32 v7, v9  }
0x2b0: {  	v53 =	vld [tilespmem:$0xFFA0];
	v9 =	vor.u32 v8, v9  }
0x2b1: {  	v54 =	vld [tilespmem:$0xFFB0]  }
0x2b2: {  	v47 =	vld.idx.msk [tilespmem:v10+s11+$0x0], $0xffff  }
0x2b3: {  	v48 =	vld.idx.msk [tilespmem:v11+s11+$0x0], $0xffff  }
0x2b4: {  	v49 =	vld.idx.msk [tilespmem:v46+s11+$0x0], $0xffff  }
0x2b5: {  	v50 =	vld.idx.msk [tilespmem:v9+s11+$0x0], $0xffff;
	_ =	sdelay $0x1  }
0x2b6: {  	s28 =	sadd.s32 $0x7, s24;
	v13 =	vmin.f32 v47, v51  }
0x2b7: {  	p0 =	sge.s32 s28, s20;
	[tilespmem:v10+s11+$0x0] =	vst.idx.msk $0xffff, v13;
	v10 =	vmin.f32 v48, v52  }
0x2b8: {  	s0 =	sshll.u32 @!p0 s29, $0x8;
	[tilespmem:v11+s11+$0x0] =	vst.idx.msk $0xffff, v10;
	v10 =	vmin.f32 v49, v53  }
0x2b9: {  	s0 =	sshra.s32 @!p0 s0, $0x2;
	[tilespmem:v46+s11+$0x0] =	vst.idx.msk $0xffff, v10;
	v10 =	vmin.f32 v50, v54  }
0x2ba: {  	s1 =	simm.s32 @!p0 $0xFF80;
	s0 =	sadd.s32 @!p0 s0, s31;
	[tilespmem:v9+s11+$0x0] =	vst.idx.msk $0xffff, v10;
	v9 =	vmov s24  }
0x2bb: {  	[tilespmem:s1], [sflag:$0xB] =	stream.linear.gather @!p0 [spmem:s0], $0x40, $0x38;
	[tilespmem:$0x1A080] =	vst v63  }
0x2bc: {  	_ =	swait.ge [sflag:s12], $0x40  }
0x2bd: {  	[sflag:s12] =	ssyncset.done $0x0  }
0x2be: {  	[sflag:s12] =	ssyncadd.s32 $0xFFFFFFC0  }
0x2bf: {  	v9 =	vld.idx.msk [tilespmem:v9+s23+$0x0], $0xffff;
	_ =	sdelay $0x4  }
0x2c0: {  	v9 =	vshll.u32 v9, $0x6  }
0x2c1: {  	v10 =	vor.u32 v4, v9  }
0x2c2: {  	v60 =	vld [tilespmem:$0x10000];
	v11 =	vor.u32 v6, v9  }
0x2c3: {  	v61 =	vld [tilespmem:$0x10010];
	v55 =	vor.u32 v7, v9  }
0x2c4: {  	v62 =	vld [tilespmem:$0x10020];
	v9 =	vor.u32 v8, v9  }
0x2c5: {  	v63 =	vld [tilespmem:$0x10030]  }
0x2c6: {  	v56 =	vld.idx.msk [tilespmem:v10+s11+$0x0], $0xffff  }
0x2c7: {  	v57 =	vld.idx.msk [tilespmem:v11+s11+$0x0], $0xffff  }
0x2c8: {  	v58 =	vld.idx.msk [tilespmem:v55+s11+$0x0], $0xffff  }
0x2c9: {  	v59 =	vld.idx.msk [tilespmem:v9+s11+$0x0], $0xffff;
	_ =	sdelay $0x1  }
0x2ca: {  	s24 =	sadd.s32 $0x8, s24;
	v13 =	vmin.f32 v56, v60  }
0x2cb: {  	p0 =	sge.s32 s24, s20;
	[tilespmem:v10+s11+$0x0] =	vst.idx.msk $0xffff, v13;
	v10 =	vmin.f32 v57, v61  }
0x2cc: {  	s0 =	sshll.u32 @!p0 s26, $0x8;
	[tilespmem:v11+s11+$0x0] =	vst.idx.msk $0xffff, v10;
	v10 =	vmin.f32 v58, v62  }
0x2cd: {  	s0 =	sshra.s32 @!p0 s0, $0x2;
	[tilespmem:v55+s11+$0x0] =	vst.idx.msk $0xffff, v10;
	v10 =	vmin.f32 v59, v63  }
0x2ce: {  	s21 =	sadd.s32 $0xFFFFFFFF, s21;
	s1 =	simm.s32 @!p0 $0x10000;
	s0 =	sadd.s32 @!p0 s0, s31;
	[tilespmem:v9+s11+$0x0] =	vst.idx.msk $0xffff, v10  }
0x2cf: {  	[tilespmem:s1], [sflag:$0xC] =	stream.linear.gather @!p0 [spmem:s0], $0x40, $0x38;
	[tilespmem:$0x1A080] =	vst v63  }
0x2d0: {  	p0 =	seq.s32 s21, $0x0  }
.Ltmp8:
0x2d1: {  	_ = 	snop;
	(pc) =	sbr.rel @!p0 .LBB2_14-.Ltmp8, $2  }
0x2d2: {  	_ =	sdelay $0x2  }
0x2d3: {  	s25 =	sadd.s32 $0x8, s25  }
.Ltmp9:
0x2d4: {  	_ = 	snop;
	(pc) =	sbr.rel .LBB2_4-.Ltmp9, $1  }
0x2d5: {  	_ =	sdelay $0x3  }
.LBB2_15:
0x2d6: {  	s0 =	simm.s32 $0x0;
	s1 =	rddreg [dreg:$0x1e];
	s13 =	simm.s32 $0xEC80  }
0x2d7: {  	[tilespmem:s13], [sflag:$0xD] =	stream.linear.gather [hbm4b:s1+s0], $0x1000, $0x38;
	[tilespmem:$0x1A080] =	vst v63  }
0x2d8: {  	_ =	swait.ge [sflag:s17], $0x1000  }
0x2d9: {  	[sflag:s17] =	ssyncset.done $0x0  }
0x2da: {  	s0 =	simm.s32 $0x0;
	[sflag:s17] =	ssyncadd.s32 $0xFFFFF000  }
0x2db: {  	s1 =	simm.s32 $0x40;
	v9 =	vld [tilespmem:s0+$0x0]  }
.LBB2_16:
0x2dc: {  	p0 =	sne.s32 s1, $0x3FC0;
	v10 =	vld [tilespmem:s0+$0xEC80];
	_ =	sdelay $0x3  }
.Ltmp10:
0x2dd: {  	(pc) =	sbr.rel @p0 .LBB2_16-.Ltmp10, $4  }
0x2de: {  	v10 =	vsub.f32 v10, v9  }
0x2df: {  	vm0 =	veq.f32 v9, $+Inf  }
0x2e0: {  	s2 =	sshra.s32 s1, $0x2;
	v10 =	vsel vm0, $0x0, v10  }
0x2e1: {  	s1 =	sadd.s32 $0x40, s1;
	v9 =	vld [tilespmem:s2+$0x0];
	[tilespmem:s0+$0xEC80] =	vst v10;
	s0 =	smov.u32 s2  }
0x2e2: {  	v10 =	vld [tilespmem:s0+$0xEC80];
	_ =	sdelay $0x4  }
0x2e3: {  	v10 =	vsub.f32 v10, v9  }
0x2e4: {  	vm0 =	veq.f32 v9, $+Inf  }
0x2e5: {  	v9 =	vsel vm0, $0x0, v10  }
0x2e6: {  	s1 =	simm.s32 $0x0;
	s2 =	rddreg [dreg:$0x1f];
	[tilespmem:s0+$0xEC80] =	vst v9;
	s0 =	simm.s32 $0xEC80  }
0x2e7: {  	[hbm4b:s2+s1] =	stream.linear.scatter [tilespmem:s0], [sflag:$0xD], $0x1000, $0x38;
	[tilespmem:$0x1A080] =	vst v63  }
0x2e8: {  	_ =	swait.ge [sflag:s17], $0x1000  }
0x2e9: {  	[sflag:s17] =	ssyncset.done $0x0  }
0x2ea: {  	s29 =	rddreg [dreg:$0xe];
	[sflag:s17] =	ssyncadd.s32 $0xFFFFF000  }
0x2eb: {  	[tilespmem:s0], [sflag:$0xD] =	stream.linear.gather [hbm4b:s29+s1], $0x1000, $0x38;
	[tilespmem:$0x1A080] =	vst v63  }
0x2ec: {  	_ =	swait.ge [sflag:s17], $0x1000  }
0x2ed: {  	[sflag:s17] =	ssyncset.done $0x0  }
0x2ee: {  	[sflag:s17] =	ssyncadd.s32 $0xFFFFF000  }
0x2ef: {  	s2 =	sand.u32 $0xFF0, s1;
	s1 =	simm.s32 $0x10;
	v9 =	vld [tilespmem:s0+$0x0]  }
.LBB2_18:
0x2f0: {  	p0 =	sne.s32 s1, $0xFF0;
	v10 =	vld [tilespmem:s2+$0x1000];
	_ =	sdelay $0x4  }
.Ltmp11:
0x2f1: {  	v9 =	vsub.f32 v9, v10;
	(pc) =	sbr.rel @p0 .LBB2_18-.Ltmp11, $4  }
0x2f2: {  	vm0 =	veq.f32 v10, $+Inf  }
0x2f3: {  	v9 =	vsel vm0, $0x0, v9  }
0x2f4: {  	[tilespmem:s0+$0x0] =	vst v9;
	s0 =	sadd.s32 $0x10, s0  }
0x2f5: {  	s2 =	sand.u32 $0xFF0, s1;
	s1 =	sadd.s32 $0x10, s1;
	v9 =	vld [tilespmem:s0+$0x0]  }
0x2f6: {  	v10 =	vld [tilespmem:s2+$0x1000];
	_ =	sdelay $0x4  }
0x2f7: {  	v9 =	vsub.f32 v9, v10  }
0x2f8: {  	vm0 =	veq.f32 v10, $+Inf  }
0x2f9: {  	v9 =	vsel vm0, $0x0, v9  }
0x2fa: {  	s1 =	simm.s32 $0x0;
	s28 =	rddreg [dreg:$0xf];
	[tilespmem:s0+$0x0] =	vst v9;
	s0 =	simm.s32 $0xEC80  }
0x2fb: {  	[hbm4b:s28+s1] =	stream.linear.scatter [tilespmem:s0], [sflag:$0xD], $0x1000, $0x38;
	[tilespmem:$0x1A080] =	vst v63  }
0x2fc: {  	_ =	swait.ge [sflag:s17], $0x1000  }
0x2fd: {  	[sflag:s17] =	ssyncset.done $0x0  }
0x2fe: {  	s29 =	rddreg [dreg:$0x10];
	[sflag:s17] =	ssyncadd.s32 $0xFFFFF000  }
0x2ff: {  	[tilespmem:s0], [sflag:$0xD] =	stream.linear.gather [hbm4b:s29+s1], $0x1000, $0x38;
	[tilespmem:$0x1A080] =	vst v63  }
0x300: {  	_ =	swait.ge [sflag:s17], $0x1000  }
0x301: {  	[sflag:s17] =	ssyncset.done $0x0  }
0x302: {  	[sflag:s17] =	ssyncadd.s32 $0xFFFFF000  }
0x303: {  	s2 =	sand.u32 $0xFF0, s1;
	s1 =	simm.s32 $0x10;
	v9 =	vld [tilespmem:s0+$0x0]  }
.LBB2_20:
0x304: {  	p0 =	sne.s32 s1, $0xFF0;
	v10 =	vld [tilespmem:s2+$0x2000];
	_ =	sdelay $0x4  }
.Ltmp12:
0x305: {  	v9 =	vsub.f32 v9, v10;
	(pc) =	sbr.rel @p0 .LBB2_20-.Ltmp12, $4  }
0x306: {  	vm0 =	veq.f32 v10, $+Inf  }
0x307: {  	v9 =	vsel vm0, $0x0, v9  }
0x308: {  	[tilespmem:s0+$0x0] =	vst v9;
	s0 =	sadd.s32 $0x10, s0  }
0x309: {  	s2 =	sand.u32 $0xFF0, s1;
	s1 =	sadd.s32 $0x10, s1;
	v9 =	vld [tilespmem:s0+$0x0]  }
0x30a: {  	v10 =	vld [tilespmem:s2+$0x2000];
	_ =	sdelay $0x4  }
0x30b: {  	v9 =	vsub.f32 v9, v10  }
0x30c: {  	vm0 =	veq.f32 v10, $+Inf  }
0x30d: {  	v9 =	vsel vm0, $0x0, v9  }
0x30e: {  	s1 =	simm.s32 $0x0;
	s28 =	rddreg [dreg:$0x11];
	[tilespmem:s0+$0x0] =	vst v9;
	s0 =	simm.s32 $0xEC80  }
0x30f: {  	[hbm4b:s28+s1] =	stream.linear.scatter [tilespmem:s0], [sflag:$0xD], $0x1000, $0x38;
	[tilespmem:$0x1A080] =	vst v63  }
0x310: {  	_ =	swait.ge [sflag:s17], $0x1000  }
0x311: {  	[sflag:s17] =	ssyncset.done $0x0  }
0x312: {  	s29 =	rddreg [dreg:$0x12];
	[sflag:s17] =	ssyncadd.s32 $0xFFFFF000  }
0x313: {  	[tilespmem:s0], [sflag:$0xD] =	stream.linear.gather [hbm4b:s29+s1], $0x1000, $0x38;
	[tilespmem:$0x1A080] =	vst v63  }
0x314: {  	_ =	swait.ge [sflag:s17], $0x1000  }
0x315: {  	[sflag:s17] =	ssyncset.done $0x0  }
0x316: {  	[sflag:s17] =	ssyncadd.s32 $0xFFFFF000  }
0x317: {  	s2 =	sand.u32 $0xFF0, s1;
	s1 =	simm.s32 $0x10;
	v9 =	vld [tilespmem:s0+$0x0]  }
.LBB2_22:
0x318: {  	p0 =	sne.s32 s1, $0xFF0;
	v10 =	vld [tilespmem:s2+$0x3000];
	_ =	sdelay $0x4  }
.Ltmp13:
0x319: {  	v9 =	vsub.f32 v9, v10;
	(pc) =	sbr.rel @p0 .LBB2_22-.Ltmp13, $4  }
0x31a: {  	vm0 =	veq.f32 v10, $+Inf  }
0x31b: {  	v9 =	vsel vm0, $0x0, v9  }
0x31c: {  	[tilespmem:s0+$0x0] =	vst v9;
	s0 =	sadd.s32 $0x10, s0  }
0x31d: {  	s2 =	sand.u32 $0xFF0, s1;
	s1 =	sadd.s32 $0x10, s1;
	v9 =	vld [tilespmem:s0+$0x0]  }
0x31e: {  	v10 =	vld [tilespmem:s2+$0x3000];
	_ =	sdelay $0x4  }
0x31f: {  	v9 =	vsub.f32 v9, v10  }
0x320: {  	vm0 =	veq.f32 v10, $+Inf  }
0x321: {  	v9 =	vsel vm0, $0x0, v9  }
0x322: {  	s1 =	simm.s32 $0x0;
	s28 =	rddreg [dreg:$0x13];
	[tilespmem:s0+$0x0] =	vst v9;
	s0 =	simm.s32 $0xEC80  }
0x323: {  	[hbm4b:s28+s1] =	stream.linear.scatter [tilespmem:s0], [sflag:$0xD], $0x1000, $0x38;
	[tilespmem:$0x1A080] =	vst v63  }
0x324: {  	_ =	swait.ge [sflag:s17], $0x1000  }
0x325: {  	[sflag:s17] =	ssyncset.done $0x0  }
0x326: {  	s29 =	rddreg [dreg:$0x14];
	[sflag:s17] =	ssyncadd.s32 $0xFFFFF000  }
0x327: {  	[tilespmem:s0], [sflag:$0xD] =	stream.linear.gather [hbm4b:s29+s1], $0x1000, $0x38;
	[tilespmem:$0x1A080] =	vst v63  }
0x328: {  	_ =	swait.ge [sflag:s17], $0x1000  }
0x329: {  	[sflag:s17] =	ssyncset.done $0x0  }
0x32a: {  	[sflag:s17] =	ssyncadd.s32 $0xFFFFF000  }
0x32b: {  	s2 =	sand.u32 $0xFF0, s1;
	s1 =	simm.s32 $0x10;
	v9 =	vld [tilespmem:s0+$0x0]  }
.LBB2_24:
0x32c: {  	p0 =	sne.s32 s1, $0xFF0;
	v10 =	vld [tilespmem:s2+$0x4000];
	_ =	sdelay $0x4  }
.Ltmp14:
0x32d: {  	v9 =	vsub.f32 v9, v10;
	(pc) =	sbr.rel @p0 .LBB2_24-.Ltmp14, $4  }
0x32e: {  	vm0 =	veq.f32 v10, $+Inf  }
0x32f: {  	v9 =	vsel vm0, $0x0, v9  }
0x330: {  	[tilespmem:s0+$0x0] =	vst v9;
	s0 =	sadd.s32 $0x10, s0  }
0x331: {  	s2 =	sand.u32 $0xFF0, s1;
	s1 =	sadd.s32 $0x10, s1;
	v9 =	vld [tilespmem:s0+$0x0]  }
0x332: {  	v10 =	vld [tilespmem:s2+$0x4000];
	_ =	sdelay $0x4  }
0x333: {  	v9 =	vsub.f32 v9, v10  }
0x334: {  	vm0 =	veq.f32 v10, $+Inf  }
0x335: {  	v9 =	vsel vm0, $0x0, v9  }
0x336: {  	s1 =	simm.s32 $0x0;
	s28 =	rddreg [dreg:$0x15];
	[tilespmem:s0+$0x0] =	vst v9;
	s0 =	simm.s32 $0xEC80  }
0x337: {  	[hbm4b:s28+s1] =	stream.linear.scatter [tilespmem:s0], [sflag:$0xD], $0x1000, $0x38;
	[tilespmem:$0x1A080] =	vst v63  }
0x338: {  	_ =	swait.ge [sflag:s17], $0x1000  }
0x339: {  	[sflag:s17] =	ssyncset.done $0x0  }
0x33a: {  	s29 =	rddreg [dreg:$0x16];
	[sflag:s17] =	ssyncadd.s32 $0xFFFFF000  }
0x33b: {  	[tilespmem:s0], [sflag:$0xD] =	stream.linear.gather [hbm4b:s29+s1], $0x1000, $0x38;
	[tilespmem:$0x1A080] =	vst v63  }
0x33c: {  	_ =	swait.ge [sflag:s17], $0x1000  }
0x33d: {  	[sflag:s17] =	ssyncset.done $0x0  }
0x33e: {  	[sflag:s17] =	ssyncadd.s32 $0xFFFFF000  }
0x33f: {  	s2 =	sand.u32 $0xFF0, s1;
	s1 =	simm.s32 $0x10;
	v9 =	vld [tilespmem:s0+$0x0]  }
.LBB2_26:
0x340: {  	p0 =	sne.s32 s1, $0xFF0;
	v10 =	vld [tilespmem:s2+$0x5000];
	_ =	sdelay $0x4  }
.Ltmp15:
0x341: {  	v9 =	vsub.f32 v9, v10;
	(pc) =	sbr.rel @p0 .LBB2_26-.Ltmp15, $4  }
0x342: {  	vm0 =	veq.f32 v10, $+Inf  }
0x343: {  	v9 =	vsel vm0, $0x0, v9  }
0x344: {  	[tilespmem:s0+$0x0] =	vst v9;
	s0 =	sadd.s32 $0x10, s0  }
0x345: {  	s2 =	sand.u32 $0xFF0, s1;
	s1 =	sadd.s32 $0x10, s1;
	v9 =	vld [tilespmem:s0+$0x0]  }
0x346: {  	v10 =	vld [tilespmem:s2+$0x5000];
	_ =	sdelay $0x4  }
0x347: {  	v9 =	vsub.f32 v9, v10  }
0x348: {  	vm0 =	veq.f32 v10, $+Inf  }
0x349: {  	v9 =	vsel vm0, $0x0, v9  }
0x34a: {  	s1 =	simm.s32 $0x0;
	s28 =	rddreg [dreg:$0x17];
	[tilespmem:s0+$0x0] =	vst v9;
	s0 =	simm.s32 $0xEC80  }
0x34b: {  	[hbm4b:s28+s1] =	stream.linear.scatter [tilespmem:s0], [sflag:$0xD], $0x1000, $0x38;
	[tilespmem:$0x1A080] =	vst v63  }
0x34c: {  	_ =	swait.ge [sflag:s17], $0x1000  }
0x34d: {  	[sflag:s17] =	ssyncset.done $0x0  }
0x34e: {  	s29 =	rddreg [dreg:$0x18];
	[sflag:s17] =	ssyncadd.s32 $0xFFFFF000  }
0x34f: {  	[tilespmem:s0], [sflag:$0xD] =	stream.linear.gather [hbm4b:s29+s1], $0x1000, $0x38;
	[tilespmem:$0x1A080] =	vst v63  }
0x350: {  	_ =	swait.ge [sflag:s17], $0x1000  }
0x351: {  	[sflag:s17] =	ssyncset.done $0x0  }
0x352: {  	[sflag:s17] =	ssyncadd.s32 $0xFFFFF000  }
0x353: {  	s2 =	sand.u32 $0xFF0, s1;
	s1 =	simm.s32 $0x10;
	v9 =	vld [tilespmem:s0+$0x0]  }
.LBB2_28:
0x354: {  	p0 =	sne.s32 s1, $0xFF0;
	v10 =	vld [tilespmem:s2+$0x6000];
	_ =	sdelay $0x4  }
.Ltmp16:
0x355: {  	v9 =	vsub.f32 v9, v10;
	(pc) =	sbr.rel @p0 .LBB2_28-.Ltmp16, $4  }
0x356: {  	vm0 =	veq.f32 v10, $+Inf  }
0x357: {  	v9 =	vsel vm0, $0x0, v9  }
0x358: {  	[tilespmem:s0+$0x0] =	vst v9;
	s0 =	sadd.s32 $0x10, s0  }
0x359: {  	s2 =	sand.u32 $0xFF0, s1;
	s1 =	sadd.s32 $0x10, s1;
	v9 =	vld [tilespmem:s0+$0x0]  }
0x35a: {  	v10 =	vld [tilespmem:s2+$0x6000];
	_ =	sdelay $0x4  }
0x35b: {  	v9 =	vsub.f32 v9, v10  }
0x35c: {  	vm0 =	veq.f32 v10, $+Inf  }
0x35d: {  	v9 =	vsel vm0, $0x0, v9  }
0x35e: {  	s1 =	simm.s32 $0x0;
	s28 =	rddreg [dreg:$0x19];
	[tilespmem:s0+$0x0] =	vst v9;
	s0 =	simm.s32 $0xEC80  }
0x35f: {  	[hbm4b:s28+s1] =	stream.linear.scatter [tilespmem:s0], [sflag:$0xD], $0x1000, $0x38;
	[tilespmem:$0x1A080] =	vst v63  }
0x360: {  	_ =	swait.ge [sflag:s17], $0x1000  }
0x361: {  	[sflag:s17] =	ssyncset.done $0x0  }
0x362: {  	s29 =	rddreg [dreg:$0x1a];
	[sflag:s17] =	ssyncadd.s32 $0xFFFFF000  }
0x363: {  	[tilespmem:s0], [sflag:$0xD] =	stream.linear.gather [hbm4b:s29+s1], $0x1000, $0x38;
	[tilespmem:$0x1A080] =	vst v63  }
0x364: {  	_ =	swait.ge [sflag:s17], $0x1000  }
0x365: {  	[sflag:s17] =	ssyncset.done $0x0  }
0x366: {  	[sflag:s17] =	ssyncadd.s32 $0xFFFFF000  }
0x367: {  	s2 =	sand.u32 $0xFF0, s1;
	s1 =	simm.s32 $0x10;
	v9 =	vld [tilespmem:s0+$0x0]  }
.LBB2_30:
0x368: {  	p0 =	sne.s32 s1, $0xFF0;
	v10 =	vld [tilespmem:s2+$0x7000];
	_ =	sdelay $0x4  }
.Ltmp17:
0x369: {  	v9 =	vsub.f32 v9, v10;
	(pc) =	sbr.rel @p0 .LBB2_30-.Ltmp17, $4  }
0x36a: {  	vm0 =	veq.f32 v10, $+Inf  }
0x36b: {  	v9 =	vsel vm0, $0x0, v9  }
0x36c: {  	[tilespmem:s0+$0x0] =	vst v9;
	s0 =	sadd.s32 $0x10, s0  }
0x36d: {  	s2 =	sand.u32 $0xFF0, s1;
	s1 =	sadd.s32 $0x10, s1;
	v9 =	vld [tilespmem:s0+$0x0]  }
0x36e: {  	v10 =	vld [tilespmem:s2+$0x7000];
	_ =	sdelay $0x4  }
0x36f: {  	v9 =	vsub.f32 v9, v10  }
0x370: {  	vm0 =	veq.f32 v10, $+Inf  }
0x371: {  	v9 =	vsel vm0, $0x0, v9  }
0x372: {  	s1 =	simm.s32 $0x0;
	s28 =	rddreg [dreg:$0x1b];
	[tilespmem:s0+$0x0] =	vst v9;
	s0 =	simm.s32 $0xEC80  }
0x373: {  	[hbm4b:s28+s1] =	stream.linear.scatter [tilespmem:s0], [sflag:$0xD], $0x1000, $0x38;
	[tilespmem:$0x1A080] =	vst v63  }
0x374: {  	_ =	swait.ge [sflag:s17], $0x1000  }
0x375: {  	[sflag:s17] =	ssyncset.done $0x0  }
0x376: {  	s29 =	rddreg [dreg:$0x1c];
	[sflag:s17] =	ssyncadd.s32 $0xFFFFF000  }
0x377: {  	[tilespmem:s0], [sflag:$0xD] =	stream.linear.gather [hbm4b:s29+s1], $0x1000, $0x38;
	[tilespmem:$0x1A080] =	vst v63  }
0x378: {  	_ =	swait.ge [sflag:s17], $0x1000  }
0x379: {  	[sflag:s17] =	ssyncset.done $0x0  }
0x37a: {  	[sflag:s17] =	ssyncadd.s32 $0xFFFFF000  }
0x37b: {  	s2 =	sand.u32 $0xFF0, s1;
	s1 =	simm.s32 $0x10;
	v9 =	vld [tilespmem:s0+$0x0]  }
.LBB2_32:
0x37c: {  	p0 =	sne.s32 s1, $0xFF0;
	v10 =	vld [tilespmem:s2+$0x8000];
	_ =	sdelay $0x4  }
.Ltmp18:
0x37d: {  	v9 =	vsub.f32 v9, v10;
	(pc) =	sbr.rel @p0 .LBB2_32-.Ltmp18, $4  }
0x37e: {  	vm0 =	veq.f32 v10, $+Inf  }
0x37f: {  	v9 =	vsel vm0, $0x0, v9  }
0x380: {  	[tilespmem:s0+$0x0] =	vst v9;
	s0 =	sadd.s32 $0x10, s0  }
0x381: {  	s2 =	sand.u32 $0xFF0, s1;
	s1 =	sadd.s32 $0x10, s1;
	v9 =	vld [tilespmem:s0+$0x0]  }
0x382: {  	v10 =	vld [tilespmem:s2+$0x8000];
	_ =	sdelay $0x4  }
0x383: {  	v9 =	vsub.f32 v9, v10  }
0x384: {  	vm0 =	veq.f32 v10, $+Inf  }
0x385: {  	v9 =	vsel vm0, $0x0, v9  }
0x386: {  	s1 =	simm.s32 $0x0;
	s28 =	rddreg [dreg:$0x1d];
	[tilespmem:s0+$0x0] =	vst v9;
	s0 =	simm.s32 $0xEC80  }
0x387: {  	[hbm4b:s28+s1] =	stream.linear.scatter [tilespmem:s0], [sflag:$0xD], $0x1000, $0x38;
	[tilespmem:$0x1A080] =	vst v63  }
0x388: {  	_ =	swait.ge [sflag:s17], $0x1000  }
0x389: {  	s29 =	sld [smem:$0x7F1]  }
0x38a: {  	[sflag:s17] =	ssyncset.done $0x0  }
0x38b: {  	[sflag:s17] =	ssyncadd.s32 $0xFFFFF000  }
0x38c: {  	[tilespmem:s0], [sflag:$0xD] =	stream.linear.gather [hbm4b:s29+s1], $0x1000, $0x38;
	[tilespmem:$0x1A080] =	vst v63  }
0x38d: {  	_ =	swait.ge [sflag:s17], $0x1000  }
0x38e: {  	[sflag:s17] =	ssyncset.done $0x0  }
0x38f: {  	[sflag:s17] =	ssyncadd.s32 $0xFFFFF000  }
0x390: {  	s2 =	sand.u32 $0xFF0, s1;
	s1 =	simm.s32 $0x10;
	v9 =	vld [tilespmem:s0+$0x0]  }
.LBB2_34:
0x391: {  	p0 =	sne.s32 s1, $0xFF0;
	v10 =	vld [tilespmem:s2+$0x9000];
	_ =	sdelay $0x4  }
.Ltmp19:
0x392: {  	v9 =	vsub.f32 v9, v10;
	(pc) =	sbr.rel @p0 .LBB2_34-.Ltmp19, $4  }
0x393: {  	vm0 =	veq.f32 v10, $+Inf  }
0x394: {  	v9 =	vsel vm0, $0x0, v9  }
0x395: {  	[tilespmem:s0+$0x0] =	vst v9;
	s0 =	sadd.s32 $0x10, s0  }
0x396: {  	s2 =	sand.u32 $0xFF0, s1;
	s1 =	sadd.s32 $0x10, s1;
	v9 =	vld [tilespmem:s0+$0x0]  }
0x397: {  	v10 =	vld [tilespmem:s2+$0x9000];
	_ =	sdelay $0x4  }
0x398: {  	v9 =	vsub.f32 v9, v10  }
0x399: {  	s28 =	sld [smem:$0x7F2];
	vm0 =	veq.f32 v10, $+Inf  }
0x39a: {  	v9 =	vsel vm0, $0x0, v9  }
0x39b: {  	[tilespmem:s0+$0x0] =	vst v9  }
0x39c: {  	[hbm4b:s28+s11] =	stream.linear.scatter [tilespmem:s13], [sflag:$0xD], $0x1000, $0x38;
	[tilespmem:$0x1A080] =	vst v63  }
0x39d: {  	_ =	swait.ge [sflag:s17], $0x1000  }
0x39e: {  	s1 =	sld [smem:$0x7F0]  }
0x39f: {  	s29 =	sld [smem:$0x7FD];
	_ =	sdelay $0x1  }
0x3a0: {  	s1 =	sadd.s32 $0x1, s1  }
0x3a1: {  	p0 =	sne.s32 s1, s29  }
.Ltmp20:
0x3a2: {  	_ = 	snop;
	(pc) =	sbr.rel @p0 .LBB2_1-.Ltmp20, $3  }
0x3a3: {  	_ =	sdelay $0x1  }
0x3a4: {  	[sflag:s17] =	ssyncset.done $0x0  }
0x3a5: {  	[sflag:s17] =	ssyncadd.s32 $0xFFFFF000  }
0x3a6: {  	_ =	sfence.sel $0x180000  }
0x3a7: {  	[bflag:$0x0] =	sbarrier.arrive $0xFFFF  }
0x3a8: {  	_ =	strace $0x90000047  }
0x3a9: {  	s0 =	stileid.u32;
	[bflag:$0x2] =	sbarrier.arrive $0xFFFF  }
0x3aa: {  	p0 =	sne.s32 s0, $0x0;
	s0 =	rddreg [dreg:$0x3]  }
0x3ab: {  	s0 =	sadd.s32 @!p0 $0x100000, s0  }
0x3ac: {  	[sflag:s0] =	ssyncadd.tile.s32 @!p0 $0x1;
	_ =	shalt  }
.Lfunc_end2:
_tile_overlayer_lowered:
.L_overlay_start_2:
0x3ad: {  	(tag) =	ssettag $0x2  }
0x3ae: {  	s0 =	rddreg [dreg:$0x0];
	s2 =	stileid.u32  }
0x3af: {  	s1 =	rddreg [dreg:$0x1];
	p0 =	sne.s32 s2, $0x0  }
0x3b0: {  	s3 =	rddreg [dreg:$0x2];
	[bflag:$0x3] =	sbarrier.arrive $0xFFFF;
	s2 =	simm.s32 @!p0 $0x1C0D  }
0x3b1: {  	[timem:s3], [sflag:s2] =	dma.local @!p0 [hbm:s0], s1  }
0x3b2: {  	s0 =	simm.s32 @!p0 $0xD  }
0x3b3: {  	_ =	swait.ge @!p0 [sflag:s0], s1  }
0x3b4: {  	s1 =	ssub.s32 @!p0 $0x0, s1;
	[sflag:s0] =	ssyncset.done @!p0 $0x0  }
0x3b5: {  	[sflag:s0] =	ssyncadd.s32 @!p0 s1  }
0x3b6: {  	[bflag:$0x3] =	sbarrier.arrive $0xFFFF  }
0x3b7: {  	_ =	shalt  }

</sc_bundles>
